<compile_context>
chip_gen: v7x
topology: tpu7x:2x2x1
jax: 0.10.2.dev20260603
libtpu: 0.0.44.dev20260713+nightly
codegen_flags: <defaults>
</compile_context>

<pallas_src>
import jax
import jax.numpy as jnp
from jax import lax
from jax.experimental import pallas as pl
from jax.experimental.pallas import tpu as pltpu
from jax.experimental.pallas import tpu_sc as plsc

B = 128
HIDDEN = 1024
NUM_EXPERTS = 64
TOP_K = 8
INTER = 512
NORM_MIN = 1e-12
E_PER = 2

NC = 2
NS = 16
NW = NC * NS
TPW = B // NW
NCHUNK = NUM_EXPERTS // 16


def _logits_kernel(x_ref, rw_ref, logits_ref, probs_ref):
    logits = jnp.dot(x_ref[...], rw_ref[...].T,
                     preferred_element_type=jnp.float32)
    logits_ref[...] = logits
    probs_ref[...] = jax.nn.softmax(logits, axis=-1)


def _lane():
    return lax.iota(jnp.int32, 16)


def _shuf(x, k):
    idx = jnp.bitwise_and(_lane() + k, 15)
    return lax.gather(x, idx[:, None],
                      lax.GatherDimensionNumbers(offset_dims=(),
                                                 collapsed_slice_dims=(0,),
                                                 start_index_map=(0,)),
                      slice_sizes=(1,),
                      mode=lax.GatherScatterMode.PROMISE_IN_BOUNDS)


def _splat_reduce(x, op):
    for k in (8, 4, 2, 1):
        x = op(x, _shuf(x, k))
    return x


def _router_sc(probs_hbm, bias_hbm, comb_hbm, lg_v, bias_v, comb_v):
    wid = lax.axis_index("s") * NC + lax.axis_index("c")
    base = wid * TPW
    pltpu.sync_copy(probs_hbm.at[pl.ds(base, TPW)], lg_v)
    pltpu.sync_copy(bias_hbm, bias_v)
    lane = _lane()
    bias = [bias_v[0, pl.ds(c * 16, 16)] for c in range(NCHUNK)]
    for t in range(TPW):
        p = [lg_v[t, pl.ds(c * 16, 16)] for c in range(NCHUNK)]
        work = [pc + bc for pc, bc in zip(p, bias)]
        comb = [jnp.zeros((16,), jnp.float32) for _ in range(NCHUNK)]
        for _ in range(TOP_K):
            mk = _splat_reduce(
                jnp.maximum(jnp.maximum(work[0], work[1]),
                            jnp.maximum(work[2], work[3])), jnp.maximum)
            cand = [jnp.where(work[c] == mk, lane + 16 * c, NUM_EXPERTS)
                    for c in range(NCHUNK)]
            first = _splat_reduce(
                jnp.minimum(jnp.minimum(cand[0], cand[1]),
                            jnp.minimum(cand[2], cand[3])), jnp.minimum)
            for c in range(NCHUNK):
                sel = (lane + 16 * c) == first
                comb[c] = jnp.where(sel, comb[c] + p[c], comb[c])
                work[c] = jnp.where(sel, jnp.full((16,), -jnp.inf,
                                                  jnp.float32), work[c])
        tot = _splat_reduce(comb[0] + comb[1] + comb[2] + comb[3], jnp.add)
        invw = 1.0 / jnp.maximum(tot, NORM_MIN)
        for c in range(NCHUNK):
            comb_v[t, pl.ds(c * 16, 16)] = comb[c] * invw
    pltpu.sync_copy(comb_v, comb_hbm.at[pl.ds(base, TPW)])


def _expert_kernel(x_ref, comb_in_ref, gate_ref, up_ref, down_ref,
                   out_ref, xb_ref):
    i = pl.program_id(0)

    @pl.when(i == 0)
    def _init():
        out_ref[...] = jnp.zeros_like(out_ref)
        xb_ref[...] = x_ref[...].astype(jnp.bfloat16)

    xb = xb_ref[...]
    ecol = jax.lax.broadcasted_iota(jnp.int32, (B, NUM_EXPERTS), 1)
    comb = comb_in_ref[...]
    for j in range(E_PER):
        g = jnp.dot(xb, gate_ref[j].astype(jnp.bfloat16),
                    preferred_element_type=jnp.float32)
        u = jnp.dot(xb, up_ref[j].astype(jnp.bfloat16),
                    preferred_element_type=jnp.float32)
        w = jnp.sum(jnp.where(ecol == i * E_PER + j, comb, 0.0),
                    axis=-1, keepdims=True)
        hw = (jax.nn.silu(g) * u * w).astype(jnp.bfloat16)
        out_ref[...] += jnp.dot(hw, down_ref[j].astype(jnp.bfloat16),
                                preferred_element_type=jnp.float32)


@jax.jit
def kernel(hidden_states, router_weight, e_bias, gate_w, up_w, down_w):
    shape = hidden_states.shape
    x = hidden_states.reshape(-1, HIDDEN)

    logits, probs = pl.pallas_call(
        _logits_kernel,
        out_shape=[jax.ShapeDtypeStruct((B, NUM_EXPERTS), jnp.float32),
                   jax.ShapeDtypeStruct((B, NUM_EXPERTS), jnp.float32)],
    )(x, router_weight)

    router = pl.kernel(
        _router_sc,
        out_type=jax.ShapeDtypeStruct((B, NUM_EXPERTS), jnp.float32),
        mesh=plsc.VectorSubcoreMesh(core_axis_name="c", subcore_axis_name="s"),
        scratch_types=[
            pltpu.VMEM((TPW, NUM_EXPERTS), jnp.float32),
            pltpu.VMEM((1, NUM_EXPERTS), jnp.float32),
            pltpu.VMEM((TPW, NUM_EXPERTS), jnp.float32),
        ],
    )
    comb = router(probs, e_bias)

    out = pl.pallas_call(
        _expert_kernel,
        grid=(NUM_EXPERTS // E_PER,),
        in_specs=[
            pl.BlockSpec((B, HIDDEN), lambda i: (0, 0)),
            pl.BlockSpec((B, NUM_EXPERTS), lambda i: (0, 0)),
            pl.BlockSpec((E_PER, HIDDEN, INTER), lambda i: (i, 0, 0)),
            pl.BlockSpec((E_PER, HIDDEN, INTER), lambda i: (i, 0, 0)),
            pl.BlockSpec((E_PER, INTER, HIDDEN), lambda i: (i, 0, 0)),
        ],
        out_specs=pl.BlockSpec((B, HIDDEN), lambda i: (0, 0)),
        out_shape=jax.ShapeDtypeStruct((B, HIDDEN), jnp.float32),
        scratch_shapes=[pltpu.VMEM((B, HIDDEN), jnp.bfloat16)],
    )(x, comb, gate_w, up_w, down_w)
    return out.reshape(shape), logits

# --- scband reference (transcript-rebuilt; emitter-appended) ---
"""Pipeline reference for scband-ernie4-5-vlmoe-block-44289702756737 (READ-ONLY COPY).

The authoritative reference and input builder live on the scoring server;
editing this copy changes nothing except your own understanding.
"""

import jax, jax.numpy as jnp
import numpy as np

B = 128
S = 1
HIDDEN = 1024
NUM_EXPERTS = 64
TOP_K = 8
INTER = 512
NORM_MIN = 1e-12


def setup_inputs(seed: int = 0):
    key = jax.random.key(seed)
    ks = jax.random.split(key, 5)
    hidden_states = jax.random.normal(ks[0], (B, S, HIDDEN), dtype=jnp.float32)
    router_weight = jax.random.normal(ks[1], (NUM_EXPERTS, HIDDEN), dtype=jnp.float32) * 0.02
    e_bias = jnp.zeros((1, NUM_EXPERTS), dtype=jnp.float32)
    gate_w = jax.random.normal(ks[2], (NUM_EXPERTS, HIDDEN, INTER), dtype=jnp.float32) * 0.02
    up_w = jax.random.normal(ks[3], (NUM_EXPERTS, HIDDEN, INTER), dtype=jnp.float32) * 0.02
    down_w = jax.random.normal(ks[4], (NUM_EXPERTS, INTER, HIDDEN), dtype=jnp.float32) * 0.02
    return {"hidden_states": hidden_states, "router_weight": router_weight, "e_bias": e_bias,
            "gate_w": gate_w, "up_w": up_w, "down_w": down_w}


def _moe_block(x, router_weight, e_bias, gate_w, up_w, down_w):
    # Ernie4_5_VLMoeTopKRouter (float32 routing)
    T = x.shape[0]
    router_logits = jnp.dot(x.astype(jnp.float32), router_weight.T)
    probs = jax.nn.softmax(router_logits, axis=-1)
    # moe_statics: add e_score_correction_bias before top-k selection only
    scores = probs + e_bias.reshape(-1)[None, :]
    _, top_k_index = jax.lax.top_k(scores, TOP_K)
    top_k_weights = jnp.take_along_axis(probs, top_k_index, axis=-1)
    top_k_weights = top_k_weights / jnp.maximum(top_k_weights.sum(axis=-1, keepdims=True), NORM_MIN)
    # scatter routing weights into a dense [T, E] combine matrix (index_add semantics)
    comb = jnp.zeros((T, NUM_EXPERTS), dtype=x.dtype)
    comb = comb.at[jnp.arange(T)[:, None], top_k_index].add(top_k_weights.astype(x.dtype))
    # Ernie4_5_VLMoeExperts: SwiGLU MLP per expert, weighted scatter-add back
    out = jnp.zeros_like(x)
    for e in range(NUM_EXPERTS):
        h = jax.nn.silu(x @ gate_w[e]) * (x @ up_w[e])
        out = out + (h @ down_w[e]) * comb[:, e:e + 1]
    return out, router_logits


def reference(hidden_states, router_weight, e_bias, gate_w, up_w, down_w):
    # mm_token_type_ids is None -> text_moe-only path; no shared experts (moe_num_shared_experts=0)
    shape = hidden_states.shape
    x = hidden_states.reshape(-1, HIDDEN)
    out, router_logits = _moe_block(x, router_weight, e_bias, gate_w, up_w, down_w)
    final_hidden_states = out.reshape(shape)
    return final_hidden_states, router_logits.reshape(-1, NUM_EXPERTS)

if __name__ == "__main__":
    import jax
    _d = setup_inputs()
    print(jax.jit(kernel)(*tuple(_d.values())))

</pallas_src>

<mosaic_0001>
#map = affine_map<(d0, d1) -> (0, 0)>
module attributes {stable_mosaic.version = 14 : i64} {
  func.func @_router_sc(%arg0: i32, %arg1: i32, %arg2: memref<128x64xf32, #tpu.memory_space<hbm>>, %arg3: memref<1x64xf32, #tpu.memory_space<hbm>>, %arg4: memref<128x64xf32, #tpu.memory_space<hbm>>, %arg5: memref<4x64xf32, #tpu.memory_space<vmem>>, %arg6: memref<1x64xf32, #tpu.memory_space<vmem>>, %arg7: memref<4x64xf32, #tpu.memory_space<vmem>>) attributes {dimension_semantics = [#tpu.dimension_semantics<core_parallel>, #tpu.dimension_semantics<subcore_parallel>], iteration_bounds = array<i64: 2, 16>, scalar_prefetch = 0 : i64, scratch_operands = 3 : i64, tpu.core_type = #tpu.core_type<sc_vector_subcore>, window_params = [{transform_indices = #map}, {transform_indices = #map}, {transform_indices = #map}]} {
    %mul3A = arith.constant 2 : i32
    %mul3A_0 = arith.muli %arg1, %mul3A : i32
    %add3A = arith.addi %mul3A_0, %arg0 : i32
    %mul3A_1 = arith.constant 4 : i32
    %mul3A_2 = arith.muli %add3A, %mul3A_1 : i32
    "tpu.region"() ({
      %run_scoped3A = tpu.sem_alloc : memref<!tpu.dma_semaphore, #tpu.memory_space<semaphore_mem>>
      %dma_start3A = arith.constant 0 : i32
      %dma_start3A_5520 = tpu.memref_slice %arg2[%mul3A_2, %dma_start3A] : memref<128x64xf32, #tpu.memory_space<hbm>> -> memref<4x64xf32, #tpu.memory_space<hbm>>
      %dma_start3A_5521 = arith.constant 0 : i32
      %dma_start3A_5522 = tpu.memref_slice %arg2[%mul3A_2, %dma_start3A_5521] : memref<128x64xf32, #tpu.memory_space<hbm>> -> memref<4x64xf32, #tpu.memory_space<hbm>>
      tpu.enqueue_dma source(%dma_start3A_5522 : memref<4x64xf32, #tpu.memory_space<hbm>>) target(%arg5 : memref<4x64xf32, #tpu.memory_space<vmem>>) target_semaphore(%run_scoped3A : memref<!tpu.dma_semaphore, #tpu.memory_space<semaphore_mem>>)
      %dma_wait3A = arith.constant 0 : i32
      %dma_wait3A_5523 = tpu.memref_slice %arg2[%mul3A_2, %dma_wait3A] : memref<128x64xf32, #tpu.memory_space<hbm>> -> memref<4x64xf32, #tpu.memory_space<hbm>>
      %dma_wait3A_5524 = arith.constant 0 : i32
      %dma_wait3A_5525 = tpu.memref_slice %arg2[%mul3A_2, %dma_wait3A_5524] : memref<128x64xf32, #tpu.memory_space<hbm>> -> memref<4x64xf32, #tpu.memory_space<hbm>>
      tpu.wait_dma2 semaphore(%run_scoped3A : memref<!tpu.dma_semaphore, #tpu.memory_space<semaphore_mem>>) src(%dma_wait3A_5525 : memref<4x64xf32, #tpu.memory_space<hbm>>) dst(%arg5 : memref<4x64xf32, #tpu.memory_space<vmem>>)
      tpu.yield
    }) : () -> ()
    "tpu.region"() ({
      %run_scoped3A = tpu.sem_alloc : memref<!tpu.dma_semaphore, #tpu.memory_space<semaphore_mem>>
      tpu.enqueue_dma source(%arg3 : memref<1x64xf32, #tpu.memory_space<hbm>>) target(%arg6 : memref<1x64xf32, #tpu.memory_space<vmem>>) target_semaphore(%run_scoped3A : memref<!tpu.dma_semaphore, #tpu.memory_space<semaphore_mem>>)
      tpu.wait_dma2 semaphore(%run_scoped3A : memref<!tpu.dma_semaphore, #tpu.memory_space<semaphore_mem>>) src(%arg3 : memref<1x64xf32, #tpu.memory_space<hbm>>) dst(%arg6 : memref<1x64xf32, #tpu.memory_space<vmem>>)
      tpu.yield
    }) : () -> ()
    %iota3A = tpu.iota {dimensions = array<i32: 0>} : vector<16xi32>
    %get3A = arith.constant 0 : i32
    %get3A_3 = arith.index_cast %get3A : i32 to index
    %get3A_4 = arith.constant 0 : index
    %get3A_5 = tpu.vector_load %arg6[%get3A_3, %get3A_4] {strides = array<i32>} : memref<1x64xf32, #tpu.memory_space<vmem>>, vector<1x16xf32>,
    %get3A_6 = vector.shape_cast %get3A_5 : vector<1x16xf32> to vector<16xf32>
    %get3A_7 = arith.constant 0 : i32
    %get3A_8 = arith.index_cast %get3A_7 : i32 to index
    %get3A_9 = arith.constant 16 : index
    %get3A_10 = tpu.vector_load %arg6[%get3A_8, %get3A_9] {strides = array<i32>} : memref<1x64xf32, #tpu.memory_space<vmem>>, vector<1x16xf32>,
    %get3A_11 = vector.shape_cast %get3A_10 : vector<1x16xf32> to vector<16xf32>
    %get3A_12 = arith.constant 0 : i32
    %get3A_13 = arith.index_cast %get3A_12 : i32 to index
    %get3A_14 = arith.constant 32 : index
    %get3A_15 = tpu.vector_load %arg6[%get3A_13, %get3A_14] {strides = array<i32>} : memref<1x64xf32, #tpu.memory_space<vmem>>, vector<1x16xf32>,
    %get3A_16 = vector.shape_cast %get3A_15 : vector<1x16xf32> to vector<16xf32>
    %get3A_17 = arith.constant 0 : i32
    %get3A_18 = arith.index_cast %get3A_17 : i32 to index
    %get3A_19 = arith.constant 48 : index
    %get3A_20 = tpu.vector_load %arg6[%get3A_18, %get3A_19] {strides = array<i32>} : memref<1x64xf32, #tpu.memory_space<vmem>>, vector<1x16xf32>,
    %get3A_21 = vector.shape_cast %get3A_20 : vector<1x16xf32> to vector<16xf32>
    %get3A_22 = arith.constant 0 : i32
    %get3A_23 = arith.index_cast %get3A_22 : i32 to index
    %get3A_24 = arith.constant 0 : index
    %get3A_25 = tpu.vector_load %arg5[%get3A_23, %get3A_24] {strides = array<i32>} : memref<4x64xf32, #tpu.memory_space<vmem>>, vector<1x16xf32>,
    %get3A_26 = vector.shape_cast %get3A_25 : vector<1x16xf32> to vector<16xf32>
    %get3A_27 = arith.constant 0 : i32
    %get3A_28 = arith.index_cast %get3A_27 : i32 to index
    %get3A_29 = arith.constant 16 : index
    %get3A_30 = tpu.vector_load %arg5[%get3A_28, %get3A_29] {strides = array<i32>} : memref<4x64xf32, #tpu.memory_space<vmem>>, vector<1x16xf32>,
    %get3A_31 = vector.shape_cast %get3A_30 : vector<1x16xf32> to vector<16xf32>
    %get3A_32 = arith.constant 0 : i32
    %get3A_33 = arith.index_cast %get3A_32 : i32 to index
    %get3A_34 = arith.constant 32 : index
    %get3A_35 = tpu.vector_load %arg5[%get3A_33, %get3A_34] {strides = array<i32>} : memref<4x64xf32, #tpu.memory_space<vmem>>, vector<1x16xf32>,
    %get3A_36 = vector.shape_cast %get3A_35 : vector<1x16xf32> to vector<16xf32>
    %get3A_37 = arith.constant 0 : i32
    %get3A_38 = arith.index_cast %get3A_37 : i32 to index
    %get3A_39 = arith.constant 48 : index
    %get3A_40 = tpu.vector_load %arg5[%get3A_38, %get3A_39] {strides = array<i32>} : memref<4x64xf32, #tpu.memory_space<vmem>>, vector<1x16xf32>,
    %get3A_41 = vector.shape_cast %get3A_40 : vector<1x16xf32> to vector<16xf32>
    %add3A_42 = arith.addf %get3A_26, %get3A_6 : vector<16xf32>
    %add3A_43 = arith.addf %get3A_31, %get3A_11 : vector<16xf32>
    %add3A_44 = arith.addf %get3A_36, %get3A_16 : vector<16xf32>
    %add3A_45 = arith.addf %get3A_41, %get3A_21 : vector<16xf32>
    %broadcast_in_dim3A = arith.constant 0.000000e+00 : f32
    %broadcast_in_dim3A_46 = vector.broadcast %broadcast_in_dim3A : f32 to vector<16xf32>
    %broadcast_in_dim3A_47 = arith.constant 0.000000e+00 : f32
    %broadcast_in_dim3A_48 = vector.broadcast %broadcast_in_dim3A_47 : f32 to vector<16xf32>
    %broadcast_in_dim3A_49 = arith.constant 0.000000e+00 : f32
    %broadcast_in_dim3A_50 = vector.broadcast %broadcast_in_dim3A_49 : f32 to vector<16xf32>
    %broadcast_in_dim3A_51 = arith.constant 0.000000e+00 : f32
    %broadcast_in_dim3A_52 = vector.broadcast %broadcast_in_dim3A_51 : f32 to vector<16xf32>
    %max3A = arith.maximumf %add3A_42, %add3A_43 : vector<16xf32>
    %max3A_53 = arith.maximumf %add3A_44, %add3A_45 : vector<16xf32>
    %max3A_54 = arith.maximumf %max3A, %max3A_53 : vector<16xf32>
    %iota3A_55 = tpu.iota {dimensions = array<i32: 0>} : vector<16xi32>
    %add3A_56 = arith.constant 8 : i32
    %add3A_57 = vector.broadcast %add3A_56 : i32 to vector<16xi32>
    %add3A_58 = arith.addi %iota3A_55, %add3A_57 : vector<16xi32>
    %and3A = arith.constant 15 : i32
    %and3A_59 = vector.broadcast %and3A : i32 to vector<16xi32>
    %and3A_60 = arith.andi %add3A_58, %and3A_59 : vector<16xi32>
    %broadcast_in_dim3A_61 = vector.shape_cast %and3A_60 : vector<16xi32> to vector<16x1xi32>
    %gather3A = vector.shape_cast %broadcast_in_dim3A_61 : vector<16x1xi32> to vector<16xi32>
    %gather3A_62 = tpu.dynamic_gather %max3A_54[%gather3A] in [0] : vector<16xf32>, vector<16xi32> -> vector<16xf32>
    %max3A_63 = arith.maximumf %max3A_54, %gather3A_62 : vector<16xf32>
    %iota3A_64 = tpu.iota {dimensions = array<i32: 0>} : vector<16xi32>
    %add3A_65 = arith.constant 4 : i32
    %add3A_66 = vector.broadcast %add3A_65 : i32 to vector<16xi32>
    %add3A_67 = arith.addi %iota3A_64, %add3A_66 : vector<16xi32>
    %and3A_68 = arith.constant 15 : i32
    %and3A_69 = vector.broadcast %and3A_68 : i32 to vector<16xi32>
    %and3A_70 = arith.andi %add3A_67, %and3A_69 : vector<16xi32>
    %broadcast_in_dim3A_71 = vector.shape_cast %and3A_70 : vector<16xi32> to vector<16x1xi32>
    %gather3A_72 = vector.shape_cast %broadcast_in_dim3A_71 : vector<16x1xi32> to vector<16xi32>
    %gather3A_73 = tpu.dynamic_gather %max3A_63[%gather3A_72] in [0] : vector<16xf32>, vector<16xi32> -> vector<16xf32>
    %max3A_74 = arith.maximumf %max3A_63, %gather3A_73 : vector<16xf32>
    %iota3A_75 = tpu.iota {dimensions = array<i32: 0>} : vector<16xi32>
    %add3A_76 = arith.constant 2 : i32
    %add3A_77 = vector.broadcast %add3A_76 : i32 to vector<16xi32>
    %add3A_78 = arith.addi %iota3A_75, %add3A_77 : vector<16xi32>
    %and3A_79 = arith.constant 15 : i32
    %and3A_80 = vector.broadcast %and3A_79 : i32 to vector<16xi32>
    %and3A_81 = arith.andi %add3A_78, %and3A_80 : vector<16xi32>
    %broadcast_in_dim3A_82 = vector.shape_cast %and3A_81 : vector<16xi32> to vector<16x1xi32>
    %gather3A_83 = vector.shape_cast %broadcast_in_dim3A_82 : vector<16x1xi32> to vector<16xi32>
    %gather3A_84 = tpu.dynamic_gather %max3A_74[%gather3A_83] in [0] : vector<16xf32>, vector<16xi32> -> vector<16xf32>
    %max3A_85 = arith.maximumf %max3A_74, %gather3A_84 : vector<16xf32>
    %iota3A_86 = tpu.iota {dimensions = array<i32: 0>} : vector<16xi32>
    %add3A_87 = arith.constant 1 : i32
    %add3A_88 = vector.broadcast %add3A_87 : i32 to vector<16xi32>
    %add3A_89 = arith.addi %iota3A_86, %add3A_88 : vector<16xi32>
    %and3A_90 = arith.constant 15 : i32
    %and3A_91 = vector.broadcast %and3A_90 : i32 to vector<16xi32>
    %and3A_92 = arith.andi %add3A_89, %and3A_91 : vector<16xi32>
    %broadcast_in_dim3A_93 = vector.shape_cast %and3A_92 : vector<16xi32> to vector<16x1xi32>
    %gather3A_94 = vector.shape_cast %broadcast_in_dim3A_93 : vector<16x1xi32> to vector<16xi32>
    %gather3A_95 = tpu.dynamic_gather %max3A_85[%gather3A_94] in [0] : vector<16xf32>, vector<16xi32> -> vector<16xf32>
    %max3A_96 = arith.maximumf %max3A_85, %gather3A_95 : vector<16xf32>
    %eq3A = arith.cmpf oeq, %add3A_42, %max3A_96 : vector<16xf32>
    %add3A_97 = arith.constant 0 : i32
    %add3A_98 = vector.broadcast %add3A_97 : i32 to vector<16xi32>
    %add3A_99 = arith.addi %iota3A, %add3A_98 : vector<16xi32>
    %jit3A = arith.constant 64 : i32
    %broadcast_in_dim3A_100 = vector.broadcast %jit3A : i32 to vector<16xi32>
    %select_n3A = arith.select %eq3A, %add3A_99, %broadcast_in_dim3A_100 : vector<16xi1>, vector<16xi32>
    %eq3A_101 = arith.cmpf oeq, %add3A_43, %max3A_96 : vector<16xf32>
    %add3A_102 = arith.constant 16 : i32
    %add3A_103 = vector.broadcast %add3A_102 : i32 to vector<16xi32>
    %add3A_104 = arith.addi %iota3A, %add3A_103 : vector<16xi32>
    %jit3A_105 = arith.constant 64 : i32
    %broadcast_in_dim3A_106 = vector.broadcast %jit3A_105 : i32 to vector<16xi32>
    %select_n3A_107 = arith.select %eq3A_101, %add3A_104, %broadcast_in_dim3A_106 : vector<16xi1>, vector<16xi32>
    %eq3A_108 = arith.cmpf oeq, %add3A_44, %max3A_96 : vector<16xf32>
    %add3A_109 = arith.constant 32 : i32
    %add3A_110 = vector.broadcast %add3A_109 : i32 to vector<16xi32>
    %add3A_111 = arith.addi %iota3A, %add3A_110 : vector<16xi32>
    %jit3A_112 = arith.constant 64 : i32
    %broadcast_in_dim3A_113 = vector.broadcast %jit3A_112 : i32 to vector<16xi32>
    %select_n3A_114 = arith.select %eq3A_108, %add3A_111, %broadcast_in_dim3A_113 : vector<16xi1>, vector<16xi32>
    %eq3A_115 = arith.cmpf oeq, %add3A_45, %max3A_96 : vector<16xf32>
    %add3A_116 = arith.constant 48 : i32
    %add3A_117 = vector.broadcast %add3A_116 : i32 to vector<16xi32>
    %add3A_118 = arith.addi %iota3A, %add3A_117 : vector<16xi32>
    %jit3A_119 = arith.constant 64 : i32
    %broadcast_in_dim3A_120 = vector.broadcast %jit3A_119 : i32 to vector<16xi32>
    %select_n3A_121 = arith.select %eq3A_115, %add3A_118, %broadcast_in_dim3A_120 : vector<16xi1>, vector<16xi32>
    %min3A = arith.minsi %select_n3A, %select_n3A_107 : vector<16xi32>
    %min3A_122 = arith.minsi %select_n3A_114, %select_n3A_121 : vector<16xi32>
    %min3A_123 = arith.minsi %min3A, %min3A_122 : vector<16xi32>
    %iota3A_124 = tpu.iota {dimensions = array<i32: 0>} : vector<16xi32>
    %add3A_125 = arith.constant 8 : i32
    %add3A_126 = vector.broadcast %add3A_125 : i32 to vector<16xi32>
    %add3A_127 = arith.addi %iota3A_124, %add3A_126 : vector<16xi32>
    %and3A_128 = arith.constant 15 : i32
    %and3A_129 = vector.broadcast %and3A_128 : i32 to vector<16xi32>
    %and3A_130 = arith.andi %add3A_127, %and3A_129 : vector<16xi32>
    %broadcast_in_dim3A_131 = vector.shape_cast %and3A_130 : vector<16xi32> to vector<16x1xi32>
    %gather3A_132 = vector.shape_cast %broadcast_in_dim3A_131 : vector<16x1xi32> to vector<16xi32>
    %gather3A_133 = tpu.dynamic_gather %min3A_123[%gather3A_132] in [0] : vector<16xi32>, vector<16xi32> -> vector<16xi32>
    %min3A_134 = arith.minsi %min3A_123, %gather3A_133 : vector<16xi32>
    %iota3A_135 = tpu.iota {dimensions = array<i32: 0>} : vector<16xi32>
    %add3A_136 = arith.constant 4 : i32
    %add3A_137 = vector.broadcast %add3A_136 : i32 to vector<16xi32>
    %add3A_138 = arith.addi %iota3A_135, %add3A_137 : vector<16xi32>
    %and3A_139 = arith.constant 15 : i32
    %and3A_140 = vector.broadcast %and3A_139 : i32 to vector<16xi32>
    %and3A_141 = arith.andi %add3A_138, %and3A_140 : vector<16xi32>
    %broadcast_in_dim3A_142 = vector.shape_cast %and3A_141 : vector<16xi32> to vector<16x1xi32>
    %gather3A_143 = vector.shape_cast %broadcast_in_dim3A_142 : vector<16x1xi32> to vector<16xi32>
    %gather3A_144 = tpu.dynamic_gather %min3A_134[%gather3A_143] in [0] : vector<16xi32>, vector<16xi32> -> vector<16xi32>
    %min3A_145 = arith.minsi %min3A_134, %gather3A_144 : vector<16xi32>
    %iota3A_146 = tpu.iota {dimensions = array<i32: 0>} : vector<16xi32>
    %add3A_147 = arith.constant 2 : i32
    %add3A_148 = vector.broadcast %add3A_147 : i32 to vector<16xi32>
    %add3A_149 = arith.addi %iota3A_146, %add3A_148 : vector<16xi32>
    %and3A_150 = arith.constant 15 : i32
    %and3A_151 = vector.broadcast %and3A_150 : i32 to vector<16xi32>
    %and3A_152 = arith.andi %add3A_149, %and3A_151 : vector<16xi32>
    %broadcast_in_dim3A_153 = vector.shape_cast %and3A_152 : vector<16xi32> to vector<16x1xi32>
    %gather3A_154 = vector.shape_cast %broadcast_in_dim3A_153 : vector<16x1xi32> to vector<16xi32>
    %gather3A_155 = tpu.dynamic_gather %min3A_145[%gather3A_154] in [0] : vector<16xi32>, vector<16xi32> -> vector<16xi32>
    %min3A_156 = arith.minsi %min3A_145, %gather3A_155 : vector<16xi32>
    %iota3A_157 = tpu.iota {dimensions = array<i32: 0>} : vector<16xi32>
    %add3A_158 = arith.constant 1 : i32
    %add3A_159 = vector.broadcast %add3A_158 : i32 to vector<16xi32>
    %add3A_160 = arith.addi %iota3A_157, %add3A_159 : vector<16xi32>
    %and3A_161 = arith.constant 15 : i32
    %and3A_162 = vector.broadcast %and3A_161 : i32 to vector<16xi32>
    %and3A_163 = arith.andi %add3A_160, %and3A_162 : vector<16xi32>
    %broadcast_in_dim3A_164 = vector.shape_cast %and3A_163 : vector<16xi32> to vector<16x1xi32>
    %gather3A_165 = vector.shape_cast %broadcast_in_dim3A_164 : vector<16x1xi32> to vector<16xi32>
    %gather3A_166 = tpu.dynamic_gather %min3A_156[%gather3A_165] in [0] : vector<16xi32>, vector<16xi32> -> vector<16xi32>
    %min3A_167 = arith.minsi %min3A_156, %gather3A_166 : vector<16xi32>
    %add3A_168 = arith.constant 0 : i32
    %add3A_169 = vector.broadcast %add3A_168 : i32 to vector<16xi32>
    %add3A_170 = arith.addi %iota3A, %add3A_169 : vector<16xi32>
    %eq3A_171 = arith.cmpi eq, %add3A_170, %min3A_167 : vector<16xi32>
    %add3A_172 = arith.addf %broadcast_in_dim3A_46, %get3A_26 : vector<16xf32>
    %select_n3A_173 = arith.select %eq3A_171, %add3A_172, %broadcast_in_dim3A_46 : vector<16xi1>, vector<16xf32>
    %broadcast_in_dim3A_174 = arith.constant 0xFF800000 : f32
    %broadcast_in_dim3A_175 = vector.broadcast %broadcast_in_dim3A_174 : f32 to vector<16xf32>
    %select_n3A_176 = arith.select %eq3A_171, %broadcast_in_dim3A_175, %add3A_42 : vector<16xi1>, vector<16xf32>
    %add3A_177 = arith.constant 16 : i32
    %add3A_178 = vector.broadcast %add3A_177 : i32 to vector<16xi32>
    %add3A_179 = arith.addi %iota3A, %add3A_178 : vector<16xi32>
    %eq3A_180 = arith.cmpi eq, %add3A_179, %min3A_167 : vector<16xi32>
    %add3A_181 = arith.addf %broadcast_in_dim3A_48, %get3A_31 : vector<16xf32>
    %select_n3A_182 = arith.select %eq3A_180, %add3A_181, %broadcast_in_dim3A_48 : vector<16xi1>, vector<16xf32>
    %broadcast_in_dim3A_183 = arith.constant 0xFF800000 : f32
    %broadcast_in_dim3A_184 = vector.broadcast %broadcast_in_dim3A_183 : f32 to vector<16xf32>
    %select_n3A_185 = arith.select %eq3A_180, %broadcast_in_dim3A_184, %add3A_43 : vector<16xi1>, vector<16xf32>
    %add3A_186 = arith.constant 32 : i32
    %add3A_187 = vector.broadcast %add3A_186 : i32 to vector<16xi32>
    %add3A_188 = arith.addi %iota3A, %add3A_187 : vector<16xi32>
    %eq3A_189 = arith.cmpi eq, %add3A_188, %min3A_167 : vector<16xi32>
    %add3A_190 = arith.addf %broadcast_in_dim3A_50, %get3A_36 : vector<16xf32>
    %select_n3A_191 = arith.select %eq3A_189, %add3A_190, %broadcast_in_dim3A_50 : vector<16xi1>, vector<16xf32>
    %broadcast_in_dim3A_192 = arith.constant 0xFF800000 : f32
    %broadcast_in_dim3A_193 = vector.broadcast %broadcast_in_dim3A_192 : f32 to vector<16xf32>
    %select_n3A_194 = arith.select %eq3A_189, %broadcast_in_dim3A_193, %add3A_44 : vector<16xi1>, vector<16xf32>
    %add3A_195 = arith.constant 48 : i32
    %add3A_196 = vector.broadcast %add3A_195 : i32 to vector<16xi32>
    %add3A_197 = arith.addi %iota3A, %add3A_196 : vector<16xi32>
    %eq3A_198 = arith.cmpi eq, %add3A_197, %min3A_167 : vector<16xi32>
    %add3A_199 = arith.addf %broadcast_in_dim3A_52, %get3A_41 : vector<16xf32>
    %select_n3A_200 = arith.select %eq3A_198, %add3A_199, %broadcast_in_dim3A_52 : vector<16xi1>, vector<16xf32>
    %broadcast_in_dim3A_201 = arith.constant 0xFF800000 : f32
    %broadcast_in_dim3A_202 = vector.broadcast %broadcast_in_dim3A_201 : f32 to vector<16xf32>
    %select_n3A_203 = arith.select %eq3A_198, %broadcast_in_dim3A_202, %add3A_45 : vector<16xi1>, vector<16xf32>
    %max3A_204 = arith.maximumf %select_n3A_176, %select_n3A_185 : vector<16xf32>
    %max3A_205 = arith.maximumf %select_n3A_194, %select_n3A_203 : vector<16xf32>
    %max3A_206 = arith.maximumf %max3A_204, %max3A_205 : vector<16xf32>
    %iota3A_207 = tpu.iota {dimensions = array<i32: 0>} : vector<16xi32>
    %add3A_208 = arith.constant 8 : i32
    %add3A_209 = vector.broadcast %add3A_208 : i32 to vector<16xi32>
    %add3A_210 = arith.addi %iota3A_207, %add3A_209 : vector<16xi32>
    %and3A_211 = arith.constant 15 : i32
    %and3A_212 = vector.broadcast %and3A_211 : i32 to vector<16xi32>
    %and3A_213 = arith.andi %add3A_210, %and3A_212 : vector<16xi32>
    %broadcast_in_dim3A_214 = vector.shape_cast %and3A_213 : vector<16xi32> to vector<16x1xi32>
    %gather3A_215 = vector.shape_cast %broadcast_in_dim3A_214 : vector<16x1xi32> to vector<16xi32>
    %gather3A_216 = tpu.dynamic_gather %max3A_206[%gather3A_215] in [0] : vector<16xf32>, vector<16xi32> -> vector<16xf32>
    %max3A_217 = arith.maximumf %max3A_206, %gather3A_216 : vector<16xf32>
    %iota3A_218 = tpu.iota {dimensions = array<i32: 0>} : vector<16xi32>
    %add3A_219 = arith.constant 4 : i32
    %add3A_220 = vector.broadcast %add3A_219 : i32 to vector<16xi32>
    %add3A_221 = arith.addi %iota3A_218, %add3A_220 : vector<16xi32>
    %and3A_222 = arith.constant 15 : i32
    %and3A_223 = vector.broadcast %and3A_222 : i32 to vector<16xi32>
    %and3A_224 = arith.andi %add3A_221, %and3A_223 : vector<16xi32>
    %broadcast_in_dim3A_225 = vector.shape_cast %and3A_224 : vector<16xi32> to vector<16x1xi32>
    %gather3A_226 = vector.shape_cast %broadcast_in_dim3A_225 : vector<16x1xi32> to vector<16xi32>
    %gather3A_227 = tpu.dynamic_gather %max3A_217[%gather3A_226] in [0] : vector<16xf32>, vector<16xi32> -> vector<16xf32>
    %max3A_228 = arith.maximumf %max3A_217, %gather3A_227 : vector<16xf32>
    %iota3A_229 = tpu.iota {dimensions = array<i32: 0>} : vector<16xi32>
    %add3A_230 = arith.constant 2 : i32
    %add3A_231 = vector.broadcast %add3A_230 : i32 to vector<16xi32>
    %add3A_232 = arith.addi %iota3A_229, %add3A_231 : vector<16xi32>
    %and3A_233 = arith.constant 15 : i32
    %and3A_234 = vector.broadcast %and3A_233 : i32 to vector<16xi32>
    %and3A_235 = arith.andi %add3A_232, %and3A_234 : vector<16xi32>
    %broadcast_in_dim3A_236 = vector.shape_cast %and3A_235 : vector<16xi32> to vector<16x1xi32>
    %gather3A_237 = vector.shape_cast %broadcast_in_dim3A_236 : vector<16x1xi32> to vector<16xi32>
    %gather3A_238 = tpu.dynamic_gather %max3A_228[%gather3A_237] in [0] : vector<16xf32>, vector<16xi32> -> vector<16xf32>
    %max3A_239 = arith.maximumf %max3A_228, %gather3A_238 : vector<16xf32>
    %iota3A_240 = tpu.iota {dimensions = array<i32: 0>} : vector<16xi32>
    %add3A_241 = arith.constant 1 : i32
    %add3A_242 = vector.broadcast %add3A_241 : i32 to vector<16xi32>
    %add3A_243 = arith.addi %iota3A_240, %add3A_242 : vector<16xi32>
    %and3A_244 = arith.constant 15 : i32
    %and3A_245 = vector.broadcast %and3A_244 : i32 to vector<16xi32>
    %and3A_246 = arith.andi %add3A_243, %and3A_245 : vector<16xi32>
    %broadcast_in_dim3A_247 = vector.shape_cast %and3A_246 : vector<16xi32> to vector<16x1xi32>
    %gather3A_248 = vector.shape_cast %broadcast_in_dim3A_247 : vector<16x1xi32> to vector<16xi32>
    %gather3A_249 = tpu.dynamic_gather %max3A_239[%gather3A_248] in [0] : vector<16xf32>, vector<16xi32> -> vector<16xf32>
    %max3A_250 = arith.maximumf %max3A_239, %gather3A_249 : vector<16xf32>
    %eq3A_251 = arith.cmpf oeq, %select_n3A_176, %max3A_250 : vector<16xf32>
    %add3A_252 = arith.constant 0 : i32
    %add3A_253 = vector.broadcast %add3A_252 : i32 to vector<16xi32>
    %add3A_254 = arith.addi %iota3A, %add3A_253 : vector<16xi32>
    %jit3A_255 = arith.constant 64 : i32
    %broadcast_in_dim3A_256 = vector.broadcast %jit3A_255 : i32 to vector<16xi32>
    %select_n3A_257 = arith.select %eq3A_251, %add3A_254, %broadcast_in_dim3A_256 : vector<16xi1>, vector<16xi32>
    %eq3A_258 = arith.cmpf oeq, %select_n3A_185, %max3A_250 : vector<16xf32>
    %add3A_259 = arith.constant 16 : i32
    %add3A_260 = vector.broadcast %add3A_259 : i32 to vector<16xi32>
    %add3A_261 = arith.addi %iota3A, %add3A_260 : vector<16xi32>
    %jit3A_262 = arith.constant 64 : i32
    %broadcast_in_dim3A_263 = vector.broadcast %jit3A_262 : i32 to vector<16xi32>
    %select_n3A_264 = arith.select %eq3A_258, %add3A_261, %broadcast_in_dim3A_263 : vector<16xi1>, vector<16xi32>
    %eq3A_265 = arith.cmpf oeq, %select_n3A_194, %max3A_250 : vector<16xf32>
    %add3A_266 = arith.constant 32 : i32
    %add3A_267 = vector.broadcast %add3A_266 : i32 to vector<16xi32>
    %add3A_268 = arith.addi %iota3A, %add3A_267 : vector<16xi32>
    %jit3A_269 = arith.constant 64 : i32
    %broadcast_in_dim3A_270 = vector.broadcast %jit3A_269 : i32 to vector<16xi32>
    %select_n3A_271 = arith.select %eq3A_265, %add3A_268, %broadcast_in_dim3A_270 : vector<16xi1>, vector<16xi32>
    %eq3A_272 = arith.cmpf oeq, %select_n3A_203, %max3A_250 : vector<16xf32>
    %add3A_273 = arith.constant 48 : i32
    %add3A_274 = vector.broadcast %add3A_273 : i32 to vector<16xi32>
    %add3A_275 = arith.addi %iota3A, %add3A_274 : vector<16xi32>
    %jit3A_276 = arith.constant 64 : i32
    %broadcast_in_dim3A_277 = vector.broadcast %jit3A_276 : i32 to vector<16xi32>
    %select_n3A_278 = arith.select %eq3A_272, %add3A_275, %broadcast_in_dim3A_277 : vector<16xi1>, vector<16xi32>
    %min3A_279 = arith.minsi %select_n3A_257, %select_n3A_264 : vector<16xi32>
    %min3A_280 = arith.minsi %select_n3A_271, %select_n3A_278 : vector<16xi32>
    %min3A_281 = arith.minsi %min3A_279, %min3A_280 : vector<16xi32>
    %iota3A_282 = tpu.iota {dimensions = array<i32: 0>} : vector<16xi32>
    %add3A_283 = arith.constant 8 : i32
    %add3A_284 = vector.broadcast %add3A_283 : i32 to vector<16xi32>
    %add3A_285 = arith.addi %iota3A_282, %add3A_284 : vector<16xi32>
    %and3A_286 = arith.constant 15 : i32
    %and3A_287 = vector.broadcast %and3A_286 : i32 to vector<16xi32>
    %and3A_288 = arith.andi %add3A_285, %and3A_287 : vector<16xi32>
    %broadcast_in_dim3A_289 = vector.shape_cast %and3A_288 : vector<16xi32> to vector<16x1xi32>
    %gather3A_290 = vector.shape_cast %broadcast_in_dim3A_289 : vector<16x1xi32> to vector<16xi32>
    %gather3A_291 = tpu.dynamic_gather %min3A_281[%gather3A_290] in [0] : vector<16xi32>, vector<16xi32> -> vector<16xi32>
    %min3A_292 = arith.minsi %min3A_281, %gather3A_291 : vector<16xi32>
    %iota3A_293 = tpu.iota {dimensions = array<i32: 0>} : vector<16xi32>
    %add3A_294 = arith.constant 4 : i32
    %add3A_295 = vector.broadcast %add3A_294 : i32 to vector<16xi32>
    %add3A_296 = arith.addi %iota3A_293, %add3A_295 : vector<16xi32>
    %and3A_297 = arith.constant 15 : i32
    %and3A_298 = vector.broadcast %and3A_297 : i32 to vector<16xi32>
    %and3A_299 = arith.andi %add3A_296, %and3A_298 : vector<16xi32>
    %broadcast_in_dim3A_300 = vector.shape_cast %and3A_299 : vector<16xi32> to vector<16x1xi32>
    %gather3A_301 = vector.shape_cast %broadcast_in_dim3A_300 : vector<16x1xi32> to vector<16xi32>
    %gather3A_302 = tpu.dynamic_gather %min3A_292[%gather3A_301] in [0] : vector<16xi32>, vector<16xi32> -> vector<16xi32>
    %min3A_303 = arith.minsi %min3A_292, %gather3A_302 : vector<16xi32>
    %iota3A_304 = tpu.iota {dimensions = array<i32: 0>} : vector<16xi32>
    %add3A_305 = arith.constant 2 : i32
    %add3A_306 = vector.broadcast %add3A_305 : i32 to vector<16xi32>
    %add3A_307 = arith.addi %iota3A_304, %add3A_306 : vector<16xi32>
    %and3A_308 = arith.constant 15 : i32
    %and3A_309 = vector.broadcast %and3A_308 : i32 to vector<16xi32>
    %and3A_310 = arith.andi %add3A_307, %and3A_309 : vector<16xi32>
    %broadcast_in_dim3A_311 = vector.shape_cast %and3A_310 : vector<16xi32> to vector<16x1xi32>
    %gather3A_312 = vector.shape_cast %broadcast_in_dim3A_311 : vector<16x1xi32> to vector<16xi32>
    %gather3A_313 = tpu.dynamic_gather %min3A_303[%gather3A_312] in [0] : vector<16xi32>, vector<16xi32> -> vector<16xi32>
    %min3A_314 = arith.minsi %min3A_303, %gather3A_313 : vector<16xi32>
    %iota3A_315 = tpu.iota {dimensions = array<i32: 0>} : vector<16xi32>
    %add3A_316 = arith.constant 1 : i32
    %add3A_317 = vector.broadcast %add3A_316 : i32 to vector<16xi32>
    %add3A_318 = arith.addi %iota3A_315, %add3A_317 : vector<16xi32>
    %and3A_319 = arith.constant 15 : i32
    %and3A_320 = vector.broadcast %and3A_319 : i32 to vector<16xi32>
    %and3A_321 = arith.andi %add3A_318, %and3A_320 : vector<16xi32>
    %broadcast_in_dim3A_322 = vector.shape_cast %and3A_321 : vector<16xi32> to vector<16x1xi32>
    %gather3A_323 = vector.shape_cast %broadcast_in_dim3A_322 : vector<16x1xi32> to vector<16xi32>
    %gather3A_324 = tpu.dynamic_gather %min3A_314[%gather3A_323] in [0] : vector<16xi32>, vector<16xi32> -> vector<16xi32>
    %min3A_325 = arith.minsi %min3A_314, %gather3A_324 : vector<16xi32>
    %add3A_326 = arith.constant 0 : i32
    %add3A_327 = vector.broadcast %add3A_326 : i32 to vector<16xi32>
    %add3A_328 = arith.addi %iota3A, %add3A_327 : vector<16xi32>
    %eq3A_329 = arith.cmpi eq, %add3A_328, %min3A_325 : vector<16xi32>
    %add3A_330 = arith.addf %select_n3A_173, %get3A_26 : vector<16xf32>
    %select_n3A_331 = arith.select %eq3A_329, %add3A_330, %select_n3A_173 : vector<16xi1>, vector<16xf32>
    %broadcast_in_dim3A_332 = arith.constant 0xFF800000 : f32
    %broadcast_in_dim3A_333 = vector.broadcast %broadcast_in_dim3A_332 : f32 to vector<16xf32>
    %select_n3A_334 = arith.select %eq3A_329, %broadcast_in_dim3A_333, %select_n3A_176 : vector<16xi1>, vector<16xf32>
    %add3A_335 = arith.constant 16 : i32
    %add3A_336 = vector.broadcast %add3A_335 : i32 to vector<16xi32>
    %add3A_337 = arith.addi %iota3A, %add3A_336 : vector<16xi32>
    %eq3A_338 = arith.cmpi eq, %add3A_337, %min3A_325 : vector<16xi32>
    %add3A_339 = arith.addf %select_n3A_182, %get3A_31 : vector<16xf32>
    %select_n3A_340 = arith.select %eq3A_338, %add3A_339, %select_n3A_182 : vector<16xi1>, vector<16xf32>
    %broadcast_in_dim3A_341 = arith.constant 0xFF800000 : f32
    %broadcast_in_dim3A_342 = vector.broadcast %broadcast_in_dim3A_341 : f32 to vector<16xf32>
    %select_n3A_343 = arith.select %eq3A_338, %broadcast_in_dim3A_342, %select_n3A_185 : vector<16xi1>, vector<16xf32>
    %add3A_344 = arith.constant 32 : i32
    %add3A_345 = vector.broadcast %add3A_344 : i32 to vector<16xi32>
    %add3A_346 = arith.addi %iota3A, %add3A_345 : vector<16xi32>
    %eq3A_347 = arith.cmpi eq, %add3A_346, %min3A_325 : vector<16xi32>
    %add3A_348 = arith.addf %select_n3A_191, %get3A_36 : vector<16xf32>
    %select_n3A_349 = arith.select %eq3A_347, %add3A_348, %select_n3A_191 : vector<16xi1>, vector<16xf32>
    %broadcast_in_dim3A_350 = arith.constant 0xFF800000 : f32
    %broadcast_in_dim3A_351 = vector.broadcast %broadcast_in_dim3A_350 : f32 to vector<16xf32>
    %select_n3A_352 = arith.select %eq3A_347, %broadcast_in_dim3A_351, %select_n3A_194 : vector<16xi1>, vector<16xf32>
    %add3A_353 = arith.constant 48 : i32
    %add3A_354 = vector.broadcast %add3A_353 : i32 to vector<16xi32>
    %add3A_355 = arith.addi %iota3A, %add3A_354 : vector<16xi32>
    %eq3A_356 = arith.cmpi eq, %add3A_355, %min3A_325 : vector<16xi32>
    %add3A_357 = arith.addf %select_n3A_200, %get3A_41 : vector<16xf32>
    %select_n3A_358 = arith.select %eq3A_356, %add3A_357, %select_n3A_200 : vector<16xi1>, vector<16xf32>
    %broadcast_in_dim3A_359 = arith.constant 0xFF800000 : f32
    %broadcast_in_dim3A_360 = vector.broadcast %broadcast_in_dim3A_359 : f32 to vector<16xf32>
    %select_n3A_361 = arith.select %eq3A_356, %broadcast_in_dim3A_360, %select_n3A_203 : vector<16xi1>, vector<16xf32>
    %max3A_362 = arith.maximumf %select_n3A_334, %select_n3A_343 : vector<16xf32>
    %max3A_363 = arith.maximumf %select_n3A_352, %select_n3A_361 : vector<16xf32>
    %max3A_364 = arith.maximumf %max3A_362, %max3A_363 : vector<16xf32>
    %iota3A_365 = tpu.iota {dimensions = array<i32: 0>} : vector<16xi32>
    %add3A_366 = arith.constant 8 : i32
    %add3A_367 = vector.broadcast %add3A_366 : i32 to vector<16xi32>
    %add3A_368 = arith.addi %iota3A_365, %add3A_367 : vector<16xi32>
    %and3A_369 = arith.constant 15 : i32
    %and3A_370 = vector.broadcast %and3A_369 : i32 to vector<16xi32>
    %and3A_371 = arith.andi %add3A_368, %and3A_370 : vector<16xi32>
    %broadcast_in_dim3A_372 = vector.shape_cast %and3A_371 : vector<16xi32> to vector<16x1xi32>
    %gather3A_373 = vector.shape_cast %broadcast_in_dim3A_372 : vector<16x1xi32> to vector<16xi32>
    %gather3A_374 = tpu.dynamic_gather %max3A_364[%gather3A_373] in [0] : vector<16xf32>, vector<16xi32> -> vector<16xf32>
    %max3A_375 = arith.maximumf %max3A_364, %gather3A_374 : vector<16xf32>
    %iota3A_376 = tpu.iota {dimensions = array<i32: 0>} : vector<16xi32>
    %add3A_377 = arith.constant 4 : i32
    %add3A_378 = vector.broadcast %add3A_377 : i32 to vector<16xi32>
    %add3A_379 = arith.addi %iota3A_376, %add3A_378 : vector<16xi32>
    %and3A_380 = arith.constant 15 : i32
    %and3A_381 = vector.broadcast %and3A_380 : i32 to vector<16xi32>
    %and3A_382 = arith.andi %add3A_379, %and3A_381 : vector<16xi32>
    %broadcast_in_dim3A_383 = vector.shape_cast %and3A_382 : vector<16xi32> to vector<16x1xi32>
    %gather3A_384 = vector.shape_cast %broadcast_in_dim3A_383 : vector<16x1xi32> to vector<16xi32>
    %gather3A_385 = tpu.dynamic_gather %max3A_375[%gather3A_384] in [0] : vector<16xf32>, vector<16xi32> -> vector<16xf32>
    %max3A_386 = arith.maximumf %max3A_375, %gather3A_385 : vector<16xf32>
    %iota3A_387 = tpu.iota {dimensions = array<i32: 0>} : vector<16xi32>
    %add3A_388 = arith.constant 2 : i32
    %add3A_389 = vector.broadcast %add3A_388 : i32 to vector<16xi32>
    %add3A_390 = arith.addi %iota3A_387, %add3A_389 : vector<16xi32>
    %and3A_391 = arith.constant 15 : i32
    %and3A_392 = vector.broadcast %and3A_391 : i32 to vector<16xi32>
    %and3A_393 = arith.andi %add3A_390, %and3A_392 : vector<16xi32>
    %broadcast_in_dim3A_394 = vector.shape_cast %and3A_393 : vector<16xi32> to vector<16x1xi32>
    %gather3A_395 = vector.shape_cast %broadcast_in_dim3A_394 : vector<16x1xi32> to vector<16xi32>
    %gather3A_396 = tpu.dynamic_gather %max3A_386[%gather3A_395] in [0] : vector<16xf32>, vector<16xi32> -> vector<16xf32>
    %max3A_397 = arith.maximumf %max3A_386, %gather3A_396 : vector<16xf32>
    %iota3A_398 = tpu.iota {dimensions = array<i32: 0>} : vector<16xi32>
    %add3A_399 = arith.constant 1 : i32
    %add3A_400 = vector.broadcast %add3A_399 : i32 to vector<16xi32>
    %add3A_401 = arith.addi %iota3A_398, %add3A_400 : vector<16xi32>
    %and3A_402 = arith.constant 15 : i32
    %and3A_403 = vector.broadcast %and3A_402 : i32 to vector<16xi32>
    %and3A_404 = arith.andi %add3A_401, %and3A_403 : vector<16xi32>
    %broadcast_in_dim3A_405 = vector.shape_cast %and3A_404 : vector<16xi32> to vector<16x1xi32>
    %gather3A_406 = vector.shape_cast %broadcast_in_dim3A_405 : vector<16x1xi32> to vector<16xi32>
    %gather3A_407 = tpu.dynamic_gather %max3A_397[%gather3A_406] in [0] : vector<16xf32>, vector<16xi32> -> vector<16xf32>
    %max3A_408 = arith.maximumf %max3A_397, %gather3A_407 : vector<16xf32>
    %eq3A_409 = arith.cmpf oeq, %select_n3A_334, %max3A_408 : vector<16xf32>
    %add3A_410 = arith.constant 0 : i32
    %add3A_411 = vector.broadcast %add3A_410 : i32 to vector<16xi32>
    %add3A_412 = arith.addi %iota3A, %add3A_411 : vector<16xi32>
    %jit3A_413 = arith.constant 64 : i32
    %broadcast_in_dim3A_414 = vector.broadcast %jit3A_413 : i32 to vector<16xi32>
    %select_n3A_415 = arith.select %eq3A_409, %add3A_412, %broadcast_in_dim3A_414 : vector<16xi1>, vector<16xi32>
    %eq3A_416 = arith.cmpf oeq, %select_n3A_343, %max3A_408 : vector<16xf32>
    %add3A_417 = arith.constant 16 : i32
    %add3A_418 = vector.broadcast %add3A_417 : i32 to vector<16xi32>
    %add3A_419 = arith.addi %iota3A, %add3A_418 : vector<16xi32>
    %jit3A_420 = arith.constant 64 : i32
    %broadcast_in_dim3A_421 = vector.broadcast %jit3A_420 : i32 to vector<16xi32>
    %select_n3A_422 = arith.select %eq3A_416, %add3A_419, %broadcast_in_dim3A_421 : vector<16xi1>, vector<16xi32>
    %eq3A_423 = arith.cmpf oeq, %select_n3A_352, %max3A_408 : vector<16xf32>
    %add3A_424 = arith.constant 32 : i32
    %add3A_425 = vector.broadcast %add3A_424 : i32 to vector<16xi32>
    %add3A_426 = arith.addi %iota3A, %add3A_425 : vector<16xi32>
    %jit3A_427 = arith.constant 64 : i32
    %broadcast_in_dim3A_428 = vector.broadcast %jit3A_427 : i32 to vector<16xi32>
    %select_n3A_429 = arith.select %eq3A_423, %add3A_426, %broadcast_in_dim3A_428 : vector<16xi1>, vector<16xi32>
    %eq3A_430 = arith.cmpf oeq, %select_n3A_361, %max3A_408 : vector<16xf32>
    %add3A_431 = arith.constant 48 : i32
    %add3A_432 = vector.broadcast %add3A_431 : i32 to vector<16xi32>
    %add3A_433 = arith.addi %iota3A, %add3A_432 : vector<16xi32>
    %jit3A_434 = arith.constant 64 : i32
    %broadcast_in_dim3A_435 = vector.broadcast %jit3A_434 : i32 to vector<16xi32>
    %select_n3A_436 = arith.select %eq3A_430, %add3A_433, %broadcast_in_dim3A_435 : vector<16xi1>, vector<16xi32>
    %min3A_437 = arith.minsi %select_n3A_415, %select_n3A_422 : vector<16xi32>
    %min3A_438 = arith.minsi %select_n3A_429, %select_n3A_436 : vector<16xi32>
    %min3A_439 = arith.minsi %min3A_437, %min3A_438 : vector<16xi32>
    %iota3A_440 = tpu.iota {dimensions = array<i32: 0>} : vector<16xi32>
    %add3A_441 = arith.constant 8 : i32
    %add3A_442 = vector.broadcast %add3A_441 : i32 to vector<16xi32>
    %add3A_443 = arith.addi %iota3A_440, %add3A_442 : vector<16xi32>
    %and3A_444 = arith.constant 15 : i32
    %and3A_445 = vector.broadcast %and3A_444 : i32 to vector<16xi32>
    %and3A_446 = arith.andi %add3A_443, %and3A_445 : vector<16xi32>
    %broadcast_in_dim3A_447 = vector.shape_cast %and3A_446 : vector<16xi32> to vector<16x1xi32>
    %gather3A_448 = vector.shape_cast %broadcast_in_dim3A_447 : vector<16x1xi32> to vector<16xi32>
    %gather3A_449 = tpu.dynamic_gather %min3A_439[%gather3A_448] in [0] : vector<16xi32>, vector<16xi32> -> vector<16xi32>
    %min3A_450 = arith.minsi %min3A_439, %gather3A_449 : vector<16xi32>
    %iota3A_451 = tpu.iota {dimensions = array<i32: 0>} : vector<16xi32>
    %add3A_452 = arith.constant 4 : i32
    %add3A_453 = vector.broadcast %add3A_452 : i32 to vector<16xi32>
    %add3A_454 = arith.addi %iota3A_451, %add3A_453 : vector<16xi32>
    %and3A_455 = arith.constant 15 : i32
    %and3A_456 = vector.broadcast %and3A_455 : i32 to vector<16xi32>
    %and3A_457 = arith.andi %add3A_454, %and3A_456 : vector<16xi32>
    %broadcast_in_dim3A_458 = vector.shape_cast %and3A_457 : vector<16xi32> to vector<16x1xi32>
    %gather3A_459 = vector.shape_cast %broadcast_in_dim3A_458 : vector<16x1xi32> to vector<16xi32>
    %gather3A_460 = tpu.dynamic_gather %min3A_450[%gather3A_459] in [0] : vector<16xi32>, vector<16xi32> -> vector<16xi32>
    %min3A_461 = arith.minsi %min3A_450, %gather3A_460 : vector<16xi32>
    %iota3A_462 = tpu.iota {dimensions = array<i32: 0>} : vector<16xi32>
    %add3A_463 = arith.constant 2 : i32
    %add3A_464 = vector.broadcast %add3A_463 : i32 to vector<16xi32>
    %add3A_465 = arith.addi %iota3A_462, %add3A_464 : vector<16xi32>
    %and3A_466 = arith.constant 15 : i32
    %and3A_467 = vector.broadcast %and3A_466 : i32 to vector<16xi32>
    %and3A_468 = arith.andi %add3A_465, %and3A_467 : vector<16xi32>
    %broadcast_in_dim3A_469 = vector.shape_cast %and3A_468 : vector<16xi32> to vector<16x1xi32>
    %gather3A_470 = vector.shape_cast %broadcast_in_dim3A_469 : vector<16x1xi32> to vector<16xi32>
    %gather3A_471 = tpu.dynamic_gather %min3A_461[%gather3A_470] in [0] : vector<16xi32>, vector<16xi32> -> vector<16xi32>
    %min3A_472 = arith.minsi %min3A_461, %gather3A_471 : vector<16xi32>
    %iota3A_473 = tpu.iota {dimensions = array<i32: 0>} : vector<16xi32>
    %add3A_474 = arith.constant 1 : i32
    %add3A_475 = vector.broadcast %add3A_474 : i32 to vector<16xi32>
    %add3A_476 = arith.addi %iota3A_473, %add3A_475 : vector<16xi32>
    %and3A_477 = arith.constant 15 : i32
    %and3A_478 = vector.broadcast %and3A_477 : i32 to vector<16xi32>
    %and3A_479 = arith.andi %add3A_476, %and3A_478 : vector<16xi32>
    %broadcast_in_dim3A_480 = vector.shape_cast %and3A_479 : vector<16xi32> to vector<16x1xi32>
    %gather3A_481 = vector.shape_cast %broadcast_in_dim3A_480 : vector<16x1xi32> to vector<16xi32>
    %gather3A_482 = tpu.dynamic_gather %min3A_472[%gather3A_481] in [0] : vector<16xi32>, vector<16xi32> -> vector<16xi32>
    %min3A_483 = arith.minsi %min3A_472, %gather3A_482 : vector<16xi32>
    %add3A_484 = arith.constant 0 : i32
    %add3A_485 = vector.broadcast %add3A_484 : i32 to vector<16xi32>
    %add3A_486 = arith.addi %iota3A, %add3A_485 : vector<16xi32>
    %eq3A_487 = arith.cmpi eq, %add3A_486, %min3A_483 : vector<16xi32>
    %add3A_488 = arith.addf %select_n3A_331, %get3A_26 : vector<16xf32>
    %select_n3A_489 = arith.select %eq3A_487, %add3A_488, %select_n3A_331 : vector<16xi1>, vector<16xf32>
    %broadcast_in_dim3A_490 = arith.constant 0xFF800000 : f32
    %broadcast_in_dim3A_491 = vector.broadcast %broadcast_in_dim3A_490 : f32 to vector<16xf32>
    %select_n3A_492 = arith.select %eq3A_487, %broadcast_in_dim3A_491, %select_n3A_334 : vector<16xi1>, vector<16xf32>
    %add3A_493 = arith.constant 16 : i32
    %add3A_494 = vector.broadcast %add3A_493 : i32 to vector<16xi32>
    %add3A_495 = arith.addi %iota3A, %add3A_494 : vector<16xi32>
    %eq3A_496 = arith.cmpi eq, %add3A_495, %min3A_483 : vector<16xi32>
    %add3A_497 = arith.addf %select_n3A_340, %get3A_31 : vector<16xf32>
    %select_n3A_498 = arith.select %eq3A_496, %add3A_497, %select_n3A_340 : vector<16xi1>, vector<16xf32>
    %broadcast_in_dim3A_499 = arith.constant 0xFF800000 : f32
    %broadcast_in_dim3A_500 = vector.broadcast %broadcast_in_dim3A_499 : f32 to vector<16xf32>
    %select_n3A_501 = arith.select %eq3A_496, %broadcast_in_dim3A_500, %select_n3A_343 : vector<16xi1>, vector<16xf32>
    %add3A_502 = arith.constant 32 : i32
    %add3A_503 = vector.broadcast %add3A_502 : i32 to vector<16xi32>
    %add3A_504 = arith.addi %iota3A, %add3A_503 : vector<16xi32>
    %eq3A_505 = arith.cmpi eq, %add3A_504, %min3A_483 : vector<16xi32>
    %add3A_506 = arith.addf %select_n3A_349, %get3A_36 : vector<16xf32>
    %select_n3A_507 = arith.select %eq3A_505, %add3A_506, %select_n3A_349 : vector<16xi1>, vector<16xf32>
    %broadcast_in_dim3A_508 = arith.constant 0xFF800000 : f32
    %broadcast_in_dim3A_509 = vector.broadcast %broadcast_in_dim3A_508 : f32 to vector<16xf32>
    %select_n3A_510 = arith.select %eq3A_505, %broadcast_in_dim3A_509, %select_n3A_352 : vector<16xi1>, vector<16xf32>
    %add3A_511 = arith.constant 48 : i32
    %add3A_512 = vector.broadcast %add3A_511 : i32 to vector<16xi32>
    %add3A_513 = arith.addi %iota3A, %add3A_512 : vector<16xi32>
    %eq3A_514 = arith.cmpi eq, %add3A_513, %min3A_483 : vector<16xi32>
    %add3A_515 = arith.addf %select_n3A_358, %get3A_41 : vector<16xf32>
    %select_n3A_516 = arith.select %eq3A_514, %add3A_515, %select_n3A_358 : vector<16xi1>, vector<16xf32>
    %broadcast_in_dim3A_517 = arith.constant 0xFF800000 : f32
    %broadcast_in_dim3A_518 = vector.broadcast %broadcast_in_dim3A_517 : f32 to vector<16xf32>
    %select_n3A_519 = arith.select %eq3A_514, %broadcast_in_dim3A_518, %select_n3A_361 : vector<16xi1>, vector<16xf32>
    %max3A_520 = arith.maximumf %select_n3A_492, %select_n3A_501 : vector<16xf32>
    %max3A_521 = arith.maximumf %select_n3A_510, %select_n3A_519 : vector<16xf32>
    %max3A_522 = arith.maximumf %max3A_520, %max3A_521 : vector<16xf32>
    %iota3A_523 = tpu.iota {dimensions = array<i32: 0>} : vector<16xi32>
    %add3A_524 = arith.constant 8 : i32
    %add3A_525 = vector.broadcast %add3A_524 : i32 to vector<16xi32>
    %add3A_526 = arith.addi %iota3A_523, %add3A_525 : vector<16xi32>
    %and3A_527 = arith.constant 15 : i32
    %and3A_528 = vector.broadcast %and3A_527 : i32 to vector<16xi32>
    %and3A_529 = arith.andi %add3A_526, %and3A_528 : vector<16xi32>
    %broadcast_in_dim3A_530 = vector.shape_cast %and3A_529 : vector<16xi32> to vector<16x1xi32>
    %gather3A_531 = vector.shape_cast %broadcast_in_dim3A_530 : vector<16x1xi32> to vector<16xi32>
    %gather3A_532 = tpu.dynamic_gather %max3A_522[%gather3A_531] in [0] : vector<16xf32>, vector<16xi32> -> vector<16xf32>
    %max3A_533 = arith.maximumf %max3A_522, %gather3A_532 : vector<16xf32>
    %iota3A_534 = tpu.iota {dimensions = array<i32: 0>} : vector<16xi32>
    %add3A_535 = arith.constant 4 : i32
    %add3A_536 = vector.broadcast %add3A_535 : i32 to vector<16xi32>
    %add3A_537 = arith.addi %iota3A_534, %add3A_536 : vector<16xi32>
    %and3A_538 = arith.constant 15 : i32
    %and3A_539 = vector.broadcast %and3A_538 : i32 to vector<16xi32>
    %and3A_540 = arith.andi %add3A_537, %and3A_539 : vector<16xi32>
    %broadcast_in_dim3A_541 = vector.shape_cast %and3A_540 : vector<16xi32> to vector<16x1xi32>
    %gather3A_542 = vector.shape_cast %broadcast_in_dim3A_541 : vector<16x1xi32> to vector<16xi32>
    %gather3A_543 = tpu.dynamic_gather %max3A_533[%gather3A_542] in [0] : vector<16xf32>, vector<16xi32> -> vector<16xf32>
    %max3A_544 = arith.maximumf %max3A_533, %gather3A_543 : vector<16xf32>
    %iota3A_545 = tpu.iota {dimensions = array<i32: 0>} : vector<16xi32>
    %add3A_546 = arith.constant 2 : i32
    %add3A_547 = vector.broadcast %add3A_546 : i32 to vector<16xi32>
    %add3A_548 = arith.addi %iota3A_545, %add3A_547 : vector<16xi32>
    %and3A_549 = arith.constant 15 : i32
    %and3A_550 = vector.broadcast %and3A_549 : i32 to vector<16xi32>
    %and3A_551 = arith.andi %add3A_548, %and3A_550 : vector<16xi32>
    %broadcast_in_dim3A_552 = vector.shape_cast %and3A_551 : vector<16xi32> to vector<16x1xi32>
    %gather3A_553 = vector.shape_cast %broadcast_in_dim3A_552 : vector<16x1xi32> to vector<16xi32>
    %gather3A_554 = tpu.dynamic_gather %max3A_544[%gather3A_553] in [0] : vector<16xf32>, vector<16xi32> -> vector<16xf32>
    %max3A_555 = arith.maximumf %max3A_544, %gather3A_554 : vector<16xf32>
    %iota3A_556 = tpu.iota {dimensions = array<i32: 0>} : vector<16xi32>
    %add3A_557 = arith.constant 1 : i32
    %add3A_558 = vector.broadcast %add3A_557 : i32 to vector<16xi32>
    %add3A_559 = arith.addi %iota3A_556, %add3A_558 : vector<16xi32>
    %and3A_560 = arith.constant 15 : i32
    %and3A_561 = vector.broadcast %and3A_560 : i32 to vector<16xi32>
    %and3A_562 = arith.andi %add3A_559, %and3A_561 : vector<16xi32>
    %broadcast_in_dim3A_563 = vector.shape_cast %and3A_562 : vector<16xi32> to vector<16x1xi32>
    %gather3A_564 = vector.shape_cast %broadcast_in_dim3A_563 : vector<16x1xi32> to vector<16xi32>
    %gather3A_565 = tpu.dynamic_gather %max3A_555[%gather3A_564] in [0] : vector<16xf32>, vector<16xi32> -> vector<16xf32>
    %max3A_566 = arith.maximumf %max3A_555, %gather3A_565 : vector<16xf32>
    %eq3A_567 = arith.cmpf oeq, %select_n3A_492, %max3A_566 : vector<16xf32>
    %add3A_568 = arith.constant 0 : i32
    %add3A_569 = vector.broadcast %add3A_568 : i32 to vector<16xi32>
    %add3A_570 = arith.addi %iota3A, %add3A_569 : vector<16xi32>
    %jit3A_571 = arith.constant 64 : i32
    %broadcast_in_dim3A_572 = vector.broadcast %jit3A_571 : i32 to vector<16xi32>
    %select_n3A_573 = arith.select %eq3A_567, %add3A_570, %broadcast_in_dim3A_572 : vector<16xi1>, vector<16xi32>
    %eq3A_574 = arith.cmpf oeq, %select_n3A_501, %max3A_566 : vector<16xf32>
    %add3A_575 = arith.constant 16 : i32
    %add3A_576 = vector.broadcast %add3A_575 : i32 to vector<16xi32>
    %add3A_577 = arith.addi %iota3A, %add3A_576 : vector<16xi32>
    %jit3A_578 = arith.constant 64 : i32
    %broadcast_in_dim3A_579 = vector.broadcast %jit3A_578 : i32 to vector<16xi32>
    %select_n3A_580 = arith.select %eq3A_574, %add3A_577, %broadcast_in_dim3A_579 : vector<16xi1>, vector<16xi32>
    %eq3A_581 = arith.cmpf oeq, %select_n3A_510, %max3A_566 : vector<16xf32>
    %add3A_582 = arith.constant 32 : i32
    %add3A_583 = vector.broadcast %add3A_582 : i32 to vector<16xi32>
    %add3A_584 = arith.addi %iota3A, %add3A_583 : vector<16xi32>
    %jit3A_585 = arith.constant 64 : i32
    %broadcast_in_dim3A_586 = vector.broadcast %jit3A_585 : i32 to vector<16xi32>
    %select_n3A_587 = arith.select %eq3A_581, %add3A_584, %broadcast_in_dim3A_586 : vector<16xi1>, vector<16xi32>
    %eq3A_588 = arith.cmpf oeq, %select_n3A_519, %max3A_566 : vector<16xf32>
    %add3A_589 = arith.constant 48 : i32
    %add3A_590 = vector.broadcast %add3A_589 : i32 to vector<16xi32>
    %add3A_591 = arith.addi %iota3A, %add3A_590 : vector<16xi32>
    %jit3A_592 = arith.constant 64 : i32
    %broadcast_in_dim3A_593 = vector.broadcast %jit3A_592 : i32 to vector<16xi32>
    %select_n3A_594 = arith.select %eq3A_588, %add3A_591, %broadcast_in_dim3A_593 : vector<16xi1>, vector<16xi32>
    %min3A_595 = arith.minsi %select_n3A_573, %select_n3A_580 : vector<16xi32>
    %min3A_596 = arith.minsi %select_n3A_587, %select_n3A_594 : vector<16xi32>
    %min3A_597 = arith.minsi %min3A_595, %min3A_596 : vector<16xi32>
    %iota3A_598 = tpu.iota {dimensions = array<i32: 0>} : vector<16xi32>
    %add3A_599 = arith.constant 8 : i32
    %add3A_600 = vector.broadcast %add3A_599 : i32 to vector<16xi32>
    %add3A_601 = arith.addi %iota3A_598, %add3A_600 : vector<16xi32>
    %and3A_602 = arith.constant 15 : i32
    %and3A_603 = vector.broadcast %and3A_602 : i32 to vector<16xi32>
    %and3A_604 = arith.andi %add3A_601, %and3A_603 : vector<16xi32>
    %broadcast_in_dim3A_605 = vector.shape_cast %and3A_604 : vector<16xi32> to vector<16x1xi32>
    %gather3A_606 = vector.shape_cast %broadcast_in_dim3A_605 : vector<16x1xi32> to vector<16xi32>
    %gather3A_607 = tpu.dynamic_gather %min3A_597[%gather3A_606] in [0] : vector<16xi32>, vector<16xi32> -> vector<16xi32>
    %min3A_608 = arith.minsi %min3A_597, %gather3A_607 : vector<16xi32>
    %iota3A_609 = tpu.iota {dimensions = array<i32: 0>} : vector<16xi32>
    %add3A_610 = arith.constant 4 : i32
    %add3A_611 = vector.broadcast %add3A_610 : i32 to vector<16xi32>
    %add3A_612 = arith.addi %iota3A_609, %add3A_611 : vector<16xi32>
    %and3A_613 = arith.constant 15 : i32
    %and3A_614 = vector.broadcast %and3A_613 : i32 to vector<16xi32>
    %and3A_615 = arith.andi %add3A_612, %and3A_614 : vector<16xi32>
    %broadcast_in_dim3A_616 = vector.shape_cast %and3A_615 : vector<16xi32> to vector<16x1xi32>
    %gather3A_617 = vector.shape_cast %broadcast_in_dim3A_616 : vector<16x1xi32> to vector<16xi32>
    %gather3A_618 = tpu.dynamic_gather %min3A_608[%gather3A_617] in [0] : vector<16xi32>, vector<16xi32> -> vector<16xi32>
    %min3A_619 = arith.minsi %min3A_608, %gather3A_618 : vector<16xi32>
    %iota3A_620 = tpu.iota {dimensions = array<i32: 0>} : vector<16xi32>
    %add3A_621 = arith.constant 2 : i32
    %add3A_622 = vector.broadcast %add3A_621 : i32 to vector<16xi32>
    %add3A_623 = arith.addi %iota3A_620, %add3A_622 : vector<16xi32>
    %and3A_624 = arith.constant 15 : i32
    %and3A_625 = vector.broadcast %and3A_624 : i32 to vector<16xi32>
    %and3A_626 = arith.andi %add3A_623, %and3A_625 : vector<16xi32>
    %broadcast_in_dim3A_627 = vector.shape_cast %and3A_626 : vector<16xi32> to vector<16x1xi32>
    %gather3A_628 = vector.shape_cast %broadcast_in_dim3A_627 : vector<16x1xi32> to vector<16xi32>
    %gather3A_629 = tpu.dynamic_gather %min3A_619[%gather3A_628] in [0] : vector<16xi32>, vector<16xi32> -> vector<16xi32>
    %min3A_630 = arith.minsi %min3A_619, %gather3A_629 : vector<16xi32>
    %iota3A_631 = tpu.iota {dimensions = array<i32: 0>} : vector<16xi32>
    %add3A_632 = arith.constant 1 : i32
    %add3A_633 = vector.broadcast %add3A_632 : i32 to vector<16xi32>
    %add3A_634 = arith.addi %iota3A_631, %add3A_633 : vector<16xi32>
    %and3A_635 = arith.constant 15 : i32
    %and3A_636 = vector.broadcast %and3A_635 : i32 to vector<16xi32>
    %and3A_637 = arith.andi %add3A_634, %and3A_636 : vector<16xi32>
    %broadcast_in_dim3A_638 = vector.shape_cast %and3A_637 : vector<16xi32> to vector<16x1xi32>
    %gather3A_639 = vector.shape_cast %broadcast_in_dim3A_638 : vector<16x1xi32> to vector<16xi32>
    %gather3A_640 = tpu.dynamic_gather %min3A_630[%gather3A_639] in [0] : vector<16xi32>, vector<16xi32> -> vector<16xi32>
    %min3A_641 = arith.minsi %min3A_630, %gather3A_640 : vector<16xi32>
    %add3A_642 = arith.constant 0 : i32
    %add3A_643 = vector.broadcast %add3A_642 : i32 to vector<16xi32>
    %add3A_644 = arith.addi %iota3A, %add3A_643 : vector<16xi32>
    %eq3A_645 = arith.cmpi eq, %add3A_644, %min3A_641 : vector<16xi32>
    %add3A_646 = arith.addf %select_n3A_489, %get3A_26 : vector<16xf32>
    %select_n3A_647 = arith.select %eq3A_645, %add3A_646, %select_n3A_489 : vector<16xi1>, vector<16xf32>
    %broadcast_in_dim3A_648 = arith.constant 0xFF800000 : f32
    %broadcast_in_dim3A_649 = vector.broadcast %broadcast_in_dim3A_648 : f32 to vector<16xf32>
    %select_n3A_650 = arith.select %eq3A_645, %broadcast_in_dim3A_649, %select_n3A_492 : vector<16xi1>, vector<16xf32>
    %add3A_651 = arith.constant 16 : i32
    %add3A_652 = vector.broadcast %add3A_651 : i32 to vector<16xi32>
    %add3A_653 = arith.addi %iota3A, %add3A_652 : vector<16xi32>
    %eq3A_654 = arith.cmpi eq, %add3A_653, %min3A_641 : vector<16xi32>
    %add3A_655 = arith.addf %select_n3A_498, %get3A_31 : vector<16xf32>
    %select_n3A_656 = arith.select %eq3A_654, %add3A_655, %select_n3A_498 : vector<16xi1>, vector<16xf32>
    %broadcast_in_dim3A_657 = arith.constant 0xFF800000 : f32
    %broadcast_in_dim3A_658 = vector.broadcast %broadcast_in_dim3A_657 : f32 to vector<16xf32>
    %select_n3A_659 = arith.select %eq3A_654, %broadcast_in_dim3A_658, %select_n3A_501 : vector<16xi1>, vector<16xf32>
    %add3A_660 = arith.constant 32 : i32
    %add3A_661 = vector.broadcast %add3A_660 : i32 to vector<16xi32>
    %add3A_662 = arith.addi %iota3A, %add3A_661 : vector<16xi32>
    %eq3A_663 = arith.cmpi eq, %add3A_662, %min3A_641 : vector<16xi32>
    %add3A_664 = arith.addf %select_n3A_507, %get3A_36 : vector<16xf32>
    %select_n3A_665 = arith.select %eq3A_663, %add3A_664, %select_n3A_507 : vector<16xi1>, vector<16xf32>
    %broadcast_in_dim3A_666 = arith.constant 0xFF800000 : f32
    %broadcast_in_dim3A_667 = vector.broadcast %broadcast_in_dim3A_666 : f32 to vector<16xf32>
    %select_n3A_668 = arith.select %eq3A_663, %broadcast_in_dim3A_667, %select_n3A_510 : vector<16xi1>, vector<16xf32>
    %add3A_669 = arith.constant 48 : i32
    %add3A_670 = vector.broadcast %add3A_669 : i32 to vector<16xi32>
    %add3A_671 = arith.addi %iota3A, %add3A_670 : vector<16xi32>
    %eq3A_672 = arith.cmpi eq, %add3A_671, %min3A_641 : vector<16xi32>
    %add3A_673 = arith.addf %select_n3A_516, %get3A_41 : vector<16xf32>
    %select_n3A_674 = arith.select %eq3A_672, %add3A_673, %select_n3A_516 : vector<16xi1>, vector<16xf32>
    %broadcast_in_dim3A_675 = arith.constant 0xFF800000 : f32
    %broadcast_in_dim3A_676 = vector.broadcast %broadcast_in_dim3A_675 : f32 to vector<16xf32>
    %select_n3A_677 = arith.select %eq3A_672, %broadcast_in_dim3A_676, %select_n3A_519 : vector<16xi1>, vector<16xf32>
    %max3A_678 = arith.maximumf %select_n3A_650, %select_n3A_659 : vector<16xf32>
    %max3A_679 = arith.maximumf %select_n3A_668, %select_n3A_677 : vector<16xf32>
    %max3A_680 = arith.maximumf %max3A_678, %max3A_679 : vector<16xf32>
    %iota3A_681 = tpu.iota {dimensions = array<i32: 0>} : vector<16xi32>
    %add3A_682 = arith.constant 8 : i32
    %add3A_683 = vector.broadcast %add3A_682 : i32 to vector<16xi32>
    %add3A_684 = arith.addi %iota3A_681, %add3A_683 : vector<16xi32>
    %and3A_685 = arith.constant 15 : i32
    %and3A_686 = vector.broadcast %and3A_685 : i32 to vector<16xi32>
    %and3A_687 = arith.andi %add3A_684, %and3A_686 : vector<16xi32>
    %broadcast_in_dim3A_688 = vector.shape_cast %and3A_687 : vector<16xi32> to vector<16x1xi32>
    %gather3A_689 = vector.shape_cast %broadcast_in_dim3A_688 : vector<16x1xi32> to vector<16xi32>
    %gather3A_690 = tpu.dynamic_gather %max3A_680[%gather3A_689] in [0] : vector<16xf32>, vector<16xi32> -> vector<16xf32>
    %max3A_691 = arith.maximumf %max3A_680, %gather3A_690 : vector<16xf32>
    %iota3A_692 = tpu.iota {dimensions = array<i32: 0>} : vector<16xi32>
    %add3A_693 = arith.constant 4 : i32
    %add3A_694 = vector.broadcast %add3A_693 : i32 to vector<16xi32>
    %add3A_695 = arith.addi %iota3A_692, %add3A_694 : vector<16xi32>
    %and3A_696 = arith.constant 15 : i32
    %and3A_697 = vector.broadcast %and3A_696 : i32 to vector<16xi32>
    %and3A_698 = arith.andi %add3A_695, %and3A_697 : vector<16xi32>
    %broadcast_in_dim3A_699 = vector.shape_cast %and3A_698 : vector<16xi32> to vector<16x1xi32>
    %gather3A_700 = vector.shape_cast %broadcast_in_dim3A_699 : vector<16x1xi32> to vector<16xi32>
    %gather3A_701 = tpu.dynamic_gather %max3A_691[%gather3A_700] in [0] : vector<16xf32>, vector<16xi32> -> vector<16xf32>
    %max3A_702 = arith.maximumf %max3A_691, %gather3A_701 : vector<16xf32>
    %iota3A_703 = tpu.iota {dimensions = array<i32: 0>} : vector<16xi32>
    %add3A_704 = arith.constant 2 : i32
    %add3A_705 = vector.broadcast %add3A_704 : i32 to vector<16xi32>
    %add3A_706 = arith.addi %iota3A_703, %add3A_705 : vector<16xi32>
    %and3A_707 = arith.constant 15 : i32
    %and3A_708 = vector.broadcast %and3A_707 : i32 to vector<16xi32>
    %and3A_709 = arith.andi %add3A_706, %and3A_708 : vector<16xi32>
    %broadcast_in_dim3A_710 = vector.shape_cast %and3A_709 : vector<16xi32> to vector<16x1xi32>
    %gather3A_711 = vector.shape_cast %broadcast_in_dim3A_710 : vector<16x1xi32> to vector<16xi32>
    %gather3A_712 = tpu.dynamic_gather %max3A_702[%gather3A_711] in [0] : vector<16xf32>, vector<16xi32> -> vector<16xf32>
    %max3A_713 = arith.maximumf %max3A_702, %gather3A_712 : vector<16xf32>
    %iota3A_714 = tpu.iota {dimensions = array<i32: 0>} : vector<16xi32>
    %add3A_715 = arith.constant 1 : i32
    %add3A_716 = vector.broadcast %add3A_715 : i32 to vector<16xi32>
    %add3A_717 = arith.addi %iota3A_714, %add3A_716 : vector<16xi32>
    %and3A_718 = arith.constant 15 : i32
    %and3A_719 = vector.broadcast %and3A_718 : i32 to vector<16xi32>
    %and3A_720 = arith.andi %add3A_717, %and3A_719 : vector<16xi32>
    %broadcast_in_dim3A_721 = vector.shape_cast %and3A_720 : vector<16xi32> to vector<16x1xi32>
    %gather3A_722 = vector.shape_cast %broadcast_in_dim3A_721 : vector<16x1xi32> to vector<16xi32>
    %gather3A_723 = tpu.dynamic_gather %max3A_713[%gather3A_722] in [0] : vector<16xf32>, vector<16xi32> -> vector<16xf32>
    %max3A_724 = arith.maximumf %max3A_713, %gather3A_723 : vector<16xf32>
    %eq3A_725 = arith.cmpf oeq, %select_n3A_650, %max3A_724 : vector<16xf32>
    %add3A_726 = arith.constant 0 : i32
    %add3A_727 = vector.broadcast %add3A_726 : i32 to vector<16xi32>
    %add3A_728 = arith.addi %iota3A, %add3A_727 : vector<16xi32>
    %jit3A_729 = arith.constant 64 : i32
    %broadcast_in_dim3A_730 = vector.broadcast %jit3A_729 : i32 to vector<16xi32>
    %select_n3A_731 = arith.select %eq3A_725, %add3A_728, %broadcast_in_dim3A_730 : vector<16xi1>, vector<16xi32>
    %eq3A_732 = arith.cmpf oeq, %select_n3A_659, %max3A_724 : vector<16xf32>
    %add3A_733 = arith.constant 16 : i32
    %add3A_734 = vector.broadcast %add3A_733 : i32 to vector<16xi32>
    %add3A_735 = arith.addi %iota3A, %add3A_734 : vector<16xi32>
    %jit3A_736 = arith.constant 64 : i32
    %broadcast_in_dim3A_737 = vector.broadcast %jit3A_736 : i32 to vector<16xi32>
    %select_n3A_738 = arith.select %eq3A_732, %add3A_735, %broadcast_in_dim3A_737 : vector<16xi1>, vector<16xi32>
    %eq3A_739 = arith.cmpf oeq, %select_n3A_668, %max3A_724 : vector<16xf32>
    %add3A_740 = arith.constant 32 : i32
    %add3A_741 = vector.broadcast %add3A_740 : i32 to vector<16xi32>
    %add3A_742 = arith.addi %iota3A, %add3A_741 : vector<16xi32>
    %jit3A_743 = arith.constant 64 : i32
    %broadcast_in_dim3A_744 = vector.broadcast %jit3A_743 : i32 to vector<16xi32>
    %select_n3A_745 = arith.select %eq3A_739, %add3A_742, %broadcast_in_dim3A_744 : vector<16xi1>, vector<16xi32>
    %eq3A_746 = arith.cmpf oeq, %select_n3A_677, %max3A_724 : vector<16xf32>
    %add3A_747 = arith.constant 48 : i32
    %add3A_748 = vector.broadcast %add3A_747 : i32 to vector<16xi32>
    %add3A_749 = arith.addi %iota3A, %add3A_748 : vector<16xi32>
    %jit3A_750 = arith.constant 64 : i32
    %broadcast_in_dim3A_751 = vector.broadcast %jit3A_750 : i32 to vector<16xi32>
    %select_n3A_752 = arith.select %eq3A_746, %add3A_749, %broadcast_in_dim3A_751 : vector<16xi1>, vector<16xi32>
    %min3A_753 = arith.minsi %select_n3A_731, %select_n3A_738 : vector<16xi32>
    %min3A_754 = arith.minsi %select_n3A_745, %select_n3A_752 : vector<16xi32>
    %min3A_755 = arith.minsi %min3A_753, %min3A_754 : vector<16xi32>
    %iota3A_756 = tpu.iota {dimensions = array<i32: 0>} : vector<16xi32>
    %add3A_757 = arith.constant 8 : i32
    %add3A_758 = vector.broadcast %add3A_757 : i32 to vector<16xi32>
    %add3A_759 = arith.addi %iota3A_756, %add3A_758 : vector<16xi32>
    %and3A_760 = arith.constant 15 : i32
    %and3A_761 = vector.broadcast %and3A_760 : i32 to vector<16xi32>
    %and3A_762 = arith.andi %add3A_759, %and3A_761 : vector<16xi32>
    %broadcast_in_dim3A_763 = vector.shape_cast %and3A_762 : vector<16xi32> to vector<16x1xi32>
    %gather3A_764 = vector.shape_cast %broadcast_in_dim3A_763 : vector<16x1xi32> to vector<16xi32>
    %gather3A_765 = tpu.dynamic_gather %min3A_755[%gather3A_764] in [0] : vector<16xi32>, vector<16xi32> -> vector<16xi32>
    %min3A_766 = arith.minsi %min3A_755, %gather3A_765 : vector<16xi32>
    %iota3A_767 = tpu.iota {dimensions = array<i32: 0>} : vector<16xi32>
    %add3A_768 = arith.constant 4 : i32
    %add3A_769 = vector.broadcast %add3A_768 : i32 to vector<16xi32>
    %add3A_770 = arith.addi %iota3A_767, %add3A_769 : vector<16xi32>
    %and3A_771 = arith.constant 15 : i32
    %and3A_772 = vector.broadcast %and3A_771 : i32 to vector<16xi32>
    %and3A_773 = arith.andi %add3A_770, %and3A_772 : vector<16xi32>
    %broadcast_in_dim3A_774 = vector.shape_cast %and3A_773 : vector<16xi32> to vector<16x1xi32>
    %gather3A_775 = vector.shape_cast %broadcast_in_dim3A_774 : vector<16x1xi32> to vector<16xi32>
    %gather3A_776 = tpu.dynamic_gather %min3A_766[%gather3A_775] in [0] : vector<16xi32>, vector<16xi32> -> vector<16xi32>
    %min3A_777 = arith.minsi %min3A_766, %gather3A_776 : vector<16xi32>
    %iota3A_778 = tpu.iota {dimensions = array<i32: 0>} : vector<16xi32>
    %add3A_779 = arith.constant 2 : i32
    %add3A_780 = vector.broadcast %add3A_779 : i32 to vector<16xi32>
    %add3A_781 = arith.addi %iota3A_778, %add3A_780 : vector<16xi32>
    %and3A_782 = arith.constant 15 : i32
    %and3A_783 = vector.broadcast %and3A_782 : i32 to vector<16xi32>
    %and3A_784 = arith.andi %add3A_781, %and3A_783 : vector<16xi32>
    %broadcast_in_dim3A_785 = vector.shape_cast %and3A_784 : vector<16xi32> to vector<16x1xi32>
    %gather3A_786 = vector.shape_cast %broadcast_in_dim3A_785 : vector<16x1xi32> to vector<16xi32>
    %gather3A_787 = tpu.dynamic_gather %min3A_777[%gather3A_786] in [0] : vector<16xi32>, vector<16xi32> -> vector<16xi32>
    %min3A_788 = arith.minsi %min3A_777, %gather3A_787 : vector<16xi32>
    %iota3A_789 = tpu.iota {dimensions = array<i32: 0>} : vector<16xi32>
    %add3A_790 = arith.constant 1 : i32
    %add3A_791 = vector.broadcast %add3A_790 : i32 to vector<16xi32>
    %add3A_792 = arith.addi %iota3A_789, %add3A_791 : vector<16xi32>
    %and3A_793 = arith.constant 15 : i32
    %and3A_794 = vector.broadcast %and3A_793 : i32 to vector<16xi32>
    %and3A_795 = arith.andi %add3A_792, %and3A_794 : vector<16xi32>
    %broadcast_in_dim3A_796 = vector.shape_cast %and3A_795 : vector<16xi32> to vector<16x1xi32>
    %gather3A_797 = vector.shape_cast %broadcast_in_dim3A_796 : vector<16x1xi32> to vector<16xi32>
    %gather3A_798 = tpu.dynamic_gather %min3A_788[%gather3A_797] in [0] : vector<16xi32>, vector<16xi32> -> vector<16xi32>
    %min3A_799 = arith.minsi %min3A_788, %gather3A_798 : vector<16xi32>
    %add3A_800 = arith.constant 0 : i32
    %add3A_801 = vector.broadcast %add3A_800 : i32 to vector<16xi32>
    %add3A_802 = arith.addi %iota3A, %add3A_801 : vector<16xi32>
    %eq3A_803 = arith.cmpi eq, %add3A_802, %min3A_799 : vector<16xi32>
    %add3A_804 = arith.addf %select_n3A_647, %get3A_26 : vector<16xf32>
    %select_n3A_805 = arith.select %eq3A_803, %add3A_804, %select_n3A_647 : vector<16xi1>, vector<16xf32>
    %broadcast_in_dim3A_806 = arith.constant 0xFF800000 : f32
    %broadcast_in_dim3A_807 = vector.broadcast %broadcast_in_dim3A_806 : f32 to vector<16xf32>
    %select_n3A_808 = arith.select %eq3A_803, %broadcast_in_dim3A_807, %select_n3A_650 : vector<16xi1>, vector<16xf32>
    %add3A_809 = arith.constant 16 : i32
    %add3A_810 = vector.broadcast %add3A_809 : i32 to vector<16xi32>
    %add3A_811 = arith.addi %iota3A, %add3A_810 : vector<16xi32>
    %eq3A_812 = arith.cmpi eq, %add3A_811, %min3A_799 : vector<16xi32>
    %add3A_813 = arith.addf %select_n3A_656, %get3A_31 : vector<16xf32>
    %select_n3A_814 = arith.select %eq3A_812, %add3A_813, %select_n3A_656 : vector<16xi1>, vector<16xf32>
    %broadcast_in_dim3A_815 = arith.constant 0xFF800000 : f32
    %broadcast_in_dim3A_816 = vector.broadcast %broadcast_in_dim3A_815 : f32 to vector<16xf32>
    %select_n3A_817 = arith.select %eq3A_812, %broadcast_in_dim3A_816, %select_n3A_659 : vector<16xi1>, vector<16xf32>
    %add3A_818 = arith.constant 32 : i32
    %add3A_819 = vector.broadcast %add3A_818 : i32 to vector<16xi32>
    %add3A_820 = arith.addi %iota3A, %add3A_819 : vector<16xi32>
    %eq3A_821 = arith.cmpi eq, %add3A_820, %min3A_799 : vector<16xi32>
    %add3A_822 = arith.addf %select_n3A_665, %get3A_36 : vector<16xf32>
    %select_n3A_823 = arith.select %eq3A_821, %add3A_822, %select_n3A_665 : vector<16xi1>, vector<16xf32>
    %broadcast_in_dim3A_824 = arith.constant 0xFF800000 : f32
    %broadcast_in_dim3A_825 = vector.broadcast %broadcast_in_dim3A_824 : f32 to vector<16xf32>
    %select_n3A_826 = arith.select %eq3A_821, %broadcast_in_dim3A_825, %select_n3A_668 : vector<16xi1>, vector<16xf32>
    %add3A_827 = arith.constant 48 : i32
    %add3A_828 = vector.broadcast %add3A_827 : i32 to vector<16xi32>
    %add3A_829 = arith.addi %iota3A, %add3A_828 : vector<16xi32>
    %eq3A_830 = arith.cmpi eq, %add3A_829, %min3A_799 : vector<16xi32>
    %add3A_831 = arith.addf %select_n3A_674, %get3A_41 : vector<16xf32>
    %select_n3A_832 = arith.select %eq3A_830, %add3A_831, %select_n3A_674 : vector<16xi1>, vector<16xf32>
    %broadcast_in_dim3A_833 = arith.constant 0xFF800000 : f32
    %broadcast_in_dim3A_834 = vector.broadcast %broadcast_in_dim3A_833 : f32 to vector<16xf32>
    %select_n3A_835 = arith.select %eq3A_830, %broadcast_in_dim3A_834, %select_n3A_677 : vector<16xi1>, vector<16xf32>
    %max3A_836 = arith.maximumf %select_n3A_808, %select_n3A_817 : vector<16xf32>
    %max3A_837 = arith.maximumf %select_n3A_826, %select_n3A_835 : vector<16xf32>
    %max3A_838 = arith.maximumf %max3A_836, %max3A_837 : vector<16xf32>
    %iota3A_839 = tpu.iota {dimensions = array<i32: 0>} : vector<16xi32>
    %add3A_840 = arith.constant 8 : i32
    %add3A_841 = vector.broadcast %add3A_840 : i32 to vector<16xi32>
    %add3A_842 = arith.addi %iota3A_839, %add3A_841 : vector<16xi32>
    %and3A_843 = arith.constant 15 : i32
    %and3A_844 = vector.broadcast %and3A_843 : i32 to vector<16xi32>
    %and3A_845 = arith.andi %add3A_842, %and3A_844 : vector<16xi32>
    %broadcast_in_dim3A_846 = vector.shape_cast %and3A_845 : vector<16xi32> to vector<16x1xi32>
    %gather3A_847 = vector.shape_cast %broadcast_in_dim3A_846 : vector<16x1xi32> to vector<16xi32>
    %gather3A_848 = tpu.dynamic_gather %max3A_838[%gather3A_847] in [0] : vector<16xf32>, vector<16xi32> -> vector<16xf32>
    %max3A_849 = arith.maximumf %max3A_838, %gather3A_848 : vector<16xf32>
    %iota3A_850 = tpu.iota {dimensions = array<i32: 0>} : vector<16xi32>
    %add3A_851 = arith.constant 4 : i32
    %add3A_852 = vector.broadcast %add3A_851 : i32 to vector<16xi32>
    %add3A_853 = arith.addi %iota3A_850, %add3A_852 : vector<16xi32>
    %and3A_854 = arith.constant 15 : i32
    %and3A_855 = vector.broadcast %and3A_854 : i32 to vector<16xi32>
    %and3A_856 = arith.andi %add3A_853, %and3A_855 : vector<16xi32>
    %broadcast_in_dim3A_857 = vector.shape_cast %and3A_856 : vector<16xi32> to vector<16x1xi32>
    %gather3A_858 = vector.shape_cast %broadcast_in_dim3A_857 : vector<16x1xi32> to vector<16xi32>
    %gather3A_859 = tpu.dynamic_gather %max3A_849[%gather3A_858] in [0] : vector<16xf32>, vector<16xi32> -> vector<16xf32>
    %max3A_860 = arith.maximumf %max3A_849, %gather3A_859 : vector<16xf32>
    %iota3A_861 = tpu.iota {dimensions = array<i32: 0>} : vector<16xi32>
    %add3A_862 = arith.constant 2 : i32
    %add3A_863 = vector.broadcast %add3A_862 : i32 to vector<16xi32>
    %add3A_864 = arith.addi %iota3A_861, %add3A_863 : vector<16xi32>
    %and3A_865 = arith.constant 15 : i32
    %and3A_866 = vector.broadcast %and3A_865 : i32 to vector<16xi32>
    %and3A_867 = arith.andi %add3A_864, %and3A_866 : vector<16xi32>
    %broadcast_in_dim3A_868 = vector.shape_cast %and3A_867 : vector<16xi32> to vector<16x1xi32>
    %gather3A_869 = vector.shape_cast %broadcast_in_dim3A_868 : vector<16x1xi32> to vector<16xi32>
    %gather3A_870 = tpu.dynamic_gather %max3A_860[%gather3A_869] in [0] : vector<16xf32>, vector<16xi32> -> vector<16xf32>
    %max3A_871 = arith.maximumf %max3A_860, %gather3A_870 : vector<16xf32>
    %iota3A_872 = tpu.iota {dimensions = array<i32: 0>} : vector<16xi32>
    %add3A_873 = arith.constant 1 : i32
    %add3A_874 = vector.broadcast %add3A_873 : i32 to vector<16xi32>
    %add3A_875 = arith.addi %iota3A_872, %add3A_874 : vector<16xi32>
    %and3A_876 = arith.constant 15 : i32
    %and3A_877 = vector.broadcast %and3A_876 : i32 to vector<16xi32>
    %and3A_878 = arith.andi %add3A_875, %and3A_877 : vector<16xi32>
    %broadcast_in_dim3A_879 = vector.shape_cast %and3A_878 : vector<16xi32> to vector<16x1xi32>
    %gather3A_880 = vector.shape_cast %broadcast_in_dim3A_879 : vector<16x1xi32> to vector<16xi32>
    %gather3A_881 = tpu.dynamic_gather %max3A_871[%gather3A_880] in [0] : vector<16xf32>, vector<16xi32> -> vector<16xf32>
    %max3A_882 = arith.maximumf %max3A_871, %gather3A_881 : vector<16xf32>
    %eq3A_883 = arith.cmpf oeq, %select_n3A_808, %max3A_882 : vector<16xf32>
    %add3A_884 = arith.constant 0 : i32
    %add3A_885 = vector.broadcast %add3A_884 : i32 to vector<16xi32>
    %add3A_886 = arith.addi %iota3A, %add3A_885 : vector<16xi32>
    %jit3A_887 = arith.constant 64 : i32
    %broadcast_in_dim3A_888 = vector.broadcast %jit3A_887 : i32 to vector<16xi32>
    %select_n3A_889 = arith.select %eq3A_883, %add3A_886, %broadcast_in_dim3A_888 : vector<16xi1>, vector<16xi32>
    %eq3A_890 = arith.cmpf oeq, %select_n3A_817, %max3A_882 : vector<16xf32>
    %add3A_891 = arith.constant 16 : i32
    %add3A_892 = vector.broadcast %add3A_891 : i32 to vector<16xi32>
    %add3A_893 = arith.addi %iota3A, %add3A_892 : vector<16xi32>
    %jit3A_894 = arith.constant 64 : i32
    %broadcast_in_dim3A_895 = vector.broadcast %jit3A_894 : i32 to vector<16xi32>
    %select_n3A_896 = arith.select %eq3A_890, %add3A_893, %broadcast_in_dim3A_895 : vector<16xi1>, vector<16xi32>
    %eq3A_897 = arith.cmpf oeq, %select_n3A_826, %max3A_882 : vector<16xf32>
    %add3A_898 = arith.constant 32 : i32
    %add3A_899 = vector.broadcast %add3A_898 : i32 to vector<16xi32>
    %add3A_900 = arith.addi %iota3A, %add3A_899 : vector<16xi32>
    %jit3A_901 = arith.constant 64 : i32
    %broadcast_in_dim3A_902 = vector.broadcast %jit3A_901 : i32 to vector<16xi32>
    %select_n3A_903 = arith.select %eq3A_897, %add3A_900, %broadcast_in_dim3A_902 : vector<16xi1>, vector<16xi32>
    %eq3A_904 = arith.cmpf oeq, %select_n3A_835, %max3A_882 : vector<16xf32>
    %add3A_905 = arith.constant 48 : i32
    %add3A_906 = vector.broadcast %add3A_905 : i32 to vector<16xi32>
    %add3A_907 = arith.addi %iota3A, %add3A_906 : vector<16xi32>
    %jit3A_908 = arith.constant 64 : i32
    %broadcast_in_dim3A_909 = vector.broadcast %jit3A_908 : i32 to vector<16xi32>
    %select_n3A_910 = arith.select %eq3A_904, %add3A_907, %broadcast_in_dim3A_909 : vector<16xi1>, vector<16xi32>
    %min3A_911 = arith.minsi %select_n3A_889, %select_n3A_896 : vector<16xi32>
    %min3A_912 = arith.minsi %select_n3A_903, %select_n3A_910 : vector<16xi32>
    %min3A_913 = arith.minsi %min3A_911, %min3A_912 : vector<16xi32>
    %iota3A_914 = tpu.iota {dimensions = array<i32: 0>} : vector<16xi32>
    %add3A_915 = arith.constant 8 : i32
    %add3A_916 = vector.broadcast %add3A_915 : i32 to vector<16xi32>
    %add3A_917 = arith.addi %iota3A_914, %add3A_916 : vector<16xi32>
    %and3A_918 = arith.constant 15 : i32
    %and3A_919 = vector.broadcast %and3A_918 : i32 to vector<16xi32>
    %and3A_920 = arith.andi %add3A_917, %and3A_919 : vector<16xi32>
    %broadcast_in_dim3A_921 = vector.shape_cast %and3A_920 : vector<16xi32> to vector<16x1xi32>
    %gather3A_922 = vector.shape_cast %broadcast_in_dim3A_921 : vector<16x1xi32> to vector<16xi32>
    %gather3A_923 = tpu.dynamic_gather %min3A_913[%gather3A_922] in [0] : vector<16xi32>, vector<16xi32> -> vector<16xi32>
    %min3A_924 = arith.minsi %min3A_913, %gather3A_923 : vector<16xi32>
    %iota3A_925 = tpu.iota {dimensions = array<i32: 0>} : vector<16xi32>
    %add3A_926 = arith.constant 4 : i32
    %add3A_927 = vector.broadcast %add3A_926 : i32 to vector<16xi32>
    %add3A_928 = arith.addi %iota3A_925, %add3A_927 : vector<16xi32>
    %and3A_929 = arith.constant 15 : i32
    %and3A_930 = vector.broadcast %and3A_929 : i32 to vector<16xi32>
    %and3A_931 = arith.andi %add3A_928, %and3A_930 : vector<16xi32>
    %broadcast_in_dim3A_932 = vector.shape_cast %and3A_931 : vector<16xi32> to vector<16x1xi32>
    %gather3A_933 = vector.shape_cast %broadcast_in_dim3A_932 : vector<16x1xi32> to vector<16xi32>
    %gather3A_934 = tpu.dynamic_gather %min3A_924[%gather3A_933] in [0] : vector<16xi32>, vector<16xi32> -> vector<16xi32>
    %min3A_935 = arith.minsi %min3A_924, %gather3A_934 : vector<16xi32>
    %iota3A_936 = tpu.iota {dimensions = array<i32: 0>} : vector<16xi32>
    %add3A_937 = arith.constant 2 : i32
    %add3A_938 = vector.broadcast %add3A_937 : i32 to vector<16xi32>
    %add3A_939 = arith.addi %iota3A_936, %add3A_938 : vector<16xi32>
    %and3A_940 = arith.constant 15 : i32
    %and3A_941 = vector.broadcast %and3A_940 : i32 to vector<16xi32>
    %and3A_942 = arith.andi %add3A_939, %and3A_941 : vector<16xi32>
    %broadcast_in_dim3A_943 = vector.shape_cast %and3A_942 : vector<16xi32> to vector<16x1xi32>
    %gather3A_944 = vector.shape_cast %broadcast_in_dim3A_943 : vector<16x1xi32> to vector<16xi32>
    %gather3A_945 = tpu.dynamic_gather %min3A_935[%gather3A_944] in [0] : vector<16xi32>, vector<16xi32> -> vector<16xi32>
    %min3A_946 = arith.minsi %min3A_935, %gather3A_945 : vector<16xi32>
    %iota3A_947 = tpu.iota {dimensions = array<i32: 0>} : vector<16xi32>
    %add3A_948 = arith.constant 1 : i32
    %add3A_949 = vector.broadcast %add3A_948 : i32 to vector<16xi32>
    %add3A_950 = arith.addi %iota3A_947, %add3A_949 : vector<16xi32>
    %and3A_951 = arith.constant 15 : i32
    %and3A_952 = vector.broadcast %and3A_951 : i32 to vector<16xi32>
    %and3A_953 = arith.andi %add3A_950, %and3A_952 : vector<16xi32>
    %broadcast_in_dim3A_954 = vector.shape_cast %and3A_953 : vector<16xi32> to vector<16x1xi32>
    %gather3A_955 = vector.shape_cast %broadcast_in_dim3A_954 : vector<16x1xi32> to vector<16xi32>
    %gather3A_956 = tpu.dynamic_gather %min3A_946[%gather3A_955] in [0] : vector<16xi32>, vector<16xi32> -> vector<16xi32>
    %min3A_957 = arith.minsi %min3A_946, %gather3A_956 : vector<16xi32>
    %add3A_958 = arith.constant 0 : i32
    %add3A_959 = vector.broadcast %add3A_958 : i32 to vector<16xi32>
    %add3A_960 = arith.addi %iota3A, %add3A_959 : vector<16xi32>
    %eq3A_961 = arith.cmpi eq, %add3A_960, %min3A_957 : vector<16xi32>
    %add3A_962 = arith.addf %select_n3A_805, %get3A_26 : vector<16xf32>
    %select_n3A_963 = arith.select %eq3A_961, %add3A_962, %select_n3A_805 : vector<16xi1>, vector<16xf32>
    %broadcast_in_dim3A_964 = arith.constant 0xFF800000 : f32
    %broadcast_in_dim3A_965 = vector.broadcast %broadcast_in_dim3A_964 : f32 to vector<16xf32>
    %select_n3A_966 = arith.select %eq3A_961, %broadcast_in_dim3A_965, %select_n3A_808 : vector<16xi1>, vector<16xf32>
    %add3A_967 = arith.constant 16 : i32
    %add3A_968 = vector.broadcast %add3A_967 : i32 to vector<16xi32>
    %add3A_969 = arith.addi %iota3A, %add3A_968 : vector<16xi32>
    %eq3A_970 = arith.cmpi eq, %add3A_969, %min3A_957 : vector<16xi32>
    %add3A_971 = arith.addf %select_n3A_814, %get3A_31 : vector<16xf32>
    %select_n3A_972 = arith.select %eq3A_970, %add3A_971, %select_n3A_814 : vector<16xi1>, vector<16xf32>
    %broadcast_in_dim3A_973 = arith.constant 0xFF800000 : f32
    %broadcast_in_dim3A_974 = vector.broadcast %broadcast_in_dim3A_973 : f32 to vector<16xf32>
    %select_n3A_975 = arith.select %eq3A_970, %broadcast_in_dim3A_974, %select_n3A_817 : vector<16xi1>, vector<16xf32>
    %add3A_976 = arith.constant 32 : i32
    %add3A_977 = vector.broadcast %add3A_976 : i32 to vector<16xi32>
    %add3A_978 = arith.addi %iota3A, %add3A_977 : vector<16xi32>
    %eq3A_979 = arith.cmpi eq, %add3A_978, %min3A_957 : vector<16xi32>
    %add3A_980 = arith.addf %select_n3A_823, %get3A_36 : vector<16xf32>
    %select_n3A_981 = arith.select %eq3A_979, %add3A_980, %select_n3A_823 : vector<16xi1>, vector<16xf32>
    %broadcast_in_dim3A_982 = arith.constant 0xFF800000 : f32
    %broadcast_in_dim3A_983 = vector.broadcast %broadcast_in_dim3A_982 : f32 to vector<16xf32>
    %select_n3A_984 = arith.select %eq3A_979, %broadcast_in_dim3A_983, %select_n3A_826 : vector<16xi1>, vector<16xf32>
    %add3A_985 = arith.constant 48 : i32
    %add3A_986 = vector.broadcast %add3A_985 : i32 to vector<16xi32>
    %add3A_987 = arith.addi %iota3A, %add3A_986 : vector<16xi32>
    %eq3A_988 = arith.cmpi eq, %add3A_987, %min3A_957 : vector<16xi32>
    %add3A_989 = arith.addf %select_n3A_832, %get3A_41 : vector<16xf32>
    %select_n3A_990 = arith.select %eq3A_988, %add3A_989, %select_n3A_832 : vector<16xi1>, vector<16xf32>
    %broadcast_in_dim3A_991 = arith.constant 0xFF800000 : f32
    %broadcast_in_dim3A_992 = vector.broadcast %broadcast_in_dim3A_991 : f32 to vector<16xf32>
    %select_n3A_993 = arith.select %eq3A_988, %broadcast_in_dim3A_992, %select_n3A_835 : vector<16xi1>, vector<16xf32>
    %max3A_994 = arith.maximumf %select_n3A_966, %select_n3A_975 : vector<16xf32>
    %max3A_995 = arith.maximumf %select_n3A_984, %select_n3A_993 : vector<16xf32>
    %max3A_996 = arith.maximumf %max3A_994, %max3A_995 : vector<16xf32>
    %iota3A_997 = tpu.iota {dimensions = array<i32: 0>} : vector<16xi32>
    %add3A_998 = arith.constant 8 : i32
    %add3A_999 = vector.broadcast %add3A_998 : i32 to vector<16xi32>
    %add3A_1000 = arith.addi %iota3A_997, %add3A_999 : vector<16xi32>
    %and3A_1001 = arith.constant 15 : i32
    %and3A_1002 = vector.broadcast %and3A_1001 : i32 to vector<16xi32>
    %and3A_1003 = arith.andi %add3A_1000, %and3A_1002 : vector<16xi32>
    %broadcast_in_dim3A_1004 = vector.shape_cast %and3A_1003 : vector<16xi32> to vector<16x1xi32>
    %gather3A_1005 = vector.shape_cast %broadcast_in_dim3A_1004 : vector<16x1xi32> to vector<16xi32>
    %gather3A_1006 = tpu.dynamic_gather %max3A_996[%gather3A_1005] in [0] : vector<16xf32>, vector<16xi32> -> vector<16xf32>
    %max3A_1007 = arith.maximumf %max3A_996, %gather3A_1006 : vector<16xf32>
    %iota3A_1008 = tpu.iota {dimensions = array<i32: 0>} : vector<16xi32>
    %add3A_1009 = arith.constant 4 : i32
    %add3A_1010 = vector.broadcast %add3A_1009 : i32 to vector<16xi32>
    %add3A_1011 = arith.addi %iota3A_1008, %add3A_1010 : vector<16xi32>
    %and3A_1012 = arith.constant 15 : i32
    %and3A_1013 = vector.broadcast %and3A_1012 : i32 to vector<16xi32>
    %and3A_1014 = arith.andi %add3A_1011, %and3A_1013 : vector<16xi32>
    %broadcast_in_dim3A_1015 = vector.shape_cast %and3A_1014 : vector<16xi32> to vector<16x1xi32>
    %gather3A_1016 = vector.shape_cast %broadcast_in_dim3A_1015 : vector<16x1xi32> to vector<16xi32>
    %gather3A_1017 = tpu.dynamic_gather %max3A_1007[%gather3A_1016] in [0] : vector<16xf32>, vector<16xi32> -> vector<16xf32>
    %max3A_1018 = arith.maximumf %max3A_1007, %gather3A_1017 : vector<16xf32>
    %iota3A_1019 = tpu.iota {dimensions = array<i32: 0>} : vector<16xi32>
    %add3A_1020 = arith.constant 2 : i32
    %add3A_1021 = vector.broadcast %add3A_1020 : i32 to vector<16xi32>
    %add3A_1022 = arith.addi %iota3A_1019, %add3A_1021 : vector<16xi32>
    %and3A_1023 = arith.constant 15 : i32
    %and3A_1024 = vector.broadcast %and3A_1023 : i32 to vector<16xi32>
    %and3A_1025 = arith.andi %add3A_1022, %and3A_1024 : vector<16xi32>
    %broadcast_in_dim3A_1026 = vector.shape_cast %and3A_1025 : vector<16xi32> to vector<16x1xi32>
    %gather3A_1027 = vector.shape_cast %broadcast_in_dim3A_1026 : vector<16x1xi32> to vector<16xi32>
    %gather3A_1028 = tpu.dynamic_gather %max3A_1018[%gather3A_1027] in [0] : vector<16xf32>, vector<16xi32> -> vector<16xf32>
    %max3A_1029 = arith.maximumf %max3A_1018, %gather3A_1028 : vector<16xf32>
    %iota3A_1030 = tpu.iota {dimensions = array<i32: 0>} : vector<16xi32>
    %add3A_1031 = arith.constant 1 : i32
    %add3A_1032 = vector.broadcast %add3A_1031 : i32 to vector<16xi32>
    %add3A_1033 = arith.addi %iota3A_1030, %add3A_1032 : vector<16xi32>
    %and3A_1034 = arith.constant 15 : i32
    %and3A_1035 = vector.broadcast %and3A_1034 : i32 to vector<16xi32>
    %and3A_1036 = arith.andi %add3A_1033, %and3A_1035 : vector<16xi32>
    %broadcast_in_dim3A_1037 = vector.shape_cast %and3A_1036 : vector<16xi32> to vector<16x1xi32>
    %gather3A_1038 = vector.shape_cast %broadcast_in_dim3A_1037 : vector<16x1xi32> to vector<16xi32>
    %gather3A_1039 = tpu.dynamic_gather %max3A_1029[%gather3A_1038] in [0] : vector<16xf32>, vector<16xi32> -> vector<16xf32>
    %max3A_1040 = arith.maximumf %max3A_1029, %gather3A_1039 : vector<16xf32>
    %eq3A_1041 = arith.cmpf oeq, %select_n3A_966, %max3A_1040 : vector<16xf32>
    %add3A_1042 = arith.constant 0 : i32
    %add3A_1043 = vector.broadcast %add3A_1042 : i32 to vector<16xi32>
    %add3A_1044 = arith.addi %iota3A, %add3A_1043 : vector<16xi32>
    %jit3A_1045 = arith.constant 64 : i32
    %broadcast_in_dim3A_1046 = vector.broadcast %jit3A_1045 : i32 to vector<16xi32>
    %select_n3A_1047 = arith.select %eq3A_1041, %add3A_1044, %broadcast_in_dim3A_1046 : vector<16xi1>, vector<16xi32>
    %eq3A_1048 = arith.cmpf oeq, %select_n3A_975, %max3A_1040 : vector<16xf32>
    %add3A_1049 = arith.constant 16 : i32
    %add3A_1050 = vector.broadcast %add3A_1049 : i32 to vector<16xi32>
    %add3A_1051 = arith.addi %iota3A, %add3A_1050 : vector<16xi32>
    %jit3A_1052 = arith.constant 64 : i32
    %broadcast_in_dim3A_1053 = vector.broadcast %jit3A_1052 : i32 to vector<16xi32>
    %select_n3A_1054 = arith.select %eq3A_1048, %add3A_1051, %broadcast_in_dim3A_1053 : vector<16xi1>, vector<16xi32>
    %eq3A_1055 = arith.cmpf oeq, %select_n3A_984, %max3A_1040 : vector<16xf32>
    %add3A_1056 = arith.constant 32 : i32
    %add3A_1057 = vector.broadcast %add3A_1056 : i32 to vector<16xi32>
    %add3A_1058 = arith.addi %iota3A, %add3A_1057 : vector<16xi32>
    %jit3A_1059 = arith.constant 64 : i32
    %broadcast_in_dim3A_1060 = vector.broadcast %jit3A_1059 : i32 to vector<16xi32>
    %select_n3A_1061 = arith.select %eq3A_1055, %add3A_1058, %broadcast_in_dim3A_1060 : vector<16xi1>, vector<16xi32>
    %eq3A_1062 = arith.cmpf oeq, %select_n3A_993, %max3A_1040 : vector<16xf32>
    %add3A_1063 = arith.constant 48 : i32
    %add3A_1064 = vector.broadcast %add3A_1063 : i32 to vector<16xi32>
    %add3A_1065 = arith.addi %iota3A, %add3A_1064 : vector<16xi32>
    %jit3A_1066 = arith.constant 64 : i32
    %broadcast_in_dim3A_1067 = vector.broadcast %jit3A_1066 : i32 to vector<16xi32>
    %select_n3A_1068 = arith.select %eq3A_1062, %add3A_1065, %broadcast_in_dim3A_1067 : vector<16xi1>, vector<16xi32>
    %min3A_1069 = arith.minsi %select_n3A_1047, %select_n3A_1054 : vector<16xi32>
    %min3A_1070 = arith.minsi %select_n3A_1061, %select_n3A_1068 : vector<16xi32>
    %min3A_1071 = arith.minsi %min3A_1069, %min3A_1070 : vector<16xi32>
    %iota3A_1072 = tpu.iota {dimensions = array<i32: 0>} : vector<16xi32>
    %add3A_1073 = arith.constant 8 : i32
    %add3A_1074 = vector.broadcast %add3A_1073 : i32 to vector<16xi32>
    %add3A_1075 = arith.addi %iota3A_1072, %add3A_1074 : vector<16xi32>
    %and3A_1076 = arith.constant 15 : i32
    %and3A_1077 = vector.broadcast %and3A_1076 : i32 to vector<16xi32>
    %and3A_1078 = arith.andi %add3A_1075, %and3A_1077 : vector<16xi32>
    %broadcast_in_dim3A_1079 = vector.shape_cast %and3A_1078 : vector<16xi32> to vector<16x1xi32>
    %gather3A_1080 = vector.shape_cast %broadcast_in_dim3A_1079 : vector<16x1xi32> to vector<16xi32>
    %gather3A_1081 = tpu.dynamic_gather %min3A_1071[%gather3A_1080] in [0] : vector<16xi32>, vector<16xi32> -> vector<16xi32>
    %min3A_1082 = arith.minsi %min3A_1071, %gather3A_1081 : vector<16xi32>
    %iota3A_1083 = tpu.iota {dimensions = array<i32: 0>} : vector<16xi32>
    %add3A_1084 = arith.constant 4 : i32
    %add3A_1085 = vector.broadcast %add3A_1084 : i32 to vector<16xi32>
    %add3A_1086 = arith.addi %iota3A_1083, %add3A_1085 : vector<16xi32>
    %and3A_1087 = arith.constant 15 : i32
    %and3A_1088 = vector.broadcast %and3A_1087 : i32 to vector<16xi32>
    %and3A_1089 = arith.andi %add3A_1086, %and3A_1088 : vector<16xi32>
    %broadcast_in_dim3A_1090 = vector.shape_cast %and3A_1089 : vector<16xi32> to vector<16x1xi32>
    %gather3A_1091 = vector.shape_cast %broadcast_in_dim3A_1090 : vector<16x1xi32> to vector<16xi32>
    %gather3A_1092 = tpu.dynamic_gather %min3A_1082[%gather3A_1091] in [0] : vector<16xi32>, vector<16xi32> -> vector<16xi32>
    %min3A_1093 = arith.minsi %min3A_1082, %gather3A_1092 : vector<16xi32>
    %iota3A_1094 = tpu.iota {dimensions = array<i32: 0>} : vector<16xi32>
    %add3A_1095 = arith.constant 2 : i32
    %add3A_1096 = vector.broadcast %add3A_1095 : i32 to vector<16xi32>
    %add3A_1097 = arith.addi %iota3A_1094, %add3A_1096 : vector<16xi32>
    %and3A_1098 = arith.constant 15 : i32
    %and3A_1099 = vector.broadcast %and3A_1098 : i32 to vector<16xi32>
    %and3A_1100 = arith.andi %add3A_1097, %and3A_1099 : vector<16xi32>
    %broadcast_in_dim3A_1101 = vector.shape_cast %and3A_1100 : vector<16xi32> to vector<16x1xi32>
    %gather3A_1102 = vector.shape_cast %broadcast_in_dim3A_1101 : vector<16x1xi32> to vector<16xi32>
    %gather3A_1103 = tpu.dynamic_gather %min3A_1093[%gather3A_1102] in [0] : vector<16xi32>, vector<16xi32> -> vector<16xi32>
    %min3A_1104 = arith.minsi %min3A_1093, %gather3A_1103 : vector<16xi32>
    %iota3A_1105 = tpu.iota {dimensions = array<i32: 0>} : vector<16xi32>
    %add3A_1106 = arith.constant 1 : i32
    %add3A_1107 = vector.broadcast %add3A_1106 : i32 to vector<16xi32>
    %add3A_1108 = arith.addi %iota3A_1105, %add3A_1107 : vector<16xi32>
    %and3A_1109 = arith.constant 15 : i32
    %and3A_1110 = vector.broadcast %and3A_1109 : i32 to vector<16xi32>
    %and3A_1111 = arith.andi %add3A_1108, %and3A_1110 : vector<16xi32>
    %broadcast_in_dim3A_1112 = vector.shape_cast %and3A_1111 : vector<16xi32> to vector<16x1xi32>
    %gather3A_1113 = vector.shape_cast %broadcast_in_dim3A_1112 : vector<16x1xi32> to vector<16xi32>
    %gather3A_1114 = tpu.dynamic_gather %min3A_1104[%gather3A_1113] in [0] : vector<16xi32>, vector<16xi32> -> vector<16xi32>
    %min3A_1115 = arith.minsi %min3A_1104, %gather3A_1114 : vector<16xi32>
    %add3A_1116 = arith.constant 0 : i32
    %add3A_1117 = vector.broadcast %add3A_1116 : i32 to vector<16xi32>
    %add3A_1118 = arith.addi %iota3A, %add3A_1117 : vector<16xi32>
    %eq3A_1119 = arith.cmpi eq, %add3A_1118, %min3A_1115 : vector<16xi32>
    %add3A_1120 = arith.addf %select_n3A_963, %get3A_26 : vector<16xf32>
    %select_n3A_1121 = arith.select %eq3A_1119, %add3A_1120, %select_n3A_963 : vector<16xi1>, vector<16xf32>
    %broadcast_in_dim3A_1122 = arith.constant 0xFF800000 : f32
    %broadcast_in_dim3A_1123 = vector.broadcast %broadcast_in_dim3A_1122 : f32 to vector<16xf32>
    %select_n3A_1124 = arith.select %eq3A_1119, %broadcast_in_dim3A_1123, %select_n3A_966 : vector<16xi1>, vector<16xf32>
    %add3A_1125 = arith.constant 16 : i32
    %add3A_1126 = vector.broadcast %add3A_1125 : i32 to vector<16xi32>
    %add3A_1127 = arith.addi %iota3A, %add3A_1126 : vector<16xi32>
    %eq3A_1128 = arith.cmpi eq, %add3A_1127, %min3A_1115 : vector<16xi32>
    %add3A_1129 = arith.addf %select_n3A_972, %get3A_31 : vector<16xf32>
    %select_n3A_1130 = arith.select %eq3A_1128, %add3A_1129, %select_n3A_972 : vector<16xi1>, vector<16xf32>
    %broadcast_in_dim3A_1131 = arith.constant 0xFF800000 : f32
    %broadcast_in_dim3A_1132 = vector.broadcast %broadcast_in_dim3A_1131 : f32 to vector<16xf32>
    %select_n3A_1133 = arith.select %eq3A_1128, %broadcast_in_dim3A_1132, %select_n3A_975 : vector<16xi1>, vector<16xf32>
    %add3A_1134 = arith.constant 32 : i32
    %add3A_1135 = vector.broadcast %add3A_1134 : i32 to vector<16xi32>
    %add3A_1136 = arith.addi %iota3A, %add3A_1135 : vector<16xi32>
    %eq3A_1137 = arith.cmpi eq, %add3A_1136, %min3A_1115 : vector<16xi32>
    %add3A_1138 = arith.addf %select_n3A_981, %get3A_36 : vector<16xf32>
    %select_n3A_1139 = arith.select %eq3A_1137, %add3A_1138, %select_n3A_981 : vector<16xi1>, vector<16xf32>
    %broadcast_in_dim3A_1140 = arith.constant 0xFF800000 : f32
    %broadcast_in_dim3A_1141 = vector.broadcast %broadcast_in_dim3A_1140 : f32 to vector<16xf32>
    %select_n3A_1142 = arith.select %eq3A_1137, %broadcast_in_dim3A_1141, %select_n3A_984 : vector<16xi1>, vector<16xf32>
    %add3A_1143 = arith.constant 48 : i32
    %add3A_1144 = vector.broadcast %add3A_1143 : i32 to vector<16xi32>
    %add3A_1145 = arith.addi %iota3A, %add3A_1144 : vector<16xi32>
    %eq3A_1146 = arith.cmpi eq, %add3A_1145, %min3A_1115 : vector<16xi32>
    %add3A_1147 = arith.addf %select_n3A_990, %get3A_41 : vector<16xf32>
    %select_n3A_1148 = arith.select %eq3A_1146, %add3A_1147, %select_n3A_990 : vector<16xi1>, vector<16xf32>
    %broadcast_in_dim3A_1149 = arith.constant 0xFF800000 : f32
    %broadcast_in_dim3A_1150 = vector.broadcast %broadcast_in_dim3A_1149 : f32 to vector<16xf32>
    %select_n3A_1151 = arith.select %eq3A_1146, %broadcast_in_dim3A_1150, %select_n3A_993 : vector<16xi1>, vector<16xf32>
    %max3A_1152 = arith.maximumf %select_n3A_1124, %select_n3A_1133 : vector<16xf32>
    %max3A_1153 = arith.maximumf %select_n3A_1142, %select_n3A_1151 : vector<16xf32>
    %max3A_1154 = arith.maximumf %max3A_1152, %max3A_1153 : vector<16xf32>
    %iota3A_1155 = tpu.iota {dimensions = array<i32: 0>} : vector<16xi32>
    %add3A_1156 = arith.constant 8 : i32
    %add3A_1157 = vector.broadcast %add3A_1156 : i32 to vector<16xi32>
    %add3A_1158 = arith.addi %iota3A_1155, %add3A_1157 : vector<16xi32>
    %and3A_1159 = arith.constant 15 : i32
    %and3A_1160 = vector.broadcast %and3A_1159 : i32 to vector<16xi32>
    %and3A_1161 = arith.andi %add3A_1158, %and3A_1160 : vector<16xi32>
    %broadcast_in_dim3A_1162 = vector.shape_cast %and3A_1161 : vector<16xi32> to vector<16x1xi32>
    %gather3A_1163 = vector.shape_cast %broadcast_in_dim3A_1162 : vector<16x1xi32> to vector<16xi32>
    %gather3A_1164 = tpu.dynamic_gather %max3A_1154[%gather3A_1163] in [0] : vector<16xf32>, vector<16xi32> -> vector<16xf32>
    %max3A_1165 = arith.maximumf %max3A_1154, %gather3A_1164 : vector<16xf32>
    %iota3A_1166 = tpu.iota {dimensions = array<i32: 0>} : vector<16xi32>
    %add3A_1167 = arith.constant 4 : i32
    %add3A_1168 = vector.broadcast %add3A_1167 : i32 to vector<16xi32>
    %add3A_1169 = arith.addi %iota3A_1166, %add3A_1168 : vector<16xi32>
    %and3A_1170 = arith.constant 15 : i32
    %and3A_1171 = vector.broadcast %and3A_1170 : i32 to vector<16xi32>
    %and3A_1172 = arith.andi %add3A_1169, %and3A_1171 : vector<16xi32>
    %broadcast_in_dim3A_1173 = vector.shape_cast %and3A_1172 : vector<16xi32> to vector<16x1xi32>
    %gather3A_1174 = vector.shape_cast %broadcast_in_dim3A_1173 : vector<16x1xi32> to vector<16xi32>
    %gather3A_1175 = tpu.dynamic_gather %max3A_1165[%gather3A_1174] in [0] : vector<16xf32>, vector<16xi32> -> vector<16xf32>
    %max3A_1176 = arith.maximumf %max3A_1165, %gather3A_1175 : vector<16xf32>
    %iota3A_1177 = tpu.iota {dimensions = array<i32: 0>} : vector<16xi32>
    %add3A_1178 = arith.constant 2 : i32
    %add3A_1179 = vector.broadcast %add3A_1178 : i32 to vector<16xi32>
    %add3A_1180 = arith.addi %iota3A_1177, %add3A_1179 : vector<16xi32>
    %and3A_1181 = arith.constant 15 : i32
    %and3A_1182 = vector.broadcast %and3A_1181 : i32 to vector<16xi32>
    %and3A_1183 = arith.andi %add3A_1180, %and3A_1182 : vector<16xi32>
    %broadcast_in_dim3A_1184 = vector.shape_cast %and3A_1183 : vector<16xi32> to vector<16x1xi32>
    %gather3A_1185 = vector.shape_cast %broadcast_in_dim3A_1184 : vector<16x1xi32> to vector<16xi32>
    %gather3A_1186 = tpu.dynamic_gather %max3A_1176[%gather3A_1185] in [0] : vector<16xf32>, vector<16xi32> -> vector<16xf32>
    %max3A_1187 = arith.maximumf %max3A_1176, %gather3A_1186 : vector<16xf32>
    %iota3A_1188 = tpu.iota {dimensions = array<i32: 0>} : vector<16xi32>
    %add3A_1189 = arith.constant 1 : i32
    %add3A_1190 = vector.broadcast %add3A_1189 : i32 to vector<16xi32>
    %add3A_1191 = arith.addi %iota3A_1188, %add3A_1190 : vector<16xi32>
    %and3A_1192 = arith.constant 15 : i32
    %and3A_1193 = vector.broadcast %and3A_1192 : i32 to vector<16xi32>
    %and3A_1194 = arith.andi %add3A_1191, %and3A_1193 : vector<16xi32>
    %broadcast_in_dim3A_1195 = vector.shape_cast %and3A_1194 : vector<16xi32> to vector<16x1xi32>
    %gather3A_1196 = vector.shape_cast %broadcast_in_dim3A_1195 : vector<16x1xi32> to vector<16xi32>
    %gather3A_1197 = tpu.dynamic_gather %max3A_1187[%gather3A_1196] in [0] : vector<16xf32>, vector<16xi32> -> vector<16xf32>
    %max3A_1198 = arith.maximumf %max3A_1187, %gather3A_1197 : vector<16xf32>
    %eq3A_1199 = arith.cmpf oeq, %select_n3A_1124, %max3A_1198 : vector<16xf32>
    %add3A_1200 = arith.constant 0 : i32
    %add3A_1201 = vector.broadcast %add3A_1200 : i32 to vector<16xi32>
    %add3A_1202 = arith.addi %iota3A, %add3A_1201 : vector<16xi32>
    %jit3A_1203 = arith.constant 64 : i32
    %broadcast_in_dim3A_1204 = vector.broadcast %jit3A_1203 : i32 to vector<16xi32>
    %select_n3A_1205 = arith.select %eq3A_1199, %add3A_1202, %broadcast_in_dim3A_1204 : vector<16xi1>, vector<16xi32>
    %eq3A_1206 = arith.cmpf oeq, %select_n3A_1133, %max3A_1198 : vector<16xf32>
    %add3A_1207 = arith.constant 16 : i32
    %add3A_1208 = vector.broadcast %add3A_1207 : i32 to vector<16xi32>
    %add3A_1209 = arith.addi %iota3A, %add3A_1208 : vector<16xi32>
    %jit3A_1210 = arith.constant 64 : i32
    %broadcast_in_dim3A_1211 = vector.broadcast %jit3A_1210 : i32 to vector<16xi32>
    %select_n3A_1212 = arith.select %eq3A_1206, %add3A_1209, %broadcast_in_dim3A_1211 : vector<16xi1>, vector<16xi32>
    %eq3A_1213 = arith.cmpf oeq, %select_n3A_1142, %max3A_1198 : vector<16xf32>
    %add3A_1214 = arith.constant 32 : i32
    %add3A_1215 = vector.broadcast %add3A_1214 : i32 to vector<16xi32>
    %add3A_1216 = arith.addi %iota3A, %add3A_1215 : vector<16xi32>
    %jit3A_1217 = arith.constant 64 : i32
    %broadcast_in_dim3A_1218 = vector.broadcast %jit3A_1217 : i32 to vector<16xi32>
    %select_n3A_1219 = arith.select %eq3A_1213, %add3A_1216, %broadcast_in_dim3A_1218 : vector<16xi1>, vector<16xi32>
    %eq3A_1220 = arith.cmpf oeq, %select_n3A_1151, %max3A_1198 : vector<16xf32>
    %add3A_1221 = arith.constant 48 : i32
    %add3A_1222 = vector.broadcast %add3A_1221 : i32 to vector<16xi32>
    %add3A_1223 = arith.addi %iota3A, %add3A_1222 : vector<16xi32>
    %jit3A_1224 = arith.constant 64 : i32
    %broadcast_in_dim3A_1225 = vector.broadcast %jit3A_1224 : i32 to vector<16xi32>
    %select_n3A_1226 = arith.select %eq3A_1220, %add3A_1223, %broadcast_in_dim3A_1225 : vector<16xi1>, vector<16xi32>
    %min3A_1227 = arith.minsi %select_n3A_1205, %select_n3A_1212 : vector<16xi32>
    %min3A_1228 = arith.minsi %select_n3A_1219, %select_n3A_1226 : vector<16xi32>
    %min3A_1229 = arith.minsi %min3A_1227, %min3A_1228 : vector<16xi32>
    %iota3A_1230 = tpu.iota {dimensions = array<i32: 0>} : vector<16xi32>
    %add3A_1231 = arith.constant 8 : i32
    %add3A_1232 = vector.broadcast %add3A_1231 : i32 to vector<16xi32>
    %add3A_1233 = arith.addi %iota3A_1230, %add3A_1232 : vector<16xi32>
    %and3A_1234 = arith.constant 15 : i32
    %and3A_1235 = vector.broadcast %and3A_1234 : i32 to vector<16xi32>
    %and3A_1236 = arith.andi %add3A_1233, %and3A_1235 : vector<16xi32>
    %broadcast_in_dim3A_1237 = vector.shape_cast %and3A_1236 : vector<16xi32> to vector<16x1xi32>
    %gather3A_1238 = vector.shape_cast %broadcast_in_dim3A_1237 : vector<16x1xi32> to vector<16xi32>
    %gather3A_1239 = tpu.dynamic_gather %min3A_1229[%gather3A_1238] in [0] : vector<16xi32>, vector<16xi32> -> vector<16xi32>
    %min3A_1240 = arith.minsi %min3A_1229, %gather3A_1239 : vector<16xi32>
    %iota3A_1241 = tpu.iota {dimensions = array<i32: 0>} : vector<16xi32>
    %add3A_1242 = arith.constant 4 : i32
    %add3A_1243 = vector.broadcast %add3A_1242 : i32 to vector<16xi32>
    %add3A_1244 = arith.addi %iota3A_1241, %add3A_1243 : vector<16xi32>
    %and3A_1245 = arith.constant 15 : i32
    %and3A_1246 = vector.broadcast %and3A_1245 : i32 to vector<16xi32>
    %and3A_1247 = arith.andi %add3A_1244, %and3A_1246 : vector<16xi32>
    %broadcast_in_dim3A_1248 = vector.shape_cast %and3A_1247 : vector<16xi32> to vector<16x1xi32>
    %gather3A_1249 = vector.shape_cast %broadcast_in_dim3A_1248 : vector<16x1xi32> to vector<16xi32>
    %gather3A_1250 = tpu.dynamic_gather %min3A_1240[%gather3A_1249] in [0] : vector<16xi32>, vector<16xi32> -> vector<16xi32>
    %min3A_1251 = arith.minsi %min3A_1240, %gather3A_1250 : vector<16xi32>
    %iota3A_1252 = tpu.iota {dimensions = array<i32: 0>} : vector<16xi32>
    %add3A_1253 = arith.constant 2 : i32
    %add3A_1254 = vector.broadcast %add3A_1253 : i32 to vector<16xi32>
    %add3A_1255 = arith.addi %iota3A_1252, %add3A_1254 : vector<16xi32>
    %and3A_1256 = arith.constant 15 : i32
    %and3A_1257 = vector.broadcast %and3A_1256 : i32 to vector<16xi32>
    %and3A_1258 = arith.andi %add3A_1255, %and3A_1257 : vector<16xi32>
    %broadcast_in_dim3A_1259 = vector.shape_cast %and3A_1258 : vector<16xi32> to vector<16x1xi32>
    %gather3A_1260 = vector.shape_cast %broadcast_in_dim3A_1259 : vector<16x1xi32> to vector<16xi32>
    %gather3A_1261 = tpu.dynamic_gather %min3A_1251[%gather3A_1260] in [0] : vector<16xi32>, vector<16xi32> -> vector<16xi32>
    %min3A_1262 = arith.minsi %min3A_1251, %gather3A_1261 : vector<16xi32>
    %iota3A_1263 = tpu.iota {dimensions = array<i32: 0>} : vector<16xi32>
    %add3A_1264 = arith.constant 1 : i32
    %add3A_1265 = vector.broadcast %add3A_1264 : i32 to vector<16xi32>
    %add3A_1266 = arith.addi %iota3A_1263, %add3A_1265 : vector<16xi32>
    %and3A_1267 = arith.constant 15 : i32
    %and3A_1268 = vector.broadcast %and3A_1267 : i32 to vector<16xi32>
    %and3A_1269 = arith.andi %add3A_1266, %and3A_1268 : vector<16xi32>
    %broadcast_in_dim3A_1270 = vector.shape_cast %and3A_1269 : vector<16xi32> to vector<16x1xi32>
    %gather3A_1271 = vector.shape_cast %broadcast_in_dim3A_1270 : vector<16x1xi32> to vector<16xi32>
    %gather3A_1272 = tpu.dynamic_gather %min3A_1262[%gather3A_1271] in [0] : vector<16xi32>, vector<16xi32> -> vector<16xi32>
    %min3A_1273 = arith.minsi %min3A_1262, %gather3A_1272 : vector<16xi32>
    %add3A_1274 = arith.constant 0 : i32
    %add3A_1275 = vector.broadcast %add3A_1274 : i32 to vector<16xi32>
    %add3A_1276 = arith.addi %iota3A, %add3A_1275 : vector<16xi32>
    %eq3A_1277 = arith.cmpi eq, %add3A_1276, %min3A_1273 : vector<16xi32>
    %add3A_1278 = arith.addf %select_n3A_1121, %get3A_26 : vector<16xf32>
    %select_n3A_1279 = arith.select %eq3A_1277, %add3A_1278, %select_n3A_1121 : vector<16xi1>, vector<16xf32>
    %broadcast_in_dim3A_1280 = arith.constant 0xFF800000 : f32
    %broadcast_in_dim3A_1281 = vector.broadcast %broadcast_in_dim3A_1280 : f32 to vector<16xf32>
    %select_n3A_1282 = arith.select %eq3A_1277, %broadcast_in_dim3A_1281, %select_n3A_1124 : vector<16xi1>, vector<16xf32>
    %add3A_1283 = arith.constant 16 : i32
    %add3A_1284 = vector.broadcast %add3A_1283 : i32 to vector<16xi32>
    %add3A_1285 = arith.addi %iota3A, %add3A_1284 : vector<16xi32>
    %eq3A_1286 = arith.cmpi eq, %add3A_1285, %min3A_1273 : vector<16xi32>
    %add3A_1287 = arith.addf %select_n3A_1130, %get3A_31 : vector<16xf32>
    %select_n3A_1288 = arith.select %eq3A_1286, %add3A_1287, %select_n3A_1130 : vector<16xi1>, vector<16xf32>
    %broadcast_in_dim3A_1289 = arith.constant 0xFF800000 : f32
    %broadcast_in_dim3A_1290 = vector.broadcast %broadcast_in_dim3A_1289 : f32 to vector<16xf32>
    %select_n3A_1291 = arith.select %eq3A_1286, %broadcast_in_dim3A_1290, %select_n3A_1133 : vector<16xi1>, vector<16xf32>
    %add3A_1292 = arith.constant 32 : i32
    %add3A_1293 = vector.broadcast %add3A_1292 : i32 to vector<16xi32>
    %add3A_1294 = arith.addi %iota3A, %add3A_1293 : vector<16xi32>
    %eq3A_1295 = arith.cmpi eq, %add3A_1294, %min3A_1273 : vector<16xi32>
    %add3A_1296 = arith.addf %select_n3A_1139, %get3A_36 : vector<16xf32>
    %select_n3A_1297 = arith.select %eq3A_1295, %add3A_1296, %select_n3A_1139 : vector<16xi1>, vector<16xf32>
    %broadcast_in_dim3A_1298 = arith.constant 0xFF800000 : f32
    %broadcast_in_dim3A_1299 = vector.broadcast %broadcast_in_dim3A_1298 : f32 to vector<16xf32>
    %select_n3A_1300 = arith.select %eq3A_1295, %broadcast_in_dim3A_1299, %select_n3A_1142 : vector<16xi1>, vector<16xf32>
    %add3A_1301 = arith.constant 48 : i32
    %add3A_1302 = vector.broadcast %add3A_1301 : i32 to vector<16xi32>
    %add3A_1303 = arith.addi %iota3A, %add3A_1302 : vector<16xi32>
    %eq3A_1304 = arith.cmpi eq, %add3A_1303, %min3A_1273 : vector<16xi32>
    %add3A_1305 = arith.addf %select_n3A_1148, %get3A_41 : vector<16xf32>
    %select_n3A_1306 = arith.select %eq3A_1304, %add3A_1305, %select_n3A_1148 : vector<16xi1>, vector<16xf32>
    %broadcast_in_dim3A_1307 = arith.constant 0xFF800000 : f32
    %broadcast_in_dim3A_1308 = vector.broadcast %broadcast_in_dim3A_1307 : f32 to vector<16xf32>
    %select_n3A_1309 = arith.select %eq3A_1304, %broadcast_in_dim3A_1308, %select_n3A_1151 : vector<16xi1>, vector<16xf32>
    %add3A_1310 = arith.addf %select_n3A_1279, %select_n3A_1288 : vector<16xf32>
    %add3A_1311 = arith.addf %add3A_1310, %select_n3A_1297 : vector<16xf32>
    %add3A_1312 = arith.addf %add3A_1311, %select_n3A_1306 : vector<16xf32>
    %iota3A_1313 = tpu.iota {dimensions = array<i32: 0>} : vector<16xi32>
    %add3A_1314 = arith.constant 8 : i32
    %add3A_1315 = vector.broadcast %add3A_1314 : i32 to vector<16xi32>
    %add3A_1316 = arith.addi %iota3A_1313, %add3A_1315 : vector<16xi32>
    %and3A_1317 = arith.constant 15 : i32
    %and3A_1318 = vector.broadcast %and3A_1317 : i32 to vector<16xi32>
    %and3A_1319 = arith.andi %add3A_1316, %and3A_1318 : vector<16xi32>
    %broadcast_in_dim3A_1320 = vector.shape_cast %and3A_1319 : vector<16xi32> to vector<16x1xi32>
    %gather3A_1321 = vector.shape_cast %broadcast_in_dim3A_1320 : vector<16x1xi32> to vector<16xi32>
    %gather3A_1322 = tpu.dynamic_gather %add3A_1312[%gather3A_1321] in [0] : vector<16xf32>, vector<16xi32> -> vector<16xf32>
    %add3A_1323 = arith.addf %add3A_1312, %gather3A_1322 : vector<16xf32>
    %iota3A_1324 = tpu.iota {dimensions = array<i32: 0>} : vector<16xi32>
    %add3A_1325 = arith.constant 4 : i32
    %add3A_1326 = vector.broadcast %add3A_1325 : i32 to vector<16xi32>
    %add3A_1327 = arith.addi %iota3A_1324, %add3A_1326 : vector<16xi32>
    %and3A_1328 = arith.constant 15 : i32
    %and3A_1329 = vector.broadcast %and3A_1328 : i32 to vector<16xi32>
    %and3A_1330 = arith.andi %add3A_1327, %and3A_1329 : vector<16xi32>
    %broadcast_in_dim3A_1331 = vector.shape_cast %and3A_1330 : vector<16xi32> to vector<16x1xi32>
    %gather3A_1332 = vector.shape_cast %broadcast_in_dim3A_1331 : vector<16x1xi32> to vector<16xi32>
    %gather3A_1333 = tpu.dynamic_gather %add3A_1323[%gather3A_1332] in [0] : vector<16xf32>, vector<16xi32> -> vector<16xf32>
    %add3A_1334 = arith.addf %add3A_1323, %gather3A_1333 : vector<16xf32>
    %iota3A_1335 = tpu.iota {dimensions = array<i32: 0>} : vector<16xi32>
    %add3A_1336 = arith.constant 2 : i32
    %add3A_1337 = vector.broadcast %add3A_1336 : i32 to vector<16xi32>
    %add3A_1338 = arith.addi %iota3A_1335, %add3A_1337 : vector<16xi32>
    %and3A_1339 = arith.constant 15 : i32
    %and3A_1340 = vector.broadcast %and3A_1339 : i32 to vector<16xi32>
    %and3A_1341 = arith.andi %add3A_1338, %and3A_1340 : vector<16xi32>
    %broadcast_in_dim3A_1342 = vector.shape_cast %and3A_1341 : vector<16xi32> to vector<16x1xi32>
    %gather3A_1343 = vector.shape_cast %broadcast_in_dim3A_1342 : vector<16x1xi32> to vector<16xi32>
    %gather3A_1344 = tpu.dynamic_gather %add3A_1334[%gather3A_1343] in [0] : vector<16xf32>, vector<16xi32> -> vector<16xf32>
    %add3A_1345 = arith.addf %add3A_1334, %gather3A_1344 : vector<16xf32>
    %iota3A_1346 = tpu.iota {dimensions = array<i32: 0>} : vector<16xi32>
    %add3A_1347 = arith.constant 1 : i32
    %add3A_1348 = vector.broadcast %add3A_1347 : i32 to vector<16xi32>
    %add3A_1349 = arith.addi %iota3A_1346, %add3A_1348 : vector<16xi32>
    %and3A_1350 = arith.constant 15 : i32
    %and3A_1351 = vector.broadcast %and3A_1350 : i32 to vector<16xi32>
    %and3A_1352 = arith.andi %add3A_1349, %and3A_1351 : vector<16xi32>
    %broadcast_in_dim3A_1353 = vector.shape_cast %and3A_1352 : vector<16xi32> to vector<16x1xi32>
    %gather3A_1354 = vector.shape_cast %broadcast_in_dim3A_1353 : vector<16x1xi32> to vector<16xi32>
    %gather3A_1355 = tpu.dynamic_gather %add3A_1345[%gather3A_1354] in [0] : vector<16xf32>, vector<16xi32> -> vector<16xf32>
    %add3A_1356 = arith.addf %add3A_1345, %gather3A_1355 : vector<16xf32>
    %max3A_1357 = arith.constant 9.99999996E-13 : f32
    %max3A_1358 = vector.broadcast %max3A_1357 : f32 to vector<16xf32>
    %max3A_1359 = arith.maximumf %add3A_1356, %max3A_1358 : vector<16xf32>
    %div3A = arith.constant 1.000000e+00 : f32
    %div3A_1360 = vector.broadcast %div3A : f32 to vector<16xf32>
    %div3A_1361 = arith.divf %div3A_1360, %max3A_1359 : vector<16xf32>
    %mul3A_1362 = arith.mulf %select_n3A_1279, %div3A_1361 : vector<16xf32>
    %swap3A = arith.constant 0 : i32
    %swap3A_1363 = arith.index_cast %swap3A : i32 to index
    %swap3A_1364 = arith.constant 0 : index
    %swap3A_1365 = tpu.vector_load %arg7[%swap3A_1363, %swap3A_1364] {strides = array<i32>} : memref<4x64xf32, #tpu.memory_space<vmem>>, vector<1x16xf32>,
    %swap3A_1366 = vector.shape_cast %swap3A_1365 : vector<1x16xf32> to vector<16xf32>
    %swap3A_1367 = vector.shape_cast %mul3A_1362 : vector<16xf32> to vector<1x16xf32>
    tpu.vector_store %arg7[%swap3A_1363, %swap3A_1364], %swap3A_1367 {strides = array<i32>} : memref<4x64xf32, #tpu.memory_space<vmem>>, vector<1x16xf32>,
    %mul3A_1368 = arith.mulf %select_n3A_1288, %div3A_1361 : vector<16xf32>
    %swap3A_1369 = arith.constant 0 : i32
    %swap3A_1370 = arith.index_cast %swap3A_1369 : i32 to index
    %swap3A_1371 = arith.constant 16 : index
    %swap3A_1372 = tpu.vector_load %arg7[%swap3A_1370, %swap3A_1371] {strides = array<i32>} : memref<4x64xf32, #tpu.memory_space<vmem>>, vector<1x16xf32>,
    %swap3A_1373 = vector.shape_cast %swap3A_1372 : vector<1x16xf32> to vector<16xf32>
    %swap3A_1374 = vector.shape_cast %mul3A_1368 : vector<16xf32> to vector<1x16xf32>
    tpu.vector_store %arg7[%swap3A_1370, %swap3A_1371], %swap3A_1374 {strides = array<i32>} : memref<4x64xf32, #tpu.memory_space<vmem>>, vector<1x16xf32>,
    %mul3A_1375 = arith.mulf %select_n3A_1297, %div3A_1361 : vector<16xf32>
    %swap3A_1376 = arith.constant 0 : i32
    %swap3A_1377 = arith.index_cast %swap3A_1376 : i32 to index
    %swap3A_1378 = arith.constant 32 : index
    %swap3A_1379 = tpu.vector_load %arg7[%swap3A_1377, %swap3A_1378] {strides = array<i32>} : memref<4x64xf32, #tpu.memory_space<vmem>>, vector<1x16xf32>,
    %swap3A_1380 = vector.shape_cast %swap3A_1379 : vector<1x16xf32> to vector<16xf32>
    %swap3A_1381 = vector.shape_cast %mul3A_1375 : vector<16xf32> to vector<1x16xf32>
    tpu.vector_store %arg7[%swap3A_1377, %swap3A_1378], %swap3A_1381 {strides = array<i32>} : memref<4x64xf32, #tpu.memory_space<vmem>>, vector<1x16xf32>,
    %mul3A_1382 = arith.mulf %select_n3A_1306, %div3A_1361 : vector<16xf32>
    %swap3A_1383 = arith.constant 0 : i32
    %swap3A_1384 = arith.index_cast %swap3A_1383 : i32 to index
    %swap3A_1385 = arith.constant 48 : index
    %swap3A_1386 = tpu.vector_load %arg7[%swap3A_1384, %swap3A_1385] {strides = array<i32>} : memref<4x64xf32, #tpu.memory_space<vmem>>, vector<1x16xf32>,
    %swap3A_1387 = vector.shape_cast %swap3A_1386 : vector<1x16xf32> to vector<16xf32>
    %swap3A_1388 = vector.shape_cast %mul3A_1382 : vector<16xf32> to vector<1x16xf32>
    tpu.vector_store %arg7[%swap3A_1384, %swap3A_1385], %swap3A_1388 {strides = array<i32>} : memref<4x64xf32, #tpu.memory_space<vmem>>, vector<1x16xf32>,
    %get3A_1389 = arith.constant 1 : i32
    %get3A_1390 = arith.index_cast %get3A_1389 : i32 to index
    %get3A_1391 = arith.constant 0 : index
    %get3A_1392 = tpu.vector_load %arg5[%get3A_1390, %get3A_1391] {strides = array<i32>} : memref<4x64xf32, #tpu.memory_space<vmem>>, vector<1x16xf32>,
    %get3A_1393 = vector.shape_cast %get3A_1392 : vector<1x16xf32> to vector<16xf32>
    %get3A_1394 = arith.constant 1 : i32
    %get3A_1395 = arith.index_cast %get3A_1394 : i32 to index
    %get3A_1396 = arith.constant 16 : index
    %get3A_1397 = tpu.vector_load %arg5[%get3A_1395, %get3A_1396] {strides = array<i32>} : memref<4x64xf32, #tpu.memory_space<vmem>>, vector<1x16xf32>,
    %get3A_1398 = vector.shape_cast %get3A_1397 : vector<1x16xf32> to vector<16xf32>
    %get3A_1399 = arith.constant 1 : i32
    %get3A_1400 = arith.index_cast %get3A_1399 : i32 to index
    %get3A_1401 = arith.constant 32 : index
    %get3A_1402 = tpu.vector_load %arg5[%get3A_1400, %get3A_1401] {strides = array<i32>} : memref<4x64xf32, #tpu.memory_space<vmem>>, vector<1x16xf32>,
    %get3A_1403 = vector.shape_cast %get3A_1402 : vector<1x16xf32> to vector<16xf32>
    %get3A_1404 = arith.constant 1 : i32
    %get3A_1405 = arith.index_cast %get3A_1404 : i32 to index
    %get3A_1406 = arith.constant 48 : index
    %get3A_1407 = tpu.vector_load %arg5[%get3A_1405, %get3A_1406] {strides = array<i32>} : memref<4x64xf32, #tpu.memory_space<vmem>>, vector<1x16xf32>,
    %get3A_1408 = vector.shape_cast %get3A_1407 : vector<1x16xf32> to vector<16xf32>
    %add3A_1409 = arith.addf %get3A_1393, %get3A_6 : vector<16xf32>
    %add3A_1410 = arith.addf %get3A_1398, %get3A_11 : vector<16xf32>
    %add3A_1411 = arith.addf %get3A_1403, %get3A_16 : vector<16xf32>
    %add3A_1412 = arith.addf %get3A_1408, %get3A_21 : vector<16xf32>
    %broadcast_in_dim3A_1413 = arith.constant 0.000000e+00 : f32
    %broadcast_in_dim3A_1414 = vector.broadcast %broadcast_in_dim3A_1413 : f32 to vector<16xf32>
    %broadcast_in_dim3A_1415 = arith.constant 0.000000e+00 : f32
    %broadcast_in_dim3A_1416 = vector.broadcast %broadcast_in_dim3A_1415 : f32 to vector<16xf32>
    %broadcast_in_dim3A_1417 = arith.constant 0.000000e+00 : f32
    %broadcast_in_dim3A_1418 = vector.broadcast %broadcast_in_dim3A_1417 : f32 to vector<16xf32>
    %broadcast_in_dim3A_1419 = arith.constant 0.000000e+00 : f32
    %broadcast_in_dim3A_1420 = vector.broadcast %broadcast_in_dim3A_1419 : f32 to vector<16xf32>
    %max3A_1421 = arith.maximumf %add3A_1409, %add3A_1410 : vector<16xf32>
    %max3A_1422 = arith.maximumf %add3A_1411, %add3A_1412 : vector<16xf32>
    %max3A_1423 = arith.maximumf %max3A_1421, %max3A_1422 : vector<16xf32>
    %iota3A_1424 = tpu.iota {dimensions = array<i32: 0>} : vector<16xi32>
    %add3A_1425 = arith.constant 8 : i32
    %add3A_1426 = vector.broadcast %add3A_1425 : i32 to vector<16xi32>
    %add3A_1427 = arith.addi %iota3A_1424, %add3A_1426 : vector<16xi32>
    %and3A_1428 = arith.constant 15 : i32
    %and3A_1429 = vector.broadcast %and3A_1428 : i32 to vector<16xi32>
    %and3A_1430 = arith.andi %add3A_1427, %and3A_1429 : vector<16xi32>
    %broadcast_in_dim3A_1431 = vector.shape_cast %and3A_1430 : vector<16xi32> to vector<16x1xi32>
    %gather3A_1432 = vector.shape_cast %broadcast_in_dim3A_1431 : vector<16x1xi32> to vector<16xi32>
    %gather3A_1433 = tpu.dynamic_gather %max3A_1423[%gather3A_1432] in [0] : vector<16xf32>, vector<16xi32> -> vector<16xf32>
    %max3A_1434 = arith.maximumf %max3A_1423, %gather3A_1433 : vector<16xf32>
    %iota3A_1435 = tpu.iota {dimensions = array<i32: 0>} : vector<16xi32>
    %add3A_1436 = arith.constant 4 : i32
    %add3A_1437 = vector.broadcast %add3A_1436 : i32 to vector<16xi32>
    %add3A_1438 = arith.addi %iota3A_1435, %add3A_1437 : vector<16xi32>
    %and3A_1439 = arith.constant 15 : i32
    %and3A_1440 = vector.broadcast %and3A_1439 : i32 to vector<16xi32>
    %and3A_1441 = arith.andi %add3A_1438, %and3A_1440 : vector<16xi32>
    %broadcast_in_dim3A_1442 = vector.shape_cast %and3A_1441 : vector<16xi32> to vector<16x1xi32>
    %gather3A_1443 = vector.shape_cast %broadcast_in_dim3A_1442 : vector<16x1xi32> to vector<16xi32>
    %gather3A_1444 = tpu.dynamic_gather %max3A_1434[%gather3A_1443] in [0] : vector<16xf32>, vector<16xi32> -> vector<16xf32>
    %max3A_1445 = arith.maximumf %max3A_1434, %gather3A_1444 : vector<16xf32>
    %iota3A_1446 = tpu.iota {dimensions = array<i32: 0>} : vector<16xi32>
    %add3A_1447 = arith.constant 2 : i32
    %add3A_1448 = vector.broadcast %add3A_1447 : i32 to vector<16xi32>
    %add3A_1449 = arith.addi %iota3A_1446, %add3A_1448 : vector<16xi32>
    %and3A_1450 = arith.constant 15 : i32
    %and3A_1451 = vector.broadcast %and3A_1450 : i32 to vector<16xi32>
    %and3A_1452 = arith.andi %add3A_1449, %and3A_1451 : vector<16xi32>
    %broadcast_in_dim3A_1453 = vector.shape_cast %and3A_1452 : vector<16xi32> to vector<16x1xi32>
    %gather3A_1454 = vector.shape_cast %broadcast_in_dim3A_1453 : vector<16x1xi32> to vector<16xi32>
    %gather3A_1455 = tpu.dynamic_gather %max3A_1445[%gather3A_1454] in [0] : vector<16xf32>, vector<16xi32> -> vector<16xf32>
    %max3A_1456 = arith.maximumf %max3A_1445, %gather3A_1455 : vector<16xf32>
    %iota3A_1457 = tpu.iota {dimensions = array<i32: 0>} : vector<16xi32>
    %add3A_1458 = arith.constant 1 : i32
    %add3A_1459 = vector.broadcast %add3A_1458 : i32 to vector<16xi32>
    %add3A_1460 = arith.addi %iota3A_1457, %add3A_1459 : vector<16xi32>
    %and3A_1461 = arith.constant 15 : i32
    %and3A_1462 = vector.broadcast %and3A_1461 : i32 to vector<16xi32>
    %and3A_1463 = arith.andi %add3A_1460, %and3A_1462 : vector<16xi32>
    %broadcast_in_dim3A_1464 = vector.shape_cast %and3A_1463 : vector<16xi32> to vector<16x1xi32>
    %gather3A_1465 = vector.shape_cast %broadcast_in_dim3A_1464 : vector<16x1xi32> to vector<16xi32>
    %gather3A_1466 = tpu.dynamic_gather %max3A_1456[%gather3A_1465] in [0] : vector<16xf32>, vector<16xi32> -> vector<16xf32>
    %max3A_1467 = arith.maximumf %max3A_1456, %gather3A_1466 : vector<16xf32>
    %eq3A_1468 = arith.cmpf oeq, %add3A_1409, %max3A_1467 : vector<16xf32>
    %add3A_1469 = arith.constant 0 : i32
    %add3A_1470 = vector.broadcast %add3A_1469 : i32 to vector<16xi32>
    %add3A_1471 = arith.addi %iota3A, %add3A_1470 : vector<16xi32>
    %jit3A_1472 = arith.constant 64 : i32
    %broadcast_in_dim3A_1473 = vector.broadcast %jit3A_1472 : i32 to vector<16xi32>
    %select_n3A_1474 = arith.select %eq3A_1468, %add3A_1471, %broadcast_in_dim3A_1473 : vector<16xi1>, vector<16xi32>
    %eq3A_1475 = arith.cmpf oeq, %add3A_1410, %max3A_1467 : vector<16xf32>
    %add3A_1476 = arith.constant 16 : i32
    %add3A_1477 = vector.broadcast %add3A_1476 : i32 to vector<16xi32>
    %add3A_1478 = arith.addi %iota3A, %add3A_1477 : vector<16xi32>
    %jit3A_1479 = arith.constant 64 : i32
    %broadcast_in_dim3A_1480 = vector.broadcast %jit3A_1479 : i32 to vector<16xi32>
    %select_n3A_1481 = arith.select %eq3A_1475, %add3A_1478, %broadcast_in_dim3A_1480 : vector<16xi1>, vector<16xi32>
    %eq3A_1482 = arith.cmpf oeq, %add3A_1411, %max3A_1467 : vector<16xf32>
    %add3A_1483 = arith.constant 32 : i32
    %add3A_1484 = vector.broadcast %add3A_1483 : i32 to vector<16xi32>
    %add3A_1485 = arith.addi %iota3A, %add3A_1484 : vector<16xi32>
    %jit3A_1486 = arith.constant 64 : i32
    %broadcast_in_dim3A_1487 = vector.broadcast %jit3A_1486 : i32 to vector<16xi32>
    %select_n3A_1488 = arith.select %eq3A_1482, %add3A_1485, %broadcast_in_dim3A_1487 : vector<16xi1>, vector<16xi32>
    %eq3A_1489 = arith.cmpf oeq, %add3A_1412, %max3A_1467 : vector<16xf32>
    %add3A_1490 = arith.constant 48 : i32
    %add3A_1491 = vector.broadcast %add3A_1490 : i32 to vector<16xi32>
    %add3A_1492 = arith.addi %iota3A, %add3A_1491 : vector<16xi32>
    %jit3A_1493 = arith.constant 64 : i32
    %broadcast_in_dim3A_1494 = vector.broadcast %jit3A_1493 : i32 to vector<16xi32>
    %select_n3A_1495 = arith.select %eq3A_1489, %add3A_1492, %broadcast_in_dim3A_1494 : vector<16xi1>, vector<16xi32>
    %min3A_1496 = arith.minsi %select_n3A_1474, %select_n3A_1481 : vector<16xi32>
    %min3A_1497 = arith.minsi %select_n3A_1488, %select_n3A_1495 : vector<16xi32>
    %min3A_1498 = arith.minsi %min3A_1496, %min3A_1497 : vector<16xi32>
    %iota3A_1499 = tpu.iota {dimensions = array<i32: 0>} : vector<16xi32>
    %add3A_1500 = arith.constant 8 : i32
    %add3A_1501 = vector.broadcast %add3A_1500 : i32 to vector<16xi32>
    %add3A_1502 = arith.addi %iota3A_1499, %add3A_1501 : vector<16xi32>
    %and3A_1503 = arith.constant 15 : i32
    %and3A_1504 = vector.broadcast %and3A_1503 : i32 to vector<16xi32>
    %and3A_1505 = arith.andi %add3A_1502, %and3A_1504 : vector<16xi32>
    %broadcast_in_dim3A_1506 = vector.shape_cast %and3A_1505 : vector<16xi32> to vector<16x1xi32>
    %gather3A_1507 = vector.shape_cast %broadcast_in_dim3A_1506 : vector<16x1xi32> to vector<16xi32>
    %gather3A_1508 = tpu.dynamic_gather %min3A_1498[%gather3A_1507] in [0] : vector<16xi32>, vector<16xi32> -> vector<16xi32>
    %min3A_1509 = arith.minsi %min3A_1498, %gather3A_1508 : vector<16xi32>
    %iota3A_1510 = tpu.iota {dimensions = array<i32: 0>} : vector<16xi32>
    %add3A_1511 = arith.constant 4 : i32
    %add3A_1512 = vector.broadcast %add3A_1511 : i32 to vector<16xi32>
    %add3A_1513 = arith.addi %iota3A_1510, %add3A_1512 : vector<16xi32>
    %and3A_1514 = arith.constant 15 : i32
    %and3A_1515 = vector.broadcast %and3A_1514 : i32 to vector<16xi32>
    %and3A_1516 = arith.andi %add3A_1513, %and3A_1515 : vector<16xi32>
    %broadcast_in_dim3A_1517 = vector.shape_cast %and3A_1516 : vector<16xi32> to vector<16x1xi32>
    %gather3A_1518 = vector.shape_cast %broadcast_in_dim3A_1517 : vector<16x1xi32> to vector<16xi32>
    %gather3A_1519 = tpu.dynamic_gather %min3A_1509[%gather3A_1518] in [0] : vector<16xi32>, vector<16xi32> -> vector<16xi32>
    %min3A_1520 = arith.minsi %min3A_1509, %gather3A_1519 : vector<16xi32>
    %iota3A_1521 = tpu.iota {dimensions = array<i32: 0>} : vector<16xi32>
    %add3A_1522 = arith.constant 2 : i32
    %add3A_1523 = vector.broadcast %add3A_1522 : i32 to vector<16xi32>
    %add3A_1524 = arith.addi %iota3A_1521, %add3A_1523 : vector<16xi32>
    %and3A_1525 = arith.constant 15 : i32
    %and3A_1526 = vector.broadcast %and3A_1525 : i32 to vector<16xi32>
    %and3A_1527 = arith.andi %add3A_1524, %and3A_1526 : vector<16xi32>
    %broadcast_in_dim3A_1528 = vector.shape_cast %and3A_1527 : vector<16xi32> to vector<16x1xi32>
    %gather3A_1529 = vector.shape_cast %broadcast_in_dim3A_1528 : vector<16x1xi32> to vector<16xi32>
    %gather3A_1530 = tpu.dynamic_gather %min3A_1520[%gather3A_1529] in [0] : vector<16xi32>, vector<16xi32> -> vector<16xi32>
    %min3A_1531 = arith.minsi %min3A_1520, %gather3A_1530 : vector<16xi32>
    %iota3A_1532 = tpu.iota {dimensions = array<i32: 0>} : vector<16xi32>
    %add3A_1533 = arith.constant 1 : i32
    %add3A_1534 = vector.broadcast %add3A_1533 : i32 to vector<16xi32>
    %add3A_1535 = arith.addi %iota3A_1532, %add3A_1534 : vector<16xi32>
    %and3A_1536 = arith.constant 15 : i32
    %and3A_1537 = vector.broadcast %and3A_1536 : i32 to vector<16xi32>
    %and3A_1538 = arith.andi %add3A_1535, %and3A_1537 : vector<16xi32>
    %broadcast_in_dim3A_1539 = vector.shape_cast %and3A_1538 : vector<16xi32> to vector<16x1xi32>
    %gather3A_1540 = vector.shape_cast %broadcast_in_dim3A_1539 : vector<16x1xi32> to vector<16xi32>
    %gather3A_1541 = tpu.dynamic_gather %min3A_1531[%gather3A_1540] in [0] : vector<16xi32>, vector<16xi32> -> vector<16xi32>
    %min3A_1542 = arith.minsi %min3A_1531, %gather3A_1541 : vector<16xi32>
    %add3A_1543 = arith.constant 0 : i32
    %add3A_1544 = vector.broadcast %add3A_1543 : i32 to vector<16xi32>
    %add3A_1545 = arith.addi %iota3A, %add3A_1544 : vector<16xi32>
    %eq3A_1546 = arith.cmpi eq, %add3A_1545, %min3A_1542 : vector<16xi32>
    %add3A_1547 = arith.addf %broadcast_in_dim3A_1414, %get3A_1393 : vector<16xf32>
    %select_n3A_1548 = arith.select %eq3A_1546, %add3A_1547, %broadcast_in_dim3A_1414 : vector<16xi1>, vector<16xf32>
    %broadcast_in_dim3A_1549 = arith.constant 0xFF800000 : f32
    %broadcast_in_dim3A_1550 = vector.broadcast %broadcast_in_dim3A_1549 : f32 to vector<16xf32>
    %select_n3A_1551 = arith.select %eq3A_1546, %broadcast_in_dim3A_1550, %add3A_1409 : vector<16xi1>, vector<16xf32>
    %add3A_1552 = arith.constant 16 : i32
    %add3A_1553 = vector.broadcast %add3A_1552 : i32 to vector<16xi32>
    %add3A_1554 = arith.addi %iota3A, %add3A_1553 : vector<16xi32>
    %eq3A_1555 = arith.cmpi eq, %add3A_1554, %min3A_1542 : vector<16xi32>
    %add3A_1556 = arith.addf %broadcast_in_dim3A_1416, %get3A_1398 : vector<16xf32>
    %select_n3A_1557 = arith.select %eq3A_1555, %add3A_1556, %broadcast_in_dim3A_1416 : vector<16xi1>, vector<16xf32>
    %broadcast_in_dim3A_1558 = arith.constant 0xFF800000 : f32
    %broadcast_in_dim3A_1559 = vector.broadcast %broadcast_in_dim3A_1558 : f32 to vector<16xf32>
    %select_n3A_1560 = arith.select %eq3A_1555, %broadcast_in_dim3A_1559, %add3A_1410 : vector<16xi1>, vector<16xf32>
    %add3A_1561 = arith.constant 32 : i32
    %add3A_1562 = vector.broadcast %add3A_1561 : i32 to vector<16xi32>
    %add3A_1563 = arith.addi %iota3A, %add3A_1562 : vector<16xi32>
    %eq3A_1564 = arith.cmpi eq, %add3A_1563, %min3A_1542 : vector<16xi32>
    %add3A_1565 = arith.addf %broadcast_in_dim3A_1418, %get3A_1403 : vector<16xf32>
    %select_n3A_1566 = arith.select %eq3A_1564, %add3A_1565, %broadcast_in_dim3A_1418 : vector<16xi1>, vector<16xf32>
    %broadcast_in_dim3A_1567 = arith.constant 0xFF800000 : f32
    %broadcast_in_dim3A_1568 = vector.broadcast %broadcast_in_dim3A_1567 : f32 to vector<16xf32>
    %select_n3A_1569 = arith.select %eq3A_1564, %broadcast_in_dim3A_1568, %add3A_1411 : vector<16xi1>, vector<16xf32>
    %add3A_1570 = arith.constant 48 : i32
    %add3A_1571 = vector.broadcast %add3A_1570 : i32 to vector<16xi32>
    %add3A_1572 = arith.addi %iota3A, %add3A_1571 : vector<16xi32>
    %eq3A_1573 = arith.cmpi eq, %add3A_1572, %min3A_1542 : vector<16xi32>
    %add3A_1574 = arith.addf %broadcast_in_dim3A_1420, %get3A_1408 : vector<16xf32>
    %select_n3A_1575 = arith.select %eq3A_1573, %add3A_1574, %broadcast_in_dim3A_1420 : vector<16xi1>, vector<16xf32>
    %broadcast_in_dim3A_1576 = arith.constant 0xFF800000 : f32
    %broadcast_in_dim3A_1577 = vector.broadcast %broadcast_in_dim3A_1576 : f32 to vector<16xf32>
    %select_n3A_1578 = arith.select %eq3A_1573, %broadcast_in_dim3A_1577, %add3A_1412 : vector<16xi1>, vector<16xf32>
    %max3A_1579 = arith.maximumf %select_n3A_1551, %select_n3A_1560 : vector<16xf32>
    %max3A_1580 = arith.maximumf %select_n3A_1569, %select_n3A_1578 : vector<16xf32>
    %max3A_1581 = arith.maximumf %max3A_1579, %max3A_1580 : vector<16xf32>
    %iota3A_1582 = tpu.iota {dimensions = array<i32: 0>} : vector<16xi32>
    %add3A_1583 = arith.constant 8 : i32
    %add3A_1584 = vector.broadcast %add3A_1583 : i32 to vector<16xi32>
    %add3A_1585 = arith.addi %iota3A_1582, %add3A_1584 : vector<16xi32>
    %and3A_1586 = arith.constant 15 : i32
    %and3A_1587 = vector.broadcast %and3A_1586 : i32 to vector<16xi32>
    %and3A_1588 = arith.andi %add3A_1585, %and3A_1587 : vector<16xi32>
    %broadcast_in_dim3A_1589 = vector.shape_cast %and3A_1588 : vector<16xi32> to vector<16x1xi32>
    %gather3A_1590 = vector.shape_cast %broadcast_in_dim3A_1589 : vector<16x1xi32> to vector<16xi32>
    %gather3A_1591 = tpu.dynamic_gather %max3A_1581[%gather3A_1590] in [0] : vector<16xf32>, vector<16xi32> -> vector<16xf32>
    %max3A_1592 = arith.maximumf %max3A_1581, %gather3A_1591 : vector<16xf32>
    %iota3A_1593 = tpu.iota {dimensions = array<i32: 0>} : vector<16xi32>
    %add3A_1594 = arith.constant 4 : i32
    %add3A_1595 = vector.broadcast %add3A_1594 : i32 to vector<16xi32>
    %add3A_1596 = arith.addi %iota3A_1593, %add3A_1595 : vector<16xi32>
    %and3A_1597 = arith.constant 15 : i32
    %and3A_1598 = vector.broadcast %and3A_1597 : i32 to vector<16xi32>
    %and3A_1599 = arith.andi %add3A_1596, %and3A_1598 : vector<16xi32>
    %broadcast_in_dim3A_1600 = vector.shape_cast %and3A_1599 : vector<16xi32> to vector<16x1xi32>
    %gather3A_1601 = vector.shape_cast %broadcast_in_dim3A_1600 : vector<16x1xi32> to vector<16xi32>
    %gather3A_1602 = tpu.dynamic_gather %max3A_1592[%gather3A_1601] in [0] : vector<16xf32>, vector<16xi32> -> vector<16xf32>
    %max3A_1603 = arith.maximumf %max3A_1592, %gather3A_1602 : vector<16xf32>
    %iota3A_1604 = tpu.iota {dimensions = array<i32: 0>} : vector<16xi32>
    %add3A_1605 = arith.constant 2 : i32
    %add3A_1606 = vector.broadcast %add3A_1605 : i32 to vector<16xi32>
    %add3A_1607 = arith.addi %iota3A_1604, %add3A_1606 : vector<16xi32>
    %and3A_1608 = arith.constant 15 : i32
    %and3A_1609 = vector.broadcast %and3A_1608 : i32 to vector<16xi32>
    %and3A_1610 = arith.andi %add3A_1607, %and3A_1609 : vector<16xi32>
    %broadcast_in_dim3A_1611 = vector.shape_cast %and3A_1610 : vector<16xi32> to vector<16x1xi32>
    %gather3A_1612 = vector.shape_cast %broadcast_in_dim3A_1611 : vector<16x1xi32> to vector<16xi32>
    %gather3A_1613 = tpu.dynamic_gather %max3A_1603[%gather3A_1612] in [0] : vector<16xf32>, vector<16xi32> -> vector<16xf32>
    %max3A_1614 = arith.maximumf %max3A_1603, %gather3A_1613 : vector<16xf32>
    %iota3A_1615 = tpu.iota {dimensions = array<i32: 0>} : vector<16xi32>
    %add3A_1616 = arith.constant 1 : i32
    %add3A_1617 = vector.broadcast %add3A_1616 : i32 to vector<16xi32>
    %add3A_1618 = arith.addi %iota3A_1615, %add3A_1617 : vector<16xi32>
    %and3A_1619 = arith.constant 15 : i32
    %and3A_1620 = vector.broadcast %and3A_1619 : i32 to vector<16xi32>
    %and3A_1621 = arith.andi %add3A_1618, %and3A_1620 : vector<16xi32>
    %broadcast_in_dim3A_1622 = vector.shape_cast %and3A_1621 : vector<16xi32> to vector<16x1xi32>
    %gather3A_1623 = vector.shape_cast %broadcast_in_dim3A_1622 : vector<16x1xi32> to vector<16xi32>
    %gather3A_1624 = tpu.dynamic_gather %max3A_1614[%gather3A_1623] in [0] : vector<16xf32>, vector<16xi32> -> vector<16xf32>
    %max3A_1625 = arith.maximumf %max3A_1614, %gather3A_1624 : vector<16xf32>
    %eq3A_1626 = arith.cmpf oeq, %select_n3A_1551, %max3A_1625 : vector<16xf32>
    %add3A_1627 = arith.constant 0 : i32
    %add3A_1628 = vector.broadcast %add3A_1627 : i32 to vector<16xi32>
    %add3A_1629 = arith.addi %iota3A, %add3A_1628 : vector<16xi32>
    %jit3A_1630 = arith.constant 64 : i32
    %broadcast_in_dim3A_1631 = vector.broadcast %jit3A_1630 : i32 to vector<16xi32>
    %select_n3A_1632 = arith.select %eq3A_1626, %add3A_1629, %broadcast_in_dim3A_1631 : vector<16xi1>, vector<16xi32>
    %eq3A_1633 = arith.cmpf oeq, %select_n3A_1560, %max3A_1625 : vector<16xf32>
    %add3A_1634 = arith.constant 16 : i32
    %add3A_1635 = vector.broadcast %add3A_1634 : i32 to vector<16xi32>
    %add3A_1636 = arith.addi %iota3A, %add3A_1635 : vector<16xi32>
    %jit3A_1637 = arith.constant 64 : i32
    %broadcast_in_dim3A_1638 = vector.broadcast %jit3A_1637 : i32 to vector<16xi32>
    %select_n3A_1639 = arith.select %eq3A_1633, %add3A_1636, %broadcast_in_dim3A_1638 : vector<16xi1>, vector<16xi32>
    %eq3A_1640 = arith.cmpf oeq, %select_n3A_1569, %max3A_1625 : vector<16xf32>
    %add3A_1641 = arith.constant 32 : i32
    %add3A_1642 = vector.broadcast %add3A_1641 : i32 to vector<16xi32>
    %add3A_1643 = arith.addi %iota3A, %add3A_1642 : vector<16xi32>
    %jit3A_1644 = arith.constant 64 : i32
    %broadcast_in_dim3A_1645 = vector.broadcast %jit3A_1644 : i32 to vector<16xi32>
    %select_n3A_1646 = arith.select %eq3A_1640, %add3A_1643, %broadcast_in_dim3A_1645 : vector<16xi1>, vector<16xi32>
    %eq3A_1647 = arith.cmpf oeq, %select_n3A_1578, %max3A_1625 : vector<16xf32>
    %add3A_1648 = arith.constant 48 : i32
    %add3A_1649 = vector.broadcast %add3A_1648 : i32 to vector<16xi32>
    %add3A_1650 = arith.addi %iota3A, %add3A_1649 : vector<16xi32>
    %jit3A_1651 = arith.constant 64 : i32
    %broadcast_in_dim3A_1652 = vector.broadcast %jit3A_1651 : i32 to vector<16xi32>
    %select_n3A_1653 = arith.select %eq3A_1647, %add3A_1650, %broadcast_in_dim3A_1652 : vector<16xi1>, vector<16xi32>
    %min3A_1654 = arith.minsi %select_n3A_1632, %select_n3A_1639 : vector<16xi32>
    %min3A_1655 = arith.minsi %select_n3A_1646, %select_n3A_1653 : vector<16xi32>
    %min3A_1656 = arith.minsi %min3A_1654, %min3A_1655 : vector<16xi32>
    %iota3A_1657 = tpu.iota {dimensions = array<i32: 0>} : vector<16xi32>
    %add3A_1658 = arith.constant 8 : i32
    %add3A_1659 = vector.broadcast %add3A_1658 : i32 to vector<16xi32>
    %add3A_1660 = arith.addi %iota3A_1657, %add3A_1659 : vector<16xi32>
    %and3A_1661 = arith.constant 15 : i32
    %and3A_1662 = vector.broadcast %and3A_1661 : i32 to vector<16xi32>
    %and3A_1663 = arith.andi %add3A_1660, %and3A_1662 : vector<16xi32>
    %broadcast_in_dim3A_1664 = vector.shape_cast %and3A_1663 : vector<16xi32> to vector<16x1xi32>
    %gather3A_1665 = vector.shape_cast %broadcast_in_dim3A_1664 : vector<16x1xi32> to vector<16xi32>
    %gather3A_1666 = tpu.dynamic_gather %min3A_1656[%gather3A_1665] in [0] : vector<16xi32>, vector<16xi32> -> vector<16xi32>
    %min3A_1667 = arith.minsi %min3A_1656, %gather3A_1666 : vector<16xi32>
    %iota3A_1668 = tpu.iota {dimensions = array<i32: 0>} : vector<16xi32>
    %add3A_1669 = arith.constant 4 : i32
    %add3A_1670 = vector.broadcast %add3A_1669 : i32 to vector<16xi32>
    %add3A_1671 = arith.addi %iota3A_1668, %add3A_1670 : vector<16xi32>
    %and3A_1672 = arith.constant 15 : i32
    %and3A_1673 = vector.broadcast %and3A_1672 : i32 to vector<16xi32>
    %and3A_1674 = arith.andi %add3A_1671, %and3A_1673 : vector<16xi32>
    %broadcast_in_dim3A_1675 = vector.shape_cast %and3A_1674 : vector<16xi32> to vector<16x1xi32>
    %gather3A_1676 = vector.shape_cast %broadcast_in_dim3A_1675 : vector<16x1xi32> to vector<16xi32>
    %gather3A_1677 = tpu.dynamic_gather %min3A_1667[%gather3A_1676] in [0] : vector<16xi32>, vector<16xi32> -> vector<16xi32>
    %min3A_1678 = arith.minsi %min3A_1667, %gather3A_1677 : vector<16xi32>
    %iota3A_1679 = tpu.iota {dimensions = array<i32: 0>} : vector<16xi32>
    %add3A_1680 = arith.constant 2 : i32
    %add3A_1681 = vector.broadcast %add3A_1680 : i32 to vector<16xi32>
    %add3A_1682 = arith.addi %iota3A_1679, %add3A_1681 : vector<16xi32>
    %and3A_1683 = arith.constant 15 : i32
    %and3A_1684 = vector.broadcast %and3A_1683 : i32 to vector<16xi32>
    %and3A_1685 = arith.andi %add3A_1682, %and3A_1684 : vector<16xi32>
    %broadcast_in_dim3A_1686 = vector.shape_cast %and3A_1685 : vector<16xi32> to vector<16x1xi32>
    %gather3A_1687 = vector.shape_cast %broadcast_in_dim3A_1686 : vector<16x1xi32> to vector<16xi32>
    %gather3A_1688 = tpu.dynamic_gather %min3A_1678[%gather3A_1687] in [0] : vector<16xi32>, vector<16xi32> -> vector<16xi32>
    %min3A_1689 = arith.minsi %min3A_1678, %gather3A_1688 : vector<16xi32>
    %iota3A_1690 = tpu.iota {dimensions = array<i32: 0>} : vector<16xi32>
    %add3A_1691 = arith.constant 1 : i32
    %add3A_1692 = vector.broadcast %add3A_1691 : i32 to vector<16xi32>
    %add3A_1693 = arith.addi %iota3A_1690, %add3A_1692 : vector<16xi32>
    %and3A_1694 = arith.constant 15 : i32
    %and3A_1695 = vector.broadcast %and3A_1694 : i32 to vector<16xi32>
    %and3A_1696 = arith.andi %add3A_1693, %and3A_1695 : vector<16xi32>
    %broadcast_in_dim3A_1697 = vector.shape_cast %and3A_1696 : vector<16xi32> to vector<16x1xi32>
    %gather3A_1698 = vector.shape_cast %broadcast_in_dim3A_1697 : vector<16x1xi32> to vector<16xi32>
    %gather3A_1699 = tpu.dynamic_gather %min3A_1689[%gather3A_1698] in [0] : vector<16xi32>, vector<16xi32> -> vector<16xi32>
    %min3A_1700 = arith.minsi %min3A_1689, %gather3A_1699 : vector<16xi32>
    %add3A_1701 = arith.constant 0 : i32
    %add3A_1702 = vector.broadcast %add3A_1701 : i32 to vector<16xi32>
    %add3A_1703 = arith.addi %iota3A, %add3A_1702 : vector<16xi32>
    %eq3A_1704 = arith.cmpi eq, %add3A_1703, %min3A_1700 : vector<16xi32>
    %add3A_1705 = arith.addf %select_n3A_1548, %get3A_1393 : vector<16xf32>
    %select_n3A_1706 = arith.select %eq3A_1704, %add3A_1705, %select_n3A_1548 : vector<16xi1>, vector<16xf32>
    %broadcast_in_dim3A_1707 = arith.constant 0xFF800000 : f32
    %broadcast_in_dim3A_1708 = vector.broadcast %broadcast_in_dim3A_1707 : f32 to vector<16xf32>
    %select_n3A_1709 = arith.select %eq3A_1704, %broadcast_in_dim3A_1708, %select_n3A_1551 : vector<16xi1>, vector<16xf32>
    %add3A_1710 = arith.constant 16 : i32
    %add3A_1711 = vector.broadcast %add3A_1710 : i32 to vector<16xi32>
    %add3A_1712 = arith.addi %iota3A, %add3A_1711 : vector<16xi32>
    %eq3A_1713 = arith.cmpi eq, %add3A_1712, %min3A_1700 : vector<16xi32>
    %add3A_1714 = arith.addf %select_n3A_1557, %get3A_1398 : vector<16xf32>
    %select_n3A_1715 = arith.select %eq3A_1713, %add3A_1714, %select_n3A_1557 : vector<16xi1>, vector<16xf32>
    %broadcast_in_dim3A_1716 = arith.constant 0xFF800000 : f32
    %broadcast_in_dim3A_1717 = vector.broadcast %broadcast_in_dim3A_1716 : f32 to vector<16xf32>
    %select_n3A_1718 = arith.select %eq3A_1713, %broadcast_in_dim3A_1717, %select_n3A_1560 : vector<16xi1>, vector<16xf32>
    %add3A_1719 = arith.constant 32 : i32
    %add3A_1720 = vector.broadcast %add3A_1719 : i32 to vector<16xi32>
    %add3A_1721 = arith.addi %iota3A, %add3A_1720 : vector<16xi32>
    %eq3A_1722 = arith.cmpi eq, %add3A_1721, %min3A_1700 : vector<16xi32>
    %add3A_1723 = arith.addf %select_n3A_1566, %get3A_1403 : vector<16xf32>
    %select_n3A_1724 = arith.select %eq3A_1722, %add3A_1723, %select_n3A_1566 : vector<16xi1>, vector<16xf32>
    %broadcast_in_dim3A_1725 = arith.constant 0xFF800000 : f32
    %broadcast_in_dim3A_1726 = vector.broadcast %broadcast_in_dim3A_1725 : f32 to vector<16xf32>
    %select_n3A_1727 = arith.select %eq3A_1722, %broadcast_in_dim3A_1726, %select_n3A_1569 : vector<16xi1>, vector<16xf32>
    %add3A_1728 = arith.constant 48 : i32
    %add3A_1729 = vector.broadcast %add3A_1728 : i32 to vector<16xi32>
    %add3A_1730 = arith.addi %iota3A, %add3A_1729 : vector<16xi32>
    %eq3A_1731 = arith.cmpi eq, %add3A_1730, %min3A_1700 : vector<16xi32>
    %add3A_1732 = arith.addf %select_n3A_1575, %get3A_1408 : vector<16xf32>
    %select_n3A_1733 = arith.select %eq3A_1731, %add3A_1732, %select_n3A_1575 : vector<16xi1>, vector<16xf32>
    %broadcast_in_dim3A_1734 = arith.constant 0xFF800000 : f32
    %broadcast_in_dim3A_1735 = vector.broadcast %broadcast_in_dim3A_1734 : f32 to vector<16xf32>
    %select_n3A_1736 = arith.select %eq3A_1731, %broadcast_in_dim3A_1735, %select_n3A_1578 : vector<16xi1>, vector<16xf32>
    %max3A_1737 = arith.maximumf %select_n3A_1709, %select_n3A_1718 : vector<16xf32>
    %max3A_1738 = arith.maximumf %select_n3A_1727, %select_n3A_1736 : vector<16xf32>
    %max3A_1739 = arith.maximumf %max3A_1737, %max3A_1738 : vector<16xf32>
    %iota3A_1740 = tpu.iota {dimensions = array<i32: 0>} : vector<16xi32>
    %add3A_1741 = arith.constant 8 : i32
    %add3A_1742 = vector.broadcast %add3A_1741 : i32 to vector<16xi32>
    %add3A_1743 = arith.addi %iota3A_1740, %add3A_1742 : vector<16xi32>
    %and3A_1744 = arith.constant 15 : i32
    %and3A_1745 = vector.broadcast %and3A_1744 : i32 to vector<16xi32>
    %and3A_1746 = arith.andi %add3A_1743, %and3A_1745 : vector<16xi32>
    %broadcast_in_dim3A_1747 = vector.shape_cast %and3A_1746 : vector<16xi32> to vector<16x1xi32>
    %gather3A_1748 = vector.shape_cast %broadcast_in_dim3A_1747 : vector<16x1xi32> to vector<16xi32>
    %gather3A_1749 = tpu.dynamic_gather %max3A_1739[%gather3A_1748] in [0] : vector<16xf32>, vector<16xi32> -> vector<16xf32>
    %max3A_1750 = arith.maximumf %max3A_1739, %gather3A_1749 : vector<16xf32>
    %iota3A_1751 = tpu.iota {dimensions = array<i32: 0>} : vector<16xi32>
    %add3A_1752 = arith.constant 4 : i32
    %add3A_1753 = vector.broadcast %add3A_1752 : i32 to vector<16xi32>
    %add3A_1754 = arith.addi %iota3A_1751, %add3A_1753 : vector<16xi32>
    %and3A_1755 = arith.constant 15 : i32
    %and3A_1756 = vector.broadcast %and3A_1755 : i32 to vector<16xi32>
    %and3A_1757 = arith.andi %add3A_1754, %and3A_1756 : vector<16xi32>
    %broadcast_in_dim3A_1758 = vector.shape_cast %and3A_1757 : vector<16xi32> to vector<16x1xi32>
    %gather3A_1759 = vector.shape_cast %broadcast_in_dim3A_1758 : vector<16x1xi32> to vector<16xi32>
    %gather3A_1760 = tpu.dynamic_gather %max3A_1750[%gather3A_1759] in [0] : vector<16xf32>, vector<16xi32> -> vector<16xf32>
    %max3A_1761 = arith.maximumf %max3A_1750, %gather3A_1760 : vector<16xf32>
    %iota3A_1762 = tpu.iota {dimensions = array<i32: 0>} : vector<16xi32>
    %add3A_1763 = arith.constant 2 : i32
    %add3A_1764 = vector.broadcast %add3A_1763 : i32 to vector<16xi32>
    %add3A_1765 = arith.addi %iota3A_1762, %add3A_1764 : vector<16xi32>
    %and3A_1766 = arith.constant 15 : i32
    %and3A_1767 = vector.broadcast %and3A_1766 : i32 to vector<16xi32>
    %and3A_1768 = arith.andi %add3A_1765, %and3A_1767 : vector<16xi32>
    %broadcast_in_dim3A_1769 = vector.shape_cast %and3A_1768 : vector<16xi32> to vector<16x1xi32>
    %gather3A_1770 = vector.shape_cast %broadcast_in_dim3A_1769 : vector<16x1xi32> to vector<16xi32>
    %gather3A_1771 = tpu.dynamic_gather %max3A_1761[%gather3A_1770] in [0] : vector<16xf32>, vector<16xi32> -> vector<16xf32>
    %max3A_1772 = arith.maximumf %max3A_1761, %gather3A_1771 : vector<16xf32>
    %iota3A_1773 = tpu.iota {dimensions = array<i32: 0>} : vector<16xi32>
    %add3A_1774 = arith.constant 1 : i32
    %add3A_1775 = vector.broadcast %add3A_1774 : i32 to vector<16xi32>
    %add3A_1776 = arith.addi %iota3A_1773, %add3A_1775 : vector<16xi32>
    %and3A_1777 = arith.constant 15 : i32
    %and3A_1778 = vector.broadcast %and3A_1777 : i32 to vector<16xi32>
    %and3A_1779 = arith.andi %add3A_1776, %and3A_1778 : vector<16xi32>
    %broadcast_in_dim3A_1780 = vector.shape_cast %and3A_1779 : vector<16xi32> to vector<16x1xi32>
    %gather3A_1781 = vector.shape_cast %broadcast_in_dim3A_1780 : vector<16x1xi32> to vector<16xi32>
    %gather3A_1782 = tpu.dynamic_gather %max3A_1772[%gather3A_1781] in [0] : vector<16xf32>, vector<16xi32> -> vector<16xf32>
    %max3A_1783 = arith.maximumf %max3A_1772, %gather3A_1782 : vector<16xf32>
    %eq3A_1784 = arith.cmpf oeq, %select_n3A_1709, %max3A_1783 : vector<16xf32>
    %add3A_1785 = arith.constant 0 : i32
    %add3A_1786 = vector.broadcast %add3A_1785 : i32 to vector<16xi32>
    %add3A_1787 = arith.addi %iota3A, %add3A_1786 : vector<16xi32>
    %jit3A_1788 = arith.constant 64 : i32
    %broadcast_in_dim3A_1789 = vector.broadcast %jit3A_1788 : i32 to vector<16xi32>
    %select_n3A_1790 = arith.select %eq3A_1784, %add3A_1787, %broadcast_in_dim3A_1789 : vector<16xi1>, vector<16xi32>
    %eq3A_1791 = arith.cmpf oeq, %select_n3A_1718, %max3A_1783 : vector<16xf32>
    %add3A_1792 = arith.constant 16 : i32
    %add3A_1793 = vector.broadcast %add3A_1792 : i32 to vector<16xi32>
    %add3A_1794 = arith.addi %iota3A, %add3A_1793 : vector<16xi32>
    %jit3A_1795 = arith.constant 64 : i32
    %broadcast_in_dim3A_1796 = vector.broadcast %jit3A_1795 : i32 to vector<16xi32>
    %select_n3A_1797 = arith.select %eq3A_1791, %add3A_1794, %broadcast_in_dim3A_1796 : vector<16xi1>, vector<16xi32>
    %eq3A_1798 = arith.cmpf oeq, %select_n3A_1727, %max3A_1783 : vector<16xf32>
    %add3A_1799 = arith.constant 32 : i32
    %add3A_1800 = vector.broadcast %add3A_1799 : i32 to vector<16xi32>
    %add3A_1801 = arith.addi %iota3A, %add3A_1800 : vector<16xi32>
    %jit3A_1802 = arith.constant 64 : i32
    %broadcast_in_dim3A_1803 = vector.broadcast %jit3A_1802 : i32 to vector<16xi32>
    %select_n3A_1804 = arith.select %eq3A_1798, %add3A_1801, %broadcast_in_dim3A_1803 : vector<16xi1>, vector<16xi32>
    %eq3A_1805 = arith.cmpf oeq, %select_n3A_1736, %max3A_1783 : vector<16xf32>
    %add3A_1806 = arith.constant 48 : i32
    %add3A_1807 = vector.broadcast %add3A_1806 : i32 to vector<16xi32>
    %add3A_1808 = arith.addi %iota3A, %add3A_1807 : vector<16xi32>
    %jit3A_1809 = arith.constant 64 : i32
    %broadcast_in_dim3A_1810 = vector.broadcast %jit3A_1809 : i32 to vector<16xi32>
    %select_n3A_1811 = arith.select %eq3A_1805, %add3A_1808, %broadcast_in_dim3A_1810 : vector<16xi1>, vector<16xi32>
    %min3A_1812 = arith.minsi %select_n3A_1790, %select_n3A_1797 : vector<16xi32>
    %min3A_1813 = arith.minsi %select_n3A_1804, %select_n3A_1811 : vector<16xi32>
    %min3A_1814 = arith.minsi %min3A_1812, %min3A_1813 : vector<16xi32>
    %iota3A_1815 = tpu.iota {dimensions = array<i32: 0>} : vector<16xi32>
    %add3A_1816 = arith.constant 8 : i32
    %add3A_1817 = vector.broadcast %add3A_1816 : i32 to vector<16xi32>
    %add3A_1818 = arith.addi %iota3A_1815, %add3A_1817 : vector<16xi32>
    %and3A_1819 = arith.constant 15 : i32
    %and3A_1820 = vector.broadcast %and3A_1819 : i32 to vector<16xi32>
    %and3A_1821 = arith.andi %add3A_1818, %and3A_1820 : vector<16xi32>
    %broadcast_in_dim3A_1822 = vector.shape_cast %and3A_1821 : vector<16xi32> to vector<16x1xi32>
    %gather3A_1823 = vector.shape_cast %broadcast_in_dim3A_1822 : vector<16x1xi32> to vector<16xi32>
    %gather3A_1824 = tpu.dynamic_gather %min3A_1814[%gather3A_1823] in [0] : vector<16xi32>, vector<16xi32> -> vector<16xi32>
    %min3A_1825 = arith.minsi %min3A_1814, %gather3A_1824 : vector<16xi32>
    %iota3A_1826 = tpu.iota {dimensions = array<i32: 0>} : vector<16xi32>
    %add3A_1827 = arith.constant 4 : i32
    %add3A_1828 = vector.broadcast %add3A_1827 : i32 to vector<16xi32>
    %add3A_1829 = arith.addi %iota3A_1826, %add3A_1828 : vector<16xi32>
    %and3A_1830 = arith.constant 15 : i32
    %and3A_1831 = vector.broadcast %and3A_1830 : i32 to vector<16xi32>
    %and3A_1832 = arith.andi %add3A_1829, %and3A_1831 : vector<16xi32>
    %broadcast_in_dim3A_1833 = vector.shape_cast %and3A_1832 : vector<16xi32> to vector<16x1xi32>
    %gather3A_1834 = vector.shape_cast %broadcast_in_dim3A_1833 : vector<16x1xi32> to vector<16xi32>
    %gather3A_1835 = tpu.dynamic_gather %min3A_1825[%gather3A_1834] in [0] : vector<16xi32>, vector<16xi32> -> vector<16xi32>
    %min3A_1836 = arith.minsi %min3A_1825, %gather3A_1835 : vector<16xi32>
    %iota3A_1837 = tpu.iota {dimensions = array<i32: 0>} : vector<16xi32>
    %add3A_1838 = arith.constant 2 : i32
    %add3A_1839 = vector.broadcast %add3A_1838 : i32 to vector<16xi32>
    %add3A_1840 = arith.addi %iota3A_1837, %add3A_1839 : vector<16xi32>
    %and3A_1841 = arith.constant 15 : i32
    %and3A_1842 = vector.broadcast %and3A_1841 : i32 to vector<16xi32>
    %and3A_1843 = arith.andi %add3A_1840, %and3A_1842 : vector<16xi32>
    %broadcast_in_dim3A_1844 = vector.shape_cast %and3A_1843 : vector<16xi32> to vector<16x1xi32>
    %gather3A_1845 = vector.shape_cast %broadcast_in_dim3A_1844 : vector<16x1xi32> to vector<16xi32>
    %gather3A_1846 = tpu.dynamic_gather %min3A_1836[%gather3A_1845] in [0] : vector<16xi32>, vector<16xi32> -> vector<16xi32>
    %min3A_1847 = arith.minsi %min3A_1836, %gather3A_1846 : vector<16xi32>
    %iota3A_1848 = tpu.iota {dimensions = array<i32: 0>} : vector<16xi32>
    %add3A_1849 = arith.constant 1 : i32
    %add3A_1850 = vector.broadcast %add3A_1849 : i32 to vector<16xi32>
    %add3A_1851 = arith.addi %iota3A_1848, %add3A_1850 : vector<16xi32>
    %and3A_1852 = arith.constant 15 : i32
    %and3A_1853 = vector.broadcast %and3A_1852 : i32 to vector<16xi32>
    %and3A_1854 = arith.andi %add3A_1851, %and3A_1853 : vector<16xi32>
    %broadcast_in_dim3A_1855 = vector.shape_cast %and3A_1854 : vector<16xi32> to vector<16x1xi32>
    %gather3A_1856 = vector.shape_cast %broadcast_in_dim3A_1855 : vector<16x1xi32> to vector<16xi32>
    %gather3A_1857 = tpu.dynamic_gather %min3A_1847[%gather3A_1856] in [0] : vector<16xi32>, vector<16xi32> -> vector<16xi32>
    %min3A_1858 = arith.minsi %min3A_1847, %gather3A_1857 : vector<16xi32>
    %add3A_1859 = arith.constant 0 : i32
    %add3A_1860 = vector.broadcast %add3A_1859 : i32 to vector<16xi32>
    %add3A_1861 = arith.addi %iota3A, %add3A_1860 : vector<16xi32>
    %eq3A_1862 = arith.cmpi eq, %add3A_1861, %min3A_1858 : vector<16xi32>
    %add3A_1863 = arith.addf %select_n3A_1706, %get3A_1393 : vector<16xf32>
    %select_n3A_1864 = arith.select %eq3A_1862, %add3A_1863, %select_n3A_1706 : vector<16xi1>, vector<16xf32>
    %broadcast_in_dim3A_1865 = arith.constant 0xFF800000 : f32
    %broadcast_in_dim3A_1866 = vector.broadcast %broadcast_in_dim3A_1865 : f32 to vector<16xf32>
    %select_n3A_1867 = arith.select %eq3A_1862, %broadcast_in_dim3A_1866, %select_n3A_1709 : vector<16xi1>, vector<16xf32>
    %add3A_1868 = arith.constant 16 : i32
    %add3A_1869 = vector.broadcast %add3A_1868 : i32 to vector<16xi32>
    %add3A_1870 = arith.addi %iota3A, %add3A_1869 : vector<16xi32>
    %eq3A_1871 = arith.cmpi eq, %add3A_1870, %min3A_1858 : vector<16xi32>
    %add3A_1872 = arith.addf %select_n3A_1715, %get3A_1398 : vector<16xf32>
    %select_n3A_1873 = arith.select %eq3A_1871, %add3A_1872, %select_n3A_1715 : vector<16xi1>, vector<16xf32>
    %broadcast_in_dim3A_1874 = arith.constant 0xFF800000 : f32
    %broadcast_in_dim3A_1875 = vector.broadcast %broadcast_in_dim3A_1874 : f32 to vector<16xf32>
    %select_n3A_1876 = arith.select %eq3A_1871, %broadcast_in_dim3A_1875, %select_n3A_1718 : vector<16xi1>, vector<16xf32>
    %add3A_1877 = arith.constant 32 : i32
    %add3A_1878 = vector.broadcast %add3A_1877 : i32 to vector<16xi32>
    %add3A_1879 = arith.addi %iota3A, %add3A_1878 : vector<16xi32>
    %eq3A_1880 = arith.cmpi eq, %add3A_1879, %min3A_1858 : vector<16xi32>
    %add3A_1881 = arith.addf %select_n3A_1724, %get3A_1403 : vector<16xf32>
    %select_n3A_1882 = arith.select %eq3A_1880, %add3A_1881, %select_n3A_1724 : vector<16xi1>, vector<16xf32>
    %broadcast_in_dim3A_1883 = arith.constant 0xFF800000 : f32
    %broadcast_in_dim3A_1884 = vector.broadcast %broadcast_in_dim3A_1883 : f32 to vector<16xf32>
    %select_n3A_1885 = arith.select %eq3A_1880, %broadcast_in_dim3A_1884, %select_n3A_1727 : vector<16xi1>, vector<16xf32>
    %add3A_1886 = arith.constant 48 : i32
    %add3A_1887 = vector.broadcast %add3A_1886 : i32 to vector<16xi32>
    %add3A_1888 = arith.addi %iota3A, %add3A_1887 : vector<16xi32>
    %eq3A_1889 = arith.cmpi eq, %add3A_1888, %min3A_1858 : vector<16xi32>
    %add3A_1890 = arith.addf %select_n3A_1733, %get3A_1408 : vector<16xf32>
    %select_n3A_1891 = arith.select %eq3A_1889, %add3A_1890, %select_n3A_1733 : vector<16xi1>, vector<16xf32>
    %broadcast_in_dim3A_1892 = arith.constant 0xFF800000 : f32
    %broadcast_in_dim3A_1893 = vector.broadcast %broadcast_in_dim3A_1892 : f32 to vector<16xf32>
    %select_n3A_1894 = arith.select %eq3A_1889, %broadcast_in_dim3A_1893, %select_n3A_1736 : vector<16xi1>, vector<16xf32>
    %max3A_1895 = arith.maximumf %select_n3A_1867, %select_n3A_1876 : vector<16xf32>
    %max3A_1896 = arith.maximumf %select_n3A_1885, %select_n3A_1894 : vector<16xf32>
    %max3A_1897 = arith.maximumf %max3A_1895, %max3A_1896 : vector<16xf32>
    %iota3A_1898 = tpu.iota {dimensions = array<i32: 0>} : vector<16xi32>
    %add3A_1899 = arith.constant 8 : i32
    %add3A_1900 = vector.broadcast %add3A_1899 : i32 to vector<16xi32>
    %add3A_1901 = arith.addi %iota3A_1898, %add3A_1900 : vector<16xi32>
    %and3A_1902 = arith.constant 15 : i32
    %and3A_1903 = vector.broadcast %and3A_1902 : i32 to vector<16xi32>
    %and3A_1904 = arith.andi %add3A_1901, %and3A_1903 : vector<16xi32>
    %broadcast_in_dim3A_1905 = vector.shape_cast %and3A_1904 : vector<16xi32> to vector<16x1xi32>
    %gather3A_1906 = vector.shape_cast %broadcast_in_dim3A_1905 : vector<16x1xi32> to vector<16xi32>
    %gather3A_1907 = tpu.dynamic_gather %max3A_1897[%gather3A_1906] in [0] : vector<16xf32>, vector<16xi32> -> vector<16xf32>
    %max3A_1908 = arith.maximumf %max3A_1897, %gather3A_1907 : vector<16xf32>
    %iota3A_1909 = tpu.iota {dimensions = array<i32: 0>} : vector<16xi32>
    %add3A_1910 = arith.constant 4 : i32
    %add3A_1911 = vector.broadcast %add3A_1910 : i32 to vector<16xi32>
    %add3A_1912 = arith.addi %iota3A_1909, %add3A_1911 : vector<16xi32>
    %and3A_1913 = arith.constant 15 : i32
    %and3A_1914 = vector.broadcast %and3A_1913 : i32 to vector<16xi32>
    %and3A_1915 = arith.andi %add3A_1912, %and3A_1914 : vector<16xi32>
    %broadcast_in_dim3A_1916 = vector.shape_cast %and3A_1915 : vector<16xi32> to vector<16x1xi32>
    %gather3A_1917 = vector.shape_cast %broadcast_in_dim3A_1916 : vector<16x1xi32> to vector<16xi32>
    %gather3A_1918 = tpu.dynamic_gather %max3A_1908[%gather3A_1917] in [0] : vector<16xf32>, vector<16xi32> -> vector<16xf32>
    %max3A_1919 = arith.maximumf %max3A_1908, %gather3A_1918 : vector<16xf32>
    %iota3A_1920 = tpu.iota {dimensions = array<i32: 0>} : vector<16xi32>
    %add3A_1921 = arith.constant 2 : i32
    %add3A_1922 = vector.broadcast %add3A_1921 : i32 to vector<16xi32>
    %add3A_1923 = arith.addi %iota3A_1920, %add3A_1922 : vector<16xi32>
    %and3A_1924 = arith.constant 15 : i32
    %and3A_1925 = vector.broadcast %and3A_1924 : i32 to vector<16xi32>
    %and3A_1926 = arith.andi %add3A_1923, %and3A_1925 : vector<16xi32>
    %broadcast_in_dim3A_1927 = vector.shape_cast %and3A_1926 : vector<16xi32> to vector<16x1xi32>
    %gather3A_1928 = vector.shape_cast %broadcast_in_dim3A_1927 : vector<16x1xi32> to vector<16xi32>
    %gather3A_1929 = tpu.dynamic_gather %max3A_1919[%gather3A_1928] in [0] : vector<16xf32>, vector<16xi32> -> vector<16xf32>
    %max3A_1930 = arith.maximumf %max3A_1919, %gather3A_1929 : vector<16xf32>
    %iota3A_1931 = tpu.iota {dimensions = array<i32: 0>} : vector<16xi32>
    %add3A_1932 = arith.constant 1 : i32
    %add3A_1933 = vector.broadcast %add3A_1932 : i32 to vector<16xi32>
    %add3A_1934 = arith.addi %iota3A_1931, %add3A_1933 : vector<16xi32>
    %and3A_1935 = arith.constant 15 : i32
    %and3A_1936 = vector.broadcast %and3A_1935 : i32 to vector<16xi32>
    %and3A_1937 = arith.andi %add3A_1934, %and3A_1936 : vector<16xi32>
    %broadcast_in_dim3A_1938 = vector.shape_cast %and3A_1937 : vector<16xi32> to vector<16x1xi32>
    %gather3A_1939 = vector.shape_cast %broadcast_in_dim3A_1938 : vector<16x1xi32> to vector<16xi32>
    %gather3A_1940 = tpu.dynamic_gather %max3A_1930[%gather3A_1939] in [0] : vector<16xf32>, vector<16xi32> -> vector<16xf32>
    %max3A_1941 = arith.maximumf %max3A_1930, %gather3A_1940 : vector<16xf32>
    %eq3A_1942 = arith.cmpf oeq, %select_n3A_1867, %max3A_1941 : vector<16xf32>
    %add3A_1943 = arith.constant 0 : i32
    %add3A_1944 = vector.broadcast %add3A_1943 : i32 to vector<16xi32>
    %add3A_1945 = arith.addi %iota3A, %add3A_1944 : vector<16xi32>
    %jit3A_1946 = arith.constant 64 : i32
    %broadcast_in_dim3A_1947 = vector.broadcast %jit3A_1946 : i32 to vector<16xi32>
    %select_n3A_1948 = arith.select %eq3A_1942, %add3A_1945, %broadcast_in_dim3A_1947 : vector<16xi1>, vector<16xi32>
    %eq3A_1949 = arith.cmpf oeq, %select_n3A_1876, %max3A_1941 : vector<16xf32>
    %add3A_1950 = arith.constant 16 : i32
    %add3A_1951 = vector.broadcast %add3A_1950 : i32 to vector<16xi32>
    %add3A_1952 = arith.addi %iota3A, %add3A_1951 : vector<16xi32>
    %jit3A_1953 = arith.constant 64 : i32
    %broadcast_in_dim3A_1954 = vector.broadcast %jit3A_1953 : i32 to vector<16xi32>
    %select_n3A_1955 = arith.select %eq3A_1949, %add3A_1952, %broadcast_in_dim3A_1954 : vector<16xi1>, vector<16xi32>
    %eq3A_1956 = arith.cmpf oeq, %select_n3A_1885, %max3A_1941 : vector<16xf32>
    %add3A_1957 = arith.constant 32 : i32
    %add3A_1958 = vector.broadcast %add3A_1957 : i32 to vector<16xi32>
    %add3A_1959 = arith.addi %iota3A, %add3A_1958 : vector<16xi32>
    %jit3A_1960 = arith.constant 64 : i32
    %broadcast_in_dim3A_1961 = vector.broadcast %jit3A_1960 : i32 to vector<16xi32>
    %select_n3A_1962 = arith.select %eq3A_1956, %add3A_1959, %broadcast_in_dim3A_1961 : vector<16xi1>, vector<16xi32>
    %eq3A_1963 = arith.cmpf oeq, %select_n3A_1894, %max3A_1941 : vector<16xf32>
    %add3A_1964 = arith.constant 48 : i32
    %add3A_1965 = vector.broadcast %add3A_1964 : i32 to vector<16xi32>
    %add3A_1966 = arith.addi %iota3A, %add3A_1965 : vector<16xi32>
    %jit3A_1967 = arith.constant 64 : i32
    %broadcast_in_dim3A_1968 = vector.broadcast %jit3A_1967 : i32 to vector<16xi32>
    %select_n3A_1969 = arith.select %eq3A_1963, %add3A_1966, %broadcast_in_dim3A_1968 : vector<16xi1>, vector<16xi32>
    %min3A_1970 = arith.minsi %select_n3A_1948, %select_n3A_1955 : vector<16xi32>
    %min3A_1971 = arith.minsi %select_n3A_1962, %select_n3A_1969 : vector<16xi32>
    %min3A_1972 = arith.minsi %min3A_1970, %min3A_1971 : vector<16xi32>
    %iota3A_1973 = tpu.iota {dimensions = array<i32: 0>} : vector<16xi32>
    %add3A_1974 = arith.constant 8 : i32
    %add3A_1975 = vector.broadcast %add3A_1974 : i32 to vector<16xi32>
    %add3A_1976 = arith.addi %iota3A_1973, %add3A_1975 : vector<16xi32>
    %and3A_1977 = arith.constant 15 : i32
    %and3A_1978 = vector.broadcast %and3A_1977 : i32 to vector<16xi32>
    %and3A_1979 = arith.andi %add3A_1976, %and3A_1978 : vector<16xi32>
    %broadcast_in_dim3A_1980 = vector.shape_cast %and3A_1979 : vector<16xi32> to vector<16x1xi32>
    %gather3A_1981 = vector.shape_cast %broadcast_in_dim3A_1980 : vector<16x1xi32> to vector<16xi32>
    %gather3A_1982 = tpu.dynamic_gather %min3A_1972[%gather3A_1981] in [0] : vector<16xi32>, vector<16xi32> -> vector<16xi32>
    %min3A_1983 = arith.minsi %min3A_1972, %gather3A_1982 : vector<16xi32>
    %iota3A_1984 = tpu.iota {dimensions = array<i32: 0>} : vector<16xi32>
    %add3A_1985 = arith.constant 4 : i32
    %add3A_1986 = vector.broadcast %add3A_1985 : i32 to vector<16xi32>
    %add3A_1987 = arith.addi %iota3A_1984, %add3A_1986 : vector<16xi32>
    %and3A_1988 = arith.constant 15 : i32
    %and3A_1989 = vector.broadcast %and3A_1988 : i32 to vector<16xi32>
    %and3A_1990 = arith.andi %add3A_1987, %and3A_1989 : vector<16xi32>
    %broadcast_in_dim3A_1991 = vector.shape_cast %and3A_1990 : vector<16xi32> to vector<16x1xi32>
    %gather3A_1992 = vector.shape_cast %broadcast_in_dim3A_1991 : vector<16x1xi32> to vector<16xi32>
    %gather3A_1993 = tpu.dynamic_gather %min3A_1983[%gather3A_1992] in [0] : vector<16xi32>, vector<16xi32> -> vector<16xi32>
    %min3A_1994 = arith.minsi %min3A_1983, %gather3A_1993 : vector<16xi32>
    %iota3A_1995 = tpu.iota {dimensions = array<i32: 0>} : vector<16xi32>
    %add3A_1996 = arith.constant 2 : i32
    %add3A_1997 = vector.broadcast %add3A_1996 : i32 to vector<16xi32>
    %add3A_1998 = arith.addi %iota3A_1995, %add3A_1997 : vector<16xi32>
    %and3A_1999 = arith.constant 15 : i32
    %and3A_2000 = vector.broadcast %and3A_1999 : i32 to vector<16xi32>
    %and3A_2001 = arith.andi %add3A_1998, %and3A_2000 : vector<16xi32>
    %broadcast_in_dim3A_2002 = vector.shape_cast %and3A_2001 : vector<16xi32> to vector<16x1xi32>
    %gather3A_2003 = vector.shape_cast %broadcast_in_dim3A_2002 : vector<16x1xi32> to vector<16xi32>
    %gather3A_2004 = tpu.dynamic_gather %min3A_1994[%gather3A_2003] in [0] : vector<16xi32>, vector<16xi32> -> vector<16xi32>
    %min3A_2005 = arith.minsi %min3A_1994, %gather3A_2004 : vector<16xi32>
    %iota3A_2006 = tpu.iota {dimensions = array<i32: 0>} : vector<16xi32>
    %add3A_2007 = arith.constant 1 : i32
    %add3A_2008 = vector.broadcast %add3A_2007 : i32 to vector<16xi32>
    %add3A_2009 = arith.addi %iota3A_2006, %add3A_2008 : vector<16xi32>
    %and3A_2010 = arith.constant 15 : i32
    %and3A_2011 = vector.broadcast %and3A_2010 : i32 to vector<16xi32>
    %and3A_2012 = arith.andi %add3A_2009, %and3A_2011 : vector<16xi32>
    %broadcast_in_dim3A_2013 = vector.shape_cast %and3A_2012 : vector<16xi32> to vector<16x1xi32>
    %gather3A_2014 = vector.shape_cast %broadcast_in_dim3A_2013 : vector<16x1xi32> to vector<16xi32>
    %gather3A_2015 = tpu.dynamic_gather %min3A_2005[%gather3A_2014] in [0] : vector<16xi32>, vector<16xi32> -> vector<16xi32>
    %min3A_2016 = arith.minsi %min3A_2005, %gather3A_2015 : vector<16xi32>
    %add3A_2017 = arith.constant 0 : i32
    %add3A_2018 = vector.broadcast %add3A_2017 : i32 to vector<16xi32>
    %add3A_2019 = arith.addi %iota3A, %add3A_2018 : vector<16xi32>
    %eq3A_2020 = arith.cmpi eq, %add3A_2019, %min3A_2016 : vector<16xi32>
    %add3A_2021 = arith.addf %select_n3A_1864, %get3A_1393 : vector<16xf32>
    %select_n3A_2022 = arith.select %eq3A_2020, %add3A_2021, %select_n3A_1864 : vector<16xi1>, vector<16xf32>
    %broadcast_in_dim3A_2023 = arith.constant 0xFF800000 : f32
    %broadcast_in_dim3A_2024 = vector.broadcast %broadcast_in_dim3A_2023 : f32 to vector<16xf32>
    %select_n3A_2025 = arith.select %eq3A_2020, %broadcast_in_dim3A_2024, %select_n3A_1867 : vector<16xi1>, vector<16xf32>
    %add3A_2026 = arith.constant 16 : i32
    %add3A_2027 = vector.broadcast %add3A_2026 : i32 to vector<16xi32>
    %add3A_2028 = arith.addi %iota3A, %add3A_2027 : vector<16xi32>
    %eq3A_2029 = arith.cmpi eq, %add3A_2028, %min3A_2016 : vector<16xi32>
    %add3A_2030 = arith.addf %select_n3A_1873, %get3A_1398 : vector<16xf32>
    %select_n3A_2031 = arith.select %eq3A_2029, %add3A_2030, %select_n3A_1873 : vector<16xi1>, vector<16xf32>
    %broadcast_in_dim3A_2032 = arith.constant 0xFF800000 : f32
    %broadcast_in_dim3A_2033 = vector.broadcast %broadcast_in_dim3A_2032 : f32 to vector<16xf32>
    %select_n3A_2034 = arith.select %eq3A_2029, %broadcast_in_dim3A_2033, %select_n3A_1876 : vector<16xi1>, vector<16xf32>
    %add3A_2035 = arith.constant 32 : i32
    %add3A_2036 = vector.broadcast %add3A_2035 : i32 to vector<16xi32>
    %add3A_2037 = arith.addi %iota3A, %add3A_2036 : vector<16xi32>
    %eq3A_2038 = arith.cmpi eq, %add3A_2037, %min3A_2016 : vector<16xi32>
    %add3A_2039 = arith.addf %select_n3A_1882, %get3A_1403 : vector<16xf32>
    %select_n3A_2040 = arith.select %eq3A_2038, %add3A_2039, %select_n3A_1882 : vector<16xi1>, vector<16xf32>
    %broadcast_in_dim3A_2041 = arith.constant 0xFF800000 : f32
    %broadcast_in_dim3A_2042 = vector.broadcast %broadcast_in_dim3A_2041 : f32 to vector<16xf32>
    %select_n3A_2043 = arith.select %eq3A_2038, %broadcast_in_dim3A_2042, %select_n3A_1885 : vector<16xi1>, vector<16xf32>
    %add3A_2044 = arith.constant 48 : i32
    %add3A_2045 = vector.broadcast %add3A_2044 : i32 to vector<16xi32>
    %add3A_2046 = arith.addi %iota3A, %add3A_2045 : vector<16xi32>
    %eq3A_2047 = arith.cmpi eq, %add3A_2046, %min3A_2016 : vector<16xi32>
    %add3A_2048 = arith.addf %select_n3A_1891, %get3A_1408 : vector<16xf32>
    %select_n3A_2049 = arith.select %eq3A_2047, %add3A_2048, %select_n3A_1891 : vector<16xi1>, vector<16xf32>
    %broadcast_in_dim3A_2050 = arith.constant 0xFF800000 : f32
    %broadcast_in_dim3A_2051 = vector.broadcast %broadcast_in_dim3A_2050 : f32 to vector<16xf32>
    %select_n3A_2052 = arith.select %eq3A_2047, %broadcast_in_dim3A_2051, %select_n3A_1894 : vector<16xi1>, vector<16xf32>
    %max3A_2053 = arith.maximumf %select_n3A_2025, %select_n3A_2034 : vector<16xf32>
    %max3A_2054 = arith.maximumf %select_n3A_2043, %select_n3A_2052 : vector<16xf32>
    %max3A_2055 = arith.maximumf %max3A_2053, %max3A_2054 : vector<16xf32>
    %iota3A_2056 = tpu.iota {dimensions = array<i32: 0>} : vector<16xi32>
    %add3A_2057 = arith.constant 8 : i32
    %add3A_2058 = vector.broadcast %add3A_2057 : i32 to vector<16xi32>
    %add3A_2059 = arith.addi %iota3A_2056, %add3A_2058 : vector<16xi32>
    %and3A_2060 = arith.constant 15 : i32
    %and3A_2061 = vector.broadcast %and3A_2060 : i32 to vector<16xi32>
    %and3A_2062 = arith.andi %add3A_2059, %and3A_2061 : vector<16xi32>
    %broadcast_in_dim3A_2063 = vector.shape_cast %and3A_2062 : vector<16xi32> to vector<16x1xi32>
    %gather3A_2064 = vector.shape_cast %broadcast_in_dim3A_2063 : vector<16x1xi32> to vector<16xi32>
    %gather3A_2065 = tpu.dynamic_gather %max3A_2055[%gather3A_2064] in [0] : vector<16xf32>, vector<16xi32> -> vector<16xf32>
    %max3A_2066 = arith.maximumf %max3A_2055, %gather3A_2065 : vector<16xf32>
    %iota3A_2067 = tpu.iota {dimensions = array<i32: 0>} : vector<16xi32>
    %add3A_2068 = arith.constant 4 : i32
    %add3A_2069 = vector.broadcast %add3A_2068 : i32 to vector<16xi32>
    %add3A_2070 = arith.addi %iota3A_2067, %add3A_2069 : vector<16xi32>
    %and3A_2071 = arith.constant 15 : i32
    %and3A_2072 = vector.broadcast %and3A_2071 : i32 to vector<16xi32>
    %and3A_2073 = arith.andi %add3A_2070, %and3A_2072 : vector<16xi32>
    %broadcast_in_dim3A_2074 = vector.shape_cast %and3A_2073 : vector<16xi32> to vector<16x1xi32>
    %gather3A_2075 = vector.shape_cast %broadcast_in_dim3A_2074 : vector<16x1xi32> to vector<16xi32>
    %gather3A_2076 = tpu.dynamic_gather %max3A_2066[%gather3A_2075] in [0] : vector<16xf32>, vector<16xi32> -> vector<16xf32>
    %max3A_2077 = arith.maximumf %max3A_2066, %gather3A_2076 : vector<16xf32>
    %iota3A_2078 = tpu.iota {dimensions = array<i32: 0>} : vector<16xi32>
    %add3A_2079 = arith.constant 2 : i32
    %add3A_2080 = vector.broadcast %add3A_2079 : i32 to vector<16xi32>
    %add3A_2081 = arith.addi %iota3A_2078, %add3A_2080 : vector<16xi32>
    %and3A_2082 = arith.constant 15 : i32
    %and3A_2083 = vector.broadcast %and3A_2082 : i32 to vector<16xi32>
    %and3A_2084 = arith.andi %add3A_2081, %and3A_2083 : vector<16xi32>
    %broadcast_in_dim3A_2085 = vector.shape_cast %and3A_2084 : vector<16xi32> to vector<16x1xi32>
    %gather3A_2086 = vector.shape_cast %broadcast_in_dim3A_2085 : vector<16x1xi32> to vector<16xi32>
    %gather3A_2087 = tpu.dynamic_gather %max3A_2077[%gather3A_2086] in [0] : vector<16xf32>, vector<16xi32> -> vector<16xf32>
    %max3A_2088 = arith.maximumf %max3A_2077, %gather3A_2087 : vector<16xf32>
    %iota3A_2089 = tpu.iota {dimensions = array<i32: 0>} : vector<16xi32>
    %add3A_2090 = arith.constant 1 : i32
    %add3A_2091 = vector.broadcast %add3A_2090 : i32 to vector<16xi32>
    %add3A_2092 = arith.addi %iota3A_2089, %add3A_2091 : vector<16xi32>
    %and3A_2093 = arith.constant 15 : i32
    %and3A_2094 = vector.broadcast %and3A_2093 : i32 to vector<16xi32>
    %and3A_2095 = arith.andi %add3A_2092, %and3A_2094 : vector<16xi32>
    %broadcast_in_dim3A_2096 = vector.shape_cast %and3A_2095 : vector<16xi32> to vector<16x1xi32>
    %gather3A_2097 = vector.shape_cast %broadcast_in_dim3A_2096 : vector<16x1xi32> to vector<16xi32>
    %gather3A_2098 = tpu.dynamic_gather %max3A_2088[%gather3A_2097] in [0] : vector<16xf32>, vector<16xi32> -> vector<16xf32>
    %max3A_2099 = arith.maximumf %max3A_2088, %gather3A_2098 : vector<16xf32>
    %eq3A_2100 = arith.cmpf oeq, %select_n3A_2025, %max3A_2099 : vector<16xf32>
    %add3A_2101 = arith.constant 0 : i32
    %add3A_2102 = vector.broadcast %add3A_2101 : i32 to vector<16xi32>
    %add3A_2103 = arith.addi %iota3A, %add3A_2102 : vector<16xi32>
    %jit3A_2104 = arith.constant 64 : i32
    %broadcast_in_dim3A_2105 = vector.broadcast %jit3A_2104 : i32 to vector<16xi32>
    %select_n3A_2106 = arith.select %eq3A_2100, %add3A_2103, %broadcast_in_dim3A_2105 : vector<16xi1>, vector<16xi32>
    %eq3A_2107 = arith.cmpf oeq, %select_n3A_2034, %max3A_2099 : vector<16xf32>
    %add3A_2108 = arith.constant 16 : i32
    %add3A_2109 = vector.broadcast %add3A_2108 : i32 to vector<16xi32>
    %add3A_2110 = arith.addi %iota3A, %add3A_2109 : vector<16xi32>
    %jit3A_2111 = arith.constant 64 : i32
    %broadcast_in_dim3A_2112 = vector.broadcast %jit3A_2111 : i32 to vector<16xi32>
    %select_n3A_2113 = arith.select %eq3A_2107, %add3A_2110, %broadcast_in_dim3A_2112 : vector<16xi1>, vector<16xi32>
    %eq3A_2114 = arith.cmpf oeq, %select_n3A_2043, %max3A_2099 : vector<16xf32>
    %add3A_2115 = arith.constant 32 : i32
    %add3A_2116 = vector.broadcast %add3A_2115 : i32 to vector<16xi32>
    %add3A_2117 = arith.addi %iota3A, %add3A_2116 : vector<16xi32>
    %jit3A_2118 = arith.constant 64 : i32
    %broadcast_in_dim3A_2119 = vector.broadcast %jit3A_2118 : i32 to vector<16xi32>
    %select_n3A_2120 = arith.select %eq3A_2114, %add3A_2117, %broadcast_in_dim3A_2119 : vector<16xi1>, vector<16xi32>
    %eq3A_2121 = arith.cmpf oeq, %select_n3A_2052, %max3A_2099 : vector<16xf32>
    %add3A_2122 = arith.constant 48 : i32
    %add3A_2123 = vector.broadcast %add3A_2122 : i32 to vector<16xi32>
    %add3A_2124 = arith.addi %iota3A, %add3A_2123 : vector<16xi32>
    %jit3A_2125 = arith.constant 64 : i32
    %broadcast_in_dim3A_2126 = vector.broadcast %jit3A_2125 : i32 to vector<16xi32>
    %select_n3A_2127 = arith.select %eq3A_2121, %add3A_2124, %broadcast_in_dim3A_2126 : vector<16xi1>, vector<16xi32>
    %min3A_2128 = arith.minsi %select_n3A_2106, %select_n3A_2113 : vector<16xi32>
    %min3A_2129 = arith.minsi %select_n3A_2120, %select_n3A_2127 : vector<16xi32>
    %min3A_2130 = arith.minsi %min3A_2128, %min3A_2129 : vector<16xi32>
    %iota3A_2131 = tpu.iota {dimensions = array<i32: 0>} : vector<16xi32>
    %add3A_2132 = arith.constant 8 : i32
    %add3A_2133 = vector.broadcast %add3A_2132 : i32 to vector<16xi32>
    %add3A_2134 = arith.addi %iota3A_2131, %add3A_2133 : vector<16xi32>
    %and3A_2135 = arith.constant 15 : i32
    %and3A_2136 = vector.broadcast %and3A_2135 : i32 to vector<16xi32>
    %and3A_2137 = arith.andi %add3A_2134, %and3A_2136 : vector<16xi32>
    %broadcast_in_dim3A_2138 = vector.shape_cast %and3A_2137 : vector<16xi32> to vector<16x1xi32>
    %gather3A_2139 = vector.shape_cast %broadcast_in_dim3A_2138 : vector<16x1xi32> to vector<16xi32>
    %gather3A_2140 = tpu.dynamic_gather %min3A_2130[%gather3A_2139] in [0] : vector<16xi32>, vector<16xi32> -> vector<16xi32>
    %min3A_2141 = arith.minsi %min3A_2130, %gather3A_2140 : vector<16xi32>
    %iota3A_2142 = tpu.iota {dimensions = array<i32: 0>} : vector<16xi32>
    %add3A_2143 = arith.constant 4 : i32
    %add3A_2144 = vector.broadcast %add3A_2143 : i32 to vector<16xi32>
    %add3A_2145 = arith.addi %iota3A_2142, %add3A_2144 : vector<16xi32>
    %and3A_2146 = arith.constant 15 : i32
    %and3A_2147 = vector.broadcast %and3A_2146 : i32 to vector<16xi32>
    %and3A_2148 = arith.andi %add3A_2145, %and3A_2147 : vector<16xi32>
    %broadcast_in_dim3A_2149 = vector.shape_cast %and3A_2148 : vector<16xi32> to vector<16x1xi32>
    %gather3A_2150 = vector.shape_cast %broadcast_in_dim3A_2149 : vector<16x1xi32> to vector<16xi32>
    %gather3A_2151 = tpu.dynamic_gather %min3A_2141[%gather3A_2150] in [0] : vector<16xi32>, vector<16xi32> -> vector<16xi32>
    %min3A_2152 = arith.minsi %min3A_2141, %gather3A_2151 : vector<16xi32>
    %iota3A_2153 = tpu.iota {dimensions = array<i32: 0>} : vector<16xi32>
    %add3A_2154 = arith.constant 2 : i32
    %add3A_2155 = vector.broadcast %add3A_2154 : i32 to vector<16xi32>
    %add3A_2156 = arith.addi %iota3A_2153, %add3A_2155 : vector<16xi32>
    %and3A_2157 = arith.constant 15 : i32
    %and3A_2158 = vector.broadcast %and3A_2157 : i32 to vector<16xi32>
    %and3A_2159 = arith.andi %add3A_2156, %and3A_2158 : vector<16xi32>
    %broadcast_in_dim3A_2160 = vector.shape_cast %and3A_2159 : vector<16xi32> to vector<16x1xi32>
    %gather3A_2161 = vector.shape_cast %broadcast_in_dim3A_2160 : vector<16x1xi32> to vector<16xi32>
    %gather3A_2162 = tpu.dynamic_gather %min3A_2152[%gather3A_2161] in [0] : vector<16xi32>, vector<16xi32> -> vector<16xi32>
    %min3A_2163 = arith.minsi %min3A_2152, %gather3A_2162 : vector<16xi32>
    %iota3A_2164 = tpu.iota {dimensions = array<i32: 0>} : vector<16xi32>
    %add3A_2165 = arith.constant 1 : i32
    %add3A_2166 = vector.broadcast %add3A_2165 : i32 to vector<16xi32>
    %add3A_2167 = arith.addi %iota3A_2164, %add3A_2166 : vector<16xi32>
    %and3A_2168 = arith.constant 15 : i32
    %and3A_2169 = vector.broadcast %and3A_2168 : i32 to vector<16xi32>
    %and3A_2170 = arith.andi %add3A_2167, %and3A_2169 : vector<16xi32>
    %broadcast_in_dim3A_2171 = vector.shape_cast %and3A_2170 : vector<16xi32> to vector<16x1xi32>
    %gather3A_2172 = vector.shape_cast %broadcast_in_dim3A_2171 : vector<16x1xi32> to vector<16xi32>
    %gather3A_2173 = tpu.dynamic_gather %min3A_2163[%gather3A_2172] in [0] : vector<16xi32>, vector<16xi32> -> vector<16xi32>
    %min3A_2174 = arith.minsi %min3A_2163, %gather3A_2173 : vector<16xi32>
    %add3A_2175 = arith.constant 0 : i32
    %add3A_2176 = vector.broadcast %add3A_2175 : i32 to vector<16xi32>
    %add3A_2177 = arith.addi %iota3A, %add3A_2176 : vector<16xi32>
    %eq3A_2178 = arith.cmpi eq, %add3A_2177, %min3A_2174 : vector<16xi32>
    %add3A_2179 = arith.addf %select_n3A_2022, %get3A_1393 : vector<16xf32>
    %select_n3A_2180 = arith.select %eq3A_2178, %add3A_2179, %select_n3A_2022 : vector<16xi1>, vector<16xf32>
    %broadcast_in_dim3A_2181 = arith.constant 0xFF800000 : f32
    %broadcast_in_dim3A_2182 = vector.broadcast %broadcast_in_dim3A_2181 : f32 to vector<16xf32>
    %select_n3A_2183 = arith.select %eq3A_2178, %broadcast_in_dim3A_2182, %select_n3A_2025 : vector<16xi1>, vector<16xf32>
    %add3A_2184 = arith.constant 16 : i32
    %add3A_2185 = vector.broadcast %add3A_2184 : i32 to vector<16xi32>
    %add3A_2186 = arith.addi %iota3A, %add3A_2185 : vector<16xi32>
    %eq3A_2187 = arith.cmpi eq, %add3A_2186, %min3A_2174 : vector<16xi32>
    %add3A_2188 = arith.addf %select_n3A_2031, %get3A_1398 : vector<16xf32>
    %select_n3A_2189 = arith.select %eq3A_2187, %add3A_2188, %select_n3A_2031 : vector<16xi1>, vector<16xf32>
    %broadcast_in_dim3A_2190 = arith.constant 0xFF800000 : f32
    %broadcast_in_dim3A_2191 = vector.broadcast %broadcast_in_dim3A_2190 : f32 to vector<16xf32>
    %select_n3A_2192 = arith.select %eq3A_2187, %broadcast_in_dim3A_2191, %select_n3A_2034 : vector<16xi1>, vector<16xf32>
    %add3A_2193 = arith.constant 32 : i32
    %add3A_2194 = vector.broadcast %add3A_2193 : i32 to vector<16xi32>
    %add3A_2195 = arith.addi %iota3A, %add3A_2194 : vector<16xi32>
    %eq3A_2196 = arith.cmpi eq, %add3A_2195, %min3A_2174 : vector<16xi32>
    %add3A_2197 = arith.addf %select_n3A_2040, %get3A_1403 : vector<16xf32>
    %select_n3A_2198 = arith.select %eq3A_2196, %add3A_2197, %select_n3A_2040 : vector<16xi1>, vector<16xf32>
    %broadcast_in_dim3A_2199 = arith.constant 0xFF800000 : f32
    %broadcast_in_dim3A_2200 = vector.broadcast %broadcast_in_dim3A_2199 : f32 to vector<16xf32>
    %select_n3A_2201 = arith.select %eq3A_2196, %broadcast_in_dim3A_2200, %select_n3A_2043 : vector<16xi1>, vector<16xf32>
    %add3A_2202 = arith.constant 48 : i32
    %add3A_2203 = vector.broadcast %add3A_2202 : i32 to vector<16xi32>
    %add3A_2204 = arith.addi %iota3A, %add3A_2203 : vector<16xi32>
    %eq3A_2205 = arith.cmpi eq, %add3A_2204, %min3A_2174 : vector<16xi32>
    %add3A_2206 = arith.addf %select_n3A_2049, %get3A_1408 : vector<16xf32>
    %select_n3A_2207 = arith.select %eq3A_2205, %add3A_2206, %select_n3A_2049 : vector<16xi1>, vector<16xf32>
    %broadcast_in_dim3A_2208 = arith.constant 0xFF800000 : f32
    %broadcast_in_dim3A_2209 = vector.broadcast %broadcast_in_dim3A_2208 : f32 to vector<16xf32>
    %select_n3A_2210 = arith.select %eq3A_2205, %broadcast_in_dim3A_2209, %select_n3A_2052 : vector<16xi1>, vector<16xf32>
    %max3A_2211 = arith.maximumf %select_n3A_2183, %select_n3A_2192 : vector<16xf32>
    %max3A_2212 = arith.maximumf %select_n3A_2201, %select_n3A_2210 : vector<16xf32>
    %max3A_2213 = arith.maximumf %max3A_2211, %max3A_2212 : vector<16xf32>
    %iota3A_2214 = tpu.iota {dimensions = array<i32: 0>} : vector<16xi32>
    %add3A_2215 = arith.constant 8 : i32
    %add3A_2216 = vector.broadcast %add3A_2215 : i32 to vector<16xi32>
    %add3A_2217 = arith.addi %iota3A_2214, %add3A_2216 : vector<16xi32>
    %and3A_2218 = arith.constant 15 : i32
    %and3A_2219 = vector.broadcast %and3A_2218 : i32 to vector<16xi32>
    %and3A_2220 = arith.andi %add3A_2217, %and3A_2219 : vector<16xi32>
    %broadcast_in_dim3A_2221 = vector.shape_cast %and3A_2220 : vector<16xi32> to vector<16x1xi32>
    %gather3A_2222 = vector.shape_cast %broadcast_in_dim3A_2221 : vector<16x1xi32> to vector<16xi32>
    %gather3A_2223 = tpu.dynamic_gather %max3A_2213[%gather3A_2222] in [0] : vector<16xf32>, vector<16xi32> -> vector<16xf32>
    %max3A_2224 = arith.maximumf %max3A_2213, %gather3A_2223 : vector<16xf32>
    %iota3A_2225 = tpu.iota {dimensions = array<i32: 0>} : vector<16xi32>
    %add3A_2226 = arith.constant 4 : i32
    %add3A_2227 = vector.broadcast %add3A_2226 : i32 to vector<16xi32>
    %add3A_2228 = arith.addi %iota3A_2225, %add3A_2227 : vector<16xi32>
    %and3A_2229 = arith.constant 15 : i32
    %and3A_2230 = vector.broadcast %and3A_2229 : i32 to vector<16xi32>
    %and3A_2231 = arith.andi %add3A_2228, %and3A_2230 : vector<16xi32>
    %broadcast_in_dim3A_2232 = vector.shape_cast %and3A_2231 : vector<16xi32> to vector<16x1xi32>
    %gather3A_2233 = vector.shape_cast %broadcast_in_dim3A_2232 : vector<16x1xi32> to vector<16xi32>
    %gather3A_2234 = tpu.dynamic_gather %max3A_2224[%gather3A_2233] in [0] : vector<16xf32>, vector<16xi32> -> vector<16xf32>
    %max3A_2235 = arith.maximumf %max3A_2224, %gather3A_2234 : vector<16xf32>
    %iota3A_2236 = tpu.iota {dimensions = array<i32: 0>} : vector<16xi32>
    %add3A_2237 = arith.constant 2 : i32
    %add3A_2238 = vector.broadcast %add3A_2237 : i32 to vector<16xi32>
    %add3A_2239 = arith.addi %iota3A_2236, %add3A_2238 : vector<16xi32>
    %and3A_2240 = arith.constant 15 : i32
    %and3A_2241 = vector.broadcast %and3A_2240 : i32 to vector<16xi32>
    %and3A_2242 = arith.andi %add3A_2239, %and3A_2241 : vector<16xi32>
    %broadcast_in_dim3A_2243 = vector.shape_cast %and3A_2242 : vector<16xi32> to vector<16x1xi32>
    %gather3A_2244 = vector.shape_cast %broadcast_in_dim3A_2243 : vector<16x1xi32> to vector<16xi32>
    %gather3A_2245 = tpu.dynamic_gather %max3A_2235[%gather3A_2244] in [0] : vector<16xf32>, vector<16xi32> -> vector<16xf32>
    %max3A_2246 = arith.maximumf %max3A_2235, %gather3A_2245 : vector<16xf32>
    %iota3A_2247 = tpu.iota {dimensions = array<i32: 0>} : vector<16xi32>
    %add3A_2248 = arith.constant 1 : i32
    %add3A_2249 = vector.broadcast %add3A_2248 : i32 to vector<16xi32>
    %add3A_2250 = arith.addi %iota3A_2247, %add3A_2249 : vector<16xi32>
    %and3A_2251 = arith.constant 15 : i32
    %and3A_2252 = vector.broadcast %and3A_2251 : i32 to vector<16xi32>
    %and3A_2253 = arith.andi %add3A_2250, %and3A_2252 : vector<16xi32>
    %broadcast_in_dim3A_2254 = vector.shape_cast %and3A_2253 : vector<16xi32> to vector<16x1xi32>
    %gather3A_2255 = vector.shape_cast %broadcast_in_dim3A_2254 : vector<16x1xi32> to vector<16xi32>
    %gather3A_2256 = tpu.dynamic_gather %max3A_2246[%gather3A_2255] in [0] : vector<16xf32>, vector<16xi32> -> vector<16xf32>
    %max3A_2257 = arith.maximumf %max3A_2246, %gather3A_2256 : vector<16xf32>
    %eq3A_2258 = arith.cmpf oeq, %select_n3A_2183, %max3A_2257 : vector<16xf32>
    %add3A_2259 = arith.constant 0 : i32
    %add3A_2260 = vector.broadcast %add3A_2259 : i32 to vector<16xi32>
    %add3A_2261 = arith.addi %iota3A, %add3A_2260 : vector<16xi32>
    %jit3A_2262 = arith.constant 64 : i32
    %broadcast_in_dim3A_2263 = vector.broadcast %jit3A_2262 : i32 to vector<16xi32>
    %select_n3A_2264 = arith.select %eq3A_2258, %add3A_2261, %broadcast_in_dim3A_2263 : vector<16xi1>, vector<16xi32>
    %eq3A_2265 = arith.cmpf oeq, %select_n3A_2192, %max3A_2257 : vector<16xf32>
    %add3A_2266 = arith.constant 16 : i32
    %add3A_2267 = vector.broadcast %add3A_2266 : i32 to vector<16xi32>
    %add3A_2268 = arith.addi %iota3A, %add3A_2267 : vector<16xi32>
    %jit3A_2269 = arith.constant 64 : i32
    %broadcast_in_dim3A_2270 = vector.broadcast %jit3A_2269 : i32 to vector<16xi32>
    %select_n3A_2271 = arith.select %eq3A_2265, %add3A_2268, %broadcast_in_dim3A_2270 : vector<16xi1>, vector<16xi32>
    %eq3A_2272 = arith.cmpf oeq, %select_n3A_2201, %max3A_2257 : vector<16xf32>
    %add3A_2273 = arith.constant 32 : i32
    %add3A_2274 = vector.broadcast %add3A_2273 : i32 to vector<16xi32>
    %add3A_2275 = arith.addi %iota3A, %add3A_2274 : vector<16xi32>
    %jit3A_2276 = arith.constant 64 : i32
    %broadcast_in_dim3A_2277 = vector.broadcast %jit3A_2276 : i32 to vector<16xi32>
    %select_n3A_2278 = arith.select %eq3A_2272, %add3A_2275, %broadcast_in_dim3A_2277 : vector<16xi1>, vector<16xi32>
    %eq3A_2279 = arith.cmpf oeq, %select_n3A_2210, %max3A_2257 : vector<16xf32>
    %add3A_2280 = arith.constant 48 : i32
    %add3A_2281 = vector.broadcast %add3A_2280 : i32 to vector<16xi32>
    %add3A_2282 = arith.addi %iota3A, %add3A_2281 : vector<16xi32>
    %jit3A_2283 = arith.constant 64 : i32
    %broadcast_in_dim3A_2284 = vector.broadcast %jit3A_2283 : i32 to vector<16xi32>
    %select_n3A_2285 = arith.select %eq3A_2279, %add3A_2282, %broadcast_in_dim3A_2284 : vector<16xi1>, vector<16xi32>
    %min3A_2286 = arith.minsi %select_n3A_2264, %select_n3A_2271 : vector<16xi32>
    %min3A_2287 = arith.minsi %select_n3A_2278, %select_n3A_2285 : vector<16xi32>
    %min3A_2288 = arith.minsi %min3A_2286, %min3A_2287 : vector<16xi32>
    %iota3A_2289 = tpu.iota {dimensions = array<i32: 0>} : vector<16xi32>
    %add3A_2290 = arith.constant 8 : i32
    %add3A_2291 = vector.broadcast %add3A_2290 : i32 to vector<16xi32>
    %add3A_2292 = arith.addi %iota3A_2289, %add3A_2291 : vector<16xi32>
    %and3A_2293 = arith.constant 15 : i32
    %and3A_2294 = vector.broadcast %and3A_2293 : i32 to vector<16xi32>
    %and3A_2295 = arith.andi %add3A_2292, %and3A_2294 : vector<16xi32>
    %broadcast_in_dim3A_2296 = vector.shape_cast %and3A_2295 : vector<16xi32> to vector<16x1xi32>
    %gather3A_2297 = vector.shape_cast %broadcast_in_dim3A_2296 : vector<16x1xi32> to vector<16xi32>
    %gather3A_2298 = tpu.dynamic_gather %min3A_2288[%gather3A_2297] in [0] : vector<16xi32>, vector<16xi32> -> vector<16xi32>
    %min3A_2299 = arith.minsi %min3A_2288, %gather3A_2298 : vector<16xi32>
    %iota3A_2300 = tpu.iota {dimensions = array<i32: 0>} : vector<16xi32>
    %add3A_2301 = arith.constant 4 : i32
    %add3A_2302 = vector.broadcast %add3A_2301 : i32 to vector<16xi32>
    %add3A_2303 = arith.addi %iota3A_2300, %add3A_2302 : vector<16xi32>
    %and3A_2304 = arith.constant 15 : i32
    %and3A_2305 = vector.broadcast %and3A_2304 : i32 to vector<16xi32>
    %and3A_2306 = arith.andi %add3A_2303, %and3A_2305 : vector<16xi32>
    %broadcast_in_dim3A_2307 = vector.shape_cast %and3A_2306 : vector<16xi32> to vector<16x1xi32>
    %gather3A_2308 = vector.shape_cast %broadcast_in_dim3A_2307 : vector<16x1xi32> to vector<16xi32>
    %gather3A_2309 = tpu.dynamic_gather %min3A_2299[%gather3A_2308] in [0] : vector<16xi32>, vector<16xi32> -> vector<16xi32>
    %min3A_2310 = arith.minsi %min3A_2299, %gather3A_2309 : vector<16xi32>
    %iota3A_2311 = tpu.iota {dimensions = array<i32: 0>} : vector<16xi32>
    %add3A_2312 = arith.constant 2 : i32
    %add3A_2313 = vector.broadcast %add3A_2312 : i32 to vector<16xi32>
    %add3A_2314 = arith.addi %iota3A_2311, %add3A_2313 : vector<16xi32>
    %and3A_2315 = arith.constant 15 : i32
    %and3A_2316 = vector.broadcast %and3A_2315 : i32 to vector<16xi32>
    %and3A_2317 = arith.andi %add3A_2314, %and3A_2316 : vector<16xi32>
    %broadcast_in_dim3A_2318 = vector.shape_cast %and3A_2317 : vector<16xi32> to vector<16x1xi32>
    %gather3A_2319 = vector.shape_cast %broadcast_in_dim3A_2318 : vector<16x1xi32> to vector<16xi32>
    %gather3A_2320 = tpu.dynamic_gather %min3A_2310[%gather3A_2319] in [0] : vector<16xi32>, vector<16xi32> -> vector<16xi32>
    %min3A_2321 = arith.minsi %min3A_2310, %gather3A_2320 : vector<16xi32>
    %iota3A_2322 = tpu.iota {dimensions = array<i32: 0>} : vector<16xi32>
    %add3A_2323 = arith.constant 1 : i32
    %add3A_2324 = vector.broadcast %add3A_2323 : i32 to vector<16xi32>
    %add3A_2325 = arith.addi %iota3A_2322, %add3A_2324 : vector<16xi32>
    %and3A_2326 = arith.constant 15 : i32
    %and3A_2327 = vector.broadcast %and3A_2326 : i32 to vector<16xi32>
    %and3A_2328 = arith.andi %add3A_2325, %and3A_2327 : vector<16xi32>
    %broadcast_in_dim3A_2329 = vector.shape_cast %and3A_2328 : vector<16xi32> to vector<16x1xi32>
    %gather3A_2330 = vector.shape_cast %broadcast_in_dim3A_2329 : vector<16x1xi32> to vector<16xi32>
    %gather3A_2331 = tpu.dynamic_gather %min3A_2321[%gather3A_2330] in [0] : vector<16xi32>, vector<16xi32> -> vector<16xi32>
    %min3A_2332 = arith.minsi %min3A_2321, %gather3A_2331 : vector<16xi32>
    %add3A_2333 = arith.constant 0 : i32
    %add3A_2334 = vector.broadcast %add3A_2333 : i32 to vector<16xi32>
    %add3A_2335 = arith.addi %iota3A, %add3A_2334 : vector<16xi32>
    %eq3A_2336 = arith.cmpi eq, %add3A_2335, %min3A_2332 : vector<16xi32>
    %add3A_2337 = arith.addf %select_n3A_2180, %get3A_1393 : vector<16xf32>
    %select_n3A_2338 = arith.select %eq3A_2336, %add3A_2337, %select_n3A_2180 : vector<16xi1>, vector<16xf32>
    %broadcast_in_dim3A_2339 = arith.constant 0xFF800000 : f32
    %broadcast_in_dim3A_2340 = vector.broadcast %broadcast_in_dim3A_2339 : f32 to vector<16xf32>
    %select_n3A_2341 = arith.select %eq3A_2336, %broadcast_in_dim3A_2340, %select_n3A_2183 : vector<16xi1>, vector<16xf32>
    %add3A_2342 = arith.constant 16 : i32
    %add3A_2343 = vector.broadcast %add3A_2342 : i32 to vector<16xi32>
    %add3A_2344 = arith.addi %iota3A, %add3A_2343 : vector<16xi32>
    %eq3A_2345 = arith.cmpi eq, %add3A_2344, %min3A_2332 : vector<16xi32>
    %add3A_2346 = arith.addf %select_n3A_2189, %get3A_1398 : vector<16xf32>
    %select_n3A_2347 = arith.select %eq3A_2345, %add3A_2346, %select_n3A_2189 : vector<16xi1>, vector<16xf32>
    %broadcast_in_dim3A_2348 = arith.constant 0xFF800000 : f32
    %broadcast_in_dim3A_2349 = vector.broadcast %broadcast_in_dim3A_2348 : f32 to vector<16xf32>
    %select_n3A_2350 = arith.select %eq3A_2345, %broadcast_in_dim3A_2349, %select_n3A_2192 : vector<16xi1>, vector<16xf32>
    %add3A_2351 = arith.constant 32 : i32
    %add3A_2352 = vector.broadcast %add3A_2351 : i32 to vector<16xi32>
    %add3A_2353 = arith.addi %iota3A, %add3A_2352 : vector<16xi32>
    %eq3A_2354 = arith.cmpi eq, %add3A_2353, %min3A_2332 : vector<16xi32>
    %add3A_2355 = arith.addf %select_n3A_2198, %get3A_1403 : vector<16xf32>
    %select_n3A_2356 = arith.select %eq3A_2354, %add3A_2355, %select_n3A_2198 : vector<16xi1>, vector<16xf32>
    %broadcast_in_dim3A_2357 = arith.constant 0xFF800000 : f32
    %broadcast_in_dim3A_2358 = vector.broadcast %broadcast_in_dim3A_2357 : f32 to vector<16xf32>
    %select_n3A_2359 = arith.select %eq3A_2354, %broadcast_in_dim3A_2358, %select_n3A_2201 : vector<16xi1>, vector<16xf32>
    %add3A_2360 = arith.constant 48 : i32
    %add3A_2361 = vector.broadcast %add3A_2360 : i32 to vector<16xi32>
    %add3A_2362 = arith.addi %iota3A, %add3A_2361 : vector<16xi32>
    %eq3A_2363 = arith.cmpi eq, %add3A_2362, %min3A_2332 : vector<16xi32>
    %add3A_2364 = arith.addf %select_n3A_2207, %get3A_1408 : vector<16xf32>
    %select_n3A_2365 = arith.select %eq3A_2363, %add3A_2364, %select_n3A_2207 : vector<16xi1>, vector<16xf32>
    %broadcast_in_dim3A_2366 = arith.constant 0xFF800000 : f32
    %broadcast_in_dim3A_2367 = vector.broadcast %broadcast_in_dim3A_2366 : f32 to vector<16xf32>
    %select_n3A_2368 = arith.select %eq3A_2363, %broadcast_in_dim3A_2367, %select_n3A_2210 : vector<16xi1>, vector<16xf32>
    %max3A_2369 = arith.maximumf %select_n3A_2341, %select_n3A_2350 : vector<16xf32>
    %max3A_2370 = arith.maximumf %select_n3A_2359, %select_n3A_2368 : vector<16xf32>
    %max3A_2371 = arith.maximumf %max3A_2369, %max3A_2370 : vector<16xf32>
    %iota3A_2372 = tpu.iota {dimensions = array<i32: 0>} : vector<16xi32>
    %add3A_2373 = arith.constant 8 : i32
    %add3A_2374 = vector.broadcast %add3A_2373 : i32 to vector<16xi32>
    %add3A_2375 = arith.addi %iota3A_2372, %add3A_2374 : vector<16xi32>
    %and3A_2376 = arith.constant 15 : i32
    %and3A_2377 = vector.broadcast %and3A_2376 : i32 to vector<16xi32>
    %and3A_2378 = arith.andi %add3A_2375, %and3A_2377 : vector<16xi32>
    %broadcast_in_dim3A_2379 = vector.shape_cast %and3A_2378 : vector<16xi32> to vector<16x1xi32>
    %gather3A_2380 = vector.shape_cast %broadcast_in_dim3A_2379 : vector<16x1xi32> to vector<16xi32>
    %gather3A_2381 = tpu.dynamic_gather %max3A_2371[%gather3A_2380] in [0] : vector<16xf32>, vector<16xi32> -> vector<16xf32>
    %max3A_2382 = arith.maximumf %max3A_2371, %gather3A_2381 : vector<16xf32>
    %iota3A_2383 = tpu.iota {dimensions = array<i32: 0>} : vector<16xi32>
    %add3A_2384 = arith.constant 4 : i32
    %add3A_2385 = vector.broadcast %add3A_2384 : i32 to vector<16xi32>
    %add3A_2386 = arith.addi %iota3A_2383, %add3A_2385 : vector<16xi32>
    %and3A_2387 = arith.constant 15 : i32
    %and3A_2388 = vector.broadcast %and3A_2387 : i32 to vector<16xi32>
    %and3A_2389 = arith.andi %add3A_2386, %and3A_2388 : vector<16xi32>
    %broadcast_in_dim3A_2390 = vector.shape_cast %and3A_2389 : vector<16xi32> to vector<16x1xi32>
    %gather3A_2391 = vector.shape_cast %broadcast_in_dim3A_2390 : vector<16x1xi32> to vector<16xi32>
    %gather3A_2392 = tpu.dynamic_gather %max3A_2382[%gather3A_2391] in [0] : vector<16xf32>, vector<16xi32> -> vector<16xf32>
    %max3A_2393 = arith.maximumf %max3A_2382, %gather3A_2392 : vector<16xf32>
    %iota3A_2394 = tpu.iota {dimensions = array<i32: 0>} : vector<16xi32>
    %add3A_2395 = arith.constant 2 : i32
    %add3A_2396 = vector.broadcast %add3A_2395 : i32 to vector<16xi32>
    %add3A_2397 = arith.addi %iota3A_2394, %add3A_2396 : vector<16xi32>
    %and3A_2398 = arith.constant 15 : i32
    %and3A_2399 = vector.broadcast %and3A_2398 : i32 to vector<16xi32>
    %and3A_2400 = arith.andi %add3A_2397, %and3A_2399 : vector<16xi32>
    %broadcast_in_dim3A_2401 = vector.shape_cast %and3A_2400 : vector<16xi32> to vector<16x1xi32>
    %gather3A_2402 = vector.shape_cast %broadcast_in_dim3A_2401 : vector<16x1xi32> to vector<16xi32>
    %gather3A_2403 = tpu.dynamic_gather %max3A_2393[%gather3A_2402] in [0] : vector<16xf32>, vector<16xi32> -> vector<16xf32>
    %max3A_2404 = arith.maximumf %max3A_2393, %gather3A_2403 : vector<16xf32>
    %iota3A_2405 = tpu.iota {dimensions = array<i32: 0>} : vector<16xi32>
    %add3A_2406 = arith.constant 1 : i32
    %add3A_2407 = vector.broadcast %add3A_2406 : i32 to vector<16xi32>
    %add3A_2408 = arith.addi %iota3A_2405, %add3A_2407 : vector<16xi32>
    %and3A_2409 = arith.constant 15 : i32
    %and3A_2410 = vector.broadcast %and3A_2409 : i32 to vector<16xi32>
    %and3A_2411 = arith.andi %add3A_2408, %and3A_2410 : vector<16xi32>
    %broadcast_in_dim3A_2412 = vector.shape_cast %and3A_2411 : vector<16xi32> to vector<16x1xi32>
    %gather3A_2413 = vector.shape_cast %broadcast_in_dim3A_2412 : vector<16x1xi32> to vector<16xi32>
    %gather3A_2414 = tpu.dynamic_gather %max3A_2404[%gather3A_2413] in [0] : vector<16xf32>, vector<16xi32> -> vector<16xf32>
    %max3A_2415 = arith.maximumf %max3A_2404, %gather3A_2414 : vector<16xf32>
    %eq3A_2416 = arith.cmpf oeq, %select_n3A_2341, %max3A_2415 : vector<16xf32>
    %add3A_2417 = arith.constant 0 : i32
    %add3A_2418 = vector.broadcast %add3A_2417 : i32 to vector<16xi32>
    %add3A_2419 = arith.addi %iota3A, %add3A_2418 : vector<16xi32>
    %jit3A_2420 = arith.constant 64 : i32
    %broadcast_in_dim3A_2421 = vector.broadcast %jit3A_2420 : i32 to vector<16xi32>
    %select_n3A_2422 = arith.select %eq3A_2416, %add3A_2419, %broadcast_in_dim3A_2421 : vector<16xi1>, vector<16xi32>
    %eq3A_2423 = arith.cmpf oeq, %select_n3A_2350, %max3A_2415 : vector<16xf32>
    %add3A_2424 = arith.constant 16 : i32
    %add3A_2425 = vector.broadcast %add3A_2424 : i32 to vector<16xi32>
    %add3A_2426 = arith.addi %iota3A, %add3A_2425 : vector<16xi32>
    %jit3A_2427 = arith.constant 64 : i32
    %broadcast_in_dim3A_2428 = vector.broadcast %jit3A_2427 : i32 to vector<16xi32>
    %select_n3A_2429 = arith.select %eq3A_2423, %add3A_2426, %broadcast_in_dim3A_2428 : vector<16xi1>, vector<16xi32>
    %eq3A_2430 = arith.cmpf oeq, %select_n3A_2359, %max3A_2415 : vector<16xf32>
    %add3A_2431 = arith.constant 32 : i32
    %add3A_2432 = vector.broadcast %add3A_2431 : i32 to vector<16xi32>
    %add3A_2433 = arith.addi %iota3A, %add3A_2432 : vector<16xi32>
    %jit3A_2434 = arith.constant 64 : i32
    %broadcast_in_dim3A_2435 = vector.broadcast %jit3A_2434 : i32 to vector<16xi32>
    %select_n3A_2436 = arith.select %eq3A_2430, %add3A_2433, %broadcast_in_dim3A_2435 : vector<16xi1>, vector<16xi32>
    %eq3A_2437 = arith.cmpf oeq, %select_n3A_2368, %max3A_2415 : vector<16xf32>
    %add3A_2438 = arith.constant 48 : i32
    %add3A_2439 = vector.broadcast %add3A_2438 : i32 to vector<16xi32>
    %add3A_2440 = arith.addi %iota3A, %add3A_2439 : vector<16xi32>
    %jit3A_2441 = arith.constant 64 : i32
    %broadcast_in_dim3A_2442 = vector.broadcast %jit3A_2441 : i32 to vector<16xi32>
    %select_n3A_2443 = arith.select %eq3A_2437, %add3A_2440, %broadcast_in_dim3A_2442 : vector<16xi1>, vector<16xi32>
    %min3A_2444 = arith.minsi %select_n3A_2422, %select_n3A_2429 : vector<16xi32>
    %min3A_2445 = arith.minsi %select_n3A_2436, %select_n3A_2443 : vector<16xi32>
    %min3A_2446 = arith.minsi %min3A_2444, %min3A_2445 : vector<16xi32>
    %iota3A_2447 = tpu.iota {dimensions = array<i32: 0>} : vector<16xi32>
    %add3A_2448 = arith.constant 8 : i32
    %add3A_2449 = vector.broadcast %add3A_2448 : i32 to vector<16xi32>
    %add3A_2450 = arith.addi %iota3A_2447, %add3A_2449 : vector<16xi32>
    %and3A_2451 = arith.constant 15 : i32
    %and3A_2452 = vector.broadcast %and3A_2451 : i32 to vector<16xi32>
    %and3A_2453 = arith.andi %add3A_2450, %and3A_2452 : vector<16xi32>
    %broadcast_in_dim3A_2454 = vector.shape_cast %and3A_2453 : vector<16xi32> to vector<16x1xi32>
    %gather3A_2455 = vector.shape_cast %broadcast_in_dim3A_2454 : vector<16x1xi32> to vector<16xi32>
    %gather3A_2456 = tpu.dynamic_gather %min3A_2446[%gather3A_2455] in [0] : vector<16xi32>, vector<16xi32> -> vector<16xi32>
    %min3A_2457 = arith.minsi %min3A_2446, %gather3A_2456 : vector<16xi32>
    %iota3A_2458 = tpu.iota {dimensions = array<i32: 0>} : vector<16xi32>
    %add3A_2459 = arith.constant 4 : i32
    %add3A_2460 = vector.broadcast %add3A_2459 : i32 to vector<16xi32>
    %add3A_2461 = arith.addi %iota3A_2458, %add3A_2460 : vector<16xi32>
    %and3A_2462 = arith.constant 15 : i32
    %and3A_2463 = vector.broadcast %and3A_2462 : i32 to vector<16xi32>
    %and3A_2464 = arith.andi %add3A_2461, %and3A_2463 : vector<16xi32>
    %broadcast_in_dim3A_2465 = vector.shape_cast %and3A_2464 : vector<16xi32> to vector<16x1xi32>
    %gather3A_2466 = vector.shape_cast %broadcast_in_dim3A_2465 : vector<16x1xi32> to vector<16xi32>
    %gather3A_2467 = tpu.dynamic_gather %min3A_2457[%gather3A_2466] in [0] : vector<16xi32>, vector<16xi32> -> vector<16xi32>
    %min3A_2468 = arith.minsi %min3A_2457, %gather3A_2467 : vector<16xi32>
    %iota3A_2469 = tpu.iota {dimensions = array<i32: 0>} : vector<16xi32>
    %add3A_2470 = arith.constant 2 : i32
    %add3A_2471 = vector.broadcast %add3A_2470 : i32 to vector<16xi32>
    %add3A_2472 = arith.addi %iota3A_2469, %add3A_2471 : vector<16xi32>
    %and3A_2473 = arith.constant 15 : i32
    %and3A_2474 = vector.broadcast %and3A_2473 : i32 to vector<16xi32>
    %and3A_2475 = arith.andi %add3A_2472, %and3A_2474 : vector<16xi32>
    %broadcast_in_dim3A_2476 = vector.shape_cast %and3A_2475 : vector<16xi32> to vector<16x1xi32>
    %gather3A_2477 = vector.shape_cast %broadcast_in_dim3A_2476 : vector<16x1xi32> to vector<16xi32>
    %gather3A_2478 = tpu.dynamic_gather %min3A_2468[%gather3A_2477] in [0] : vector<16xi32>, vector<16xi32> -> vector<16xi32>
    %min3A_2479 = arith.minsi %min3A_2468, %gather3A_2478 : vector<16xi32>
    %iota3A_2480 = tpu.iota {dimensions = array<i32: 0>} : vector<16xi32>
    %add3A_2481 = arith.constant 1 : i32
    %add3A_2482 = vector.broadcast %add3A_2481 : i32 to vector<16xi32>
    %add3A_2483 = arith.addi %iota3A_2480, %add3A_2482 : vector<16xi32>
    %and3A_2484 = arith.constant 15 : i32
    %and3A_2485 = vector.broadcast %and3A_2484 : i32 to vector<16xi32>
    %and3A_2486 = arith.andi %add3A_2483, %and3A_2485 : vector<16xi32>
    %broadcast_in_dim3A_2487 = vector.shape_cast %and3A_2486 : vector<16xi32> to vector<16x1xi32>
    %gather3A_2488 = vector.shape_cast %broadcast_in_dim3A_2487 : vector<16x1xi32> to vector<16xi32>
    %gather3A_2489 = tpu.dynamic_gather %min3A_2479[%gather3A_2488] in [0] : vector<16xi32>, vector<16xi32> -> vector<16xi32>
    %min3A_2490 = arith.minsi %min3A_2479, %gather3A_2489 : vector<16xi32>
    %add3A_2491 = arith.constant 0 : i32
    %add3A_2492 = vector.broadcast %add3A_2491 : i32 to vector<16xi32>
    %add3A_2493 = arith.addi %iota3A, %add3A_2492 : vector<16xi32>
    %eq3A_2494 = arith.cmpi eq, %add3A_2493, %min3A_2490 : vector<16xi32>
    %add3A_2495 = arith.addf %select_n3A_2338, %get3A_1393 : vector<16xf32>
    %select_n3A_2496 = arith.select %eq3A_2494, %add3A_2495, %select_n3A_2338 : vector<16xi1>, vector<16xf32>
    %broadcast_in_dim3A_2497 = arith.constant 0xFF800000 : f32
    %broadcast_in_dim3A_2498 = vector.broadcast %broadcast_in_dim3A_2497 : f32 to vector<16xf32>
    %select_n3A_2499 = arith.select %eq3A_2494, %broadcast_in_dim3A_2498, %select_n3A_2341 : vector<16xi1>, vector<16xf32>
    %add3A_2500 = arith.constant 16 : i32
    %add3A_2501 = vector.broadcast %add3A_2500 : i32 to vector<16xi32>
    %add3A_2502 = arith.addi %iota3A, %add3A_2501 : vector<16xi32>
    %eq3A_2503 = arith.cmpi eq, %add3A_2502, %min3A_2490 : vector<16xi32>
    %add3A_2504 = arith.addf %select_n3A_2347, %get3A_1398 : vector<16xf32>
    %select_n3A_2505 = arith.select %eq3A_2503, %add3A_2504, %select_n3A_2347 : vector<16xi1>, vector<16xf32>
    %broadcast_in_dim3A_2506 = arith.constant 0xFF800000 : f32
    %broadcast_in_dim3A_2507 = vector.broadcast %broadcast_in_dim3A_2506 : f32 to vector<16xf32>
    %select_n3A_2508 = arith.select %eq3A_2503, %broadcast_in_dim3A_2507, %select_n3A_2350 : vector<16xi1>, vector<16xf32>
    %add3A_2509 = arith.constant 32 : i32
    %add3A_2510 = vector.broadcast %add3A_2509 : i32 to vector<16xi32>
    %add3A_2511 = arith.addi %iota3A, %add3A_2510 : vector<16xi32>
    %eq3A_2512 = arith.cmpi eq, %add3A_2511, %min3A_2490 : vector<16xi32>
    %add3A_2513 = arith.addf %select_n3A_2356, %get3A_1403 : vector<16xf32>
    %select_n3A_2514 = arith.select %eq3A_2512, %add3A_2513, %select_n3A_2356 : vector<16xi1>, vector<16xf32>
    %broadcast_in_dim3A_2515 = arith.constant 0xFF800000 : f32
    %broadcast_in_dim3A_2516 = vector.broadcast %broadcast_in_dim3A_2515 : f32 to vector<16xf32>
    %select_n3A_2517 = arith.select %eq3A_2512, %broadcast_in_dim3A_2516, %select_n3A_2359 : vector<16xi1>, vector<16xf32>
    %add3A_2518 = arith.constant 48 : i32
    %add3A_2519 = vector.broadcast %add3A_2518 : i32 to vector<16xi32>
    %add3A_2520 = arith.addi %iota3A, %add3A_2519 : vector<16xi32>
    %eq3A_2521 = arith.cmpi eq, %add3A_2520, %min3A_2490 : vector<16xi32>
    %add3A_2522 = arith.addf %select_n3A_2365, %get3A_1408 : vector<16xf32>
    %select_n3A_2523 = arith.select %eq3A_2521, %add3A_2522, %select_n3A_2365 : vector<16xi1>, vector<16xf32>
    %broadcast_in_dim3A_2524 = arith.constant 0xFF800000 : f32
    %broadcast_in_dim3A_2525 = vector.broadcast %broadcast_in_dim3A_2524 : f32 to vector<16xf32>
    %select_n3A_2526 = arith.select %eq3A_2521, %broadcast_in_dim3A_2525, %select_n3A_2368 : vector<16xi1>, vector<16xf32>
    %max3A_2527 = arith.maximumf %select_n3A_2499, %select_n3A_2508 : vector<16xf32>
    %max3A_2528 = arith.maximumf %select_n3A_2517, %select_n3A_2526 : vector<16xf32>
    %max3A_2529 = arith.maximumf %max3A_2527, %max3A_2528 : vector<16xf32>
    %iota3A_2530 = tpu.iota {dimensions = array<i32: 0>} : vector<16xi32>
    %add3A_2531 = arith.constant 8 : i32
    %add3A_2532 = vector.broadcast %add3A_2531 : i32 to vector<16xi32>
    %add3A_2533 = arith.addi %iota3A_2530, %add3A_2532 : vector<16xi32>
    %and3A_2534 = arith.constant 15 : i32
    %and3A_2535 = vector.broadcast %and3A_2534 : i32 to vector<16xi32>
    %and3A_2536 = arith.andi %add3A_2533, %and3A_2535 : vector<16xi32>
    %broadcast_in_dim3A_2537 = vector.shape_cast %and3A_2536 : vector<16xi32> to vector<16x1xi32>
    %gather3A_2538 = vector.shape_cast %broadcast_in_dim3A_2537 : vector<16x1xi32> to vector<16xi32>
    %gather3A_2539 = tpu.dynamic_gather %max3A_2529[%gather3A_2538] in [0] : vector<16xf32>, vector<16xi32> -> vector<16xf32>
    %max3A_2540 = arith.maximumf %max3A_2529, %gather3A_2539 : vector<16xf32>
    %iota3A_2541 = tpu.iota {dimensions = array<i32: 0>} : vector<16xi32>
    %add3A_2542 = arith.constant 4 : i32
    %add3A_2543 = vector.broadcast %add3A_2542 : i32 to vector<16xi32>
    %add3A_2544 = arith.addi %iota3A_2541, %add3A_2543 : vector<16xi32>
    %and3A_2545 = arith.constant 15 : i32
    %and3A_2546 = vector.broadcast %and3A_2545 : i32 to vector<16xi32>
    %and3A_2547 = arith.andi %add3A_2544, %and3A_2546 : vector<16xi32>
    %broadcast_in_dim3A_2548 = vector.shape_cast %and3A_2547 : vector<16xi32> to vector<16x1xi32>
    %gather3A_2549 = vector.shape_cast %broadcast_in_dim3A_2548 : vector<16x1xi32> to vector<16xi32>
    %gather3A_2550 = tpu.dynamic_gather %max3A_2540[%gather3A_2549] in [0] : vector<16xf32>, vector<16xi32> -> vector<16xf32>
    %max3A_2551 = arith.maximumf %max3A_2540, %gather3A_2550 : vector<16xf32>
    %iota3A_2552 = tpu.iota {dimensions = array<i32: 0>} : vector<16xi32>
    %add3A_2553 = arith.constant 2 : i32
    %add3A_2554 = vector.broadcast %add3A_2553 : i32 to vector<16xi32>
    %add3A_2555 = arith.addi %iota3A_2552, %add3A_2554 : vector<16xi32>
    %and3A_2556 = arith.constant 15 : i32
    %and3A_2557 = vector.broadcast %and3A_2556 : i32 to vector<16xi32>
    %and3A_2558 = arith.andi %add3A_2555, %and3A_2557 : vector<16xi32>
    %broadcast_in_dim3A_2559 = vector.shape_cast %and3A_2558 : vector<16xi32> to vector<16x1xi32>
    %gather3A_2560 = vector.shape_cast %broadcast_in_dim3A_2559 : vector<16x1xi32> to vector<16xi32>
    %gather3A_2561 = tpu.dynamic_gather %max3A_2551[%gather3A_2560] in [0] : vector<16xf32>, vector<16xi32> -> vector<16xf32>
    %max3A_2562 = arith.maximumf %max3A_2551, %gather3A_2561 : vector<16xf32>
    %iota3A_2563 = tpu.iota {dimensions = array<i32: 0>} : vector<16xi32>
    %add3A_2564 = arith.constant 1 : i32
    %add3A_2565 = vector.broadcast %add3A_2564 : i32 to vector<16xi32>
    %add3A_2566 = arith.addi %iota3A_2563, %add3A_2565 : vector<16xi32>
    %and3A_2567 = arith.constant 15 : i32
    %and3A_2568 = vector.broadcast %and3A_2567 : i32 to vector<16xi32>
    %and3A_2569 = arith.andi %add3A_2566, %and3A_2568 : vector<16xi32>
    %broadcast_in_dim3A_2570 = vector.shape_cast %and3A_2569 : vector<16xi32> to vector<16x1xi32>
    %gather3A_2571 = vector.shape_cast %broadcast_in_dim3A_2570 : vector<16x1xi32> to vector<16xi32>
    %gather3A_2572 = tpu.dynamic_gather %max3A_2562[%gather3A_2571] in [0] : vector<16xf32>, vector<16xi32> -> vector<16xf32>
    %max3A_2573 = arith.maximumf %max3A_2562, %gather3A_2572 : vector<16xf32>
    %eq3A_2574 = arith.cmpf oeq, %select_n3A_2499, %max3A_2573 : vector<16xf32>
    %add3A_2575 = arith.constant 0 : i32
    %add3A_2576 = vector.broadcast %add3A_2575 : i32 to vector<16xi32>
    %add3A_2577 = arith.addi %iota3A, %add3A_2576 : vector<16xi32>
    %jit3A_2578 = arith.constant 64 : i32
    %broadcast_in_dim3A_2579 = vector.broadcast %jit3A_2578 : i32 to vector<16xi32>
    %select_n3A_2580 = arith.select %eq3A_2574, %add3A_2577, %broadcast_in_dim3A_2579 : vector<16xi1>, vector<16xi32>
    %eq3A_2581 = arith.cmpf oeq, %select_n3A_2508, %max3A_2573 : vector<16xf32>
    %add3A_2582 = arith.constant 16 : i32
    %add3A_2583 = vector.broadcast %add3A_2582 : i32 to vector<16xi32>
    %add3A_2584 = arith.addi %iota3A, %add3A_2583 : vector<16xi32>
    %jit3A_2585 = arith.constant 64 : i32
    %broadcast_in_dim3A_2586 = vector.broadcast %jit3A_2585 : i32 to vector<16xi32>
    %select_n3A_2587 = arith.select %eq3A_2581, %add3A_2584, %broadcast_in_dim3A_2586 : vector<16xi1>, vector<16xi32>
    %eq3A_2588 = arith.cmpf oeq, %select_n3A_2517, %max3A_2573 : vector<16xf32>
    %add3A_2589 = arith.constant 32 : i32
    %add3A_2590 = vector.broadcast %add3A_2589 : i32 to vector<16xi32>
    %add3A_2591 = arith.addi %iota3A, %add3A_2590 : vector<16xi32>
    %jit3A_2592 = arith.constant 64 : i32
    %broadcast_in_dim3A_2593 = vector.broadcast %jit3A_2592 : i32 to vector<16xi32>
    %select_n3A_2594 = arith.select %eq3A_2588, %add3A_2591, %broadcast_in_dim3A_2593 : vector<16xi1>, vector<16xi32>
    %eq3A_2595 = arith.cmpf oeq, %select_n3A_2526, %max3A_2573 : vector<16xf32>
    %add3A_2596 = arith.constant 48 : i32
    %add3A_2597 = vector.broadcast %add3A_2596 : i32 to vector<16xi32>
    %add3A_2598 = arith.addi %iota3A, %add3A_2597 : vector<16xi32>
    %jit3A_2599 = arith.constant 64 : i32
    %broadcast_in_dim3A_2600 = vector.broadcast %jit3A_2599 : i32 to vector<16xi32>
    %select_n3A_2601 = arith.select %eq3A_2595, %add3A_2598, %broadcast_in_dim3A_2600 : vector<16xi1>, vector<16xi32>
    %min3A_2602 = arith.minsi %select_n3A_2580, %select_n3A_2587 : vector<16xi32>
    %min3A_2603 = arith.minsi %select_n3A_2594, %select_n3A_2601 : vector<16xi32>
    %min3A_2604 = arith.minsi %min3A_2602, %min3A_2603 : vector<16xi32>
    %iota3A_2605 = tpu.iota {dimensions = array<i32: 0>} : vector<16xi32>
    %add3A_2606 = arith.constant 8 : i32
    %add3A_2607 = vector.broadcast %add3A_2606 : i32 to vector<16xi32>
    %add3A_2608 = arith.addi %iota3A_2605, %add3A_2607 : vector<16xi32>
    %and3A_2609 = arith.constant 15 : i32
    %and3A_2610 = vector.broadcast %and3A_2609 : i32 to vector<16xi32>
    %and3A_2611 = arith.andi %add3A_2608, %and3A_2610 : vector<16xi32>
    %broadcast_in_dim3A_2612 = vector.shape_cast %and3A_2611 : vector<16xi32> to vector<16x1xi32>
    %gather3A_2613 = vector.shape_cast %broadcast_in_dim3A_2612 : vector<16x1xi32> to vector<16xi32>
    %gather3A_2614 = tpu.dynamic_gather %min3A_2604[%gather3A_2613] in [0] : vector<16xi32>, vector<16xi32> -> vector<16xi32>
    %min3A_2615 = arith.minsi %min3A_2604, %gather3A_2614 : vector<16xi32>
    %iota3A_2616 = tpu.iota {dimensions = array<i32: 0>} : vector<16xi32>
    %add3A_2617 = arith.constant 4 : i32
    %add3A_2618 = vector.broadcast %add3A_2617 : i32 to vector<16xi32>
    %add3A_2619 = arith.addi %iota3A_2616, %add3A_2618 : vector<16xi32>
    %and3A_2620 = arith.constant 15 : i32
    %and3A_2621 = vector.broadcast %and3A_2620 : i32 to vector<16xi32>
    %and3A_2622 = arith.andi %add3A_2619, %and3A_2621 : vector<16xi32>
    %broadcast_in_dim3A_2623 = vector.shape_cast %and3A_2622 : vector<16xi32> to vector<16x1xi32>
    %gather3A_2624 = vector.shape_cast %broadcast_in_dim3A_2623 : vector<16x1xi32> to vector<16xi32>
    %gather3A_2625 = tpu.dynamic_gather %min3A_2615[%gather3A_2624] in [0] : vector<16xi32>, vector<16xi32> -> vector<16xi32>
    %min3A_2626 = arith.minsi %min3A_2615, %gather3A_2625 : vector<16xi32>
    %iota3A_2627 = tpu.iota {dimensions = array<i32: 0>} : vector<16xi32>
    %add3A_2628 = arith.constant 2 : i32
    %add3A_2629 = vector.broadcast %add3A_2628 : i32 to vector<16xi32>
    %add3A_2630 = arith.addi %iota3A_2627, %add3A_2629 : vector<16xi32>
    %and3A_2631 = arith.constant 15 : i32
    %and3A_2632 = vector.broadcast %and3A_2631 : i32 to vector<16xi32>
    %and3A_2633 = arith.andi %add3A_2630, %and3A_2632 : vector<16xi32>
    %broadcast_in_dim3A_2634 = vector.shape_cast %and3A_2633 : vector<16xi32> to vector<16x1xi32>
    %gather3A_2635 = vector.shape_cast %broadcast_in_dim3A_2634 : vector<16x1xi32> to vector<16xi32>
    %gather3A_2636 = tpu.dynamic_gather %min3A_2626[%gather3A_2635] in [0] : vector<16xi32>, vector<16xi32> -> vector<16xi32>
    %min3A_2637 = arith.minsi %min3A_2626, %gather3A_2636 : vector<16xi32>
    %iota3A_2638 = tpu.iota {dimensions = array<i32: 0>} : vector<16xi32>
    %add3A_2639 = arith.constant 1 : i32
    %add3A_2640 = vector.broadcast %add3A_2639 : i32 to vector<16xi32>
    %add3A_2641 = arith.addi %iota3A_2638, %add3A_2640 : vector<16xi32>
    %and3A_2642 = arith.constant 15 : i32
    %and3A_2643 = vector.broadcast %and3A_2642 : i32 to vector<16xi32>
    %and3A_2644 = arith.andi %add3A_2641, %and3A_2643 : vector<16xi32>
    %broadcast_in_dim3A_2645 = vector.shape_cast %and3A_2644 : vector<16xi32> to vector<16x1xi32>
    %gather3A_2646 = vector.shape_cast %broadcast_in_dim3A_2645 : vector<16x1xi32> to vector<16xi32>
    %gather3A_2647 = tpu.dynamic_gather %min3A_2637[%gather3A_2646] in [0] : vector<16xi32>, vector<16xi32> -> vector<16xi32>
    %min3A_2648 = arith.minsi %min3A_2637, %gather3A_2647 : vector<16xi32>
    %add3A_2649 = arith.constant 0 : i32
    %add3A_2650 = vector.broadcast %add3A_2649 : i32 to vector<16xi32>
    %add3A_2651 = arith.addi %iota3A, %add3A_2650 : vector<16xi32>
    %eq3A_2652 = arith.cmpi eq, %add3A_2651, %min3A_2648 : vector<16xi32>
    %add3A_2653 = arith.addf %select_n3A_2496, %get3A_1393 : vector<16xf32>
    %select_n3A_2654 = arith.select %eq3A_2652, %add3A_2653, %select_n3A_2496 : vector<16xi1>, vector<16xf32>
    %broadcast_in_dim3A_2655 = arith.constant 0xFF800000 : f32
    %broadcast_in_dim3A_2656 = vector.broadcast %broadcast_in_dim3A_2655 : f32 to vector<16xf32>
    %select_n3A_2657 = arith.select %eq3A_2652, %broadcast_in_dim3A_2656, %select_n3A_2499 : vector<16xi1>, vector<16xf32>
    %add3A_2658 = arith.constant 16 : i32
    %add3A_2659 = vector.broadcast %add3A_2658 : i32 to vector<16xi32>
    %add3A_2660 = arith.addi %iota3A, %add3A_2659 : vector<16xi32>
    %eq3A_2661 = arith.cmpi eq, %add3A_2660, %min3A_2648 : vector<16xi32>
    %add3A_2662 = arith.addf %select_n3A_2505, %get3A_1398 : vector<16xf32>
    %select_n3A_2663 = arith.select %eq3A_2661, %add3A_2662, %select_n3A_2505 : vector<16xi1>, vector<16xf32>
    %broadcast_in_dim3A_2664 = arith.constant 0xFF800000 : f32
    %broadcast_in_dim3A_2665 = vector.broadcast %broadcast_in_dim3A_2664 : f32 to vector<16xf32>
    %select_n3A_2666 = arith.select %eq3A_2661, %broadcast_in_dim3A_2665, %select_n3A_2508 : vector<16xi1>, vector<16xf32>
    %add3A_2667 = arith.constant 32 : i32
    %add3A_2668 = vector.broadcast %add3A_2667 : i32 to vector<16xi32>
    %add3A_2669 = arith.addi %iota3A, %add3A_2668 : vector<16xi32>
    %eq3A_2670 = arith.cmpi eq, %add3A_2669, %min3A_2648 : vector<16xi32>
    %add3A_2671 = arith.addf %select_n3A_2514, %get3A_1403 : vector<16xf32>
    %select_n3A_2672 = arith.select %eq3A_2670, %add3A_2671, %select_n3A_2514 : vector<16xi1>, vector<16xf32>
    %broadcast_in_dim3A_2673 = arith.constant 0xFF800000 : f32
    %broadcast_in_dim3A_2674 = vector.broadcast %broadcast_in_dim3A_2673 : f32 to vector<16xf32>
    %select_n3A_2675 = arith.select %eq3A_2670, %broadcast_in_dim3A_2674, %select_n3A_2517 : vector<16xi1>, vector<16xf32>
    %add3A_2676 = arith.constant 48 : i32
    %add3A_2677 = vector.broadcast %add3A_2676 : i32 to vector<16xi32>
    %add3A_2678 = arith.addi %iota3A, %add3A_2677 : vector<16xi32>
    %eq3A_2679 = arith.cmpi eq, %add3A_2678, %min3A_2648 : vector<16xi32>
    %add3A_2680 = arith.addf %select_n3A_2523, %get3A_1408 : vector<16xf32>
    %select_n3A_2681 = arith.select %eq3A_2679, %add3A_2680, %select_n3A_2523 : vector<16xi1>, vector<16xf32>
    %broadcast_in_dim3A_2682 = arith.constant 0xFF800000 : f32
    %broadcast_in_dim3A_2683 = vector.broadcast %broadcast_in_dim3A_2682 : f32 to vector<16xf32>
    %select_n3A_2684 = arith.select %eq3A_2679, %broadcast_in_dim3A_2683, %select_n3A_2526 : vector<16xi1>, vector<16xf32>
    %add3A_2685 = arith.addf %select_n3A_2654, %select_n3A_2663 : vector<16xf32>
    %add3A_2686 = arith.addf %add3A_2685, %select_n3A_2672 : vector<16xf32>
    %add3A_2687 = arith.addf %add3A_2686, %select_n3A_2681 : vector<16xf32>
    %iota3A_2688 = tpu.iota {dimensions = array<i32: 0>} : vector<16xi32>
    %add3A_2689 = arith.constant 8 : i32
    %add3A_2690 = vector.broadcast %add3A_2689 : i32 to vector<16xi32>
    %add3A_2691 = arith.addi %iota3A_2688, %add3A_2690 : vector<16xi32>
    %and3A_2692 = arith.constant 15 : i32
    %and3A_2693 = vector.broadcast %and3A_2692 : i32 to vector<16xi32>
    %and3A_2694 = arith.andi %add3A_2691, %and3A_2693 : vector<16xi32>
    %broadcast_in_dim3A_2695 = vector.shape_cast %and3A_2694 : vector<16xi32> to vector<16x1xi32>
    %gather3A_2696 = vector.shape_cast %broadcast_in_dim3A_2695 : vector<16x1xi32> to vector<16xi32>
    %gather3A_2697 = tpu.dynamic_gather %add3A_2687[%gather3A_2696] in [0] : vector<16xf32>, vector<16xi32> -> vector<16xf32>
    %add3A_2698 = arith.addf %add3A_2687, %gather3A_2697 : vector<16xf32>
    %iota3A_2699 = tpu.iota {dimensions = array<i32: 0>} : vector<16xi32>
    %add3A_2700 = arith.constant 4 : i32
    %add3A_2701 = vector.broadcast %add3A_2700 : i32 to vector<16xi32>
    %add3A_2702 = arith.addi %iota3A_2699, %add3A_2701 : vector<16xi32>
    %and3A_2703 = arith.constant 15 : i32
    %and3A_2704 = vector.broadcast %and3A_2703 : i32 to vector<16xi32>
    %and3A_2705 = arith.andi %add3A_2702, %and3A_2704 : vector<16xi32>
    %broadcast_in_dim3A_2706 = vector.shape_cast %and3A_2705 : vector<16xi32> to vector<16x1xi32>
    %gather3A_2707 = vector.shape_cast %broadcast_in_dim3A_2706 : vector<16x1xi32> to vector<16xi32>
    %gather3A_2708 = tpu.dynamic_gather %add3A_2698[%gather3A_2707] in [0] : vector<16xf32>, vector<16xi32> -> vector<16xf32>
    %add3A_2709 = arith.addf %add3A_2698, %gather3A_2708 : vector<16xf32>
    %iota3A_2710 = tpu.iota {dimensions = array<i32: 0>} : vector<16xi32>
    %add3A_2711 = arith.constant 2 : i32
    %add3A_2712 = vector.broadcast %add3A_2711 : i32 to vector<16xi32>
    %add3A_2713 = arith.addi %iota3A_2710, %add3A_2712 : vector<16xi32>
    %and3A_2714 = arith.constant 15 : i32
    %and3A_2715 = vector.broadcast %and3A_2714 : i32 to vector<16xi32>
    %and3A_2716 = arith.andi %add3A_2713, %and3A_2715 : vector<16xi32>
    %broadcast_in_dim3A_2717 = vector.shape_cast %and3A_2716 : vector<16xi32> to vector<16x1xi32>
    %gather3A_2718 = vector.shape_cast %broadcast_in_dim3A_2717 : vector<16x1xi32> to vector<16xi32>
    %gather3A_2719 = tpu.dynamic_gather %add3A_2709[%gather3A_2718] in [0] : vector<16xf32>, vector<16xi32> -> vector<16xf32>
    %add3A_2720 = arith.addf %add3A_2709, %gather3A_2719 : vector<16xf32>
    %iota3A_2721 = tpu.iota {dimensions = array<i32: 0>} : vector<16xi32>
    %add3A_2722 = arith.constant 1 : i32
    %add3A_2723 = vector.broadcast %add3A_2722 : i32 to vector<16xi32>
    %add3A_2724 = arith.addi %iota3A_2721, %add3A_2723 : vector<16xi32>
    %and3A_2725 = arith.constant 15 : i32
    %and3A_2726 = vector.broadcast %and3A_2725 : i32 to vector<16xi32>
    %and3A_2727 = arith.andi %add3A_2724, %and3A_2726 : vector<16xi32>
    %broadcast_in_dim3A_2728 = vector.shape_cast %and3A_2727 : vector<16xi32> to vector<16x1xi32>
    %gather3A_2729 = vector.shape_cast %broadcast_in_dim3A_2728 : vector<16x1xi32> to vector<16xi32>
    %gather3A_2730 = tpu.dynamic_gather %add3A_2720[%gather3A_2729] in [0] : vector<16xf32>, vector<16xi32> -> vector<16xf32>
    %add3A_2731 = arith.addf %add3A_2720, %gather3A_2730 : vector<16xf32>
    %max3A_2732 = arith.constant 9.99999996E-13 : f32
    %max3A_2733 = vector.broadcast %max3A_2732 : f32 to vector<16xf32>
    %max3A_2734 = arith.maximumf %add3A_2731, %max3A_2733 : vector<16xf32>
    %div3A_2735 = arith.constant 1.000000e+00 : f32
    %div3A_2736 = vector.broadcast %div3A_2735 : f32 to vector<16xf32>
    %div3A_2737 = arith.divf %div3A_2736, %max3A_2734 : vector<16xf32>
    %mul3A_2738 = arith.mulf %select_n3A_2654, %div3A_2737 : vector<16xf32>
    %swap3A_2739 = arith.constant 1 : i32
    %swap3A_2740 = arith.index_cast %swap3A_2739 : i32 to index
    %swap3A_2741 = arith.constant 0 : index
    %swap3A_2742 = tpu.vector_load %arg7[%swap3A_2740, %swap3A_2741] {strides = array<i32>} : memref<4x64xf32, #tpu.memory_space<vmem>>, vector<1x16xf32>,
    %swap3A_2743 = vector.shape_cast %swap3A_2742 : vector<1x16xf32> to vector<16xf32>
    %swap3A_2744 = vector.shape_cast %mul3A_2738 : vector<16xf32> to vector<1x16xf32>
    tpu.vector_store %arg7[%swap3A_2740, %swap3A_2741], %swap3A_2744 {strides = array<i32>} : memref<4x64xf32, #tpu.memory_space<vmem>>, vector<1x16xf32>,
    %mul3A_2745 = arith.mulf %select_n3A_2663, %div3A_2737 : vector<16xf32>
    %swap3A_2746 = arith.constant 1 : i32
    %swap3A_2747 = arith.index_cast %swap3A_2746 : i32 to index
    %swap3A_2748 = arith.constant 16 : index
    %swap3A_2749 = tpu.vector_load %arg7[%swap3A_2747, %swap3A_2748] {strides = array<i32>} : memref<4x64xf32, #tpu.memory_space<vmem>>, vector<1x16xf32>,
    %swap3A_2750 = vector.shape_cast %swap3A_2749 : vector<1x16xf32> to vector<16xf32>
    %swap3A_2751 = vector.shape_cast %mul3A_2745 : vector<16xf32> to vector<1x16xf32>
    tpu.vector_store %arg7[%swap3A_2747, %swap3A_2748], %swap3A_2751 {strides = array<i32>} : memref<4x64xf32, #tpu.memory_space<vmem>>, vector<1x16xf32>,
    %mul3A_2752 = arith.mulf %select_n3A_2672, %div3A_2737 : vector<16xf32>
    %swap3A_2753 = arith.constant 1 : i32
    %swap3A_2754 = arith.index_cast %swap3A_2753 : i32 to index
    %swap3A_2755 = arith.constant 32 : index
    %swap3A_2756 = tpu.vector_load %arg7[%swap3A_2754, %swap3A_2755] {strides = array<i32>} : memref<4x64xf32, #tpu.memory_space<vmem>>, vector<1x16xf32>,
    %swap3A_2757 = vector.shape_cast %swap3A_2756 : vector<1x16xf32> to vector<16xf32>
    %swap3A_2758 = vector.shape_cast %mul3A_2752 : vector<16xf32> to vector<1x16xf32>
    tpu.vector_store %arg7[%swap3A_2754, %swap3A_2755], %swap3A_2758 {strides = array<i32>} : memref<4x64xf32, #tpu.memory_space<vmem>>, vector<1x16xf32>,
    %mul3A_2759 = arith.mulf %select_n3A_2681, %div3A_2737 : vector<16xf32>
    %swap3A_2760 = arith.constant 1 : i32
    %swap3A_2761 = arith.index_cast %swap3A_2760 : i32 to index
    %swap3A_2762 = arith.constant 48 : index
    %swap3A_2763 = tpu.vector_load %arg7[%swap3A_2761, %swap3A_2762] {strides = array<i32>} : memref<4x64xf32, #tpu.memory_space<vmem>>, vector<1x16xf32>,
    %swap3A_2764 = vector.shape_cast %swap3A_2763 : vector<1x16xf32> to vector<16xf32>
    %swap3A_2765 = vector.shape_cast %mul3A_2759 : vector<16xf32> to vector<1x16xf32>
    tpu.vector_store %arg7[%swap3A_2761, %swap3A_2762], %swap3A_2765 {strides = array<i32>} : memref<4x64xf32, #tpu.memory_space<vmem>>, vector<1x16xf32>,
    %get3A_2766 = arith.constant 2 : i32
    %get3A_2767 = arith.index_cast %get3A_2766 : i32 to index
    %get3A_2768 = arith.constant 0 : index
    %get3A_2769 = tpu.vector_load %arg5[%get3A_2767, %get3A_2768] {strides = array<i32>} : memref<4x64xf32, #tpu.memory_space<vmem>>, vector<1x16xf32>,
    %get3A_2770 = vector.shape_cast %get3A_2769 : vector<1x16xf32> to vector<16xf32>
    %get3A_2771 = arith.constant 2 : i32
    %get3A_2772 = arith.index_cast %get3A_2771 : i32 to index
    %get3A_2773 = arith.constant 16 : index
    %get3A_2774 = tpu.vector_load %arg5[%get3A_2772, %get3A_2773] {strides = array<i32>} : memref<4x64xf32, #tpu.memory_space<vmem>>, vector<1x16xf32>,
    %get3A_2775 = vector.shape_cast %get3A_2774 : vector<1x16xf32> to vector<16xf32>
    %get3A_2776 = arith.constant 2 : i32
    %get3A_2777 = arith.index_cast %get3A_2776 : i32 to index
    %get3A_2778 = arith.constant 32 : index
    %get3A_2779 = tpu.vector_load %arg5[%get3A_2777, %get3A_2778] {strides = array<i32>} : memref<4x64xf32, #tpu.memory_space<vmem>>, vector<1x16xf32>,
    %get3A_2780 = vector.shape_cast %get3A_2779 : vector<1x16xf32> to vector<16xf32>
    %get3A_2781 = arith.constant 2 : i32
    %get3A_2782 = arith.index_cast %get3A_2781 : i32 to index
    %get3A_2783 = arith.constant 48 : index
    %get3A_2784 = tpu.vector_load %arg5[%get3A_2782, %get3A_2783] {strides = array<i32>} : memref<4x64xf32, #tpu.memory_space<vmem>>, vector<1x16xf32>,
    %get3A_2785 = vector.shape_cast %get3A_2784 : vector<1x16xf32> to vector<16xf32>
    %add3A_2786 = arith.addf %get3A_2770, %get3A_6 : vector<16xf32>
    %add3A_2787 = arith.addf %get3A_2775, %get3A_11 : vector<16xf32>
    %add3A_2788 = arith.addf %get3A_2780, %get3A_16 : vector<16xf32>
    %add3A_2789 = arith.addf %get3A_2785, %get3A_21 : vector<16xf32>
    %broadcast_in_dim3A_2790 = arith.constant 0.000000e+00 : f32
    %broadcast_in_dim3A_2791 = vector.broadcast %broadcast_in_dim3A_2790 : f32 to vector<16xf32>
    %broadcast_in_dim3A_2792 = arith.constant 0.000000e+00 : f32
    %broadcast_in_dim3A_2793 = vector.broadcast %broadcast_in_dim3A_2792 : f32 to vector<16xf32>
    %broadcast_in_dim3A_2794 = arith.constant 0.000000e+00 : f32
    %broadcast_in_dim3A_2795 = vector.broadcast %broadcast_in_dim3A_2794 : f32 to vector<16xf32>
    %broadcast_in_dim3A_2796 = arith.constant 0.000000e+00 : f32
    %broadcast_in_dim3A_2797 = vector.broadcast %broadcast_in_dim3A_2796 : f32 to vector<16xf32>
    %max3A_2798 = arith.maximumf %add3A_2786, %add3A_2787 : vector<16xf32>
    %max3A_2799 = arith.maximumf %add3A_2788, %add3A_2789 : vector<16xf32>
    %max3A_2800 = arith.maximumf %max3A_2798, %max3A_2799 : vector<16xf32>
    %iota3A_2801 = tpu.iota {dimensions = array<i32: 0>} : vector<16xi32>
    %add3A_2802 = arith.constant 8 : i32
    %add3A_2803 = vector.broadcast %add3A_2802 : i32 to vector<16xi32>
    %add3A_2804 = arith.addi %iota3A_2801, %add3A_2803 : vector<16xi32>
    %and3A_2805 = arith.constant 15 : i32
    %and3A_2806 = vector.broadcast %and3A_2805 : i32 to vector<16xi32>
    %and3A_2807 = arith.andi %add3A_2804, %and3A_2806 : vector<16xi32>
    %broadcast_in_dim3A_2808 = vector.shape_cast %and3A_2807 : vector<16xi32> to vector<16x1xi32>
    %gather3A_2809 = vector.shape_cast %broadcast_in_dim3A_2808 : vector<16x1xi32> to vector<16xi32>
    %gather3A_2810 = tpu.dynamic_gather %max3A_2800[%gather3A_2809] in [0] : vector<16xf32>, vector<16xi32> -> vector<16xf32>
    %max3A_2811 = arith.maximumf %max3A_2800, %gather3A_2810 : vector<16xf32>
    %iota3A_2812 = tpu.iota {dimensions = array<i32: 0>} : vector<16xi32>
    %add3A_2813 = arith.constant 4 : i32
    %add3A_2814 = vector.broadcast %add3A_2813 : i32 to vector<16xi32>
    %add3A_2815 = arith.addi %iota3A_2812, %add3A_2814 : vector<16xi32>
    %and3A_2816 = arith.constant 15 : i32
    %and3A_2817 = vector.broadcast %and3A_2816 : i32 to vector<16xi32>
    %and3A_2818 = arith.andi %add3A_2815, %and3A_2817 : vector<16xi32>
    %broadcast_in_dim3A_2819 = vector.shape_cast %and3A_2818 : vector<16xi32> to vector<16x1xi32>
    %gather3A_2820 = vector.shape_cast %broadcast_in_dim3A_2819 : vector<16x1xi32> to vector<16xi32>
    %gather3A_2821 = tpu.dynamic_gather %max3A_2811[%gather3A_2820] in [0] : vector<16xf32>, vector<16xi32> -> vector<16xf32>
    %max3A_2822 = arith.maximumf %max3A_2811, %gather3A_2821 : vector<16xf32>
    %iota3A_2823 = tpu.iota {dimensions = array<i32: 0>} : vector<16xi32>
    %add3A_2824 = arith.constant 2 : i32
    %add3A_2825 = vector.broadcast %add3A_2824 : i32 to vector<16xi32>
    %add3A_2826 = arith.addi %iota3A_2823, %add3A_2825 : vector<16xi32>
    %and3A_2827 = arith.constant 15 : i32
    %and3A_2828 = vector.broadcast %and3A_2827 : i32 to vector<16xi32>
    %and3A_2829 = arith.andi %add3A_2826, %and3A_2828 : vector<16xi32>
    %broadcast_in_dim3A_2830 = vector.shape_cast %and3A_2829 : vector<16xi32> to vector<16x1xi32>
    %gather3A_2831 = vector.shape_cast %broadcast_in_dim3A_2830 : vector<16x1xi32> to vector<16xi32>
    %gather3A_2832 = tpu.dynamic_gather %max3A_2822[%gather3A_2831] in [0] : vector<16xf32>, vector<16xi32> -> vector<16xf32>
    %max3A_2833 = arith.maximumf %max3A_2822, %gather3A_2832 : vector<16xf32>
    %iota3A_2834 = tpu.iota {dimensions = array<i32: 0>} : vector<16xi32>
    %add3A_2835 = arith.constant 1 : i32
    %add3A_2836 = vector.broadcast %add3A_2835 : i32 to vector<16xi32>
    %add3A_2837 = arith.addi %iota3A_2834, %add3A_2836 : vector<16xi32>
    %and3A_2838 = arith.constant 15 : i32
    %and3A_2839 = vector.broadcast %and3A_2838 : i32 to vector<16xi32>
    %and3A_2840 = arith.andi %add3A_2837, %and3A_2839 : vector<16xi32>
    %broadcast_in_dim3A_2841 = vector.shape_cast %and3A_2840 : vector<16xi32> to vector<16x1xi32>
    %gather3A_2842 = vector.shape_cast %broadcast_in_dim3A_2841 : vector<16x1xi32> to vector<16xi32>
    %gather3A_2843 = tpu.dynamic_gather %max3A_2833[%gather3A_2842] in [0] : vector<16xf32>, vector<16xi32> -> vector<16xf32>
    %max3A_2844 = arith.maximumf %max3A_2833, %gather3A_2843 : vector<16xf32>
    %eq3A_2845 = arith.cmpf oeq, %add3A_2786, %max3A_2844 : vector<16xf32>
    %add3A_2846 = arith.constant 0 : i32
    %add3A_2847 = vector.broadcast %add3A_2846 : i32 to vector<16xi32>
    %add3A_2848 = arith.addi %iota3A, %add3A_2847 : vector<16xi32>
    %jit3A_2849 = arith.constant 64 : i32
    %broadcast_in_dim3A_2850 = vector.broadcast %jit3A_2849 : i32 to vector<16xi32>
    %select_n3A_2851 = arith.select %eq3A_2845, %add3A_2848, %broadcast_in_dim3A_2850 : vector<16xi1>, vector<16xi32>
    %eq3A_2852 = arith.cmpf oeq, %add3A_2787, %max3A_2844 : vector<16xf32>
    %add3A_2853 = arith.constant 16 : i32
    %add3A_2854 = vector.broadcast %add3A_2853 : i32 to vector<16xi32>
    %add3A_2855 = arith.addi %iota3A, %add3A_2854 : vector<16xi32>
    %jit3A_2856 = arith.constant 64 : i32
    %broadcast_in_dim3A_2857 = vector.broadcast %jit3A_2856 : i32 to vector<16xi32>
    %select_n3A_2858 = arith.select %eq3A_2852, %add3A_2855, %broadcast_in_dim3A_2857 : vector<16xi1>, vector<16xi32>
    %eq3A_2859 = arith.cmpf oeq, %add3A_2788, %max3A_2844 : vector<16xf32>
    %add3A_2860 = arith.constant 32 : i32
    %add3A_2861 = vector.broadcast %add3A_2860 : i32 to vector<16xi32>
    %add3A_2862 = arith.addi %iota3A, %add3A_2861 : vector<16xi32>
    %jit3A_2863 = arith.constant 64 : i32
    %broadcast_in_dim3A_2864 = vector.broadcast %jit3A_2863 : i32 to vector<16xi32>
    %select_n3A_2865 = arith.select %eq3A_2859, %add3A_2862, %broadcast_in_dim3A_2864 : vector<16xi1>, vector<16xi32>
    %eq3A_2866 = arith.cmpf oeq, %add3A_2789, %max3A_2844 : vector<16xf32>
    %add3A_2867 = arith.constant 48 : i32
    %add3A_2868 = vector.broadcast %add3A_2867 : i32 to vector<16xi32>
    %add3A_2869 = arith.addi %iota3A, %add3A_2868 : vector<16xi32>
    %jit3A_2870 = arith.constant 64 : i32
    %broadcast_in_dim3A_2871 = vector.broadcast %jit3A_2870 : i32 to vector<16xi32>
    %select_n3A_2872 = arith.select %eq3A_2866, %add3A_2869, %broadcast_in_dim3A_2871 : vector<16xi1>, vector<16xi32>
    %min3A_2873 = arith.minsi %select_n3A_2851, %select_n3A_2858 : vector<16xi32>
    %min3A_2874 = arith.minsi %select_n3A_2865, %select_n3A_2872 : vector<16xi32>
    %min3A_2875 = arith.minsi %min3A_2873, %min3A_2874 : vector<16xi32>
    %iota3A_2876 = tpu.iota {dimensions = array<i32: 0>} : vector<16xi32>
    %add3A_2877 = arith.constant 8 : i32
    %add3A_2878 = vector.broadcast %add3A_2877 : i32 to vector<16xi32>
    %add3A_2879 = arith.addi %iota3A_2876, %add3A_2878 : vector<16xi32>
    %and3A_2880 = arith.constant 15 : i32
    %and3A_2881 = vector.broadcast %and3A_2880 : i32 to vector<16xi32>
    %and3A_2882 = arith.andi %add3A_2879, %and3A_2881 : vector<16xi32>
    %broadcast_in_dim3A_2883 = vector.shape_cast %and3A_2882 : vector<16xi32> to vector<16x1xi32>
    %gather3A_2884 = vector.shape_cast %broadcast_in_dim3A_2883 : vector<16x1xi32> to vector<16xi32>
    %gather3A_2885 = tpu.dynamic_gather %min3A_2875[%gather3A_2884] in [0] : vector<16xi32>, vector<16xi32> -> vector<16xi32>
    %min3A_2886 = arith.minsi %min3A_2875, %gather3A_2885 : vector<16xi32>
    %iota3A_2887 = tpu.iota {dimensions = array<i32: 0>} : vector<16xi32>
    %add3A_2888 = arith.constant 4 : i32
    %add3A_2889 = vector.broadcast %add3A_2888 : i32 to vector<16xi32>
    %add3A_2890 = arith.addi %iota3A_2887, %add3A_2889 : vector<16xi32>
    %and3A_2891 = arith.constant 15 : i32
    %and3A_2892 = vector.broadcast %and3A_2891 : i32 to vector<16xi32>
    %and3A_2893 = arith.andi %add3A_2890, %and3A_2892 : vector<16xi32>
    %broadcast_in_dim3A_2894 = vector.shape_cast %and3A_2893 : vector<16xi32> to vector<16x1xi32>
    %gather3A_2895 = vector.shape_cast %broadcast_in_dim3A_2894 : vector<16x1xi32> to vector<16xi32>
    %gather3A_2896 = tpu.dynamic_gather %min3A_2886[%gather3A_2895] in [0] : vector<16xi32>, vector<16xi32> -> vector<16xi32>
    %min3A_2897 = arith.minsi %min3A_2886, %gather3A_2896 : vector<16xi32>
    %iota3A_2898 = tpu.iota {dimensions = array<i32: 0>} : vector<16xi32>
    %add3A_2899 = arith.constant 2 : i32
    %add3A_2900 = vector.broadcast %add3A_2899 : i32 to vector<16xi32>
    %add3A_2901 = arith.addi %iota3A_2898, %add3A_2900 : vector<16xi32>
    %and3A_2902 = arith.constant 15 : i32
    %and3A_2903 = vector.broadcast %and3A_2902 : i32 to vector<16xi32>
    %and3A_2904 = arith.andi %add3A_2901, %and3A_2903 : vector<16xi32>
    %broadcast_in_dim3A_2905 = vector.shape_cast %and3A_2904 : vector<16xi32> to vector<16x1xi32>
    %gather3A_2906 = vector.shape_cast %broadcast_in_dim3A_2905 : vector<16x1xi32> to vector<16xi32>
    %gather3A_2907 = tpu.dynamic_gather %min3A_2897[%gather3A_2906] in [0] : vector<16xi32>, vector<16xi32> -> vector<16xi32>
    %min3A_2908 = arith.minsi %min3A_2897, %gather3A_2907 : vector<16xi32>
    %iota3A_2909 = tpu.iota {dimensions = array<i32: 0>} : vector<16xi32>
    %add3A_2910 = arith.constant 1 : i32
    %add3A_2911 = vector.broadcast %add3A_2910 : i32 to vector<16xi32>
    %add3A_2912 = arith.addi %iota3A_2909, %add3A_2911 : vector<16xi32>
    %and3A_2913 = arith.constant 15 : i32
    %and3A_2914 = vector.broadcast %and3A_2913 : i32 to vector<16xi32>
    %and3A_2915 = arith.andi %add3A_2912, %and3A_2914 : vector<16xi32>
    %broadcast_in_dim3A_2916 = vector.shape_cast %and3A_2915 : vector<16xi32> to vector<16x1xi32>
    %gather3A_2917 = vector.shape_cast %broadcast_in_dim3A_2916 : vector<16x1xi32> to vector<16xi32>
    %gather3A_2918 = tpu.dynamic_gather %min3A_2908[%gather3A_2917] in [0] : vector<16xi32>, vector<16xi32> -> vector<16xi32>
    %min3A_2919 = arith.minsi %min3A_2908, %gather3A_2918 : vector<16xi32>
    %add3A_2920 = arith.constant 0 : i32
    %add3A_2921 = vector.broadcast %add3A_2920 : i32 to vector<16xi32>
    %add3A_2922 = arith.addi %iota3A, %add3A_2921 : vector<16xi32>
    %eq3A_2923 = arith.cmpi eq, %add3A_2922, %min3A_2919 : vector<16xi32>
    %add3A_2924 = arith.addf %broadcast_in_dim3A_2791, %get3A_2770 : vector<16xf32>
    %select_n3A_2925 = arith.select %eq3A_2923, %add3A_2924, %broadcast_in_dim3A_2791 : vector<16xi1>, vector<16xf32>
    %broadcast_in_dim3A_2926 = arith.constant 0xFF800000 : f32
    %broadcast_in_dim3A_2927 = vector.broadcast %broadcast_in_dim3A_2926 : f32 to vector<16xf32>
    %select_n3A_2928 = arith.select %eq3A_2923, %broadcast_in_dim3A_2927, %add3A_2786 : vector<16xi1>, vector<16xf32>
    %add3A_2929 = arith.constant 16 : i32
    %add3A_2930 = vector.broadcast %add3A_2929 : i32 to vector<16xi32>
    %add3A_2931 = arith.addi %iota3A, %add3A_2930 : vector<16xi32>
    %eq3A_2932 = arith.cmpi eq, %add3A_2931, %min3A_2919 : vector<16xi32>
    %add3A_2933 = arith.addf %broadcast_in_dim3A_2793, %get3A_2775 : vector<16xf32>
    %select_n3A_2934 = arith.select %eq3A_2932, %add3A_2933, %broadcast_in_dim3A_2793 : vector<16xi1>, vector<16xf32>
    %broadcast_in_dim3A_2935 = arith.constant 0xFF800000 : f32
    %broadcast_in_dim3A_2936 = vector.broadcast %broadcast_in_dim3A_2935 : f32 to vector<16xf32>
    %select_n3A_2937 = arith.select %eq3A_2932, %broadcast_in_dim3A_2936, %add3A_2787 : vector<16xi1>, vector<16xf32>
    %add3A_2938 = arith.constant 32 : i32
    %add3A_2939 = vector.broadcast %add3A_2938 : i32 to vector<16xi32>
    %add3A_2940 = arith.addi %iota3A, %add3A_2939 : vector<16xi32>
    %eq3A_2941 = arith.cmpi eq, %add3A_2940, %min3A_2919 : vector<16xi32>
    %add3A_2942 = arith.addf %broadcast_in_dim3A_2795, %get3A_2780 : vector<16xf32>
    %select_n3A_2943 = arith.select %eq3A_2941, %add3A_2942, %broadcast_in_dim3A_2795 : vector<16xi1>, vector<16xf32>
    %broadcast_in_dim3A_2944 = arith.constant 0xFF800000 : f32
    %broadcast_in_dim3A_2945 = vector.broadcast %broadcast_in_dim3A_2944 : f32 to vector<16xf32>
    %select_n3A_2946 = arith.select %eq3A_2941, %broadcast_in_dim3A_2945, %add3A_2788 : vector<16xi1>, vector<16xf32>
    %add3A_2947 = arith.constant 48 : i32
    %add3A_2948 = vector.broadcast %add3A_2947 : i32 to vector<16xi32>
    %add3A_2949 = arith.addi %iota3A, %add3A_2948 : vector<16xi32>
    %eq3A_2950 = arith.cmpi eq, %add3A_2949, %min3A_2919 : vector<16xi32>
    %add3A_2951 = arith.addf %broadcast_in_dim3A_2797, %get3A_2785 : vector<16xf32>
    %select_n3A_2952 = arith.select %eq3A_2950, %add3A_2951, %broadcast_in_dim3A_2797 : vector<16xi1>, vector<16xf32>
    %broadcast_in_dim3A_2953 = arith.constant 0xFF800000 : f32
    %broadcast_in_dim3A_2954 = vector.broadcast %broadcast_in_dim3A_2953 : f32 to vector<16xf32>
    %select_n3A_2955 = arith.select %eq3A_2950, %broadcast_in_dim3A_2954, %add3A_2789 : vector<16xi1>, vector<16xf32>
    %max3A_2956 = arith.maximumf %select_n3A_2928, %select_n3A_2937 : vector<16xf32>
    %max3A_2957 = arith.maximumf %select_n3A_2946, %select_n3A_2955 : vector<16xf32>
    %max3A_2958 = arith.maximumf %max3A_2956, %max3A_2957 : vector<16xf32>
    %iota3A_2959 = tpu.iota {dimensions = array<i32: 0>} : vector<16xi32>
    %add3A_2960 = arith.constant 8 : i32
    %add3A_2961 = vector.broadcast %add3A_2960 : i32 to vector<16xi32>
    %add3A_2962 = arith.addi %iota3A_2959, %add3A_2961 : vector<16xi32>
    %and3A_2963 = arith.constant 15 : i32
    %and3A_2964 = vector.broadcast %and3A_2963 : i32 to vector<16xi32>
    %and3A_2965 = arith.andi %add3A_2962, %and3A_2964 : vector<16xi32>
    %broadcast_in_dim3A_2966 = vector.shape_cast %and3A_2965 : vector<16xi32> to vector<16x1xi32>
    %gather3A_2967 = vector.shape_cast %broadcast_in_dim3A_2966 : vector<16x1xi32> to vector<16xi32>
    %gather3A_2968 = tpu.dynamic_gather %max3A_2958[%gather3A_2967] in [0] : vector<16xf32>, vector<16xi32> -> vector<16xf32>
    %max3A_2969 = arith.maximumf %max3A_2958, %gather3A_2968 : vector<16xf32>
    %iota3A_2970 = tpu.iota {dimensions = array<i32: 0>} : vector<16xi32>
    %add3A_2971 = arith.constant 4 : i32
    %add3A_2972 = vector.broadcast %add3A_2971 : i32 to vector<16xi32>
    %add3A_2973 = arith.addi %iota3A_2970, %add3A_2972 : vector<16xi32>
    %and3A_2974 = arith.constant 15 : i32
    %and3A_2975 = vector.broadcast %and3A_2974 : i32 to vector<16xi32>
    %and3A_2976 = arith.andi %add3A_2973, %and3A_2975 : vector<16xi32>
    %broadcast_in_dim3A_2977 = vector.shape_cast %and3A_2976 : vector<16xi32> to vector<16x1xi32>
    %gather3A_2978 = vector.shape_cast %broadcast_in_dim3A_2977 : vector<16x1xi32> to vector<16xi32>
    %gather3A_2979 = tpu.dynamic_gather %max3A_2969[%gather3A_2978] in [0] : vector<16xf32>, vector<16xi32> -> vector<16xf32>
    %max3A_2980 = arith.maximumf %max3A_2969, %gather3A_2979 : vector<16xf32>
    %iota3A_2981 = tpu.iota {dimensions = array<i32: 0>} : vector<16xi32>
    %add3A_2982 = arith.constant 2 : i32
    %add3A_2983 = vector.broadcast %add3A_2982 : i32 to vector<16xi32>
    %add3A_2984 = arith.addi %iota3A_2981, %add3A_2983 : vector<16xi32>
    %and3A_2985 = arith.constant 15 : i32
    %and3A_2986 = vector.broadcast %and3A_2985 : i32 to vector<16xi32>
    %and3A_2987 = arith.andi %add3A_2984, %and3A_2986 : vector<16xi32>
    %broadcast_in_dim3A_2988 = vector.shape_cast %and3A_2987 : vector<16xi32> to vector<16x1xi32>
    %gather3A_2989 = vector.shape_cast %broadcast_in_dim3A_2988 : vector<16x1xi32> to vector<16xi32>
    %gather3A_2990 = tpu.dynamic_gather %max3A_2980[%gather3A_2989] in [0] : vector<16xf32>, vector<16xi32> -> vector<16xf32>
    %max3A_2991 = arith.maximumf %max3A_2980, %gather3A_2990 : vector<16xf32>
    %iota3A_2992 = tpu.iota {dimensions = array<i32: 0>} : vector<16xi32>
    %add3A_2993 = arith.constant 1 : i32
    %add3A_2994 = vector.broadcast %add3A_2993 : i32 to vector<16xi32>
    %add3A_2995 = arith.addi %iota3A_2992, %add3A_2994 : vector<16xi32>
    %and3A_2996 = arith.constant 15 : i32
    %and3A_2997 = vector.broadcast %and3A_2996 : i32 to vector<16xi32>
    %and3A_2998 = arith.andi %add3A_2995, %and3A_2997 : vector<16xi32>
    %broadcast_in_dim3A_2999 = vector.shape_cast %and3A_2998 : vector<16xi32> to vector<16x1xi32>
    %gather3A_3000 = vector.shape_cast %broadcast_in_dim3A_2999 : vector<16x1xi32> to vector<16xi32>
    %gather3A_3001 = tpu.dynamic_gather %max3A_2991[%gather3A_3000] in [0] : vector<16xf32>, vector<16xi32> -> vector<16xf32>
    %max3A_3002 = arith.maximumf %max3A_2991, %gather3A_3001 : vector<16xf32>
    %eq3A_3003 = arith.cmpf oeq, %select_n3A_2928, %max3A_3002 : vector<16xf32>
    %add3A_3004 = arith.constant 0 : i32
    %add3A_3005 = vector.broadcast %add3A_3004 : i32 to vector<16xi32>
    %add3A_3006 = arith.addi %iota3A, %add3A_3005 : vector<16xi32>
    %jit3A_3007 = arith.constant 64 : i32
    %broadcast_in_dim3A_3008 = vector.broadcast %jit3A_3007 : i32 to vector<16xi32>
    %select_n3A_3009 = arith.select %eq3A_3003, %add3A_3006, %broadcast_in_dim3A_3008 : vector<16xi1>, vector<16xi32>
    %eq3A_3010 = arith.cmpf oeq, %select_n3A_2937, %max3A_3002 : vector<16xf32>
    %add3A_3011 = arith.constant 16 : i32
    %add3A_3012 = vector.broadcast %add3A_3011 : i32 to vector<16xi32>
    %add3A_3013 = arith.addi %iota3A, %add3A_3012 : vector<16xi32>
    %jit3A_3014 = arith.constant 64 : i32
    %broadcast_in_dim3A_3015 = vector.broadcast %jit3A_3014 : i32 to vector<16xi32>
    %select_n3A_3016 = arith.select %eq3A_3010, %add3A_3013, %broadcast_in_dim3A_3015 : vector<16xi1>, vector<16xi32>
    %eq3A_3017 = arith.cmpf oeq, %select_n3A_2946, %max3A_3002 : vector<16xf32>
    %add3A_3018 = arith.constant 32 : i32
    %add3A_3019 = vector.broadcast %add3A_3018 : i32 to vector<16xi32>
    %add3A_3020 = arith.addi %iota3A, %add3A_3019 : vector<16xi32>
    %jit3A_3021 = arith.constant 64 : i32
    %broadcast_in_dim3A_3022 = vector.broadcast %jit3A_3021 : i32 to vector<16xi32>
    %select_n3A_3023 = arith.select %eq3A_3017, %add3A_3020, %broadcast_in_dim3A_3022 : vector<16xi1>, vector<16xi32>
    %eq3A_3024 = arith.cmpf oeq, %select_n3A_2955, %max3A_3002 : vector<16xf32>
    %add3A_3025 = arith.constant 48 : i32
    %add3A_3026 = vector.broadcast %add3A_3025 : i32 to vector<16xi32>
    %add3A_3027 = arith.addi %iota3A, %add3A_3026 : vector<16xi32>
    %jit3A_3028 = arith.constant 64 : i32
    %broadcast_in_dim3A_3029 = vector.broadcast %jit3A_3028 : i32 to vector<16xi32>
    %select_n3A_3030 = arith.select %eq3A_3024, %add3A_3027, %broadcast_in_dim3A_3029 : vector<16xi1>, vector<16xi32>
    %min3A_3031 = arith.minsi %select_n3A_3009, %select_n3A_3016 : vector<16xi32>
    %min3A_3032 = arith.minsi %select_n3A_3023, %select_n3A_3030 : vector<16xi32>
    %min3A_3033 = arith.minsi %min3A_3031, %min3A_3032 : vector<16xi32>
    %iota3A_3034 = tpu.iota {dimensions = array<i32: 0>} : vector<16xi32>
    %add3A_3035 = arith.constant 8 : i32
    %add3A_3036 = vector.broadcast %add3A_3035 : i32 to vector<16xi32>
    %add3A_3037 = arith.addi %iota3A_3034, %add3A_3036 : vector<16xi32>
    %and3A_3038 = arith.constant 15 : i32
    %and3A_3039 = vector.broadcast %and3A_3038 : i32 to vector<16xi32>
    %and3A_3040 = arith.andi %add3A_3037, %and3A_3039 : vector<16xi32>
    %broadcast_in_dim3A_3041 = vector.shape_cast %and3A_3040 : vector<16xi32> to vector<16x1xi32>
    %gather3A_3042 = vector.shape_cast %broadcast_in_dim3A_3041 : vector<16x1xi32> to vector<16xi32>
    %gather3A_3043 = tpu.dynamic_gather %min3A_3033[%gather3A_3042] in [0] : vector<16xi32>, vector<16xi32> -> vector<16xi32>
    %min3A_3044 = arith.minsi %min3A_3033, %gather3A_3043 : vector<16xi32>
    %iota3A_3045 = tpu.iota {dimensions = array<i32: 0>} : vector<16xi32>
    %add3A_3046 = arith.constant 4 : i32
    %add3A_3047 = vector.broadcast %add3A_3046 : i32 to vector<16xi32>
    %add3A_3048 = arith.addi %iota3A_3045, %add3A_3047 : vector<16xi32>
    %and3A_3049 = arith.constant 15 : i32
    %and3A_3050 = vector.broadcast %and3A_3049 : i32 to vector<16xi32>
    %and3A_3051 = arith.andi %add3A_3048, %and3A_3050 : vector<16xi32>
    %broadcast_in_dim3A_3052 = vector.shape_cast %and3A_3051 : vector<16xi32> to vector<16x1xi32>
    %gather3A_3053 = vector.shape_cast %broadcast_in_dim3A_3052 : vector<16x1xi32> to vector<16xi32>
    %gather3A_3054 = tpu.dynamic_gather %min3A_3044[%gather3A_3053] in [0] : vector<16xi32>, vector<16xi32> -> vector<16xi32>
    %min3A_3055 = arith.minsi %min3A_3044, %gather3A_3054 : vector<16xi32>
    %iota3A_3056 = tpu.iota {dimensions = array<i32: 0>} : vector<16xi32>
    %add3A_3057 = arith.constant 2 : i32
    %add3A_3058 = vector.broadcast %add3A_3057 : i32 to vector<16xi32>
    %add3A_3059 = arith.addi %iota3A_3056, %add3A_3058 : vector<16xi32>
    %and3A_3060 = arith.constant 15 : i32
    %and3A_3061 = vector.broadcast %and3A_3060 : i32 to vector<16xi32>
    %and3A_3062 = arith.andi %add3A_3059, %and3A_3061 : vector<16xi32>
    %broadcast_in_dim3A_3063 = vector.shape_cast %and3A_3062 : vector<16xi32> to vector<16x1xi32>
    %gather3A_3064 = vector.shape_cast %broadcast_in_dim3A_3063 : vector<16x1xi32> to vector<16xi32>
    %gather3A_3065 = tpu.dynamic_gather %min3A_3055[%gather3A_3064] in [0] : vector<16xi32>, vector<16xi32> -> vector<16xi32>
    %min3A_3066 = arith.minsi %min3A_3055, %gather3A_3065 : vector<16xi32>
    %iota3A_3067 = tpu.iota {dimensions = array<i32: 0>} : vector<16xi32>
    %add3A_3068 = arith.constant 1 : i32
    %add3A_3069 = vector.broadcast %add3A_3068 : i32 to vector<16xi32>
    %add3A_3070 = arith.addi %iota3A_3067, %add3A_3069 : vector<16xi32>
    %and3A_3071 = arith.constant 15 : i32
    %and3A_3072 = vector.broadcast %and3A_3071 : i32 to vector<16xi32>
    %and3A_3073 = arith.andi %add3A_3070, %and3A_3072 : vector<16xi32>
    %broadcast_in_dim3A_3074 = vector.shape_cast %and3A_3073 : vector<16xi32> to vector<16x1xi32>
    %gather3A_3075 = vector.shape_cast %broadcast_in_dim3A_3074 : vector<16x1xi32> to vector<16xi32>
    %gather3A_3076 = tpu.dynamic_gather %min3A_3066[%gather3A_3075] in [0] : vector<16xi32>, vector<16xi32> -> vector<16xi32>
    %min3A_3077 = arith.minsi %min3A_3066, %gather3A_3076 : vector<16xi32>
    %add3A_3078 = arith.constant 0 : i32
    %add3A_3079 = vector.broadcast %add3A_3078 : i32 to vector<16xi32>
    %add3A_3080 = arith.addi %iota3A, %add3A_3079 : vector<16xi32>
    %eq3A_3081 = arith.cmpi eq, %add3A_3080, %min3A_3077 : vector<16xi32>
    %add3A_3082 = arith.addf %select_n3A_2925, %get3A_2770 : vector<16xf32>
    %select_n3A_3083 = arith.select %eq3A_3081, %add3A_3082, %select_n3A_2925 : vector<16xi1>, vector<16xf32>
    %broadcast_in_dim3A_3084 = arith.constant 0xFF800000 : f32
    %broadcast_in_dim3A_3085 = vector.broadcast %broadcast_in_dim3A_3084 : f32 to vector<16xf32>
    %select_n3A_3086 = arith.select %eq3A_3081, %broadcast_in_dim3A_3085, %select_n3A_2928 : vector<16xi1>, vector<16xf32>
    %add3A_3087 = arith.constant 16 : i32
    %add3A_3088 = vector.broadcast %add3A_3087 : i32 to vector<16xi32>
    %add3A_3089 = arith.addi %iota3A, %add3A_3088 : vector<16xi32>
    %eq3A_3090 = arith.cmpi eq, %add3A_3089, %min3A_3077 : vector<16xi32>
    %add3A_3091 = arith.addf %select_n3A_2934, %get3A_2775 : vector<16xf32>
    %select_n3A_3092 = arith.select %eq3A_3090, %add3A_3091, %select_n3A_2934 : vector<16xi1>, vector<16xf32>
    %broadcast_in_dim3A_3093 = arith.constant 0xFF800000 : f32
    %broadcast_in_dim3A_3094 = vector.broadcast %broadcast_in_dim3A_3093 : f32 to vector<16xf32>
    %select_n3A_3095 = arith.select %eq3A_3090, %broadcast_in_dim3A_3094, %select_n3A_2937 : vector<16xi1>, vector<16xf32>
    %add3A_3096 = arith.constant 32 : i32
    %add3A_3097 = vector.broadcast %add3A_3096 : i32 to vector<16xi32>
    %add3A_3098 = arith.addi %iota3A, %add3A_3097 : vector<16xi32>
    %eq3A_3099 = arith.cmpi eq, %add3A_3098, %min3A_3077 : vector<16xi32>
    %add3A_3100 = arith.addf %select_n3A_2943, %get3A_2780 : vector<16xf32>
    %select_n3A_3101 = arith.select %eq3A_3099, %add3A_3100, %select_n3A_2943 : vector<16xi1>, vector<16xf32>
    %broadcast_in_dim3A_3102 = arith.constant 0xFF800000 : f32
    %broadcast_in_dim3A_3103 = vector.broadcast %broadcast_in_dim3A_3102 : f32 to vector<16xf32>
    %select_n3A_3104 = arith.select %eq3A_3099, %broadcast_in_dim3A_3103, %select_n3A_2946 : vector<16xi1>, vector<16xf32>
    %add3A_3105 = arith.constant 48 : i32
    %add3A_3106 = vector.broadcast %add3A_3105 : i32 to vector<16xi32>
    %add3A_3107 = arith.addi %iota3A, %add3A_3106 : vector<16xi32>
    %eq3A_3108 = arith.cmpi eq, %add3A_3107, %min3A_3077 : vector<16xi32>
    %add3A_3109 = arith.addf %select_n3A_2952, %get3A_2785 : vector<16xf32>
    %select_n3A_3110 = arith.select %eq3A_3108, %add3A_3109, %select_n3A_2952 : vector<16xi1>, vector<16xf32>
    %broadcast_in_dim3A_3111 = arith.constant 0xFF800000 : f32
    %broadcast_in_dim3A_3112 = vector.broadcast %broadcast_in_dim3A_3111 : f32 to vector<16xf32>
    %select_n3A_3113 = arith.select %eq3A_3108, %broadcast_in_dim3A_3112, %select_n3A_2955 : vector<16xi1>, vector<16xf32>
    %max3A_3114 = arith.maximumf %select_n3A_3086, %select_n3A_3095 : vector<16xf32>
    %max3A_3115 = arith.maximumf %select_n3A_3104, %select_n3A_3113 : vector<16xf32>
    %max3A_3116 = arith.maximumf %max3A_3114, %max3A_3115 : vector<16xf32>
    %iota3A_3117 = tpu.iota {dimensions = array<i32: 0>} : vector<16xi32>
    %add3A_3118 = arith.constant 8 : i32
    %add3A_3119 = vector.broadcast %add3A_3118 : i32 to vector<16xi32>
    %add3A_3120 = arith.addi %iota3A_3117, %add3A_3119 : vector<16xi32>
    %and3A_3121 = arith.constant 15 : i32
    %and3A_3122 = vector.broadcast %and3A_3121 : i32 to vector<16xi32>
    %and3A_3123 = arith.andi %add3A_3120, %and3A_3122 : vector<16xi32>
    %broadcast_in_dim3A_3124 = vector.shape_cast %and3A_3123 : vector<16xi32> to vector<16x1xi32>
    %gather3A_3125 = vector.shape_cast %broadcast_in_dim3A_3124 : vector<16x1xi32> to vector<16xi32>
    %gather3A_3126 = tpu.dynamic_gather %max3A_3116[%gather3A_3125] in [0] : vector<16xf32>, vector<16xi32> -> vector<16xf32>
    %max3A_3127 = arith.maximumf %max3A_3116, %gather3A_3126 : vector<16xf32>
    %iota3A_3128 = tpu.iota {dimensions = array<i32: 0>} : vector<16xi32>
    %add3A_3129 = arith.constant 4 : i32
    %add3A_3130 = vector.broadcast %add3A_3129 : i32 to vector<16xi32>
    %add3A_3131 = arith.addi %iota3A_3128, %add3A_3130 : vector<16xi32>
    %and3A_3132 = arith.constant 15 : i32
    %and3A_3133 = vector.broadcast %and3A_3132 : i32 to vector<16xi32>
    %and3A_3134 = arith.andi %add3A_3131, %and3A_3133 : vector<16xi32>
    %broadcast_in_dim3A_3135 = vector.shape_cast %and3A_3134 : vector<16xi32> to vector<16x1xi32>
    %gather3A_3136 = vector.shape_cast %broadcast_in_dim3A_3135 : vector<16x1xi32> to vector<16xi32>
    %gather3A_3137 = tpu.dynamic_gather %max3A_3127[%gather3A_3136] in [0] : vector<16xf32>, vector<16xi32> -> vector<16xf32>
    %max3A_3138 = arith.maximumf %max3A_3127, %gather3A_3137 : vector<16xf32>
    %iota3A_3139 = tpu.iota {dimensions = array<i32: 0>} : vector<16xi32>
    %add3A_3140 = arith.constant 2 : i32
    %add3A_3141 = vector.broadcast %add3A_3140 : i32 to vector<16xi32>
    %add3A_3142 = arith.addi %iota3A_3139, %add3A_3141 : vector<16xi32>
    %and3A_3143 = arith.constant 15 : i32
    %and3A_3144 = vector.broadcast %and3A_3143 : i32 to vector<16xi32>
    %and3A_3145 = arith.andi %add3A_3142, %and3A_3144 : vector<16xi32>
    %broadcast_in_dim3A_3146 = vector.shape_cast %and3A_3145 : vector<16xi32> to vector<16x1xi32>
    %gather3A_3147 = vector.shape_cast %broadcast_in_dim3A_3146 : vector<16x1xi32> to vector<16xi32>
    %gather3A_3148 = tpu.dynamic_gather %max3A_3138[%gather3A_3147] in [0] : vector<16xf32>, vector<16xi32> -> vector<16xf32>
    %max3A_3149 = arith.maximumf %max3A_3138, %gather3A_3148 : vector<16xf32>
    %iota3A_3150 = tpu.iota {dimensions = array<i32: 0>} : vector<16xi32>
    %add3A_3151 = arith.constant 1 : i32
    %add3A_3152 = vector.broadcast %add3A_3151 : i32 to vector<16xi32>
    %add3A_3153 = arith.addi %iota3A_3150, %add3A_3152 : vector<16xi32>
    %and3A_3154 = arith.constant 15 : i32
    %and3A_3155 = vector.broadcast %and3A_3154 : i32 to vector<16xi32>
    %and3A_3156 = arith.andi %add3A_3153, %and3A_3155 : vector<16xi32>
    %broadcast_in_dim3A_3157 = vector.shape_cast %and3A_3156 : vector<16xi32> to vector<16x1xi32>
    %gather3A_3158 = vector.shape_cast %broadcast_in_dim3A_3157 : vector<16x1xi32> to vector<16xi32>
    %gather3A_3159 = tpu.dynamic_gather %max3A_3149[%gather3A_3158] in [0] : vector<16xf32>, vector<16xi32> -> vector<16xf32>
    %max3A_3160 = arith.maximumf %max3A_3149, %gather3A_3159 : vector<16xf32>
    %eq3A_3161 = arith.cmpf oeq, %select_n3A_3086, %max3A_3160 : vector<16xf32>
    %add3A_3162 = arith.constant 0 : i32
    %add3A_3163 = vector.broadcast %add3A_3162 : i32 to vector<16xi32>
    %add3A_3164 = arith.addi %iota3A, %add3A_3163 : vector<16xi32>
    %jit3A_3165 = arith.constant 64 : i32
    %broadcast_in_dim3A_3166 = vector.broadcast %jit3A_3165 : i32 to vector<16xi32>
    %select_n3A_3167 = arith.select %eq3A_3161, %add3A_3164, %broadcast_in_dim3A_3166 : vector<16xi1>, vector<16xi32>
    %eq3A_3168 = arith.cmpf oeq, %select_n3A_3095, %max3A_3160 : vector<16xf32>
    %add3A_3169 = arith.constant 16 : i32
    %add3A_3170 = vector.broadcast %add3A_3169 : i32 to vector<16xi32>
    %add3A_3171 = arith.addi %iota3A, %add3A_3170 : vector<16xi32>
    %jit3A_3172 = arith.constant 64 : i32
    %broadcast_in_dim3A_3173 = vector.broadcast %jit3A_3172 : i32 to vector<16xi32>
    %select_n3A_3174 = arith.select %eq3A_3168, %add3A_3171, %broadcast_in_dim3A_3173 : vector<16xi1>, vector<16xi32>
    %eq3A_3175 = arith.cmpf oeq, %select_n3A_3104, %max3A_3160 : vector<16xf32>
    %add3A_3176 = arith.constant 32 : i32
    %add3A_3177 = vector.broadcast %add3A_3176 : i32 to vector<16xi32>
    %add3A_3178 = arith.addi %iota3A, %add3A_3177 : vector<16xi32>
    %jit3A_3179 = arith.constant 64 : i32
    %broadcast_in_dim3A_3180 = vector.broadcast %jit3A_3179 : i32 to vector<16xi32>
    %select_n3A_3181 = arith.select %eq3A_3175, %add3A_3178, %broadcast_in_dim3A_3180 : vector<16xi1>, vector<16xi32>
    %eq3A_3182 = arith.cmpf oeq, %select_n3A_3113, %max3A_3160 : vector<16xf32>
    %add3A_3183 = arith.constant 48 : i32
    %add3A_3184 = vector.broadcast %add3A_3183 : i32 to vector<16xi32>
    %add3A_3185 = arith.addi %iota3A, %add3A_3184 : vector<16xi32>
    %jit3A_3186 = arith.constant 64 : i32
    %broadcast_in_dim3A_3187 = vector.broadcast %jit3A_3186 : i32 to vector<16xi32>
    %select_n3A_3188 = arith.select %eq3A_3182, %add3A_3185, %broadcast_in_dim3A_3187 : vector<16xi1>, vector<16xi32>
    %min3A_3189 = arith.minsi %select_n3A_3167, %select_n3A_3174 : vector<16xi32>
    %min3A_3190 = arith.minsi %select_n3A_3181, %select_n3A_3188 : vector<16xi32>
    %min3A_3191 = arith.minsi %min3A_3189, %min3A_3190 : vector<16xi32>
    %iota3A_3192 = tpu.iota {dimensions = array<i32: 0>} : vector<16xi32>
    %add3A_3193 = arith.constant 8 : i32
    %add3A_3194 = vector.broadcast %add3A_3193 : i32 to vector<16xi32>
    %add3A_3195 = arith.addi %iota3A_3192, %add3A_3194 : vector<16xi32>
    %and3A_3196 = arith.constant 15 : i32
    %and3A_3197 = vector.broadcast %and3A_3196 : i32 to vector<16xi32>
    %and3A_3198 = arith.andi %add3A_3195, %and3A_3197 : vector<16xi32>
    %broadcast_in_dim3A_3199 = vector.shape_cast %and3A_3198 : vector<16xi32> to vector<16x1xi32>
    %gather3A_3200 = vector.shape_cast %broadcast_in_dim3A_3199 : vector<16x1xi32> to vector<16xi32>
    %gather3A_3201 = tpu.dynamic_gather %min3A_3191[%gather3A_3200] in [0] : vector<16xi32>, vector<16xi32> -> vector<16xi32>
    %min3A_3202 = arith.minsi %min3A_3191, %gather3A_3201 : vector<16xi32>
    %iota3A_3203 = tpu.iota {dimensions = array<i32: 0>} : vector<16xi32>
    %add3A_3204 = arith.constant 4 : i32
    %add3A_3205 = vector.broadcast %add3A_3204 : i32 to vector<16xi32>
    %add3A_3206 = arith.addi %iota3A_3203, %add3A_3205 : vector<16xi32>
    %and3A_3207 = arith.constant 15 : i32
    %and3A_3208 = vector.broadcast %and3A_3207 : i32 to vector<16xi32>
    %and3A_3209 = arith.andi %add3A_3206, %and3A_3208 : vector<16xi32>
    %broadcast_in_dim3A_3210 = vector.shape_cast %and3A_3209 : vector<16xi32> to vector<16x1xi32>
    %gather3A_3211 = vector.shape_cast %broadcast_in_dim3A_3210 : vector<16x1xi32> to vector<16xi32>
    %gather3A_3212 = tpu.dynamic_gather %min3A_3202[%gather3A_3211] in [0] : vector<16xi32>, vector<16xi32> -> vector<16xi32>
    %min3A_3213 = arith.minsi %min3A_3202, %gather3A_3212 : vector<16xi32>
    %iota3A_3214 = tpu.iota {dimensions = array<i32: 0>} : vector<16xi32>
    %add3A_3215 = arith.constant 2 : i32
    %add3A_3216 = vector.broadcast %add3A_3215 : i32 to vector<16xi32>
    %add3A_3217 = arith.addi %iota3A_3214, %add3A_3216 : vector<16xi32>
    %and3A_3218 = arith.constant 15 : i32
    %and3A_3219 = vector.broadcast %and3A_3218 : i32 to vector<16xi32>
    %and3A_3220 = arith.andi %add3A_3217, %and3A_3219 : vector<16xi32>
    %broadcast_in_dim3A_3221 = vector.shape_cast %and3A_3220 : vector<16xi32> to vector<16x1xi32>
    %gather3A_3222 = vector.shape_cast %broadcast_in_dim3A_3221 : vector<16x1xi32> to vector<16xi32>
    %gather3A_3223 = tpu.dynamic_gather %min3A_3213[%gather3A_3222] in [0] : vector<16xi32>, vector<16xi32> -> vector<16xi32>
    %min3A_3224 = arith.minsi %min3A_3213, %gather3A_3223 : vector<16xi32>
    %iota3A_3225 = tpu.iota {dimensions = array<i32: 0>} : vector<16xi32>
    %add3A_3226 = arith.constant 1 : i32
    %add3A_3227 = vector.broadcast %add3A_3226 : i32 to vector<16xi32>
    %add3A_3228 = arith.addi %iota3A_3225, %add3A_3227 : vector<16xi32>
    %and3A_3229 = arith.constant 15 : i32
    %and3A_3230 = vector.broadcast %and3A_3229 : i32 to vector<16xi32>
    %and3A_3231 = arith.andi %add3A_3228, %and3A_3230 : vector<16xi32>
    %broadcast_in_dim3A_3232 = vector.shape_cast %and3A_3231 : vector<16xi32> to vector<16x1xi32>
    %gather3A_3233 = vector.shape_cast %broadcast_in_dim3A_3232 : vector<16x1xi32> to vector<16xi32>
    %gather3A_3234 = tpu.dynamic_gather %min3A_3224[%gather3A_3233] in [0] : vector<16xi32>, vector<16xi32> -> vector<16xi32>
    %min3A_3235 = arith.minsi %min3A_3224, %gather3A_3234 : vector<16xi32>
    %add3A_3236 = arith.constant 0 : i32
    %add3A_3237 = vector.broadcast %add3A_3236 : i32 to vector<16xi32>
    %add3A_3238 = arith.addi %iota3A, %add3A_3237 : vector<16xi32>
    %eq3A_3239 = arith.cmpi eq, %add3A_3238, %min3A_3235 : vector<16xi32>
    %add3A_3240 = arith.addf %select_n3A_3083, %get3A_2770 : vector<16xf32>
    %select_n3A_3241 = arith.select %eq3A_3239, %add3A_3240, %select_n3A_3083 : vector<16xi1>, vector<16xf32>
    %broadcast_in_dim3A_3242 = arith.constant 0xFF800000 : f32
    %broadcast_in_dim3A_3243 = vector.broadcast %broadcast_in_dim3A_3242 : f32 to vector<16xf32>
    %select_n3A_3244 = arith.select %eq3A_3239, %broadcast_in_dim3A_3243, %select_n3A_3086 : vector<16xi1>, vector<16xf32>
    %add3A_3245 = arith.constant 16 : i32
    %add3A_3246 = vector.broadcast %add3A_3245 : i32 to vector<16xi32>
    %add3A_3247 = arith.addi %iota3A, %add3A_3246 : vector<16xi32>
    %eq3A_3248 = arith.cmpi eq, %add3A_3247, %min3A_3235 : vector<16xi32>
    %add3A_3249 = arith.addf %select_n3A_3092, %get3A_2775 : vector<16xf32>
    %select_n3A_3250 = arith.select %eq3A_3248, %add3A_3249, %select_n3A_3092 : vector<16xi1>, vector<16xf32>
    %broadcast_in_dim3A_3251 = arith.constant 0xFF800000 : f32
    %broadcast_in_dim3A_3252 = vector.broadcast %broadcast_in_dim3A_3251 : f32 to vector<16xf32>
    %select_n3A_3253 = arith.select %eq3A_3248, %broadcast_in_dim3A_3252, %select_n3A_3095 : vector<16xi1>, vector<16xf32>
    %add3A_3254 = arith.constant 32 : i32
    %add3A_3255 = vector.broadcast %add3A_3254 : i32 to vector<16xi32>
    %add3A_3256 = arith.addi %iota3A, %add3A_3255 : vector<16xi32>
    %eq3A_3257 = arith.cmpi eq, %add3A_3256, %min3A_3235 : vector<16xi32>
    %add3A_3258 = arith.addf %select_n3A_3101, %get3A_2780 : vector<16xf32>
    %select_n3A_3259 = arith.select %eq3A_3257, %add3A_3258, %select_n3A_3101 : vector<16xi1>, vector<16xf32>
    %broadcast_in_dim3A_3260 = arith.constant 0xFF800000 : f32
    %broadcast_in_dim3A_3261 = vector.broadcast %broadcast_in_dim3A_3260 : f32 to vector<16xf32>
    %select_n3A_3262 = arith.select %eq3A_3257, %broadcast_in_dim3A_3261, %select_n3A_3104 : vector<16xi1>, vector<16xf32>
    %add3A_3263 = arith.constant 48 : i32
    %add3A_3264 = vector.broadcast %add3A_3263 : i32 to vector<16xi32>
    %add3A_3265 = arith.addi %iota3A, %add3A_3264 : vector<16xi32>
    %eq3A_3266 = arith.cmpi eq, %add3A_3265, %min3A_3235 : vector<16xi32>
    %add3A_3267 = arith.addf %select_n3A_3110, %get3A_2785 : vector<16xf32>
    %select_n3A_3268 = arith.select %eq3A_3266, %add3A_3267, %select_n3A_3110 : vector<16xi1>, vector<16xf32>
    %broadcast_in_dim3A_3269 = arith.constant 0xFF800000 : f32
    %broadcast_in_dim3A_3270 = vector.broadcast %broadcast_in_dim3A_3269 : f32 to vector<16xf32>
    %select_n3A_3271 = arith.select %eq3A_3266, %broadcast_in_dim3A_3270, %select_n3A_3113 : vector<16xi1>, vector<16xf32>
    %max3A_3272 = arith.maximumf %select_n3A_3244, %select_n3A_3253 : vector<16xf32>
    %max3A_3273 = arith.maximumf %select_n3A_3262, %select_n3A_3271 : vector<16xf32>
    %max3A_3274 = arith.maximumf %max3A_3272, %max3A_3273 : vector<16xf32>
    %iota3A_3275 = tpu.iota {dimensions = array<i32: 0>} : vector<16xi32>
    %add3A_3276 = arith.constant 8 : i32
    %add3A_3277 = vector.broadcast %add3A_3276 : i32 to vector<16xi32>
    %add3A_3278 = arith.addi %iota3A_3275, %add3A_3277 : vector<16xi32>
    %and3A_3279 = arith.constant 15 : i32
    %and3A_3280 = vector.broadcast %and3A_3279 : i32 to vector<16xi32>
    %and3A_3281 = arith.andi %add3A_3278, %and3A_3280 : vector<16xi32>
    %broadcast_in_dim3A_3282 = vector.shape_cast %and3A_3281 : vector<16xi32> to vector<16x1xi32>
    %gather3A_3283 = vector.shape_cast %broadcast_in_dim3A_3282 : vector<16x1xi32> to vector<16xi32>
    %gather3A_3284 = tpu.dynamic_gather %max3A_3274[%gather3A_3283] in [0] : vector<16xf32>, vector<16xi32> -> vector<16xf32>
    %max3A_3285 = arith.maximumf %max3A_3274, %gather3A_3284 : vector<16xf32>
    %iota3A_3286 = tpu.iota {dimensions = array<i32: 0>} : vector<16xi32>
    %add3A_3287 = arith.constant 4 : i32
    %add3A_3288 = vector.broadcast %add3A_3287 : i32 to vector<16xi32>
    %add3A_3289 = arith.addi %iota3A_3286, %add3A_3288 : vector<16xi32>
    %and3A_3290 = arith.constant 15 : i32
    %and3A_3291 = vector.broadcast %and3A_3290 : i32 to vector<16xi32>
    %and3A_3292 = arith.andi %add3A_3289, %and3A_3291 : vector<16xi32>
    %broadcast_in_dim3A_3293 = vector.shape_cast %and3A_3292 : vector<16xi32> to vector<16x1xi32>
    %gather3A_3294 = vector.shape_cast %broadcast_in_dim3A_3293 : vector<16x1xi32> to vector<16xi32>
    %gather3A_3295 = tpu.dynamic_gather %max3A_3285[%gather3A_3294] in [0] : vector<16xf32>, vector<16xi32> -> vector<16xf32>
    %max3A_3296 = arith.maximumf %max3A_3285, %gather3A_3295 : vector<16xf32>
    %iota3A_3297 = tpu.iota {dimensions = array<i32: 0>} : vector<16xi32>
    %add3A_3298 = arith.constant 2 : i32
    %add3A_3299 = vector.broadcast %add3A_3298 : i32 to vector<16xi32>
    %add3A_3300 = arith.addi %iota3A_3297, %add3A_3299 : vector<16xi32>
    %and3A_3301 = arith.constant 15 : i32
    %and3A_3302 = vector.broadcast %and3A_3301 : i32 to vector<16xi32>
    %and3A_3303 = arith.andi %add3A_3300, %and3A_3302 : vector<16xi32>
    %broadcast_in_dim3A_3304 = vector.shape_cast %and3A_3303 : vector<16xi32> to vector<16x1xi32>
    %gather3A_3305 = vector.shape_cast %broadcast_in_dim3A_3304 : vector<16x1xi32> to vector<16xi32>
    %gather3A_3306 = tpu.dynamic_gather %max3A_3296[%gather3A_3305] in [0] : vector<16xf32>, vector<16xi32> -> vector<16xf32>
    %max3A_3307 = arith.maximumf %max3A_3296, %gather3A_3306 : vector<16xf32>
    %iota3A_3308 = tpu.iota {dimensions = array<i32: 0>} : vector<16xi32>
    %add3A_3309 = arith.constant 1 : i32
    %add3A_3310 = vector.broadcast %add3A_3309 : i32 to vector<16xi32>
    %add3A_3311 = arith.addi %iota3A_3308, %add3A_3310 : vector<16xi32>
    %and3A_3312 = arith.constant 15 : i32
    %and3A_3313 = vector.broadcast %and3A_3312 : i32 to vector<16xi32>
    %and3A_3314 = arith.andi %add3A_3311, %and3A_3313 : vector<16xi32>
    %broadcast_in_dim3A_3315 = vector.shape_cast %and3A_3314 : vector<16xi32> to vector<16x1xi32>
    %gather3A_3316 = vector.shape_cast %broadcast_in_dim3A_3315 : vector<16x1xi32> to vector<16xi32>
    %gather3A_3317 = tpu.dynamic_gather %max3A_3307[%gather3A_3316] in [0] : vector<16xf32>, vector<16xi32> -> vector<16xf32>
    %max3A_3318 = arith.maximumf %max3A_3307, %gather3A_3317 : vector<16xf32>
    %eq3A_3319 = arith.cmpf oeq, %select_n3A_3244, %max3A_3318 : vector<16xf32>
    %add3A_3320 = arith.constant 0 : i32
    %add3A_3321 = vector.broadcast %add3A_3320 : i32 to vector<16xi32>
    %add3A_3322 = arith.addi %iota3A, %add3A_3321 : vector<16xi32>
    %jit3A_3323 = arith.constant 64 : i32
    %broadcast_in_dim3A_3324 = vector.broadcast %jit3A_3323 : i32 to vector<16xi32>
    %select_n3A_3325 = arith.select %eq3A_3319, %add3A_3322, %broadcast_in_dim3A_3324 : vector<16xi1>, vector<16xi32>
    %eq3A_3326 = arith.cmpf oeq, %select_n3A_3253, %max3A_3318 : vector<16xf32>
    %add3A_3327 = arith.constant 16 : i32
    %add3A_3328 = vector.broadcast %add3A_3327 : i32 to vector<16xi32>
    %add3A_3329 = arith.addi %iota3A, %add3A_3328 : vector<16xi32>
    %jit3A_3330 = arith.constant 64 : i32
    %broadcast_in_dim3A_3331 = vector.broadcast %jit3A_3330 : i32 to vector<16xi32>
    %select_n3A_3332 = arith.select %eq3A_3326, %add3A_3329, %broadcast_in_dim3A_3331 : vector<16xi1>, vector<16xi32>
    %eq3A_3333 = arith.cmpf oeq, %select_n3A_3262, %max3A_3318 : vector<16xf32>
    %add3A_3334 = arith.constant 32 : i32
    %add3A_3335 = vector.broadcast %add3A_3334 : i32 to vector<16xi32>
    %add3A_3336 = arith.addi %iota3A, %add3A_3335 : vector<16xi32>
    %jit3A_3337 = arith.constant 64 : i32
    %broadcast_in_dim3A_3338 = vector.broadcast %jit3A_3337 : i32 to vector<16xi32>
    %select_n3A_3339 = arith.select %eq3A_3333, %add3A_3336, %broadcast_in_dim3A_3338 : vector<16xi1>, vector<16xi32>
    %eq3A_3340 = arith.cmpf oeq, %select_n3A_3271, %max3A_3318 : vector<16xf32>
    %add3A_3341 = arith.constant 48 : i32
    %add3A_3342 = vector.broadcast %add3A_3341 : i32 to vector<16xi32>
    %add3A_3343 = arith.addi %iota3A, %add3A_3342 : vector<16xi32>
    %jit3A_3344 = arith.constant 64 : i32
    %broadcast_in_dim3A_3345 = vector.broadcast %jit3A_3344 : i32 to vector<16xi32>
    %select_n3A_3346 = arith.select %eq3A_3340, %add3A_3343, %broadcast_in_dim3A_3345 : vector<16xi1>, vector<16xi32>
    %min3A_3347 = arith.minsi %select_n3A_3325, %select_n3A_3332 : vector<16xi32>
    %min3A_3348 = arith.minsi %select_n3A_3339, %select_n3A_3346 : vector<16xi32>
    %min3A_3349 = arith.minsi %min3A_3347, %min3A_3348 : vector<16xi32>
    %iota3A_3350 = tpu.iota {dimensions = array<i32: 0>} : vector<16xi32>
    %add3A_3351 = arith.constant 8 : i32
    %add3A_3352 = vector.broadcast %add3A_3351 : i32 to vector<16xi32>
    %add3A_3353 = arith.addi %iota3A_3350, %add3A_3352 : vector<16xi32>
    %and3A_3354 = arith.constant 15 : i32
    %and3A_3355 = vector.broadcast %and3A_3354 : i32 to vector<16xi32>
    %and3A_3356 = arith.andi %add3A_3353, %and3A_3355 : vector<16xi32>
    %broadcast_in_dim3A_3357 = vector.shape_cast %and3A_3356 : vector<16xi32> to vector<16x1xi32>
    %gather3A_3358 = vector.shape_cast %broadcast_in_dim3A_3357 : vector<16x1xi32> to vector<16xi32>
    %gather3A_3359 = tpu.dynamic_gather %min3A_3349[%gather3A_3358] in [0] : vector<16xi32>, vector<16xi32> -> vector<16xi32>
    %min3A_3360 = arith.minsi %min3A_3349, %gather3A_3359 : vector<16xi32>
    %iota3A_3361 = tpu.iota {dimensions = array<i32: 0>} : vector<16xi32>
    %add3A_3362 = arith.constant 4 : i32
    %add3A_3363 = vector.broadcast %add3A_3362 : i32 to vector<16xi32>
    %add3A_3364 = arith.addi %iota3A_3361, %add3A_3363 : vector<16xi32>
    %and3A_3365 = arith.constant 15 : i32
    %and3A_3366 = vector.broadcast %and3A_3365 : i32 to vector<16xi32>
    %and3A_3367 = arith.andi %add3A_3364, %and3A_3366 : vector<16xi32>
    %broadcast_in_dim3A_3368 = vector.shape_cast %and3A_3367 : vector<16xi32> to vector<16x1xi32>
    %gather3A_3369 = vector.shape_cast %broadcast_in_dim3A_3368 : vector<16x1xi32> to vector<16xi32>
    %gather3A_3370 = tpu.dynamic_gather %min3A_3360[%gather3A_3369] in [0] : vector<16xi32>, vector<16xi32> -> vector<16xi32>
    %min3A_3371 = arith.minsi %min3A_3360, %gather3A_3370 : vector<16xi32>
    %iota3A_3372 = tpu.iota {dimensions = array<i32: 0>} : vector<16xi32>
    %add3A_3373 = arith.constant 2 : i32
    %add3A_3374 = vector.broadcast %add3A_3373 : i32 to vector<16xi32>
    %add3A_3375 = arith.addi %iota3A_3372, %add3A_3374 : vector<16xi32>
    %and3A_3376 = arith.constant 15 : i32
    %and3A_3377 = vector.broadcast %and3A_3376 : i32 to vector<16xi32>
    %and3A_3378 = arith.andi %add3A_3375, %and3A_3377 : vector<16xi32>
    %broadcast_in_dim3A_3379 = vector.shape_cast %and3A_3378 : vector<16xi32> to vector<16x1xi32>
    %gather3A_3380 = vector.shape_cast %broadcast_in_dim3A_3379 : vector<16x1xi32> to vector<16xi32>
    %gather3A_3381 = tpu.dynamic_gather %min3A_3371[%gather3A_3380] in [0] : vector<16xi32>, vector<16xi32> -> vector<16xi32>
    %min3A_3382 = arith.minsi %min3A_3371, %gather3A_3381 : vector<16xi32>
    %iota3A_3383 = tpu.iota {dimensions = array<i32: 0>} : vector<16xi32>
    %add3A_3384 = arith.constant 1 : i32
    %add3A_3385 = vector.broadcast %add3A_3384 : i32 to vector<16xi32>
    %add3A_3386 = arith.addi %iota3A_3383, %add3A_3385 : vector<16xi32>
    %and3A_3387 = arith.constant 15 : i32
    %and3A_3388 = vector.broadcast %and3A_3387 : i32 to vector<16xi32>
    %and3A_3389 = arith.andi %add3A_3386, %and3A_3388 : vector<16xi32>
    %broadcast_in_dim3A_3390 = vector.shape_cast %and3A_3389 : vector<16xi32> to vector<16x1xi32>
    %gather3A_3391 = vector.shape_cast %broadcast_in_dim3A_3390 : vector<16x1xi32> to vector<16xi32>
    %gather3A_3392 = tpu.dynamic_gather %min3A_3382[%gather3A_3391] in [0] : vector<16xi32>, vector<16xi32> -> vector<16xi32>
    %min3A_3393 = arith.minsi %min3A_3382, %gather3A_3392 : vector<16xi32>
    %add3A_3394 = arith.constant 0 : i32
    %add3A_3395 = vector.broadcast %add3A_3394 : i32 to vector<16xi32>
    %add3A_3396 = arith.addi %iota3A, %add3A_3395 : vector<16xi32>
    %eq3A_3397 = arith.cmpi eq, %add3A_3396, %min3A_3393 : vector<16xi32>
    %add3A_3398 = arith.addf %select_n3A_3241, %get3A_2770 : vector<16xf32>
    %select_n3A_3399 = arith.select %eq3A_3397, %add3A_3398, %select_n3A_3241 : vector<16xi1>, vector<16xf32>
    %broadcast_in_dim3A_3400 = arith.constant 0xFF800000 : f32
    %broadcast_in_dim3A_3401 = vector.broadcast %broadcast_in_dim3A_3400 : f32 to vector<16xf32>
    %select_n3A_3402 = arith.select %eq3A_3397, %broadcast_in_dim3A_3401, %select_n3A_3244 : vector<16xi1>, vector<16xf32>
    %add3A_3403 = arith.constant 16 : i32
    %add3A_3404 = vector.broadcast %add3A_3403 : i32 to vector<16xi32>
    %add3A_3405 = arith.addi %iota3A, %add3A_3404 : vector<16xi32>
    %eq3A_3406 = arith.cmpi eq, %add3A_3405, %min3A_3393 : vector<16xi32>
    %add3A_3407 = arith.addf %select_n3A_3250, %get3A_2775 : vector<16xf32>
    %select_n3A_3408 = arith.select %eq3A_3406, %add3A_3407, %select_n3A_3250 : vector<16xi1>, vector<16xf32>
    %broadcast_in_dim3A_3409 = arith.constant 0xFF800000 : f32
    %broadcast_in_dim3A_3410 = vector.broadcast %broadcast_in_dim3A_3409 : f32 to vector<16xf32>
    %select_n3A_3411 = arith.select %eq3A_3406, %broadcast_in_dim3A_3410, %select_n3A_3253 : vector<16xi1>, vector<16xf32>
    %add3A_3412 = arith.constant 32 : i32
    %add3A_3413 = vector.broadcast %add3A_3412 : i32 to vector<16xi32>
    %add3A_3414 = arith.addi %iota3A, %add3A_3413 : vector<16xi32>
    %eq3A_3415 = arith.cmpi eq, %add3A_3414, %min3A_3393 : vector<16xi32>
    %add3A_3416 = arith.addf %select_n3A_3259, %get3A_2780 : vector<16xf32>
    %select_n3A_3417 = arith.select %eq3A_3415, %add3A_3416, %select_n3A_3259 : vector<16xi1>, vector<16xf32>
    %broadcast_in_dim3A_3418 = arith.constant 0xFF800000 : f32
    %broadcast_in_dim3A_3419 = vector.broadcast %broadcast_in_dim3A_3418 : f32 to vector<16xf32>
    %select_n3A_3420 = arith.select %eq3A_3415, %broadcast_in_dim3A_3419, %select_n3A_3262 : vector<16xi1>, vector<16xf32>
    %add3A_3421 = arith.constant 48 : i32
    %add3A_3422 = vector.broadcast %add3A_3421 : i32 to vector<16xi32>
    %add3A_3423 = arith.addi %iota3A, %add3A_3422 : vector<16xi32>
    %eq3A_3424 = arith.cmpi eq, %add3A_3423, %min3A_3393 : vector<16xi32>
    %add3A_3425 = arith.addf %select_n3A_3268, %get3A_2785 : vector<16xf32>
    %select_n3A_3426 = arith.select %eq3A_3424, %add3A_3425, %select_n3A_3268 : vector<16xi1>, vector<16xf32>
    %broadcast_in_dim3A_3427 = arith.constant 0xFF800000 : f32
    %broadcast_in_dim3A_3428 = vector.broadcast %broadcast_in_dim3A_3427 : f32 to vector<16xf32>
    %select_n3A_3429 = arith.select %eq3A_3424, %broadcast_in_dim3A_3428, %select_n3A_3271 : vector<16xi1>, vector<16xf32>
    %max3A_3430 = arith.maximumf %select_n3A_3402, %select_n3A_3411 : vector<16xf32>
    %max3A_3431 = arith.maximumf %select_n3A_3420, %select_n3A_3429 : vector<16xf32>
    %max3A_3432 = arith.maximumf %max3A_3430, %max3A_3431 : vector<16xf32>
    %iota3A_3433 = tpu.iota {dimensions = array<i32: 0>} : vector<16xi32>
    %add3A_3434 = arith.constant 8 : i32
    %add3A_3435 = vector.broadcast %add3A_3434 : i32 to vector<16xi32>
    %add3A_3436 = arith.addi %iota3A_3433, %add3A_3435 : vector<16xi32>
    %and3A_3437 = arith.constant 15 : i32
    %and3A_3438 = vector.broadcast %and3A_3437 : i32 to vector<16xi32>
    %and3A_3439 = arith.andi %add3A_3436, %and3A_3438 : vector<16xi32>
    %broadcast_in_dim3A_3440 = vector.shape_cast %and3A_3439 : vector<16xi32> to vector<16x1xi32>
    %gather3A_3441 = vector.shape_cast %broadcast_in_dim3A_3440 : vector<16x1xi32> to vector<16xi32>
    %gather3A_3442 = tpu.dynamic_gather %max3A_3432[%gather3A_3441] in [0] : vector<16xf32>, vector<16xi32> -> vector<16xf32>
    %max3A_3443 = arith.maximumf %max3A_3432, %gather3A_3442 : vector<16xf32>
    %iota3A_3444 = tpu.iota {dimensions = array<i32: 0>} : vector<16xi32>
    %add3A_3445 = arith.constant 4 : i32
    %add3A_3446 = vector.broadcast %add3A_3445 : i32 to vector<16xi32>
    %add3A_3447 = arith.addi %iota3A_3444, %add3A_3446 : vector<16xi32>
    %and3A_3448 = arith.constant 15 : i32
    %and3A_3449 = vector.broadcast %and3A_3448 : i32 to vector<16xi32>
    %and3A_3450 = arith.andi %add3A_3447, %and3A_3449 : vector<16xi32>
    %broadcast_in_dim3A_3451 = vector.shape_cast %and3A_3450 : vector<16xi32> to vector<16x1xi32>
    %gather3A_3452 = vector.shape_cast %broadcast_in_dim3A_3451 : vector<16x1xi32> to vector<16xi32>
    %gather3A_3453 = tpu.dynamic_gather %max3A_3443[%gather3A_3452] in [0] : vector<16xf32>, vector<16xi32> -> vector<16xf32>
    %max3A_3454 = arith.maximumf %max3A_3443, %gather3A_3453 : vector<16xf32>
    %iota3A_3455 = tpu.iota {dimensions = array<i32: 0>} : vector<16xi32>
    %add3A_3456 = arith.constant 2 : i32
    %add3A_3457 = vector.broadcast %add3A_3456 : i32 to vector<16xi32>
    %add3A_3458 = arith.addi %iota3A_3455, %add3A_3457 : vector<16xi32>
    %and3A_3459 = arith.constant 15 : i32
    %and3A_3460 = vector.broadcast %and3A_3459 : i32 to vector<16xi32>
    %and3A_3461 = arith.andi %add3A_3458, %and3A_3460 : vector<16xi32>
    %broadcast_in_dim3A_3462 = vector.shape_cast %and3A_3461 : vector<16xi32> to vector<16x1xi32>
    %gather3A_3463 = vector.shape_cast %broadcast_in_dim3A_3462 : vector<16x1xi32> to vector<16xi32>
    %gather3A_3464 = tpu.dynamic_gather %max3A_3454[%gather3A_3463] in [0] : vector<16xf32>, vector<16xi32> -> vector<16xf32>
    %max3A_3465 = arith.maximumf %max3A_3454, %gather3A_3464 : vector<16xf32>
    %iota3A_3466 = tpu.iota {dimensions = array<i32: 0>} : vector<16xi32>
    %add3A_3467 = arith.constant 1 : i32
    %add3A_3468 = vector.broadcast %add3A_3467 : i32 to vector<16xi32>
    %add3A_3469 = arith.addi %iota3A_3466, %add3A_3468 : vector<16xi32>
    %and3A_3470 = arith.constant 15 : i32
    %and3A_3471 = vector.broadcast %and3A_3470 : i32 to vector<16xi32>
    %and3A_3472 = arith.andi %add3A_3469, %and3A_3471 : vector<16xi32>
    %broadcast_in_dim3A_3473 = vector.shape_cast %and3A_3472 : vector<16xi32> to vector<16x1xi32>
    %gather3A_3474 = vector.shape_cast %broadcast_in_dim3A_3473 : vector<16x1xi32> to vector<16xi32>
    %gather3A_3475 = tpu.dynamic_gather %max3A_3465[%gather3A_3474] in [0] : vector<16xf32>, vector<16xi32> -> vector<16xf32>
    %max3A_3476 = arith.maximumf %max3A_3465, %gather3A_3475 : vector<16xf32>
    %eq3A_3477 = arith.cmpf oeq, %select_n3A_3402, %max3A_3476 : vector<16xf32>
    %add3A_3478 = arith.constant 0 : i32
    %add3A_3479 = vector.broadcast %add3A_3478 : i32 to vector<16xi32>
    %add3A_3480 = arith.addi %iota3A, %add3A_3479 : vector<16xi32>
    %jit3A_3481 = arith.constant 64 : i32
    %broadcast_in_dim3A_3482 = vector.broadcast %jit3A_3481 : i32 to vector<16xi32>
    %select_n3A_3483 = arith.select %eq3A_3477, %add3A_3480, %broadcast_in_dim3A_3482 : vector<16xi1>, vector<16xi32>
    %eq3A_3484 = arith.cmpf oeq, %select_n3A_3411, %max3A_3476 : vector<16xf32>
    %add3A_3485 = arith.constant 16 : i32
    %add3A_3486 = vector.broadcast %add3A_3485 : i32 to vector<16xi32>
    %add3A_3487 = arith.addi %iota3A, %add3A_3486 : vector<16xi32>
    %jit3A_3488 = arith.constant 64 : i32
    %broadcast_in_dim3A_3489 = vector.broadcast %jit3A_3488 : i32 to vector<16xi32>
    %select_n3A_3490 = arith.select %eq3A_3484, %add3A_3487, %broadcast_in_dim3A_3489 : vector<16xi1>, vector<16xi32>
    %eq3A_3491 = arith.cmpf oeq, %select_n3A_3420, %max3A_3476 : vector<16xf32>
    %add3A_3492 = arith.constant 32 : i32
    %add3A_3493 = vector.broadcast %add3A_3492 : i32 to vector<16xi32>
    %add3A_3494 = arith.addi %iota3A, %add3A_3493 : vector<16xi32>
    %jit3A_3495 = arith.constant 64 : i32
    %broadcast_in_dim3A_3496 = vector.broadcast %jit3A_3495 : i32 to vector<16xi32>
    %select_n3A_3497 = arith.select %eq3A_3491, %add3A_3494, %broadcast_in_dim3A_3496 : vector<16xi1>, vector<16xi32>
    %eq3A_3498 = arith.cmpf oeq, %select_n3A_3429, %max3A_3476 : vector<16xf32>
    %add3A_3499 = arith.constant 48 : i32
    %add3A_3500 = vector.broadcast %add3A_3499 : i32 to vector<16xi32>
    %add3A_3501 = arith.addi %iota3A, %add3A_3500 : vector<16xi32>
    %jit3A_3502 = arith.constant 64 : i32
    %broadcast_in_dim3A_3503 = vector.broadcast %jit3A_3502 : i32 to vector<16xi32>
    %select_n3A_3504 = arith.select %eq3A_3498, %add3A_3501, %broadcast_in_dim3A_3503 : vector<16xi1>, vector<16xi32>
    %min3A_3505 = arith.minsi %select_n3A_3483, %select_n3A_3490 : vector<16xi32>
    %min3A_3506 = arith.minsi %select_n3A_3497, %select_n3A_3504 : vector<16xi32>
    %min3A_3507 = arith.minsi %min3A_3505, %min3A_3506 : vector<16xi32>
    %iota3A_3508 = tpu.iota {dimensions = array<i32: 0>} : vector<16xi32>
    %add3A_3509 = arith.constant 8 : i32
    %add3A_3510 = vector.broadcast %add3A_3509 : i32 to vector<16xi32>
    %add3A_3511 = arith.addi %iota3A_3508, %add3A_3510 : vector<16xi32>
    %and3A_3512 = arith.constant 15 : i32
    %and3A_3513 = vector.broadcast %and3A_3512 : i32 to vector<16xi32>
    %and3A_3514 = arith.andi %add3A_3511, %and3A_3513 : vector<16xi32>
    %broadcast_in_dim3A_3515 = vector.shape_cast %and3A_3514 : vector<16xi32> to vector<16x1xi32>
    %gather3A_3516 = vector.shape_cast %broadcast_in_dim3A_3515 : vector<16x1xi32> to vector<16xi32>
    %gather3A_3517 = tpu.dynamic_gather %min3A_3507[%gather3A_3516] in [0] : vector<16xi32>, vector<16xi32> -> vector<16xi32>
    %min3A_3518 = arith.minsi %min3A_3507, %gather3A_3517 : vector<16xi32>
    %iota3A_3519 = tpu.iota {dimensions = array<i32: 0>} : vector<16xi32>
    %add3A_3520 = arith.constant 4 : i32
    %add3A_3521 = vector.broadcast %add3A_3520 : i32 to vector<16xi32>
    %add3A_3522 = arith.addi %iota3A_3519, %add3A_3521 : vector<16xi32>
    %and3A_3523 = arith.constant 15 : i32
    %and3A_3524 = vector.broadcast %and3A_3523 : i32 to vector<16xi32>
    %and3A_3525 = arith.andi %add3A_3522, %and3A_3524 : vector<16xi32>
    %broadcast_in_dim3A_3526 = vector.shape_cast %and3A_3525 : vector<16xi32> to vector<16x1xi32>
    %gather3A_3527 = vector.shape_cast %broadcast_in_dim3A_3526 : vector<16x1xi32> to vector<16xi32>
    %gather3A_3528 = tpu.dynamic_gather %min3A_3518[%gather3A_3527] in [0] : vector<16xi32>, vector<16xi32> -> vector<16xi32>
    %min3A_3529 = arith.minsi %min3A_3518, %gather3A_3528 : vector<16xi32>
    %iota3A_3530 = tpu.iota {dimensions = array<i32: 0>} : vector<16xi32>
    %add3A_3531 = arith.constant 2 : i32
    %add3A_3532 = vector.broadcast %add3A_3531 : i32 to vector<16xi32>
    %add3A_3533 = arith.addi %iota3A_3530, %add3A_3532 : vector<16xi32>
    %and3A_3534 = arith.constant 15 : i32
    %and3A_3535 = vector.broadcast %and3A_3534 : i32 to vector<16xi32>
    %and3A_3536 = arith.andi %add3A_3533, %and3A_3535 : vector<16xi32>
    %broadcast_in_dim3A_3537 = vector.shape_cast %and3A_3536 : vector<16xi32> to vector<16x1xi32>
    %gather3A_3538 = vector.shape_cast %broadcast_in_dim3A_3537 : vector<16x1xi32> to vector<16xi32>
    %gather3A_3539 = tpu.dynamic_gather %min3A_3529[%gather3A_3538] in [0] : vector<16xi32>, vector<16xi32> -> vector<16xi32>
    %min3A_3540 = arith.minsi %min3A_3529, %gather3A_3539 : vector<16xi32>
    %iota3A_3541 = tpu.iota {dimensions = array<i32: 0>} : vector<16xi32>
    %add3A_3542 = arith.constant 1 : i32
    %add3A_3543 = vector.broadcast %add3A_3542 : i32 to vector<16xi32>
    %add3A_3544 = arith.addi %iota3A_3541, %add3A_3543 : vector<16xi32>
    %and3A_3545 = arith.constant 15 : i32
    %and3A_3546 = vector.broadcast %and3A_3545 : i32 to vector<16xi32>
    %and3A_3547 = arith.andi %add3A_3544, %and3A_3546 : vector<16xi32>
    %broadcast_in_dim3A_3548 = vector.shape_cast %and3A_3547 : vector<16xi32> to vector<16x1xi32>
    %gather3A_3549 = vector.shape_cast %broadcast_in_dim3A_3548 : vector<16x1xi32> to vector<16xi32>
    %gather3A_3550 = tpu.dynamic_gather %min3A_3540[%gather3A_3549] in [0] : vector<16xi32>, vector<16xi32> -> vector<16xi32>
    %min3A_3551 = arith.minsi %min3A_3540, %gather3A_3550 : vector<16xi32>
    %add3A_3552 = arith.constant 0 : i32
    %add3A_3553 = vector.broadcast %add3A_3552 : i32 to vector<16xi32>
    %add3A_3554 = arith.addi %iota3A, %add3A_3553 : vector<16xi32>
    %eq3A_3555 = arith.cmpi eq, %add3A_3554, %min3A_3551 : vector<16xi32>
    %add3A_3556 = arith.addf %select_n3A_3399, %get3A_2770 : vector<16xf32>
    %select_n3A_3557 = arith.select %eq3A_3555, %add3A_3556, %select_n3A_3399 : vector<16xi1>, vector<16xf32>
    %broadcast_in_dim3A_3558 = arith.constant 0xFF800000 : f32
    %broadcast_in_dim3A_3559 = vector.broadcast %broadcast_in_dim3A_3558 : f32 to vector<16xf32>
    %select_n3A_3560 = arith.select %eq3A_3555, %broadcast_in_dim3A_3559, %select_n3A_3402 : vector<16xi1>, vector<16xf32>
    %add3A_3561 = arith.constant 16 : i32
    %add3A_3562 = vector.broadcast %add3A_3561 : i32 to vector<16xi32>
    %add3A_3563 = arith.addi %iota3A, %add3A_3562 : vector<16xi32>
    %eq3A_3564 = arith.cmpi eq, %add3A_3563, %min3A_3551 : vector<16xi32>
    %add3A_3565 = arith.addf %select_n3A_3408, %get3A_2775 : vector<16xf32>
    %select_n3A_3566 = arith.select %eq3A_3564, %add3A_3565, %select_n3A_3408 : vector<16xi1>, vector<16xf32>
    %broadcast_in_dim3A_3567 = arith.constant 0xFF800000 : f32
    %broadcast_in_dim3A_3568 = vector.broadcast %broadcast_in_dim3A_3567 : f32 to vector<16xf32>
    %select_n3A_3569 = arith.select %eq3A_3564, %broadcast_in_dim3A_3568, %select_n3A_3411 : vector<16xi1>, vector<16xf32>
    %add3A_3570 = arith.constant 32 : i32
    %add3A_3571 = vector.broadcast %add3A_3570 : i32 to vector<16xi32>
    %add3A_3572 = arith.addi %iota3A, %add3A_3571 : vector<16xi32>
    %eq3A_3573 = arith.cmpi eq, %add3A_3572, %min3A_3551 : vector<16xi32>
    %add3A_3574 = arith.addf %select_n3A_3417, %get3A_2780 : vector<16xf32>
    %select_n3A_3575 = arith.select %eq3A_3573, %add3A_3574, %select_n3A_3417 : vector<16xi1>, vector<16xf32>
    %broadcast_in_dim3A_3576 = arith.constant 0xFF800000 : f32
    %broadcast_in_dim3A_3577 = vector.broadcast %broadcast_in_dim3A_3576 : f32 to vector<16xf32>
    %select_n3A_3578 = arith.select %eq3A_3573, %broadcast_in_dim3A_3577, %select_n3A_3420 : vector<16xi1>, vector<16xf32>
    %add3A_3579 = arith.constant 48 : i32
    %add3A_3580 = vector.broadcast %add3A_3579 : i32 to vector<16xi32>
    %add3A_3581 = arith.addi %iota3A, %add3A_3580 : vector<16xi32>
    %eq3A_3582 = arith.cmpi eq, %add3A_3581, %min3A_3551 : vector<16xi32>
    %add3A_3583 = arith.addf %select_n3A_3426, %get3A_2785 : vector<16xf32>
    %select_n3A_3584 = arith.select %eq3A_3582, %add3A_3583, %select_n3A_3426 : vector<16xi1>, vector<16xf32>
    %broadcast_in_dim3A_3585 = arith.constant 0xFF800000 : f32
    %broadcast_in_dim3A_3586 = vector.broadcast %broadcast_in_dim3A_3585 : f32 to vector<16xf32>
    %select_n3A_3587 = arith.select %eq3A_3582, %broadcast_in_dim3A_3586, %select_n3A_3429 : vector<16xi1>, vector<16xf32>
    %max3A_3588 = arith.maximumf %select_n3A_3560, %select_n3A_3569 : vector<16xf32>
    %max3A_3589 = arith.maximumf %select_n3A_3578, %select_n3A_3587 : vector<16xf32>
    %max3A_3590 = arith.maximumf %max3A_3588, %max3A_3589 : vector<16xf32>
    %iota3A_3591 = tpu.iota {dimensions = array<i32: 0>} : vector<16xi32>
    %add3A_3592 = arith.constant 8 : i32
    %add3A_3593 = vector.broadcast %add3A_3592 : i32 to vector<16xi32>
    %add3A_3594 = arith.addi %iota3A_3591, %add3A_3593 : vector<16xi32>
    %and3A_3595 = arith.constant 15 : i32
    %and3A_3596 = vector.broadcast %and3A_3595 : i32 to vector<16xi32>
    %and3A_3597 = arith.andi %add3A_3594, %and3A_3596 : vector<16xi32>
    %broadcast_in_dim3A_3598 = vector.shape_cast %and3A_3597 : vector<16xi32> to vector<16x1xi32>
    %gather3A_3599 = vector.shape_cast %broadcast_in_dim3A_3598 : vector<16x1xi32> to vector<16xi32>
    %gather3A_3600 = tpu.dynamic_gather %max3A_3590[%gather3A_3599] in [0] : vector<16xf32>, vector<16xi32> -> vector<16xf32>
    %max3A_3601 = arith.maximumf %max3A_3590, %gather3A_3600 : vector<16xf32>
    %iota3A_3602 = tpu.iota {dimensions = array<i32: 0>} : vector<16xi32>
    %add3A_3603 = arith.constant 4 : i32
    %add3A_3604 = vector.broadcast %add3A_3603 : i32 to vector<16xi32>
    %add3A_3605 = arith.addi %iota3A_3602, %add3A_3604 : vector<16xi32>
    %and3A_3606 = arith.constant 15 : i32
    %and3A_3607 = vector.broadcast %and3A_3606 : i32 to vector<16xi32>
    %and3A_3608 = arith.andi %add3A_3605, %and3A_3607 : vector<16xi32>
    %broadcast_in_dim3A_3609 = vector.shape_cast %and3A_3608 : vector<16xi32> to vector<16x1xi32>
    %gather3A_3610 = vector.shape_cast %broadcast_in_dim3A_3609 : vector<16x1xi32> to vector<16xi32>
    %gather3A_3611 = tpu.dynamic_gather %max3A_3601[%gather3A_3610] in [0] : vector<16xf32>, vector<16xi32> -> vector<16xf32>
    %max3A_3612 = arith.maximumf %max3A_3601, %gather3A_3611 : vector<16xf32>
    %iota3A_3613 = tpu.iota {dimensions = array<i32: 0>} : vector<16xi32>
    %add3A_3614 = arith.constant 2 : i32
    %add3A_3615 = vector.broadcast %add3A_3614 : i32 to vector<16xi32>
    %add3A_3616 = arith.addi %iota3A_3613, %add3A_3615 : vector<16xi32>
    %and3A_3617 = arith.constant 15 : i32
    %and3A_3618 = vector.broadcast %and3A_3617 : i32 to vector<16xi32>
    %and3A_3619 = arith.andi %add3A_3616, %and3A_3618 : vector<16xi32>
    %broadcast_in_dim3A_3620 = vector.shape_cast %and3A_3619 : vector<16xi32> to vector<16x1xi32>
    %gather3A_3621 = vector.shape_cast %broadcast_in_dim3A_3620 : vector<16x1xi32> to vector<16xi32>
    %gather3A_3622 = tpu.dynamic_gather %max3A_3612[%gather3A_3621] in [0] : vector<16xf32>, vector<16xi32> -> vector<16xf32>
    %max3A_3623 = arith.maximumf %max3A_3612, %gather3A_3622 : vector<16xf32>
    %iota3A_3624 = tpu.iota {dimensions = array<i32: 0>} : vector<16xi32>
    %add3A_3625 = arith.constant 1 : i32
    %add3A_3626 = vector.broadcast %add3A_3625 : i32 to vector<16xi32>
    %add3A_3627 = arith.addi %iota3A_3624, %add3A_3626 : vector<16xi32>
    %and3A_3628 = arith.constant 15 : i32
    %and3A_3629 = vector.broadcast %and3A_3628 : i32 to vector<16xi32>
    %and3A_3630 = arith.andi %add3A_3627, %and3A_3629 : vector<16xi32>
    %broadcast_in_dim3A_3631 = vector.shape_cast %and3A_3630 : vector<16xi32> to vector<16x1xi32>
    %gather3A_3632 = vector.shape_cast %broadcast_in_dim3A_3631 : vector<16x1xi32> to vector<16xi32>
    %gather3A_3633 = tpu.dynamic_gather %max3A_3623[%gather3A_3632] in [0] : vector<16xf32>, vector<16xi32> -> vector<16xf32>
    %max3A_3634 = arith.maximumf %max3A_3623, %gather3A_3633 : vector<16xf32>
    %eq3A_3635 = arith.cmpf oeq, %select_n3A_3560, %max3A_3634 : vector<16xf32>
    %add3A_3636 = arith.constant 0 : i32
    %add3A_3637 = vector.broadcast %add3A_3636 : i32 to vector<16xi32>
    %add3A_3638 = arith.addi %iota3A, %add3A_3637 : vector<16xi32>
    %jit3A_3639 = arith.constant 64 : i32
    %broadcast_in_dim3A_3640 = vector.broadcast %jit3A_3639 : i32 to vector<16xi32>
    %select_n3A_3641 = arith.select %eq3A_3635, %add3A_3638, %broadcast_in_dim3A_3640 : vector<16xi1>, vector<16xi32>
    %eq3A_3642 = arith.cmpf oeq, %select_n3A_3569, %max3A_3634 : vector<16xf32>
    %add3A_3643 = arith.constant 16 : i32
    %add3A_3644 = vector.broadcast %add3A_3643 : i32 to vector<16xi32>
    %add3A_3645 = arith.addi %iota3A, %add3A_3644 : vector<16xi32>
    %jit3A_3646 = arith.constant 64 : i32
    %broadcast_in_dim3A_3647 = vector.broadcast %jit3A_3646 : i32 to vector<16xi32>
    %select_n3A_3648 = arith.select %eq3A_3642, %add3A_3645, %broadcast_in_dim3A_3647 : vector<16xi1>, vector<16xi32>
    %eq3A_3649 = arith.cmpf oeq, %select_n3A_3578, %max3A_3634 : vector<16xf32>
    %add3A_3650 = arith.constant 32 : i32
    %add3A_3651 = vector.broadcast %add3A_3650 : i32 to vector<16xi32>
    %add3A_3652 = arith.addi %iota3A, %add3A_3651 : vector<16xi32>
    %jit3A_3653 = arith.constant 64 : i32
    %broadcast_in_dim3A_3654 = vector.broadcast %jit3A_3653 : i32 to vector<16xi32>
    %select_n3A_3655 = arith.select %eq3A_3649, %add3A_3652, %broadcast_in_dim3A_3654 : vector<16xi1>, vector<16xi32>
    %eq3A_3656 = arith.cmpf oeq, %select_n3A_3587, %max3A_3634 : vector<16xf32>
    %add3A_3657 = arith.constant 48 : i32
    %add3A_3658 = vector.broadcast %add3A_3657 : i32 to vector<16xi32>
    %add3A_3659 = arith.addi %iota3A, %add3A_3658 : vector<16xi32>
    %jit3A_3660 = arith.constant 64 : i32
    %broadcast_in_dim3A_3661 = vector.broadcast %jit3A_3660 : i32 to vector<16xi32>
    %select_n3A_3662 = arith.select %eq3A_3656, %add3A_3659, %broadcast_in_dim3A_3661 : vector<16xi1>, vector<16xi32>
    %min3A_3663 = arith.minsi %select_n3A_3641, %select_n3A_3648 : vector<16xi32>
    %min3A_3664 = arith.minsi %select_n3A_3655, %select_n3A_3662 : vector<16xi32>
    %min3A_3665 = arith.minsi %min3A_3663, %min3A_3664 : vector<16xi32>
    %iota3A_3666 = tpu.iota {dimensions = array<i32: 0>} : vector<16xi32>
    %add3A_3667 = arith.constant 8 : i32
    %add3A_3668 = vector.broadcast %add3A_3667 : i32 to vector<16xi32>
    %add3A_3669 = arith.addi %iota3A_3666, %add3A_3668 : vector<16xi32>
    %and3A_3670 = arith.constant 15 : i32
    %and3A_3671 = vector.broadcast %and3A_3670 : i32 to vector<16xi32>
    %and3A_3672 = arith.andi %add3A_3669, %and3A_3671 : vector<16xi32>
    %broadcast_in_dim3A_3673 = vector.shape_cast %and3A_3672 : vector<16xi32> to vector<16x1xi32>
    %gather3A_3674 = vector.shape_cast %broadcast_in_dim3A_3673 : vector<16x1xi32> to vector<16xi32>
    %gather3A_3675 = tpu.dynamic_gather %min3A_3665[%gather3A_3674] in [0] : vector<16xi32>, vector<16xi32> -> vector<16xi32>
    %min3A_3676 = arith.minsi %min3A_3665, %gather3A_3675 : vector<16xi32>
    %iota3A_3677 = tpu.iota {dimensions = array<i32: 0>} : vector<16xi32>
    %add3A_3678 = arith.constant 4 : i32
    %add3A_3679 = vector.broadcast %add3A_3678 : i32 to vector<16xi32>
    %add3A_3680 = arith.addi %iota3A_3677, %add3A_3679 : vector<16xi32>
    %and3A_3681 = arith.constant 15 : i32
    %and3A_3682 = vector.broadcast %and3A_3681 : i32 to vector<16xi32>
    %and3A_3683 = arith.andi %add3A_3680, %and3A_3682 : vector<16xi32>
    %broadcast_in_dim3A_3684 = vector.shape_cast %and3A_3683 : vector<16xi32> to vector<16x1xi32>
    %gather3A_3685 = vector.shape_cast %broadcast_in_dim3A_3684 : vector<16x1xi32> to vector<16xi32>
    %gather3A_3686 = tpu.dynamic_gather %min3A_3676[%gather3A_3685] in [0] : vector<16xi32>, vector<16xi32> -> vector<16xi32>
    %min3A_3687 = arith.minsi %min3A_3676, %gather3A_3686 : vector<16xi32>
    %iota3A_3688 = tpu.iota {dimensions = array<i32: 0>} : vector<16xi32>
    %add3A_3689 = arith.constant 2 : i32
    %add3A_3690 = vector.broadcast %add3A_3689 : i32 to vector<16xi32>
    %add3A_3691 = arith.addi %iota3A_3688, %add3A_3690 : vector<16xi32>
    %and3A_3692 = arith.constant 15 : i32
    %and3A_3693 = vector.broadcast %and3A_3692 : i32 to vector<16xi32>
    %and3A_3694 = arith.andi %add3A_3691, %and3A_3693 : vector<16xi32>
    %broadcast_in_dim3A_3695 = vector.shape_cast %and3A_3694 : vector<16xi32> to vector<16x1xi32>
    %gather3A_3696 = vector.shape_cast %broadcast_in_dim3A_3695 : vector<16x1xi32> to vector<16xi32>
    %gather3A_3697 = tpu.dynamic_gather %min3A_3687[%gather3A_3696] in [0] : vector<16xi32>, vector<16xi32> -> vector<16xi32>
    %min3A_3698 = arith.minsi %min3A_3687, %gather3A_3697 : vector<16xi32>
    %iota3A_3699 = tpu.iota {dimensions = array<i32: 0>} : vector<16xi32>
    %add3A_3700 = arith.constant 1 : i32
    %add3A_3701 = vector.broadcast %add3A_3700 : i32 to vector<16xi32>
    %add3A_3702 = arith.addi %iota3A_3699, %add3A_3701 : vector<16xi32>
    %and3A_3703 = arith.constant 15 : i32
    %and3A_3704 = vector.broadcast %and3A_3703 : i32 to vector<16xi32>
    %and3A_3705 = arith.andi %add3A_3702, %and3A_3704 : vector<16xi32>
    %broadcast_in_dim3A_3706 = vector.shape_cast %and3A_3705 : vector<16xi32> to vector<16x1xi32>
    %gather3A_3707 = vector.shape_cast %broadcast_in_dim3A_3706 : vector<16x1xi32> to vector<16xi32>
    %gather3A_3708 = tpu.dynamic_gather %min3A_3698[%gather3A_3707] in [0] : vector<16xi32>, vector<16xi32> -> vector<16xi32>
    %min3A_3709 = arith.minsi %min3A_3698, %gather3A_3708 : vector<16xi32>
    %add3A_3710 = arith.constant 0 : i32
    %add3A_3711 = vector.broadcast %add3A_3710 : i32 to vector<16xi32>
    %add3A_3712 = arith.addi %iota3A, %add3A_3711 : vector<16xi32>
    %eq3A_3713 = arith.cmpi eq, %add3A_3712, %min3A_3709 : vector<16xi32>
    %add3A_3714 = arith.addf %select_n3A_3557, %get3A_2770 : vector<16xf32>
    %select_n3A_3715 = arith.select %eq3A_3713, %add3A_3714, %select_n3A_3557 : vector<16xi1>, vector<16xf32>
    %broadcast_in_dim3A_3716 = arith.constant 0xFF800000 : f32
    %broadcast_in_dim3A_3717 = vector.broadcast %broadcast_in_dim3A_3716 : f32 to vector<16xf32>
    %select_n3A_3718 = arith.select %eq3A_3713, %broadcast_in_dim3A_3717, %select_n3A_3560 : vector<16xi1>, vector<16xf32>
    %add3A_3719 = arith.constant 16 : i32
    %add3A_3720 = vector.broadcast %add3A_3719 : i32 to vector<16xi32>
    %add3A_3721 = arith.addi %iota3A, %add3A_3720 : vector<16xi32>
    %eq3A_3722 = arith.cmpi eq, %add3A_3721, %min3A_3709 : vector<16xi32>
    %add3A_3723 = arith.addf %select_n3A_3566, %get3A_2775 : vector<16xf32>
    %select_n3A_3724 = arith.select %eq3A_3722, %add3A_3723, %select_n3A_3566 : vector<16xi1>, vector<16xf32>
    %broadcast_in_dim3A_3725 = arith.constant 0xFF800000 : f32
    %broadcast_in_dim3A_3726 = vector.broadcast %broadcast_in_dim3A_3725 : f32 to vector<16xf32>
    %select_n3A_3727 = arith.select %eq3A_3722, %broadcast_in_dim3A_3726, %select_n3A_3569 : vector<16xi1>, vector<16xf32>
    %add3A_3728 = arith.constant 32 : i32
    %add3A_3729 = vector.broadcast %add3A_3728 : i32 to vector<16xi32>
    %add3A_3730 = arith.addi %iota3A, %add3A_3729 : vector<16xi32>
    %eq3A_3731 = arith.cmpi eq, %add3A_3730, %min3A_3709 : vector<16xi32>
    %add3A_3732 = arith.addf %select_n3A_3575, %get3A_2780 : vector<16xf32>
    %select_n3A_3733 = arith.select %eq3A_3731, %add3A_3732, %select_n3A_3575 : vector<16xi1>, vector<16xf32>
    %broadcast_in_dim3A_3734 = arith.constant 0xFF800000 : f32
    %broadcast_in_dim3A_3735 = vector.broadcast %broadcast_in_dim3A_3734 : f32 to vector<16xf32>
    %select_n3A_3736 = arith.select %eq3A_3731, %broadcast_in_dim3A_3735, %select_n3A_3578 : vector<16xi1>, vector<16xf32>
    %add3A_3737 = arith.constant 48 : i32
    %add3A_3738 = vector.broadcast %add3A_3737 : i32 to vector<16xi32>
    %add3A_3739 = arith.addi %iota3A, %add3A_3738 : vector<16xi32>
    %eq3A_3740 = arith.cmpi eq, %add3A_3739, %min3A_3709 : vector<16xi32>
    %add3A_3741 = arith.addf %select_n3A_3584, %get3A_2785 : vector<16xf32>
    %select_n3A_3742 = arith.select %eq3A_3740, %add3A_3741, %select_n3A_3584 : vector<16xi1>, vector<16xf32>
    %broadcast_in_dim3A_3743 = arith.constant 0xFF800000 : f32
    %broadcast_in_dim3A_3744 = vector.broadcast %broadcast_in_dim3A_3743 : f32 to vector<16xf32>
    %select_n3A_3745 = arith.select %eq3A_3740, %broadcast_in_dim3A_3744, %select_n3A_3587 : vector<16xi1>, vector<16xf32>
    %max3A_3746 = arith.maximumf %select_n3A_3718, %select_n3A_3727 : vector<16xf32>
    %max3A_3747 = arith.maximumf %select_n3A_3736, %select_n3A_3745 : vector<16xf32>
    %max3A_3748 = arith.maximumf %max3A_3746, %max3A_3747 : vector<16xf32>
    %iota3A_3749 = tpu.iota {dimensions = array<i32: 0>} : vector<16xi32>
    %add3A_3750 = arith.constant 8 : i32
    %add3A_3751 = vector.broadcast %add3A_3750 : i32 to vector<16xi32>
    %add3A_3752 = arith.addi %iota3A_3749, %add3A_3751 : vector<16xi32>
    %and3A_3753 = arith.constant 15 : i32
    %and3A_3754 = vector.broadcast %and3A_3753 : i32 to vector<16xi32>
    %and3A_3755 = arith.andi %add3A_3752, %and3A_3754 : vector<16xi32>
    %broadcast_in_dim3A_3756 = vector.shape_cast %and3A_3755 : vector<16xi32> to vector<16x1xi32>
    %gather3A_3757 = vector.shape_cast %broadcast_in_dim3A_3756 : vector<16x1xi32> to vector<16xi32>
    %gather3A_3758 = tpu.dynamic_gather %max3A_3748[%gather3A_3757] in [0] : vector<16xf32>, vector<16xi32> -> vector<16xf32>
    %max3A_3759 = arith.maximumf %max3A_3748, %gather3A_3758 : vector<16xf32>
    %iota3A_3760 = tpu.iota {dimensions = array<i32: 0>} : vector<16xi32>
    %add3A_3761 = arith.constant 4 : i32
    %add3A_3762 = vector.broadcast %add3A_3761 : i32 to vector<16xi32>
    %add3A_3763 = arith.addi %iota3A_3760, %add3A_3762 : vector<16xi32>
    %and3A_3764 = arith.constant 15 : i32
    %and3A_3765 = vector.broadcast %and3A_3764 : i32 to vector<16xi32>
    %and3A_3766 = arith.andi %add3A_3763, %and3A_3765 : vector<16xi32>
    %broadcast_in_dim3A_3767 = vector.shape_cast %and3A_3766 : vector<16xi32> to vector<16x1xi32>
    %gather3A_3768 = vector.shape_cast %broadcast_in_dim3A_3767 : vector<16x1xi32> to vector<16xi32>
    %gather3A_3769 = tpu.dynamic_gather %max3A_3759[%gather3A_3768] in [0] : vector<16xf32>, vector<16xi32> -> vector<16xf32>
    %max3A_3770 = arith.maximumf %max3A_3759, %gather3A_3769 : vector<16xf32>
    %iota3A_3771 = tpu.iota {dimensions = array<i32: 0>} : vector<16xi32>
    %add3A_3772 = arith.constant 2 : i32
    %add3A_3773 = vector.broadcast %add3A_3772 : i32 to vector<16xi32>
    %add3A_3774 = arith.addi %iota3A_3771, %add3A_3773 : vector<16xi32>
    %and3A_3775 = arith.constant 15 : i32
    %and3A_3776 = vector.broadcast %and3A_3775 : i32 to vector<16xi32>
    %and3A_3777 = arith.andi %add3A_3774, %and3A_3776 : vector<16xi32>
    %broadcast_in_dim3A_3778 = vector.shape_cast %and3A_3777 : vector<16xi32> to vector<16x1xi32>
    %gather3A_3779 = vector.shape_cast %broadcast_in_dim3A_3778 : vector<16x1xi32> to vector<16xi32>
    %gather3A_3780 = tpu.dynamic_gather %max3A_3770[%gather3A_3779] in [0] : vector<16xf32>, vector<16xi32> -> vector<16xf32>
    %max3A_3781 = arith.maximumf %max3A_3770, %gather3A_3780 : vector<16xf32>
    %iota3A_3782 = tpu.iota {dimensions = array<i32: 0>} : vector<16xi32>
    %add3A_3783 = arith.constant 1 : i32
    %add3A_3784 = vector.broadcast %add3A_3783 : i32 to vector<16xi32>
    %add3A_3785 = arith.addi %iota3A_3782, %add3A_3784 : vector<16xi32>
    %and3A_3786 = arith.constant 15 : i32
    %and3A_3787 = vector.broadcast %and3A_3786 : i32 to vector<16xi32>
    %and3A_3788 = arith.andi %add3A_3785, %and3A_3787 : vector<16xi32>
    %broadcast_in_dim3A_3789 = vector.shape_cast %and3A_3788 : vector<16xi32> to vector<16x1xi32>
    %gather3A_3790 = vector.shape_cast %broadcast_in_dim3A_3789 : vector<16x1xi32> to vector<16xi32>
    %gather3A_3791 = tpu.dynamic_gather %max3A_3781[%gather3A_3790] in [0] : vector<16xf32>, vector<16xi32> -> vector<16xf32>
    %max3A_3792 = arith.maximumf %max3A_3781, %gather3A_3791 : vector<16xf32>
    %eq3A_3793 = arith.cmpf oeq, %select_n3A_3718, %max3A_3792 : vector<16xf32>
    %add3A_3794 = arith.constant 0 : i32
    %add3A_3795 = vector.broadcast %add3A_3794 : i32 to vector<16xi32>
    %add3A_3796 = arith.addi %iota3A, %add3A_3795 : vector<16xi32>
    %jit3A_3797 = arith.constant 64 : i32
    %broadcast_in_dim3A_3798 = vector.broadcast %jit3A_3797 : i32 to vector<16xi32>
    %select_n3A_3799 = arith.select %eq3A_3793, %add3A_3796, %broadcast_in_dim3A_3798 : vector<16xi1>, vector<16xi32>
    %eq3A_3800 = arith.cmpf oeq, %select_n3A_3727, %max3A_3792 : vector<16xf32>
    %add3A_3801 = arith.constant 16 : i32
    %add3A_3802 = vector.broadcast %add3A_3801 : i32 to vector<16xi32>
    %add3A_3803 = arith.addi %iota3A, %add3A_3802 : vector<16xi32>
    %jit3A_3804 = arith.constant 64 : i32
    %broadcast_in_dim3A_3805 = vector.broadcast %jit3A_3804 : i32 to vector<16xi32>
    %select_n3A_3806 = arith.select %eq3A_3800, %add3A_3803, %broadcast_in_dim3A_3805 : vector<16xi1>, vector<16xi32>
    %eq3A_3807 = arith.cmpf oeq, %select_n3A_3736, %max3A_3792 : vector<16xf32>
    %add3A_3808 = arith.constant 32 : i32
    %add3A_3809 = vector.broadcast %add3A_3808 : i32 to vector<16xi32>
    %add3A_3810 = arith.addi %iota3A, %add3A_3809 : vector<16xi32>
    %jit3A_3811 = arith.constant 64 : i32
    %broadcast_in_dim3A_3812 = vector.broadcast %jit3A_3811 : i32 to vector<16xi32>
    %select_n3A_3813 = arith.select %eq3A_3807, %add3A_3810, %broadcast_in_dim3A_3812 : vector<16xi1>, vector<16xi32>
    %eq3A_3814 = arith.cmpf oeq, %select_n3A_3745, %max3A_3792 : vector<16xf32>
    %add3A_3815 = arith.constant 48 : i32
    %add3A_3816 = vector.broadcast %add3A_3815 : i32 to vector<16xi32>
    %add3A_3817 = arith.addi %iota3A, %add3A_3816 : vector<16xi32>
    %jit3A_3818 = arith.constant 64 : i32
    %broadcast_in_dim3A_3819 = vector.broadcast %jit3A_3818 : i32 to vector<16xi32>
    %select_n3A_3820 = arith.select %eq3A_3814, %add3A_3817, %broadcast_in_dim3A_3819 : vector<16xi1>, vector<16xi32>
    %min3A_3821 = arith.minsi %select_n3A_3799, %select_n3A_3806 : vector<16xi32>
    %min3A_3822 = arith.minsi %select_n3A_3813, %select_n3A_3820 : vector<16xi32>
    %min3A_3823 = arith.minsi %min3A_3821, %min3A_3822 : vector<16xi32>
    %iota3A_3824 = tpu.iota {dimensions = array<i32: 0>} : vector<16xi32>
    %add3A_3825 = arith.constant 8 : i32
    %add3A_3826 = vector.broadcast %add3A_3825 : i32 to vector<16xi32>
    %add3A_3827 = arith.addi %iota3A_3824, %add3A_3826 : vector<16xi32>
    %and3A_3828 = arith.constant 15 : i32
    %and3A_3829 = vector.broadcast %and3A_3828 : i32 to vector<16xi32>
    %and3A_3830 = arith.andi %add3A_3827, %and3A_3829 : vector<16xi32>
    %broadcast_in_dim3A_3831 = vector.shape_cast %and3A_3830 : vector<16xi32> to vector<16x1xi32>
    %gather3A_3832 = vector.shape_cast %broadcast_in_dim3A_3831 : vector<16x1xi32> to vector<16xi32>
    %gather3A_3833 = tpu.dynamic_gather %min3A_3823[%gather3A_3832] in [0] : vector<16xi32>, vector<16xi32> -> vector<16xi32>
    %min3A_3834 = arith.minsi %min3A_3823, %gather3A_3833 : vector<16xi32>
    %iota3A_3835 = tpu.iota {dimensions = array<i32: 0>} : vector<16xi32>
    %add3A_3836 = arith.constant 4 : i32
    %add3A_3837 = vector.broadcast %add3A_3836 : i32 to vector<16xi32>
    %add3A_3838 = arith.addi %iota3A_3835, %add3A_3837 : vector<16xi32>
    %and3A_3839 = arith.constant 15 : i32
    %and3A_3840 = vector.broadcast %and3A_3839 : i32 to vector<16xi32>
    %and3A_3841 = arith.andi %add3A_3838, %and3A_3840 : vector<16xi32>
    %broadcast_in_dim3A_3842 = vector.shape_cast %and3A_3841 : vector<16xi32> to vector<16x1xi32>
    %gather3A_3843 = vector.shape_cast %broadcast_in_dim3A_3842 : vector<16x1xi32> to vector<16xi32>
    %gather3A_3844 = tpu.dynamic_gather %min3A_3834[%gather3A_3843] in [0] : vector<16xi32>, vector<16xi32> -> vector<16xi32>
    %min3A_3845 = arith.minsi %min3A_3834, %gather3A_3844 : vector<16xi32>
    %iota3A_3846 = tpu.iota {dimensions = array<i32: 0>} : vector<16xi32>
    %add3A_3847 = arith.constant 2 : i32
    %add3A_3848 = vector.broadcast %add3A_3847 : i32 to vector<16xi32>
    %add3A_3849 = arith.addi %iota3A_3846, %add3A_3848 : vector<16xi32>
    %and3A_3850 = arith.constant 15 : i32
    %and3A_3851 = vector.broadcast %and3A_3850 : i32 to vector<16xi32>
    %and3A_3852 = arith.andi %add3A_3849, %and3A_3851 : vector<16xi32>
    %broadcast_in_dim3A_3853 = vector.shape_cast %and3A_3852 : vector<16xi32> to vector<16x1xi32>
    %gather3A_3854 = vector.shape_cast %broadcast_in_dim3A_3853 : vector<16x1xi32> to vector<16xi32>
    %gather3A_3855 = tpu.dynamic_gather %min3A_3845[%gather3A_3854] in [0] : vector<16xi32>, vector<16xi32> -> vector<16xi32>
    %min3A_3856 = arith.minsi %min3A_3845, %gather3A_3855 : vector<16xi32>
    %iota3A_3857 = tpu.iota {dimensions = array<i32: 0>} : vector<16xi32>
    %add3A_3858 = arith.constant 1 : i32
    %add3A_3859 = vector.broadcast %add3A_3858 : i32 to vector<16xi32>
    %add3A_3860 = arith.addi %iota3A_3857, %add3A_3859 : vector<16xi32>
    %and3A_3861 = arith.constant 15 : i32
    %and3A_3862 = vector.broadcast %and3A_3861 : i32 to vector<16xi32>
    %and3A_3863 = arith.andi %add3A_3860, %and3A_3862 : vector<16xi32>
    %broadcast_in_dim3A_3864 = vector.shape_cast %and3A_3863 : vector<16xi32> to vector<16x1xi32>
    %gather3A_3865 = vector.shape_cast %broadcast_in_dim3A_3864 : vector<16x1xi32> to vector<16xi32>
    %gather3A_3866 = tpu.dynamic_gather %min3A_3856[%gather3A_3865] in [0] : vector<16xi32>, vector<16xi32> -> vector<16xi32>
    %min3A_3867 = arith.minsi %min3A_3856, %gather3A_3866 : vector<16xi32>
    %add3A_3868 = arith.constant 0 : i32
    %add3A_3869 = vector.broadcast %add3A_3868 : i32 to vector<16xi32>
    %add3A_3870 = arith.addi %iota3A, %add3A_3869 : vector<16xi32>
    %eq3A_3871 = arith.cmpi eq, %add3A_3870, %min3A_3867 : vector<16xi32>
    %add3A_3872 = arith.addf %select_n3A_3715, %get3A_2770 : vector<16xf32>
    %select_n3A_3873 = arith.select %eq3A_3871, %add3A_3872, %select_n3A_3715 : vector<16xi1>, vector<16xf32>
    %broadcast_in_dim3A_3874 = arith.constant 0xFF800000 : f32
    %broadcast_in_dim3A_3875 = vector.broadcast %broadcast_in_dim3A_3874 : f32 to vector<16xf32>
    %select_n3A_3876 = arith.select %eq3A_3871, %broadcast_in_dim3A_3875, %select_n3A_3718 : vector<16xi1>, vector<16xf32>
    %add3A_3877 = arith.constant 16 : i32
    %add3A_3878 = vector.broadcast %add3A_3877 : i32 to vector<16xi32>
    %add3A_3879 = arith.addi %iota3A, %add3A_3878 : vector<16xi32>
    %eq3A_3880 = arith.cmpi eq, %add3A_3879, %min3A_3867 : vector<16xi32>
    %add3A_3881 = arith.addf %select_n3A_3724, %get3A_2775 : vector<16xf32>
    %select_n3A_3882 = arith.select %eq3A_3880, %add3A_3881, %select_n3A_3724 : vector<16xi1>, vector<16xf32>
    %broadcast_in_dim3A_3883 = arith.constant 0xFF800000 : f32
    %broadcast_in_dim3A_3884 = vector.broadcast %broadcast_in_dim3A_3883 : f32 to vector<16xf32>
    %select_n3A_3885 = arith.select %eq3A_3880, %broadcast_in_dim3A_3884, %select_n3A_3727 : vector<16xi1>, vector<16xf32>
    %add3A_3886 = arith.constant 32 : i32
    %add3A_3887 = vector.broadcast %add3A_3886 : i32 to vector<16xi32>
    %add3A_3888 = arith.addi %iota3A, %add3A_3887 : vector<16xi32>
    %eq3A_3889 = arith.cmpi eq, %add3A_3888, %min3A_3867 : vector<16xi32>
    %add3A_3890 = arith.addf %select_n3A_3733, %get3A_2780 : vector<16xf32>
    %select_n3A_3891 = arith.select %eq3A_3889, %add3A_3890, %select_n3A_3733 : vector<16xi1>, vector<16xf32>
    %broadcast_in_dim3A_3892 = arith.constant 0xFF800000 : f32
    %broadcast_in_dim3A_3893 = vector.broadcast %broadcast_in_dim3A_3892 : f32 to vector<16xf32>
    %select_n3A_3894 = arith.select %eq3A_3889, %broadcast_in_dim3A_3893, %select_n3A_3736 : vector<16xi1>, vector<16xf32>
    %add3A_3895 = arith.constant 48 : i32
    %add3A_3896 = vector.broadcast %add3A_3895 : i32 to vector<16xi32>
    %add3A_3897 = arith.addi %iota3A, %add3A_3896 : vector<16xi32>
    %eq3A_3898 = arith.cmpi eq, %add3A_3897, %min3A_3867 : vector<16xi32>
    %add3A_3899 = arith.addf %select_n3A_3742, %get3A_2785 : vector<16xf32>
    %select_n3A_3900 = arith.select %eq3A_3898, %add3A_3899, %select_n3A_3742 : vector<16xi1>, vector<16xf32>
    %broadcast_in_dim3A_3901 = arith.constant 0xFF800000 : f32
    %broadcast_in_dim3A_3902 = vector.broadcast %broadcast_in_dim3A_3901 : f32 to vector<16xf32>
    %select_n3A_3903 = arith.select %eq3A_3898, %broadcast_in_dim3A_3902, %select_n3A_3745 : vector<16xi1>, vector<16xf32>
    %max3A_3904 = arith.maximumf %select_n3A_3876, %select_n3A_3885 : vector<16xf32>
    %max3A_3905 = arith.maximumf %select_n3A_3894, %select_n3A_3903 : vector<16xf32>
    %max3A_3906 = arith.maximumf %max3A_3904, %max3A_3905 : vector<16xf32>
    %iota3A_3907 = tpu.iota {dimensions = array<i32: 0>} : vector<16xi32>
    %add3A_3908 = arith.constant 8 : i32
    %add3A_3909 = vector.broadcast %add3A_3908 : i32 to vector<16xi32>
    %add3A_3910 = arith.addi %iota3A_3907, %add3A_3909 : vector<16xi32>
    %and3A_3911 = arith.constant 15 : i32
    %and3A_3912 = vector.broadcast %and3A_3911 : i32 to vector<16xi32>
    %and3A_3913 = arith.andi %add3A_3910, %and3A_3912 : vector<16xi32>
    %broadcast_in_dim3A_3914 = vector.shape_cast %and3A_3913 : vector<16xi32> to vector<16x1xi32>
    %gather3A_3915 = vector.shape_cast %broadcast_in_dim3A_3914 : vector<16x1xi32> to vector<16xi32>
    %gather3A_3916 = tpu.dynamic_gather %max3A_3906[%gather3A_3915] in [0] : vector<16xf32>, vector<16xi32> -> vector<16xf32>
    %max3A_3917 = arith.maximumf %max3A_3906, %gather3A_3916 : vector<16xf32>
    %iota3A_3918 = tpu.iota {dimensions = array<i32: 0>} : vector<16xi32>
    %add3A_3919 = arith.constant 4 : i32
    %add3A_3920 = vector.broadcast %add3A_3919 : i32 to vector<16xi32>
    %add3A_3921 = arith.addi %iota3A_3918, %add3A_3920 : vector<16xi32>
    %and3A_3922 = arith.constant 15 : i32
    %and3A_3923 = vector.broadcast %and3A_3922 : i32 to vector<16xi32>
    %and3A_3924 = arith.andi %add3A_3921, %and3A_3923 : vector<16xi32>
    %broadcast_in_dim3A_3925 = vector.shape_cast %and3A_3924 : vector<16xi32> to vector<16x1xi32>
    %gather3A_3926 = vector.shape_cast %broadcast_in_dim3A_3925 : vector<16x1xi32> to vector<16xi32>
    %gather3A_3927 = tpu.dynamic_gather %max3A_3917[%gather3A_3926] in [0] : vector<16xf32>, vector<16xi32> -> vector<16xf32>
    %max3A_3928 = arith.maximumf %max3A_3917, %gather3A_3927 : vector<16xf32>
    %iota3A_3929 = tpu.iota {dimensions = array<i32: 0>} : vector<16xi32>
    %add3A_3930 = arith.constant 2 : i32
    %add3A_3931 = vector.broadcast %add3A_3930 : i32 to vector<16xi32>
    %add3A_3932 = arith.addi %iota3A_3929, %add3A_3931 : vector<16xi32>
    %and3A_3933 = arith.constant 15 : i32
    %and3A_3934 = vector.broadcast %and3A_3933 : i32 to vector<16xi32>
    %and3A_3935 = arith.andi %add3A_3932, %and3A_3934 : vector<16xi32>
    %broadcast_in_dim3A_3936 = vector.shape_cast %and3A_3935 : vector<16xi32> to vector<16x1xi32>
    %gather3A_3937 = vector.shape_cast %broadcast_in_dim3A_3936 : vector<16x1xi32> to vector<16xi32>
    %gather3A_3938 = tpu.dynamic_gather %max3A_3928[%gather3A_3937] in [0] : vector<16xf32>, vector<16xi32> -> vector<16xf32>
    %max3A_3939 = arith.maximumf %max3A_3928, %gather3A_3938 : vector<16xf32>
    %iota3A_3940 = tpu.iota {dimensions = array<i32: 0>} : vector<16xi32>
    %add3A_3941 = arith.constant 1 : i32
    %add3A_3942 = vector.broadcast %add3A_3941 : i32 to vector<16xi32>
    %add3A_3943 = arith.addi %iota3A_3940, %add3A_3942 : vector<16xi32>
    %and3A_3944 = arith.constant 15 : i32
    %and3A_3945 = vector.broadcast %and3A_3944 : i32 to vector<16xi32>
    %and3A_3946 = arith.andi %add3A_3943, %and3A_3945 : vector<16xi32>
    %broadcast_in_dim3A_3947 = vector.shape_cast %and3A_3946 : vector<16xi32> to vector<16x1xi32>
    %gather3A_3948 = vector.shape_cast %broadcast_in_dim3A_3947 : vector<16x1xi32> to vector<16xi32>
    %gather3A_3949 = tpu.dynamic_gather %max3A_3939[%gather3A_3948] in [0] : vector<16xf32>, vector<16xi32> -> vector<16xf32>
    %max3A_3950 = arith.maximumf %max3A_3939, %gather3A_3949 : vector<16xf32>
    %eq3A_3951 = arith.cmpf oeq, %select_n3A_3876, %max3A_3950 : vector<16xf32>
    %add3A_3952 = arith.constant 0 : i32
    %add3A_3953 = vector.broadcast %add3A_3952 : i32 to vector<16xi32>
    %add3A_3954 = arith.addi %iota3A, %add3A_3953 : vector<16xi32>
    %jit3A_3955 = arith.constant 64 : i32
    %broadcast_in_dim3A_3956 = vector.broadcast %jit3A_3955 : i32 to vector<16xi32>
    %select_n3A_3957 = arith.select %eq3A_3951, %add3A_3954, %broadcast_in_dim3A_3956 : vector<16xi1>, vector<16xi32>
    %eq3A_3958 = arith.cmpf oeq, %select_n3A_3885, %max3A_3950 : vector<16xf32>
    %add3A_3959 = arith.constant 16 : i32
    %add3A_3960 = vector.broadcast %add3A_3959 : i32 to vector<16xi32>
    %add3A_3961 = arith.addi %iota3A, %add3A_3960 : vector<16xi32>
    %jit3A_3962 = arith.constant 64 : i32
    %broadcast_in_dim3A_3963 = vector.broadcast %jit3A_3962 : i32 to vector<16xi32>
    %select_n3A_3964 = arith.select %eq3A_3958, %add3A_3961, %broadcast_in_dim3A_3963 : vector<16xi1>, vector<16xi32>
    %eq3A_3965 = arith.cmpf oeq, %select_n3A_3894, %max3A_3950 : vector<16xf32>
    %add3A_3966 = arith.constant 32 : i32
    %add3A_3967 = vector.broadcast %add3A_3966 : i32 to vector<16xi32>
    %add3A_3968 = arith.addi %iota3A, %add3A_3967 : vector<16xi32>
    %jit3A_3969 = arith.constant 64 : i32
    %broadcast_in_dim3A_3970 = vector.broadcast %jit3A_3969 : i32 to vector<16xi32>
    %select_n3A_3971 = arith.select %eq3A_3965, %add3A_3968, %broadcast_in_dim3A_3970 : vector<16xi1>, vector<16xi32>
    %eq3A_3972 = arith.cmpf oeq, %select_n3A_3903, %max3A_3950 : vector<16xf32>
    %add3A_3973 = arith.constant 48 : i32
    %add3A_3974 = vector.broadcast %add3A_3973 : i32 to vector<16xi32>
    %add3A_3975 = arith.addi %iota3A, %add3A_3974 : vector<16xi32>
    %jit3A_3976 = arith.constant 64 : i32
    %broadcast_in_dim3A_3977 = vector.broadcast %jit3A_3976 : i32 to vector<16xi32>
    %select_n3A_3978 = arith.select %eq3A_3972, %add3A_3975, %broadcast_in_dim3A_3977 : vector<16xi1>, vector<16xi32>
    %min3A_3979 = arith.minsi %select_n3A_3957, %select_n3A_3964 : vector<16xi32>
    %min3A_3980 = arith.minsi %select_n3A_3971, %select_n3A_3978 : vector<16xi32>
    %min3A_3981 = arith.minsi %min3A_3979, %min3A_3980 : vector<16xi32>
    %iota3A_3982 = tpu.iota {dimensions = array<i32: 0>} : vector<16xi32>
    %add3A_3983 = arith.constant 8 : i32
    %add3A_3984 = vector.broadcast %add3A_3983 : i32 to vector<16xi32>
    %add3A_3985 = arith.addi %iota3A_3982, %add3A_3984 : vector<16xi32>
    %and3A_3986 = arith.constant 15 : i32
    %and3A_3987 = vector.broadcast %and3A_3986 : i32 to vector<16xi32>
    %and3A_3988 = arith.andi %add3A_3985, %and3A_3987 : vector<16xi32>
    %broadcast_in_dim3A_3989 = vector.shape_cast %and3A_3988 : vector<16xi32> to vector<16x1xi32>
    %gather3A_3990 = vector.shape_cast %broadcast_in_dim3A_3989 : vector<16x1xi32> to vector<16xi32>
    %gather3A_3991 = tpu.dynamic_gather %min3A_3981[%gather3A_3990] in [0] : vector<16xi32>, vector<16xi32> -> vector<16xi32>
    %min3A_3992 = arith.minsi %min3A_3981, %gather3A_3991 : vector<16xi32>
    %iota3A_3993 = tpu.iota {dimensions = array<i32: 0>} : vector<16xi32>
    %add3A_3994 = arith.constant 4 : i32
    %add3A_3995 = vector.broadcast %add3A_3994 : i32 to vector<16xi32>
    %add3A_3996 = arith.addi %iota3A_3993, %add3A_3995 : vector<16xi32>
    %and3A_3997 = arith.constant 15 : i32
    %and3A_3998 = vector.broadcast %and3A_3997 : i32 to vector<16xi32>
    %and3A_3999 = arith.andi %add3A_3996, %and3A_3998 : vector<16xi32>
    %broadcast_in_dim3A_4000 = vector.shape_cast %and3A_3999 : vector<16xi32> to vector<16x1xi32>
    %gather3A_4001 = vector.shape_cast %broadcast_in_dim3A_4000 : vector<16x1xi32> to vector<16xi32>
    %gather3A_4002 = tpu.dynamic_gather %min3A_3992[%gather3A_4001] in [0] : vector<16xi32>, vector<16xi32> -> vector<16xi32>
    %min3A_4003 = arith.minsi %min3A_3992, %gather3A_4002 : vector<16xi32>
    %iota3A_4004 = tpu.iota {dimensions = array<i32: 0>} : vector<16xi32>
    %add3A_4005 = arith.constant 2 : i32
    %add3A_4006 = vector.broadcast %add3A_4005 : i32 to vector<16xi32>
    %add3A_4007 = arith.addi %iota3A_4004, %add3A_4006 : vector<16xi32>
    %and3A_4008 = arith.constant 15 : i32
    %and3A_4009 = vector.broadcast %and3A_4008 : i32 to vector<16xi32>
    %and3A_4010 = arith.andi %add3A_4007, %and3A_4009 : vector<16xi32>
    %broadcast_in_dim3A_4011 = vector.shape_cast %and3A_4010 : vector<16xi32> to vector<16x1xi32>
    %gather3A_4012 = vector.shape_cast %broadcast_in_dim3A_4011 : vector<16x1xi32> to vector<16xi32>
    %gather3A_4013 = tpu.dynamic_gather %min3A_4003[%gather3A_4012] in [0] : vector<16xi32>, vector<16xi32> -> vector<16xi32>
    %min3A_4014 = arith.minsi %min3A_4003, %gather3A_4013 : vector<16xi32>
    %iota3A_4015 = tpu.iota {dimensions = array<i32: 0>} : vector<16xi32>
    %add3A_4016 = arith.constant 1 : i32
    %add3A_4017 = vector.broadcast %add3A_4016 : i32 to vector<16xi32>
    %add3A_4018 = arith.addi %iota3A_4015, %add3A_4017 : vector<16xi32>
    %and3A_4019 = arith.constant 15 : i32
    %and3A_4020 = vector.broadcast %and3A_4019 : i32 to vector<16xi32>
    %and3A_4021 = arith.andi %add3A_4018, %and3A_4020 : vector<16xi32>
    %broadcast_in_dim3A_4022 = vector.shape_cast %and3A_4021 : vector<16xi32> to vector<16x1xi32>
    %gather3A_4023 = vector.shape_cast %broadcast_in_dim3A_4022 : vector<16x1xi32> to vector<16xi32>
    %gather3A_4024 = tpu.dynamic_gather %min3A_4014[%gather3A_4023] in [0] : vector<16xi32>, vector<16xi32> -> vector<16xi32>
    %min3A_4025 = arith.minsi %min3A_4014, %gather3A_4024 : vector<16xi32>
    %add3A_4026 = arith.constant 0 : i32
    %add3A_4027 = vector.broadcast %add3A_4026 : i32 to vector<16xi32>
    %add3A_4028 = arith.addi %iota3A, %add3A_4027 : vector<16xi32>
    %eq3A_4029 = arith.cmpi eq, %add3A_4028, %min3A_4025 : vector<16xi32>
    %add3A_4030 = arith.addf %select_n3A_3873, %get3A_2770 : vector<16xf32>
    %select_n3A_4031 = arith.select %eq3A_4029, %add3A_4030, %select_n3A_3873 : vector<16xi1>, vector<16xf32>
    %broadcast_in_dim3A_4032 = arith.constant 0xFF800000 : f32
    %broadcast_in_dim3A_4033 = vector.broadcast %broadcast_in_dim3A_4032 : f32 to vector<16xf32>
    %select_n3A_4034 = arith.select %eq3A_4029, %broadcast_in_dim3A_4033, %select_n3A_3876 : vector<16xi1>, vector<16xf32>
    %add3A_4035 = arith.constant 16 : i32
    %add3A_4036 = vector.broadcast %add3A_4035 : i32 to vector<16xi32>
    %add3A_4037 = arith.addi %iota3A, %add3A_4036 : vector<16xi32>
    %eq3A_4038 = arith.cmpi eq, %add3A_4037, %min3A_4025 : vector<16xi32>
    %add3A_4039 = arith.addf %select_n3A_3882, %get3A_2775 : vector<16xf32>
    %select_n3A_4040 = arith.select %eq3A_4038, %add3A_4039, %select_n3A_3882 : vector<16xi1>, vector<16xf32>
    %broadcast_in_dim3A_4041 = arith.constant 0xFF800000 : f32
    %broadcast_in_dim3A_4042 = vector.broadcast %broadcast_in_dim3A_4041 : f32 to vector<16xf32>
    %select_n3A_4043 = arith.select %eq3A_4038, %broadcast_in_dim3A_4042, %select_n3A_3885 : vector<16xi1>, vector<16xf32>
    %add3A_4044 = arith.constant 32 : i32
    %add3A_4045 = vector.broadcast %add3A_4044 : i32 to vector<16xi32>
    %add3A_4046 = arith.addi %iota3A, %add3A_4045 : vector<16xi32>
    %eq3A_4047 = arith.cmpi eq, %add3A_4046, %min3A_4025 : vector<16xi32>
    %add3A_4048 = arith.addf %select_n3A_3891, %get3A_2780 : vector<16xf32>
    %select_n3A_4049 = arith.select %eq3A_4047, %add3A_4048, %select_n3A_3891 : vector<16xi1>, vector<16xf32>
    %broadcast_in_dim3A_4050 = arith.constant 0xFF800000 : f32
    %broadcast_in_dim3A_4051 = vector.broadcast %broadcast_in_dim3A_4050 : f32 to vector<16xf32>
    %select_n3A_4052 = arith.select %eq3A_4047, %broadcast_in_dim3A_4051, %select_n3A_3894 : vector<16xi1>, vector<16xf32>
    %add3A_4053 = arith.constant 48 : i32
    %add3A_4054 = vector.broadcast %add3A_4053 : i32 to vector<16xi32>
    %add3A_4055 = arith.addi %iota3A, %add3A_4054 : vector<16xi32>
    %eq3A_4056 = arith.cmpi eq, %add3A_4055, %min3A_4025 : vector<16xi32>
    %add3A_4057 = arith.addf %select_n3A_3900, %get3A_2785 : vector<16xf32>
    %select_n3A_4058 = arith.select %eq3A_4056, %add3A_4057, %select_n3A_3900 : vector<16xi1>, vector<16xf32>
    %broadcast_in_dim3A_4059 = arith.constant 0xFF800000 : f32
    %broadcast_in_dim3A_4060 = vector.broadcast %broadcast_in_dim3A_4059 : f32 to vector<16xf32>
    %select_n3A_4061 = arith.select %eq3A_4056, %broadcast_in_dim3A_4060, %select_n3A_3903 : vector<16xi1>, vector<16xf32>
    %add3A_4062 = arith.addf %select_n3A_4031, %select_n3A_4040 : vector<16xf32>
    %add3A_4063 = arith.addf %add3A_4062, %select_n3A_4049 : vector<16xf32>
    %add3A_4064 = arith.addf %add3A_4063, %select_n3A_4058 : vector<16xf32>
    %iota3A_4065 = tpu.iota {dimensions = array<i32: 0>} : vector<16xi32>
    %add3A_4066 = arith.constant 8 : i32
    %add3A_4067 = vector.broadcast %add3A_4066 : i32 to vector<16xi32>
    %add3A_4068 = arith.addi %iota3A_4065, %add3A_4067 : vector<16xi32>
    %and3A_4069 = arith.constant 15 : i32
    %and3A_4070 = vector.broadcast %and3A_4069 : i32 to vector<16xi32>
    %and3A_4071 = arith.andi %add3A_4068, %and3A_4070 : vector<16xi32>
    %broadcast_in_dim3A_4072 = vector.shape_cast %and3A_4071 : vector<16xi32> to vector<16x1xi32>
    %gather3A_4073 = vector.shape_cast %broadcast_in_dim3A_4072 : vector<16x1xi32> to vector<16xi32>
    %gather3A_4074 = tpu.dynamic_gather %add3A_4064[%gather3A_4073] in [0] : vector<16xf32>, vector<16xi32> -> vector<16xf32>
    %add3A_4075 = arith.addf %add3A_4064, %gather3A_4074 : vector<16xf32>
    %iota3A_4076 = tpu.iota {dimensions = array<i32: 0>} : vector<16xi32>
    %add3A_4077 = arith.constant 4 : i32
    %add3A_4078 = vector.broadcast %add3A_4077 : i32 to vector<16xi32>
    %add3A_4079 = arith.addi %iota3A_4076, %add3A_4078 : vector<16xi32>
    %and3A_4080 = arith.constant 15 : i32
    %and3A_4081 = vector.broadcast %and3A_4080 : i32 to vector<16xi32>
    %and3A_4082 = arith.andi %add3A_4079, %and3A_4081 : vector<16xi32>
    %broadcast_in_dim3A_4083 = vector.shape_cast %and3A_4082 : vector<16xi32> to vector<16x1xi32>
    %gather3A_4084 = vector.shape_cast %broadcast_in_dim3A_4083 : vector<16x1xi32> to vector<16xi32>
    %gather3A_4085 = tpu.dynamic_gather %add3A_4075[%gather3A_4084] in [0] : vector<16xf32>, vector<16xi32> -> vector<16xf32>
    %add3A_4086 = arith.addf %add3A_4075, %gather3A_4085 : vector<16xf32>
    %iota3A_4087 = tpu.iota {dimensions = array<i32: 0>} : vector<16xi32>
    %add3A_4088 = arith.constant 2 : i32
    %add3A_4089 = vector.broadcast %add3A_4088 : i32 to vector<16xi32>
    %add3A_4090 = arith.addi %iota3A_4087, %add3A_4089 : vector<16xi32>
    %and3A_4091 = arith.constant 15 : i32
    %and3A_4092 = vector.broadcast %and3A_4091 : i32 to vector<16xi32>
    %and3A_4093 = arith.andi %add3A_4090, %and3A_4092 : vector<16xi32>
    %broadcast_in_dim3A_4094 = vector.shape_cast %and3A_4093 : vector<16xi32> to vector<16x1xi32>
    %gather3A_4095 = vector.shape_cast %broadcast_in_dim3A_4094 : vector<16x1xi32> to vector<16xi32>
    %gather3A_4096 = tpu.dynamic_gather %add3A_4086[%gather3A_4095] in [0] : vector<16xf32>, vector<16xi32> -> vector<16xf32>
    %add3A_4097 = arith.addf %add3A_4086, %gather3A_4096 : vector<16xf32>
    %iota3A_4098 = tpu.iota {dimensions = array<i32: 0>} : vector<16xi32>
    %add3A_4099 = arith.constant 1 : i32
    %add3A_4100 = vector.broadcast %add3A_4099 : i32 to vector<16xi32>
    %add3A_4101 = arith.addi %iota3A_4098, %add3A_4100 : vector<16xi32>
    %and3A_4102 = arith.constant 15 : i32
    %and3A_4103 = vector.broadcast %and3A_4102 : i32 to vector<16xi32>
    %and3A_4104 = arith.andi %add3A_4101, %and3A_4103 : vector<16xi32>
    %broadcast_in_dim3A_4105 = vector.shape_cast %and3A_4104 : vector<16xi32> to vector<16x1xi32>
    %gather3A_4106 = vector.shape_cast %broadcast_in_dim3A_4105 : vector<16x1xi32> to vector<16xi32>
    %gather3A_4107 = tpu.dynamic_gather %add3A_4097[%gather3A_4106] in [0] : vector<16xf32>, vector<16xi32> -> vector<16xf32>
    %add3A_4108 = arith.addf %add3A_4097, %gather3A_4107 : vector<16xf32>
    %max3A_4109 = arith.constant 9.99999996E-13 : f32
    %max3A_4110 = vector.broadcast %max3A_4109 : f32 to vector<16xf32>
    %max3A_4111 = arith.maximumf %add3A_4108, %max3A_4110 : vector<16xf32>
    %div3A_4112 = arith.constant 1.000000e+00 : f32
    %div3A_4113 = vector.broadcast %div3A_4112 : f32 to vector<16xf32>
    %div3A_4114 = arith.divf %div3A_4113, %max3A_4111 : vector<16xf32>
    %mul3A_4115 = arith.mulf %select_n3A_4031, %div3A_4114 : vector<16xf32>
    %swap3A_4116 = arith.constant 2 : i32
    %swap3A_4117 = arith.index_cast %swap3A_4116 : i32 to index
    %swap3A_4118 = arith.constant 0 : index
    %swap3A_4119 = tpu.vector_load %arg7[%swap3A_4117, %swap3A_4118] {strides = array<i32>} : memref<4x64xf32, #tpu.memory_space<vmem>>, vector<1x16xf32>,
    %swap3A_4120 = vector.shape_cast %swap3A_4119 : vector<1x16xf32> to vector<16xf32>
    %swap3A_4121 = vector.shape_cast %mul3A_4115 : vector<16xf32> to vector<1x16xf32>
    tpu.vector_store %arg7[%swap3A_4117, %swap3A_4118], %swap3A_4121 {strides = array<i32>} : memref<4x64xf32, #tpu.memory_space<vmem>>, vector<1x16xf32>,
    %mul3A_4122 = arith.mulf %select_n3A_4040, %div3A_4114 : vector<16xf32>
    %swap3A_4123 = arith.constant 2 : i32
    %swap3A_4124 = arith.index_cast %swap3A_4123 : i32 to index
    %swap3A_4125 = arith.constant 16 : index
    %swap3A_4126 = tpu.vector_load %arg7[%swap3A_4124, %swap3A_4125] {strides = array<i32>} : memref<4x64xf32, #tpu.memory_space<vmem>>, vector<1x16xf32>,
    %swap3A_4127 = vector.shape_cast %swap3A_4126 : vector<1x16xf32> to vector<16xf32>
    %swap3A_4128 = vector.shape_cast %mul3A_4122 : vector<16xf32> to vector<1x16xf32>
    tpu.vector_store %arg7[%swap3A_4124, %swap3A_4125], %swap3A_4128 {strides = array<i32>} : memref<4x64xf32, #tpu.memory_space<vmem>>, vector<1x16xf32>,
    %mul3A_4129 = arith.mulf %select_n3A_4049, %div3A_4114 : vector<16xf32>
    %swap3A_4130 = arith.constant 2 : i32
    %swap3A_4131 = arith.index_cast %swap3A_4130 : i32 to index
    %swap3A_4132 = arith.constant 32 : index
    %swap3A_4133 = tpu.vector_load %arg7[%swap3A_4131, %swap3A_4132] {strides = array<i32>} : memref<4x64xf32, #tpu.memory_space<vmem>>, vector<1x16xf32>,
    %swap3A_4134 = vector.shape_cast %swap3A_4133 : vector<1x16xf32> to vector<16xf32>
    %swap3A_4135 = vector.shape_cast %mul3A_4129 : vector<16xf32> to vector<1x16xf32>
    tpu.vector_store %arg7[%swap3A_4131, %swap3A_4132], %swap3A_4135 {strides = array<i32>} : memref<4x64xf32, #tpu.memory_space<vmem>>, vector<1x16xf32>,
    %mul3A_4136 = arith.mulf %select_n3A_4058, %div3A_4114 : vector<16xf32>
    %swap3A_4137 = arith.constant 2 : i32
    %swap3A_4138 = arith.index_cast %swap3A_4137 : i32 to index
    %swap3A_4139 = arith.constant 48 : index
    %swap3A_4140 = tpu.vector_load %arg7[%swap3A_4138, %swap3A_4139] {strides = array<i32>} : memref<4x64xf32, #tpu.memory_space<vmem>>, vector<1x16xf32>,
    %swap3A_4141 = vector.shape_cast %swap3A_4140 : vector<1x16xf32> to vector<16xf32>
    %swap3A_4142 = vector.shape_cast %mul3A_4136 : vector<16xf32> to vector<1x16xf32>
    tpu.vector_store %arg7[%swap3A_4138, %swap3A_4139], %swap3A_4142 {strides = array<i32>} : memref<4x64xf32, #tpu.memory_space<vmem>>, vector<1x16xf32>,
    %get3A_4143 = arith.constant 3 : i32
    %get3A_4144 = arith.index_cast %get3A_4143 : i32 to index
    %get3A_4145 = arith.constant 0 : index
    %get3A_4146 = tpu.vector_load %arg5[%get3A_4144, %get3A_4145] {strides = array<i32>} : memref<4x64xf32, #tpu.memory_space<vmem>>, vector<1x16xf32>,
    %get3A_4147 = vector.shape_cast %get3A_4146 : vector<1x16xf32> to vector<16xf32>
    %get3A_4148 = arith.constant 3 : i32
    %get3A_4149 = arith.index_cast %get3A_4148 : i32 to index
    %get3A_4150 = arith.constant 16 : index
    %get3A_4151 = tpu.vector_load %arg5[%get3A_4149, %get3A_4150] {strides = array<i32>} : memref<4x64xf32, #tpu.memory_space<vmem>>, vector<1x16xf32>,
    %get3A_4152 = vector.shape_cast %get3A_4151 : vector<1x16xf32> to vector<16xf32>
    %get3A_4153 = arith.constant 3 : i32
    %get3A_4154 = arith.index_cast %get3A_4153 : i32 to index
    %get3A_4155 = arith.constant 32 : index
    %get3A_4156 = tpu.vector_load %arg5[%get3A_4154, %get3A_4155] {strides = array<i32>} : memref<4x64xf32, #tpu.memory_space<vmem>>, vector<1x16xf32>,
    %get3A_4157 = vector.shape_cast %get3A_4156 : vector<1x16xf32> to vector<16xf32>
    %get3A_4158 = arith.constant 3 : i32
    %get3A_4159 = arith.index_cast %get3A_4158 : i32 to index
    %get3A_4160 = arith.constant 48 : index
    %get3A_4161 = tpu.vector_load %arg5[%get3A_4159, %get3A_4160] {strides = array<i32>} : memref<4x64xf32, #tpu.memory_space<vmem>>, vector<1x16xf32>,
    %get3A_4162 = vector.shape_cast %get3A_4161 : vector<1x16xf32> to vector<16xf32>
    %add3A_4163 = arith.addf %get3A_4147, %get3A_6 : vector<16xf32>
    %add3A_4164 = arith.addf %get3A_4152, %get3A_11 : vector<16xf32>
    %add3A_4165 = arith.addf %get3A_4157, %get3A_16 : vector<16xf32>
    %add3A_4166 = arith.addf %get3A_4162, %get3A_21 : vector<16xf32>
    %broadcast_in_dim3A_4167 = arith.constant 0.000000e+00 : f32
    %broadcast_in_dim3A_4168 = vector.broadcast %broadcast_in_dim3A_4167 : f32 to vector<16xf32>
    %broadcast_in_dim3A_4169 = arith.constant 0.000000e+00 : f32
    %broadcast_in_dim3A_4170 = vector.broadcast %broadcast_in_dim3A_4169 : f32 to vector<16xf32>
    %broadcast_in_dim3A_4171 = arith.constant 0.000000e+00 : f32
    %broadcast_in_dim3A_4172 = vector.broadcast %broadcast_in_dim3A_4171 : f32 to vector<16xf32>
    %broadcast_in_dim3A_4173 = arith.constant 0.000000e+00 : f32
    %broadcast_in_dim3A_4174 = vector.broadcast %broadcast_in_dim3A_4173 : f32 to vector<16xf32>
    %max3A_4175 = arith.maximumf %add3A_4163, %add3A_4164 : vector<16xf32>
    %max3A_4176 = arith.maximumf %add3A_4165, %add3A_4166 : vector<16xf32>
    %max3A_4177 = arith.maximumf %max3A_4175, %max3A_4176 : vector<16xf32>
    %iota3A_4178 = tpu.iota {dimensions = array<i32: 0>} : vector<16xi32>
    %add3A_4179 = arith.constant 8 : i32
    %add3A_4180 = vector.broadcast %add3A_4179 : i32 to vector<16xi32>
    %add3A_4181 = arith.addi %iota3A_4178, %add3A_4180 : vector<16xi32>
    %and3A_4182 = arith.constant 15 : i32
    %and3A_4183 = vector.broadcast %and3A_4182 : i32 to vector<16xi32>
    %and3A_4184 = arith.andi %add3A_4181, %and3A_4183 : vector<16xi32>
    %broadcast_in_dim3A_4185 = vector.shape_cast %and3A_4184 : vector<16xi32> to vector<16x1xi32>
    %gather3A_4186 = vector.shape_cast %broadcast_in_dim3A_4185 : vector<16x1xi32> to vector<16xi32>
    %gather3A_4187 = tpu.dynamic_gather %max3A_4177[%gather3A_4186] in [0] : vector<16xf32>, vector<16xi32> -> vector<16xf32>
    %max3A_4188 = arith.maximumf %max3A_4177, %gather3A_4187 : vector<16xf32>
    %iota3A_4189 = tpu.iota {dimensions = array<i32: 0>} : vector<16xi32>
    %add3A_4190 = arith.constant 4 : i32
    %add3A_4191 = vector.broadcast %add3A_4190 : i32 to vector<16xi32>
    %add3A_4192 = arith.addi %iota3A_4189, %add3A_4191 : vector<16xi32>
    %and3A_4193 = arith.constant 15 : i32
    %and3A_4194 = vector.broadcast %and3A_4193 : i32 to vector<16xi32>
    %and3A_4195 = arith.andi %add3A_4192, %and3A_4194 : vector<16xi32>
    %broadcast_in_dim3A_4196 = vector.shape_cast %and3A_4195 : vector<16xi32> to vector<16x1xi32>
    %gather3A_4197 = vector.shape_cast %broadcast_in_dim3A_4196 : vector<16x1xi32> to vector<16xi32>
    %gather3A_4198 = tpu.dynamic_gather %max3A_4188[%gather3A_4197] in [0] : vector<16xf32>, vector<16xi32> -> vector<16xf32>
    %max3A_4199 = arith.maximumf %max3A_4188, %gather3A_4198 : vector<16xf32>
    %iota3A_4200 = tpu.iota {dimensions = array<i32: 0>} : vector<16xi32>
    %add3A_4201 = arith.constant 2 : i32
    %add3A_4202 = vector.broadcast %add3A_4201 : i32 to vector<16xi32>
    %add3A_4203 = arith.addi %iota3A_4200, %add3A_4202 : vector<16xi32>
    %and3A_4204 = arith.constant 15 : i32
    %and3A_4205 = vector.broadcast %and3A_4204 : i32 to vector<16xi32>
    %and3A_4206 = arith.andi %add3A_4203, %and3A_4205 : vector<16xi32>
    %broadcast_in_dim3A_4207 = vector.shape_cast %and3A_4206 : vector<16xi32> to vector<16x1xi32>
    %gather3A_4208 = vector.shape_cast %broadcast_in_dim3A_4207 : vector<16x1xi32> to vector<16xi32>
    %gather3A_4209 = tpu.dynamic_gather %max3A_4199[%gather3A_4208] in [0] : vector<16xf32>, vector<16xi32> -> vector<16xf32>
    %max3A_4210 = arith.maximumf %max3A_4199, %gather3A_4209 : vector<16xf32>
    %iota3A_4211 = tpu.iota {dimensions = array<i32: 0>} : vector<16xi32>
    %add3A_4212 = arith.constant 1 : i32
    %add3A_4213 = vector.broadcast %add3A_4212 : i32 to vector<16xi32>
    %add3A_4214 = arith.addi %iota3A_4211, %add3A_4213 : vector<16xi32>
    %and3A_4215 = arith.constant 15 : i32
    %and3A_4216 = vector.broadcast %and3A_4215 : i32 to vector<16xi32>
    %and3A_4217 = arith.andi %add3A_4214, %and3A_4216 : vector<16xi32>
    %broadcast_in_dim3A_4218 = vector.shape_cast %and3A_4217 : vector<16xi32> to vector<16x1xi32>
    %gather3A_4219 = vector.shape_cast %broadcast_in_dim3A_4218 : vector<16x1xi32> to vector<16xi32>
    %gather3A_4220 = tpu.dynamic_gather %max3A_4210[%gather3A_4219] in [0] : vector<16xf32>, vector<16xi32> -> vector<16xf32>
    %max3A_4221 = arith.maximumf %max3A_4210, %gather3A_4220 : vector<16xf32>
    %eq3A_4222 = arith.cmpf oeq, %add3A_4163, %max3A_4221 : vector<16xf32>
    %add3A_4223 = arith.constant 0 : i32
    %add3A_4224 = vector.broadcast %add3A_4223 : i32 to vector<16xi32>
    %add3A_4225 = arith.addi %iota3A, %add3A_4224 : vector<16xi32>
    %jit3A_4226 = arith.constant 64 : i32
    %broadcast_in_dim3A_4227 = vector.broadcast %jit3A_4226 : i32 to vector<16xi32>
    %select_n3A_4228 = arith.select %eq3A_4222, %add3A_4225, %broadcast_in_dim3A_4227 : vector<16xi1>, vector<16xi32>
    %eq3A_4229 = arith.cmpf oeq, %add3A_4164, %max3A_4221 : vector<16xf32>
    %add3A_4230 = arith.constant 16 : i32
    %add3A_4231 = vector.broadcast %add3A_4230 : i32 to vector<16xi32>
    %add3A_4232 = arith.addi %iota3A, %add3A_4231 : vector<16xi32>
    %jit3A_4233 = arith.constant 64 : i32
    %broadcast_in_dim3A_4234 = vector.broadcast %jit3A_4233 : i32 to vector<16xi32>
    %select_n3A_4235 = arith.select %eq3A_4229, %add3A_4232, %broadcast_in_dim3A_4234 : vector<16xi1>, vector<16xi32>
    %eq3A_4236 = arith.cmpf oeq, %add3A_4165, %max3A_4221 : vector<16xf32>
    %add3A_4237 = arith.constant 32 : i32
    %add3A_4238 = vector.broadcast %add3A_4237 : i32 to vector<16xi32>
    %add3A_4239 = arith.addi %iota3A, %add3A_4238 : vector<16xi32>
    %jit3A_4240 = arith.constant 64 : i32
    %broadcast_in_dim3A_4241 = vector.broadcast %jit3A_4240 : i32 to vector<16xi32>
    %select_n3A_4242 = arith.select %eq3A_4236, %add3A_4239, %broadcast_in_dim3A_4241 : vector<16xi1>, vector<16xi32>
    %eq3A_4243 = arith.cmpf oeq, %add3A_4166, %max3A_4221 : vector<16xf32>
    %add3A_4244 = arith.constant 48 : i32
    %add3A_4245 = vector.broadcast %add3A_4244 : i32 to vector<16xi32>
    %add3A_4246 = arith.addi %iota3A, %add3A_4245 : vector<16xi32>
    %jit3A_4247 = arith.constant 64 : i32
    %broadcast_in_dim3A_4248 = vector.broadcast %jit3A_4247 : i32 to vector<16xi32>
    %select_n3A_4249 = arith.select %eq3A_4243, %add3A_4246, %broadcast_in_dim3A_4248 : vector<16xi1>, vector<16xi32>
    %min3A_4250 = arith.minsi %select_n3A_4228, %select_n3A_4235 : vector<16xi32>
    %min3A_4251 = arith.minsi %select_n3A_4242, %select_n3A_4249 : vector<16xi32>
    %min3A_4252 = arith.minsi %min3A_4250, %min3A_4251 : vector<16xi32>
    %iota3A_4253 = tpu.iota {dimensions = array<i32: 0>} : vector<16xi32>
    %add3A_4254 = arith.constant 8 : i32
    %add3A_4255 = vector.broadcast %add3A_4254 : i32 to vector<16xi32>
    %add3A_4256 = arith.addi %iota3A_4253, %add3A_4255 : vector<16xi32>
    %and3A_4257 = arith.constant 15 : i32
    %and3A_4258 = vector.broadcast %and3A_4257 : i32 to vector<16xi32>
    %and3A_4259 = arith.andi %add3A_4256, %and3A_4258 : vector<16xi32>
    %broadcast_in_dim3A_4260 = vector.shape_cast %and3A_4259 : vector<16xi32> to vector<16x1xi32>
    %gather3A_4261 = vector.shape_cast %broadcast_in_dim3A_4260 : vector<16x1xi32> to vector<16xi32>
    %gather3A_4262 = tpu.dynamic_gather %min3A_4252[%gather3A_4261] in [0] : vector<16xi32>, vector<16xi32> -> vector<16xi32>
    %min3A_4263 = arith.minsi %min3A_4252, %gather3A_4262 : vector<16xi32>
    %iota3A_4264 = tpu.iota {dimensions = array<i32: 0>} : vector<16xi32>
    %add3A_4265 = arith.constant 4 : i32
    %add3A_4266 = vector.broadcast %add3A_4265 : i32 to vector<16xi32>
    %add3A_4267 = arith.addi %iota3A_4264, %add3A_4266 : vector<16xi32>
    %and3A_4268 = arith.constant 15 : i32
    %and3A_4269 = vector.broadcast %and3A_4268 : i32 to vector<16xi32>
    %and3A_4270 = arith.andi %add3A_4267, %and3A_4269 : vector<16xi32>
    %broadcast_in_dim3A_4271 = vector.shape_cast %and3A_4270 : vector<16xi32> to vector<16x1xi32>
    %gather3A_4272 = vector.shape_cast %broadcast_in_dim3A_4271 : vector<16x1xi32> to vector<16xi32>
    %gather3A_4273 = tpu.dynamic_gather %min3A_4263[%gather3A_4272] in [0] : vector<16xi32>, vector<16xi32> -> vector<16xi32>
    %min3A_4274 = arith.minsi %min3A_4263, %gather3A_4273 : vector<16xi32>
    %iota3A_4275 = tpu.iota {dimensions = array<i32: 0>} : vector<16xi32>
    %add3A_4276 = arith.constant 2 : i32
    %add3A_4277 = vector.broadcast %add3A_4276 : i32 to vector<16xi32>
    %add3A_4278 = arith.addi %iota3A_4275, %add3A_4277 : vector<16xi32>
    %and3A_4279 = arith.constant 15 : i32
    %and3A_4280 = vector.broadcast %and3A_4279 : i32 to vector<16xi32>
    %and3A_4281 = arith.andi %add3A_4278, %and3A_4280 : vector<16xi32>
    %broadcast_in_dim3A_4282 = vector.shape_cast %and3A_4281 : vector<16xi32> to vector<16x1xi32>
    %gather3A_4283 = vector.shape_cast %broadcast_in_dim3A_4282 : vector<16x1xi32> to vector<16xi32>
    %gather3A_4284 = tpu.dynamic_gather %min3A_4274[%gather3A_4283] in [0] : vector<16xi32>, vector<16xi32> -> vector<16xi32>
    %min3A_4285 = arith.minsi %min3A_4274, %gather3A_4284 : vector<16xi32>
    %iota3A_4286 = tpu.iota {dimensions = array<i32: 0>} : vector<16xi32>
    %add3A_4287 = arith.constant 1 : i32
    %add3A_4288 = vector.broadcast %add3A_4287 : i32 to vector<16xi32>
    %add3A_4289 = arith.addi %iota3A_4286, %add3A_4288 : vector<16xi32>
    %and3A_4290 = arith.constant 15 : i32
    %and3A_4291 = vector.broadcast %and3A_4290 : i32 to vector<16xi32>
    %and3A_4292 = arith.andi %add3A_4289, %and3A_4291 : vector<16xi32>
    %broadcast_in_dim3A_4293 = vector.shape_cast %and3A_4292 : vector<16xi32> to vector<16x1xi32>
    %gather3A_4294 = vector.shape_cast %broadcast_in_dim3A_4293 : vector<16x1xi32> to vector<16xi32>
    %gather3A_4295 = tpu.dynamic_gather %min3A_4285[%gather3A_4294] in [0] : vector<16xi32>, vector<16xi32> -> vector<16xi32>
    %min3A_4296 = arith.minsi %min3A_4285, %gather3A_4295 : vector<16xi32>
    %add3A_4297 = arith.constant 0 : i32
    %add3A_4298 = vector.broadcast %add3A_4297 : i32 to vector<16xi32>
    %add3A_4299 = arith.addi %iota3A, %add3A_4298 : vector<16xi32>
    %eq3A_4300 = arith.cmpi eq, %add3A_4299, %min3A_4296 : vector<16xi32>
    %add3A_4301 = arith.addf %broadcast_in_dim3A_4168, %get3A_4147 : vector<16xf32>
    %select_n3A_4302 = arith.select %eq3A_4300, %add3A_4301, %broadcast_in_dim3A_4168 : vector<16xi1>, vector<16xf32>
    %broadcast_in_dim3A_4303 = arith.constant 0xFF800000 : f32
    %broadcast_in_dim3A_4304 = vector.broadcast %broadcast_in_dim3A_4303 : f32 to vector<16xf32>
    %select_n3A_4305 = arith.select %eq3A_4300, %broadcast_in_dim3A_4304, %add3A_4163 : vector<16xi1>, vector<16xf32>
    %add3A_4306 = arith.constant 16 : i32
    %add3A_4307 = vector.broadcast %add3A_4306 : i32 to vector<16xi32>
    %add3A_4308 = arith.addi %iota3A, %add3A_4307 : vector<16xi32>
    %eq3A_4309 = arith.cmpi eq, %add3A_4308, %min3A_4296 : vector<16xi32>
    %add3A_4310 = arith.addf %broadcast_in_dim3A_4170, %get3A_4152 : vector<16xf32>
    %select_n3A_4311 = arith.select %eq3A_4309, %add3A_4310, %broadcast_in_dim3A_4170 : vector<16xi1>, vector<16xf32>
    %broadcast_in_dim3A_4312 = arith.constant 0xFF800000 : f32
    %broadcast_in_dim3A_4313 = vector.broadcast %broadcast_in_dim3A_4312 : f32 to vector<16xf32>
    %select_n3A_4314 = arith.select %eq3A_4309, %broadcast_in_dim3A_4313, %add3A_4164 : vector<16xi1>, vector<16xf32>
    %add3A_4315 = arith.constant 32 : i32
    %add3A_4316 = vector.broadcast %add3A_4315 : i32 to vector<16xi32>
    %add3A_4317 = arith.addi %iota3A, %add3A_4316 : vector<16xi32>
    %eq3A_4318 = arith.cmpi eq, %add3A_4317, %min3A_4296 : vector<16xi32>
    %add3A_4319 = arith.addf %broadcast_in_dim3A_4172, %get3A_4157 : vector<16xf32>
    %select_n3A_4320 = arith.select %eq3A_4318, %add3A_4319, %broadcast_in_dim3A_4172 : vector<16xi1>, vector<16xf32>
    %broadcast_in_dim3A_4321 = arith.constant 0xFF800000 : f32
    %broadcast_in_dim3A_4322 = vector.broadcast %broadcast_in_dim3A_4321 : f32 to vector<16xf32>
    %select_n3A_4323 = arith.select %eq3A_4318, %broadcast_in_dim3A_4322, %add3A_4165 : vector<16xi1>, vector<16xf32>
    %add3A_4324 = arith.constant 48 : i32
    %add3A_4325 = vector.broadcast %add3A_4324 : i32 to vector<16xi32>
    %add3A_4326 = arith.addi %iota3A, %add3A_4325 : vector<16xi32>
    %eq3A_4327 = arith.cmpi eq, %add3A_4326, %min3A_4296 : vector<16xi32>
    %add3A_4328 = arith.addf %broadcast_in_dim3A_4174, %get3A_4162 : vector<16xf32>
    %select_n3A_4329 = arith.select %eq3A_4327, %add3A_4328, %broadcast_in_dim3A_4174 : vector<16xi1>, vector<16xf32>
    %broadcast_in_dim3A_4330 = arith.constant 0xFF800000 : f32
    %broadcast_in_dim3A_4331 = vector.broadcast %broadcast_in_dim3A_4330 : f32 to vector<16xf32>
    %select_n3A_4332 = arith.select %eq3A_4327, %broadcast_in_dim3A_4331, %add3A_4166 : vector<16xi1>, vector<16xf32>
    %max3A_4333 = arith.maximumf %select_n3A_4305, %select_n3A_4314 : vector<16xf32>
    %max3A_4334 = arith.maximumf %select_n3A_4323, %select_n3A_4332 : vector<16xf32>
    %max3A_4335 = arith.maximumf %max3A_4333, %max3A_4334 : vector<16xf32>
    %iota3A_4336 = tpu.iota {dimensions = array<i32: 0>} : vector<16xi32>
    %add3A_4337 = arith.constant 8 : i32
    %add3A_4338 = vector.broadcast %add3A_4337 : i32 to vector<16xi32>
    %add3A_4339 = arith.addi %iota3A_4336, %add3A_4338 : vector<16xi32>
    %and3A_4340 = arith.constant 15 : i32
    %and3A_4341 = vector.broadcast %and3A_4340 : i32 to vector<16xi32>
    %and3A_4342 = arith.andi %add3A_4339, %and3A_4341 : vector<16xi32>
    %broadcast_in_dim3A_4343 = vector.shape_cast %and3A_4342 : vector<16xi32> to vector<16x1xi32>
    %gather3A_4344 = vector.shape_cast %broadcast_in_dim3A_4343 : vector<16x1xi32> to vector<16xi32>
    %gather3A_4345 = tpu.dynamic_gather %max3A_4335[%gather3A_4344] in [0] : vector<16xf32>, vector<16xi32> -> vector<16xf32>
    %max3A_4346 = arith.maximumf %max3A_4335, %gather3A_4345 : vector<16xf32>
    %iota3A_4347 = tpu.iota {dimensions = array<i32: 0>} : vector<16xi32>
    %add3A_4348 = arith.constant 4 : i32
    %add3A_4349 = vector.broadcast %add3A_4348 : i32 to vector<16xi32>
    %add3A_4350 = arith.addi %iota3A_4347, %add3A_4349 : vector<16xi32>
    %and3A_4351 = arith.constant 15 : i32
    %and3A_4352 = vector.broadcast %and3A_4351 : i32 to vector<16xi32>
    %and3A_4353 = arith.andi %add3A_4350, %and3A_4352 : vector<16xi32>
    %broadcast_in_dim3A_4354 = vector.shape_cast %and3A_4353 : vector<16xi32> to vector<16x1xi32>
    %gather3A_4355 = vector.shape_cast %broadcast_in_dim3A_4354 : vector<16x1xi32> to vector<16xi32>
    %gather3A_4356 = tpu.dynamic_gather %max3A_4346[%gather3A_4355] in [0] : vector<16xf32>, vector<16xi32> -> vector<16xf32>
    %max3A_4357 = arith.maximumf %max3A_4346, %gather3A_4356 : vector<16xf32>
    %iota3A_4358 = tpu.iota {dimensions = array<i32: 0>} : vector<16xi32>
    %add3A_4359 = arith.constant 2 : i32
    %add3A_4360 = vector.broadcast %add3A_4359 : i32 to vector<16xi32>
    %add3A_4361 = arith.addi %iota3A_4358, %add3A_4360 : vector<16xi32>
    %and3A_4362 = arith.constant 15 : i32
    %and3A_4363 = vector.broadcast %and3A_4362 : i32 to vector<16xi32>
    %and3A_4364 = arith.andi %add3A_4361, %and3A_4363 : vector<16xi32>
    %broadcast_in_dim3A_4365 = vector.shape_cast %and3A_4364 : vector<16xi32> to vector<16x1xi32>
    %gather3A_4366 = vector.shape_cast %broadcast_in_dim3A_4365 : vector<16x1xi32> to vector<16xi32>
    %gather3A_4367 = tpu.dynamic_gather %max3A_4357[%gather3A_4366] in [0] : vector<16xf32>, vector<16xi32> -> vector<16xf32>
    %max3A_4368 = arith.maximumf %max3A_4357, %gather3A_4367 : vector<16xf32>
    %iota3A_4369 = tpu.iota {dimensions = array<i32: 0>} : vector<16xi32>
    %add3A_4370 = arith.constant 1 : i32
    %add3A_4371 = vector.broadcast %add3A_4370 : i32 to vector<16xi32>
    %add3A_4372 = arith.addi %iota3A_4369, %add3A_4371 : vector<16xi32>
    %and3A_4373 = arith.constant 15 : i32
    %and3A_4374 = vector.broadcast %and3A_4373 : i32 to vector<16xi32>
    %and3A_4375 = arith.andi %add3A_4372, %and3A_4374 : vector<16xi32>
    %broadcast_in_dim3A_4376 = vector.shape_cast %and3A_4375 : vector<16xi32> to vector<16x1xi32>
    %gather3A_4377 = vector.shape_cast %broadcast_in_dim3A_4376 : vector<16x1xi32> to vector<16xi32>
    %gather3A_4378 = tpu.dynamic_gather %max3A_4368[%gather3A_4377] in [0] : vector<16xf32>, vector<16xi32> -> vector<16xf32>
    %max3A_4379 = arith.maximumf %max3A_4368, %gather3A_4378 : vector<16xf32>
    %eq3A_4380 = arith.cmpf oeq, %select_n3A_4305, %max3A_4379 : vector<16xf32>
    %add3A_4381 = arith.constant 0 : i32
    %add3A_4382 = vector.broadcast %add3A_4381 : i32 to vector<16xi32>
    %add3A_4383 = arith.addi %iota3A, %add3A_4382 : vector<16xi32>
    %jit3A_4384 = arith.constant 64 : i32
    %broadcast_in_dim3A_4385 = vector.broadcast %jit3A_4384 : i32 to vector<16xi32>
    %select_n3A_4386 = arith.select %eq3A_4380, %add3A_4383, %broadcast_in_dim3A_4385 : vector<16xi1>, vector<16xi32>
    %eq3A_4387 = arith.cmpf oeq, %select_n3A_4314, %max3A_4379 : vector<16xf32>
    %add3A_4388 = arith.constant 16 : i32
    %add3A_4389 = vector.broadcast %add3A_4388 : i32 to vector<16xi32>
    %add3A_4390 = arith.addi %iota3A, %add3A_4389 : vector<16xi32>
    %jit3A_4391 = arith.constant 64 : i32
    %broadcast_in_dim3A_4392 = vector.broadcast %jit3A_4391 : i32 to vector<16xi32>
    %select_n3A_4393 = arith.select %eq3A_4387, %add3A_4390, %broadcast_in_dim3A_4392 : vector<16xi1>, vector<16xi32>
    %eq3A_4394 = arith.cmpf oeq, %select_n3A_4323, %max3A_4379 : vector<16xf32>
    %add3A_4395 = arith.constant 32 : i32
    %add3A_4396 = vector.broadcast %add3A_4395 : i32 to vector<16xi32>
    %add3A_4397 = arith.addi %iota3A, %add3A_4396 : vector<16xi32>
    %jit3A_4398 = arith.constant 64 : i32
    %broadcast_in_dim3A_4399 = vector.broadcast %jit3A_4398 : i32 to vector<16xi32>
    %select_n3A_4400 = arith.select %eq3A_4394, %add3A_4397, %broadcast_in_dim3A_4399 : vector<16xi1>, vector<16xi32>
    %eq3A_4401 = arith.cmpf oeq, %select_n3A_4332, %max3A_4379 : vector<16xf32>
    %add3A_4402 = arith.constant 48 : i32
    %add3A_4403 = vector.broadcast %add3A_4402 : i32 to vector<16xi32>
    %add3A_4404 = arith.addi %iota3A, %add3A_4403 : vector<16xi32>
    %jit3A_4405 = arith.constant 64 : i32
    %broadcast_in_dim3A_4406 = vector.broadcast %jit3A_4405 : i32 to vector<16xi32>
    %select_n3A_4407 = arith.select %eq3A_4401, %add3A_4404, %broadcast_in_dim3A_4406 : vector<16xi1>, vector<16xi32>
    %min3A_4408 = arith.minsi %select_n3A_4386, %select_n3A_4393 : vector<16xi32>
    %min3A_4409 = arith.minsi %select_n3A_4400, %select_n3A_4407 : vector<16xi32>
    %min3A_4410 = arith.minsi %min3A_4408, %min3A_4409 : vector<16xi32>
    %iota3A_4411 = tpu.iota {dimensions = array<i32: 0>} : vector<16xi32>
    %add3A_4412 = arith.constant 8 : i32
    %add3A_4413 = vector.broadcast %add3A_4412 : i32 to vector<16xi32>
    %add3A_4414 = arith.addi %iota3A_4411, %add3A_4413 : vector<16xi32>
    %and3A_4415 = arith.constant 15 : i32
    %and3A_4416 = vector.broadcast %and3A_4415 : i32 to vector<16xi32>
    %and3A_4417 = arith.andi %add3A_4414, %and3A_4416 : vector<16xi32>
    %broadcast_in_dim3A_4418 = vector.shape_cast %and3A_4417 : vector<16xi32> to vector<16x1xi32>
    %gather3A_4419 = vector.shape_cast %broadcast_in_dim3A_4418 : vector<16x1xi32> to vector<16xi32>
    %gather3A_4420 = tpu.dynamic_gather %min3A_4410[%gather3A_4419] in [0] : vector<16xi32>, vector<16xi32> -> vector<16xi32>
    %min3A_4421 = arith.minsi %min3A_4410, %gather3A_4420 : vector<16xi32>
    %iota3A_4422 = tpu.iota {dimensions = array<i32: 0>} : vector<16xi32>
    %add3A_4423 = arith.constant 4 : i32
    %add3A_4424 = vector.broadcast %add3A_4423 : i32 to vector<16xi32>
    %add3A_4425 = arith.addi %iota3A_4422, %add3A_4424 : vector<16xi32>
    %and3A_4426 = arith.constant 15 : i32
    %and3A_4427 = vector.broadcast %and3A_4426 : i32 to vector<16xi32>
    %and3A_4428 = arith.andi %add3A_4425, %and3A_4427 : vector<16xi32>
    %broadcast_in_dim3A_4429 = vector.shape_cast %and3A_4428 : vector<16xi32> to vector<16x1xi32>
    %gather3A_4430 = vector.shape_cast %broadcast_in_dim3A_4429 : vector<16x1xi32> to vector<16xi32>
    %gather3A_4431 = tpu.dynamic_gather %min3A_4421[%gather3A_4430] in [0] : vector<16xi32>, vector<16xi32> -> vector<16xi32>
    %min3A_4432 = arith.minsi %min3A_4421, %gather3A_4431 : vector<16xi32>
    %iota3A_4433 = tpu.iota {dimensions = array<i32: 0>} : vector<16xi32>
    %add3A_4434 = arith.constant 2 : i32
    %add3A_4435 = vector.broadcast %add3A_4434 : i32 to vector<16xi32>
    %add3A_4436 = arith.addi %iota3A_4433, %add3A_4435 : vector<16xi32>
    %and3A_4437 = arith.constant 15 : i32
    %and3A_4438 = vector.broadcast %and3A_4437 : i32 to vector<16xi32>
    %and3A_4439 = arith.andi %add3A_4436, %and3A_4438 : vector<16xi32>
    %broadcast_in_dim3A_4440 = vector.shape_cast %and3A_4439 : vector<16xi32> to vector<16x1xi32>
    %gather3A_4441 = vector.shape_cast %broadcast_in_dim3A_4440 : vector<16x1xi32> to vector<16xi32>
    %gather3A_4442 = tpu.dynamic_gather %min3A_4432[%gather3A_4441] in [0] : vector<16xi32>, vector<16xi32> -> vector<16xi32>
    %min3A_4443 = arith.minsi %min3A_4432, %gather3A_4442 : vector<16xi32>
    %iota3A_4444 = tpu.iota {dimensions = array<i32: 0>} : vector<16xi32>
    %add3A_4445 = arith.constant 1 : i32
    %add3A_4446 = vector.broadcast %add3A_4445 : i32 to vector<16xi32>
    %add3A_4447 = arith.addi %iota3A_4444, %add3A_4446 : vector<16xi32>
    %and3A_4448 = arith.constant 15 : i32
    %and3A_4449 = vector.broadcast %and3A_4448 : i32 to vector<16xi32>
    %and3A_4450 = arith.andi %add3A_4447, %and3A_4449 : vector<16xi32>
    %broadcast_in_dim3A_4451 = vector.shape_cast %and3A_4450 : vector<16xi32> to vector<16x1xi32>
    %gather3A_4452 = vector.shape_cast %broadcast_in_dim3A_4451 : vector<16x1xi32> to vector<16xi32>
    %gather3A_4453 = tpu.dynamic_gather %min3A_4443[%gather3A_4452] in [0] : vector<16xi32>, vector<16xi32> -> vector<16xi32>
    %min3A_4454 = arith.minsi %min3A_4443, %gather3A_4453 : vector<16xi32>
    %add3A_4455 = arith.constant 0 : i32
    %add3A_4456 = vector.broadcast %add3A_4455 : i32 to vector<16xi32>
    %add3A_4457 = arith.addi %iota3A, %add3A_4456 : vector<16xi32>
    %eq3A_4458 = arith.cmpi eq, %add3A_4457, %min3A_4454 : vector<16xi32>
    %add3A_4459 = arith.addf %select_n3A_4302, %get3A_4147 : vector<16xf32>
    %select_n3A_4460 = arith.select %eq3A_4458, %add3A_4459, %select_n3A_4302 : vector<16xi1>, vector<16xf32>
    %broadcast_in_dim3A_4461 = arith.constant 0xFF800000 : f32
    %broadcast_in_dim3A_4462 = vector.broadcast %broadcast_in_dim3A_4461 : f32 to vector<16xf32>
    %select_n3A_4463 = arith.select %eq3A_4458, %broadcast_in_dim3A_4462, %select_n3A_4305 : vector<16xi1>, vector<16xf32>
    %add3A_4464 = arith.constant 16 : i32
    %add3A_4465 = vector.broadcast %add3A_4464 : i32 to vector<16xi32>
    %add3A_4466 = arith.addi %iota3A, %add3A_4465 : vector<16xi32>
    %eq3A_4467 = arith.cmpi eq, %add3A_4466, %min3A_4454 : vector<16xi32>
    %add3A_4468 = arith.addf %select_n3A_4311, %get3A_4152 : vector<16xf32>
    %select_n3A_4469 = arith.select %eq3A_4467, %add3A_4468, %select_n3A_4311 : vector<16xi1>, vector<16xf32>
    %broadcast_in_dim3A_4470 = arith.constant 0xFF800000 : f32
    %broadcast_in_dim3A_4471 = vector.broadcast %broadcast_in_dim3A_4470 : f32 to vector<16xf32>
    %select_n3A_4472 = arith.select %eq3A_4467, %broadcast_in_dim3A_4471, %select_n3A_4314 : vector<16xi1>, vector<16xf32>
    %add3A_4473 = arith.constant 32 : i32
    %add3A_4474 = vector.broadcast %add3A_4473 : i32 to vector<16xi32>
    %add3A_4475 = arith.addi %iota3A, %add3A_4474 : vector<16xi32>
    %eq3A_4476 = arith.cmpi eq, %add3A_4475, %min3A_4454 : vector<16xi32>
    %add3A_4477 = arith.addf %select_n3A_4320, %get3A_4157 : vector<16xf32>
    %select_n3A_4478 = arith.select %eq3A_4476, %add3A_4477, %select_n3A_4320 : vector<16xi1>, vector<16xf32>
    %broadcast_in_dim3A_4479 = arith.constant 0xFF800000 : f32
    %broadcast_in_dim3A_4480 = vector.broadcast %broadcast_in_dim3A_4479 : f32 to vector<16xf32>
    %select_n3A_4481 = arith.select %eq3A_4476, %broadcast_in_dim3A_4480, %select_n3A_4323 : vector<16xi1>, vector<16xf32>
    %add3A_4482 = arith.constant 48 : i32
    %add3A_4483 = vector.broadcast %add3A_4482 : i32 to vector<16xi32>
    %add3A_4484 = arith.addi %iota3A, %add3A_4483 : vector<16xi32>
    %eq3A_4485 = arith.cmpi eq, %add3A_4484, %min3A_4454 : vector<16xi32>
    %add3A_4486 = arith.addf %select_n3A_4329, %get3A_4162 : vector<16xf32>
    %select_n3A_4487 = arith.select %eq3A_4485, %add3A_4486, %select_n3A_4329 : vector<16xi1>, vector<16xf32>
    %broadcast_in_dim3A_4488 = arith.constant 0xFF800000 : f32
    %broadcast_in_dim3A_4489 = vector.broadcast %broadcast_in_dim3A_4488 : f32 to vector<16xf32>
    %select_n3A_4490 = arith.select %eq3A_4485, %broadcast_in_dim3A_4489, %select_n3A_4332 : vector<16xi1>, vector<16xf32>
    %max3A_4491 = arith.maximumf %select_n3A_4463, %select_n3A_4472 : vector<16xf32>
    %max3A_4492 = arith.maximumf %select_n3A_4481, %select_n3A_4490 : vector<16xf32>
    %max3A_4493 = arith.maximumf %max3A_4491, %max3A_4492 : vector<16xf32>
    %iota3A_4494 = tpu.iota {dimensions = array<i32: 0>} : vector<16xi32>
    %add3A_4495 = arith.constant 8 : i32
    %add3A_4496 = vector.broadcast %add3A_4495 : i32 to vector<16xi32>
    %add3A_4497 = arith.addi %iota3A_4494, %add3A_4496 : vector<16xi32>
    %and3A_4498 = arith.constant 15 : i32
    %and3A_4499 = vector.broadcast %and3A_4498 : i32 to vector<16xi32>
    %and3A_4500 = arith.andi %add3A_4497, %and3A_4499 : vector<16xi32>
    %broadcast_in_dim3A_4501 = vector.shape_cast %and3A_4500 : vector<16xi32> to vector<16x1xi32>
    %gather3A_4502 = vector.shape_cast %broadcast_in_dim3A_4501 : vector<16x1xi32> to vector<16xi32>
    %gather3A_4503 = tpu.dynamic_gather %max3A_4493[%gather3A_4502] in [0] : vector<16xf32>, vector<16xi32> -> vector<16xf32>
    %max3A_4504 = arith.maximumf %max3A_4493, %gather3A_4503 : vector<16xf32>
    %iota3A_4505 = tpu.iota {dimensions = array<i32: 0>} : vector<16xi32>
    %add3A_4506 = arith.constant 4 : i32
    %add3A_4507 = vector.broadcast %add3A_4506 : i32 to vector<16xi32>
    %add3A_4508 = arith.addi %iota3A_4505, %add3A_4507 : vector<16xi32>
    %and3A_4509 = arith.constant 15 : i32
    %and3A_4510 = vector.broadcast %and3A_4509 : i32 to vector<16xi32>
    %and3A_4511 = arith.andi %add3A_4508, %and3A_4510 : vector<16xi32>
    %broadcast_in_dim3A_4512 = vector.shape_cast %and3A_4511 : vector<16xi32> to vector<16x1xi32>
    %gather3A_4513 = vector.shape_cast %broadcast_in_dim3A_4512 : vector<16x1xi32> to vector<16xi32>
    %gather3A_4514 = tpu.dynamic_gather %max3A_4504[%gather3A_4513] in [0] : vector<16xf32>, vector<16xi32> -> vector<16xf32>
    %max3A_4515 = arith.maximumf %max3A_4504, %gather3A_4514 : vector<16xf32>
    %iota3A_4516 = tpu.iota {dimensions = array<i32: 0>} : vector<16xi32>
    %add3A_4517 = arith.constant 2 : i32
    %add3A_4518 = vector.broadcast %add3A_4517 : i32 to vector<16xi32>
    %add3A_4519 = arith.addi %iota3A_4516, %add3A_4518 : vector<16xi32>
    %and3A_4520 = arith.constant 15 : i32
    %and3A_4521 = vector.broadcast %and3A_4520 : i32 to vector<16xi32>
    %and3A_4522 = arith.andi %add3A_4519, %and3A_4521 : vector<16xi32>
    %broadcast_in_dim3A_4523 = vector.shape_cast %and3A_4522 : vector<16xi32> to vector<16x1xi32>
    %gather3A_4524 = vector.shape_cast %broadcast_in_dim3A_4523 : vector<16x1xi32> to vector<16xi32>
    %gather3A_4525 = tpu.dynamic_gather %max3A_4515[%gather3A_4524] in [0] : vector<16xf32>, vector<16xi32> -> vector<16xf32>
    %max3A_4526 = arith.maximumf %max3A_4515, %gather3A_4525 : vector<16xf32>
    %iota3A_4527 = tpu.iota {dimensions = array<i32: 0>} : vector<16xi32>
    %add3A_4528 = arith.constant 1 : i32
    %add3A_4529 = vector.broadcast %add3A_4528 : i32 to vector<16xi32>
    %add3A_4530 = arith.addi %iota3A_4527, %add3A_4529 : vector<16xi32>
    %and3A_4531 = arith.constant 15 : i32
    %and3A_4532 = vector.broadcast %and3A_4531 : i32 to vector<16xi32>
    %and3A_4533 = arith.andi %add3A_4530, %and3A_4532 : vector<16xi32>
    %broadcast_in_dim3A_4534 = vector.shape_cast %and3A_4533 : vector<16xi32> to vector<16x1xi32>
    %gather3A_4535 = vector.shape_cast %broadcast_in_dim3A_4534 : vector<16x1xi32> to vector<16xi32>
    %gather3A_4536 = tpu.dynamic_gather %max3A_4526[%gather3A_4535] in [0] : vector<16xf32>, vector<16xi32> -> vector<16xf32>
    %max3A_4537 = arith.maximumf %max3A_4526, %gather3A_4536 : vector<16xf32>
    %eq3A_4538 = arith.cmpf oeq, %select_n3A_4463, %max3A_4537 : vector<16xf32>
    %add3A_4539 = arith.constant 0 : i32
    %add3A_4540 = vector.broadcast %add3A_4539 : i32 to vector<16xi32>
    %add3A_4541 = arith.addi %iota3A, %add3A_4540 : vector<16xi32>
    %jit3A_4542 = arith.constant 64 : i32
    %broadcast_in_dim3A_4543 = vector.broadcast %jit3A_4542 : i32 to vector<16xi32>
    %select_n3A_4544 = arith.select %eq3A_4538, %add3A_4541, %broadcast_in_dim3A_4543 : vector<16xi1>, vector<16xi32>
    %eq3A_4545 = arith.cmpf oeq, %select_n3A_4472, %max3A_4537 : vector<16xf32>
    %add3A_4546 = arith.constant 16 : i32
    %add3A_4547 = vector.broadcast %add3A_4546 : i32 to vector<16xi32>
    %add3A_4548 = arith.addi %iota3A, %add3A_4547 : vector<16xi32>
    %jit3A_4549 = arith.constant 64 : i32
    %broadcast_in_dim3A_4550 = vector.broadcast %jit3A_4549 : i32 to vector<16xi32>
    %select_n3A_4551 = arith.select %eq3A_4545, %add3A_4548, %broadcast_in_dim3A_4550 : vector<16xi1>, vector<16xi32>
    %eq3A_4552 = arith.cmpf oeq, %select_n3A_4481, %max3A_4537 : vector<16xf32>
    %add3A_4553 = arith.constant 32 : i32
    %add3A_4554 = vector.broadcast %add3A_4553 : i32 to vector<16xi32>
    %add3A_4555 = arith.addi %iota3A, %add3A_4554 : vector<16xi32>
    %jit3A_4556 = arith.constant 64 : i32
    %broadcast_in_dim3A_4557 = vector.broadcast %jit3A_4556 : i32 to vector<16xi32>
    %select_n3A_4558 = arith.select %eq3A_4552, %add3A_4555, %broadcast_in_dim3A_4557 : vector<16xi1>, vector<16xi32>
    %eq3A_4559 = arith.cmpf oeq, %select_n3A_4490, %max3A_4537 : vector<16xf32>
    %add3A_4560 = arith.constant 48 : i32
    %add3A_4561 = vector.broadcast %add3A_4560 : i32 to vector<16xi32>
    %add3A_4562 = arith.addi %iota3A, %add3A_4561 : vector<16xi32>
    %jit3A_4563 = arith.constant 64 : i32
    %broadcast_in_dim3A_4564 = vector.broadcast %jit3A_4563 : i32 to vector<16xi32>
    %select_n3A_4565 = arith.select %eq3A_4559, %add3A_4562, %broadcast_in_dim3A_4564 : vector<16xi1>, vector<16xi32>
    %min3A_4566 = arith.minsi %select_n3A_4544, %select_n3A_4551 : vector<16xi32>
    %min3A_4567 = arith.minsi %select_n3A_4558, %select_n3A_4565 : vector<16xi32>
    %min3A_4568 = arith.minsi %min3A_4566, %min3A_4567 : vector<16xi32>
    %iota3A_4569 = tpu.iota {dimensions = array<i32: 0>} : vector<16xi32>
    %add3A_4570 = arith.constant 8 : i32
    %add3A_4571 = vector.broadcast %add3A_4570 : i32 to vector<16xi32>
    %add3A_4572 = arith.addi %iota3A_4569, %add3A_4571 : vector<16xi32>
    %and3A_4573 = arith.constant 15 : i32
    %and3A_4574 = vector.broadcast %and3A_4573 : i32 to vector<16xi32>
    %and3A_4575 = arith.andi %add3A_4572, %and3A_4574 : vector<16xi32>
    %broadcast_in_dim3A_4576 = vector.shape_cast %and3A_4575 : vector<16xi32> to vector<16x1xi32>
    %gather3A_4577 = vector.shape_cast %broadcast_in_dim3A_4576 : vector<16x1xi32> to vector<16xi32>
    %gather3A_4578 = tpu.dynamic_gather %min3A_4568[%gather3A_4577] in [0] : vector<16xi32>, vector<16xi32> -> vector<16xi32>
    %min3A_4579 = arith.minsi %min3A_4568, %gather3A_4578 : vector<16xi32>
    %iota3A_4580 = tpu.iota {dimensions = array<i32: 0>} : vector<16xi32>
    %add3A_4581 = arith.constant 4 : i32
    %add3A_4582 = vector.broadcast %add3A_4581 : i32 to vector<16xi32>
    %add3A_4583 = arith.addi %iota3A_4580, %add3A_4582 : vector<16xi32>
    %and3A_4584 = arith.constant 15 : i32
    %and3A_4585 = vector.broadcast %and3A_4584 : i32 to vector<16xi32>
    %and3A_4586 = arith.andi %add3A_4583, %and3A_4585 : vector<16xi32>
    %broadcast_in_dim3A_4587 = vector.shape_cast %and3A_4586 : vector<16xi32> to vector<16x1xi32>
    %gather3A_4588 = vector.shape_cast %broadcast_in_dim3A_4587 : vector<16x1xi32> to vector<16xi32>
    %gather3A_4589 = tpu.dynamic_gather %min3A_4579[%gather3A_4588] in [0] : vector<16xi32>, vector<16xi32> -> vector<16xi32>
    %min3A_4590 = arith.minsi %min3A_4579, %gather3A_4589 : vector<16xi32>
    %iota3A_4591 = tpu.iota {dimensions = array<i32: 0>} : vector<16xi32>
    %add3A_4592 = arith.constant 2 : i32
    %add3A_4593 = vector.broadcast %add3A_4592 : i32 to vector<16xi32>
    %add3A_4594 = arith.addi %iota3A_4591, %add3A_4593 : vector<16xi32>
    %and3A_4595 = arith.constant 15 : i32
    %and3A_4596 = vector.broadcast %and3A_4595 : i32 to vector<16xi32>
    %and3A_4597 = arith.andi %add3A_4594, %and3A_4596 : vector<16xi32>
    %broadcast_in_dim3A_4598 = vector.shape_cast %and3A_4597 : vector<16xi32> to vector<16x1xi32>
    %gather3A_4599 = vector.shape_cast %broadcast_in_dim3A_4598 : vector<16x1xi32> to vector<16xi32>
    %gather3A_4600 = tpu.dynamic_gather %min3A_4590[%gather3A_4599] in [0] : vector<16xi32>, vector<16xi32> -> vector<16xi32>
    %min3A_4601 = arith.minsi %min3A_4590, %gather3A_4600 : vector<16xi32>
    %iota3A_4602 = tpu.iota {dimensions = array<i32: 0>} : vector<16xi32>
    %add3A_4603 = arith.constant 1 : i32
    %add3A_4604 = vector.broadcast %add3A_4603 : i32 to vector<16xi32>
    %add3A_4605 = arith.addi %iota3A_4602, %add3A_4604 : vector<16xi32>
    %and3A_4606 = arith.constant 15 : i32
    %and3A_4607 = vector.broadcast %and3A_4606 : i32 to vector<16xi32>
    %and3A_4608 = arith.andi %add3A_4605, %and3A_4607 : vector<16xi32>
    %broadcast_in_dim3A_4609 = vector.shape_cast %and3A_4608 : vector<16xi32> to vector<16x1xi32>
    %gather3A_4610 = vector.shape_cast %broadcast_in_dim3A_4609 : vector<16x1xi32> to vector<16xi32>
    %gather3A_4611 = tpu.dynamic_gather %min3A_4601[%gather3A_4610] in [0] : vector<16xi32>, vector<16xi32> -> vector<16xi32>
    %min3A_4612 = arith.minsi %min3A_4601, %gather3A_4611 : vector<16xi32>
    %add3A_4613 = arith.constant 0 : i32
    %add3A_4614 = vector.broadcast %add3A_4613 : i32 to vector<16xi32>
    %add3A_4615 = arith.addi %iota3A, %add3A_4614 : vector<16xi32>
    %eq3A_4616 = arith.cmpi eq, %add3A_4615, %min3A_4612 : vector<16xi32>
    %add3A_4617 = arith.addf %select_n3A_4460, %get3A_4147 : vector<16xf32>
    %select_n3A_4618 = arith.select %eq3A_4616, %add3A_4617, %select_n3A_4460 : vector<16xi1>, vector<16xf32>
    %broadcast_in_dim3A_4619 = arith.constant 0xFF800000 : f32
    %broadcast_in_dim3A_4620 = vector.broadcast %broadcast_in_dim3A_4619 : f32 to vector<16xf32>
    %select_n3A_4621 = arith.select %eq3A_4616, %broadcast_in_dim3A_4620, %select_n3A_4463 : vector<16xi1>, vector<16xf32>
    %add3A_4622 = arith.constant 16 : i32
    %add3A_4623 = vector.broadcast %add3A_4622 : i32 to vector<16xi32>
    %add3A_4624 = arith.addi %iota3A, %add3A_4623 : vector<16xi32>
    %eq3A_4625 = arith.cmpi eq, %add3A_4624, %min3A_4612 : vector<16xi32>
    %add3A_4626 = arith.addf %select_n3A_4469, %get3A_4152 : vector<16xf32>
    %select_n3A_4627 = arith.select %eq3A_4625, %add3A_4626, %select_n3A_4469 : vector<16xi1>, vector<16xf32>
    %broadcast_in_dim3A_4628 = arith.constant 0xFF800000 : f32
    %broadcast_in_dim3A_4629 = vector.broadcast %broadcast_in_dim3A_4628 : f32 to vector<16xf32>
    %select_n3A_4630 = arith.select %eq3A_4625, %broadcast_in_dim3A_4629, %select_n3A_4472 : vector<16xi1>, vector<16xf32>
    %add3A_4631 = arith.constant 32 : i32
    %add3A_4632 = vector.broadcast %add3A_4631 : i32 to vector<16xi32>
    %add3A_4633 = arith.addi %iota3A, %add3A_4632 : vector<16xi32>
    %eq3A_4634 = arith.cmpi eq, %add3A_4633, %min3A_4612 : vector<16xi32>
    %add3A_4635 = arith.addf %select_n3A_4478, %get3A_4157 : vector<16xf32>
    %select_n3A_4636 = arith.select %eq3A_4634, %add3A_4635, %select_n3A_4478 : vector<16xi1>, vector<16xf32>
    %broadcast_in_dim3A_4637 = arith.constant 0xFF800000 : f32
    %broadcast_in_dim3A_4638 = vector.broadcast %broadcast_in_dim3A_4637 : f32 to vector<16xf32>
    %select_n3A_4639 = arith.select %eq3A_4634, %broadcast_in_dim3A_4638, %select_n3A_4481 : vector<16xi1>, vector<16xf32>
    %add3A_4640 = arith.constant 48 : i32
    %add3A_4641 = vector.broadcast %add3A_4640 : i32 to vector<16xi32>
    %add3A_4642 = arith.addi %iota3A, %add3A_4641 : vector<16xi32>
    %eq3A_4643 = arith.cmpi eq, %add3A_4642, %min3A_4612 : vector<16xi32>
    %add3A_4644 = arith.addf %select_n3A_4487, %get3A_4162 : vector<16xf32>
    %select_n3A_4645 = arith.select %eq3A_4643, %add3A_4644, %select_n3A_4487 : vector<16xi1>, vector<16xf32>
    %broadcast_in_dim3A_4646 = arith.constant 0xFF800000 : f32
    %broadcast_in_dim3A_4647 = vector.broadcast %broadcast_in_dim3A_4646 : f32 to vector<16xf32>
    %select_n3A_4648 = arith.select %eq3A_4643, %broadcast_in_dim3A_4647, %select_n3A_4490 : vector<16xi1>, vector<16xf32>
    %max3A_4649 = arith.maximumf %select_n3A_4621, %select_n3A_4630 : vector<16xf32>
    %max3A_4650 = arith.maximumf %select_n3A_4639, %select_n3A_4648 : vector<16xf32>
    %max3A_4651 = arith.maximumf %max3A_4649, %max3A_4650 : vector<16xf32>
    %iota3A_4652 = tpu.iota {dimensions = array<i32: 0>} : vector<16xi32>
    %add3A_4653 = arith.constant 8 : i32
    %add3A_4654 = vector.broadcast %add3A_4653 : i32 to vector<16xi32>
    %add3A_4655 = arith.addi %iota3A_4652, %add3A_4654 : vector<16xi32>
    %and3A_4656 = arith.constant 15 : i32
    %and3A_4657 = vector.broadcast %and3A_4656 : i32 to vector<16xi32>
    %and3A_4658 = arith.andi %add3A_4655, %and3A_4657 : vector<16xi32>
    %broadcast_in_dim3A_4659 = vector.shape_cast %and3A_4658 : vector<16xi32> to vector<16x1xi32>
    %gather3A_4660 = vector.shape_cast %broadcast_in_dim3A_4659 : vector<16x1xi32> to vector<16xi32>
    %gather3A_4661 = tpu.dynamic_gather %max3A_4651[%gather3A_4660] in [0] : vector<16xf32>, vector<16xi32> -> vector<16xf32>
    %max3A_4662 = arith.maximumf %max3A_4651, %gather3A_4661 : vector<16xf32>
    %iota3A_4663 = tpu.iota {dimensions = array<i32: 0>} : vector<16xi32>
    %add3A_4664 = arith.constant 4 : i32
    %add3A_4665 = vector.broadcast %add3A_4664 : i32 to vector<16xi32>
    %add3A_4666 = arith.addi %iota3A_4663, %add3A_4665 : vector<16xi32>
    %and3A_4667 = arith.constant 15 : i32
    %and3A_4668 = vector.broadcast %and3A_4667 : i32 to vector<16xi32>
    %and3A_4669 = arith.andi %add3A_4666, %and3A_4668 : vector<16xi32>
    %broadcast_in_dim3A_4670 = vector.shape_cast %and3A_4669 : vector<16xi32> to vector<16x1xi32>
    %gather3A_4671 = vector.shape_cast %broadcast_in_dim3A_4670 : vector<16x1xi32> to vector<16xi32>
    %gather3A_4672 = tpu.dynamic_gather %max3A_4662[%gather3A_4671] in [0] : vector<16xf32>, vector<16xi32> -> vector<16xf32>
    %max3A_4673 = arith.maximumf %max3A_4662, %gather3A_4672 : vector<16xf32>
    %iota3A_4674 = tpu.iota {dimensions = array<i32: 0>} : vector<16xi32>
    %add3A_4675 = arith.constant 2 : i32
    %add3A_4676 = vector.broadcast %add3A_4675 : i32 to vector<16xi32>
    %add3A_4677 = arith.addi %iota3A_4674, %add3A_4676 : vector<16xi32>
    %and3A_4678 = arith.constant 15 : i32
    %and3A_4679 = vector.broadcast %and3A_4678 : i32 to vector<16xi32>
    %and3A_4680 = arith.andi %add3A_4677, %and3A_4679 : vector<16xi32>
    %broadcast_in_dim3A_4681 = vector.shape_cast %and3A_4680 : vector<16xi32> to vector<16x1xi32>
    %gather3A_4682 = vector.shape_cast %broadcast_in_dim3A_4681 : vector<16x1xi32> to vector<16xi32>
    %gather3A_4683 = tpu.dynamic_gather %max3A_4673[%gather3A_4682] in [0] : vector<16xf32>, vector<16xi32> -> vector<16xf32>
    %max3A_4684 = arith.maximumf %max3A_4673, %gather3A_4683 : vector<16xf32>
    %iota3A_4685 = tpu.iota {dimensions = array<i32: 0>} : vector<16xi32>
    %add3A_4686 = arith.constant 1 : i32
    %add3A_4687 = vector.broadcast %add3A_4686 : i32 to vector<16xi32>
    %add3A_4688 = arith.addi %iota3A_4685, %add3A_4687 : vector<16xi32>
    %and3A_4689 = arith.constant 15 : i32
    %and3A_4690 = vector.broadcast %and3A_4689 : i32 to vector<16xi32>
    %and3A_4691 = arith.andi %add3A_4688, %and3A_4690 : vector<16xi32>
    %broadcast_in_dim3A_4692 = vector.shape_cast %and3A_4691 : vector<16xi32> to vector<16x1xi32>
    %gather3A_4693 = vector.shape_cast %broadcast_in_dim3A_4692 : vector<16x1xi32> to vector<16xi32>
    %gather3A_4694 = tpu.dynamic_gather %max3A_4684[%gather3A_4693] in [0] : vector<16xf32>, vector<16xi32> -> vector<16xf32>
    %max3A_4695 = arith.maximumf %max3A_4684, %gather3A_4694 : vector<16xf32>
    %eq3A_4696 = arith.cmpf oeq, %select_n3A_4621, %max3A_4695 : vector<16xf32>
    %add3A_4697 = arith.constant 0 : i32
    %add3A_4698 = vector.broadcast %add3A_4697 : i32 to vector<16xi32>
    %add3A_4699 = arith.addi %iota3A, %add3A_4698 : vector<16xi32>
    %jit3A_4700 = arith.constant 64 : i32
    %broadcast_in_dim3A_4701 = vector.broadcast %jit3A_4700 : i32 to vector<16xi32>
    %select_n3A_4702 = arith.select %eq3A_4696, %add3A_4699, %broadcast_in_dim3A_4701 : vector<16xi1>, vector<16xi32>
    %eq3A_4703 = arith.cmpf oeq, %select_n3A_4630, %max3A_4695 : vector<16xf32>
    %add3A_4704 = arith.constant 16 : i32
    %add3A_4705 = vector.broadcast %add3A_4704 : i32 to vector<16xi32>
    %add3A_4706 = arith.addi %iota3A, %add3A_4705 : vector<16xi32>
    %jit3A_4707 = arith.constant 64 : i32
    %broadcast_in_dim3A_4708 = vector.broadcast %jit3A_4707 : i32 to vector<16xi32>
    %select_n3A_4709 = arith.select %eq3A_4703, %add3A_4706, %broadcast_in_dim3A_4708 : vector<16xi1>, vector<16xi32>
    %eq3A_4710 = arith.cmpf oeq, %select_n3A_4639, %max3A_4695 : vector<16xf32>
    %add3A_4711 = arith.constant 32 : i32
    %add3A_4712 = vector.broadcast %add3A_4711 : i32 to vector<16xi32>
    %add3A_4713 = arith.addi %iota3A, %add3A_4712 : vector<16xi32>
    %jit3A_4714 = arith.constant 64 : i32
    %broadcast_in_dim3A_4715 = vector.broadcast %jit3A_4714 : i32 to vector<16xi32>
    %select_n3A_4716 = arith.select %eq3A_4710, %add3A_4713, %broadcast_in_dim3A_4715 : vector<16xi1>, vector<16xi32>
    %eq3A_4717 = arith.cmpf oeq, %select_n3A_4648, %max3A_4695 : vector<16xf32>
    %add3A_4718 = arith.constant 48 : i32
    %add3A_4719 = vector.broadcast %add3A_4718 : i32 to vector<16xi32>
    %add3A_4720 = arith.addi %iota3A, %add3A_4719 : vector<16xi32>
    %jit3A_4721 = arith.constant 64 : i32
    %broadcast_in_dim3A_4722 = vector.broadcast %jit3A_4721 : i32 to vector<16xi32>
    %select_n3A_4723 = arith.select %eq3A_4717, %add3A_4720, %broadcast_in_dim3A_4722 : vector<16xi1>, vector<16xi32>
    %min3A_4724 = arith.minsi %select_n3A_4702, %select_n3A_4709 : vector<16xi32>
    %min3A_4725 = arith.minsi %select_n3A_4716, %select_n3A_4723 : vector<16xi32>
    %min3A_4726 = arith.minsi %min3A_4724, %min3A_4725 : vector<16xi32>
    %iota3A_4727 = tpu.iota {dimensions = array<i32: 0>} : vector<16xi32>
    %add3A_4728 = arith.constant 8 : i32
    %add3A_4729 = vector.broadcast %add3A_4728 : i32 to vector<16xi32>
    %add3A_4730 = arith.addi %iota3A_4727, %add3A_4729 : vector<16xi32>
    %and3A_4731 = arith.constant 15 : i32
    %and3A_4732 = vector.broadcast %and3A_4731 : i32 to vector<16xi32>
    %and3A_4733 = arith.andi %add3A_4730, %and3A_4732 : vector<16xi32>
    %broadcast_in_dim3A_4734 = vector.shape_cast %and3A_4733 : vector<16xi32> to vector<16x1xi32>
    %gather3A_4735 = vector.shape_cast %broadcast_in_dim3A_4734 : vector<16x1xi32> to vector<16xi32>
    %gather3A_4736 = tpu.dynamic_gather %min3A_4726[%gather3A_4735] in [0] : vector<16xi32>, vector<16xi32> -> vector<16xi32>
    %min3A_4737 = arith.minsi %min3A_4726, %gather3A_4736 : vector<16xi32>
    %iota3A_4738 = tpu.iota {dimensions = array<i32: 0>} : vector<16xi32>
    %add3A_4739 = arith.constant 4 : i32
    %add3A_4740 = vector.broadcast %add3A_4739 : i32 to vector<16xi32>
    %add3A_4741 = arith.addi %iota3A_4738, %add3A_4740 : vector<16xi32>
    %and3A_4742 = arith.constant 15 : i32
    %and3A_4743 = vector.broadcast %and3A_4742 : i32 to vector<16xi32>
    %and3A_4744 = arith.andi %add3A_4741, %and3A_4743 : vector<16xi32>
    %broadcast_in_dim3A_4745 = vector.shape_cast %and3A_4744 : vector<16xi32> to vector<16x1xi32>
    %gather3A_4746 = vector.shape_cast %broadcast_in_dim3A_4745 : vector<16x1xi32> to vector<16xi32>
    %gather3A_4747 = tpu.dynamic_gather %min3A_4737[%gather3A_4746] in [0] : vector<16xi32>, vector<16xi32> -> vector<16xi32>
    %min3A_4748 = arith.minsi %min3A_4737, %gather3A_4747 : vector<16xi32>
    %iota3A_4749 = tpu.iota {dimensions = array<i32: 0>} : vector<16xi32>
    %add3A_4750 = arith.constant 2 : i32
    %add3A_4751 = vector.broadcast %add3A_4750 : i32 to vector<16xi32>
    %add3A_4752 = arith.addi %iota3A_4749, %add3A_4751 : vector<16xi32>
    %and3A_4753 = arith.constant 15 : i32
    %and3A_4754 = vector.broadcast %and3A_4753 : i32 to vector<16xi32>
    %and3A_4755 = arith.andi %add3A_4752, %and3A_4754 : vector<16xi32>
    %broadcast_in_dim3A_4756 = vector.shape_cast %and3A_4755 : vector<16xi32> to vector<16x1xi32>
    %gather3A_4757 = vector.shape_cast %broadcast_in_dim3A_4756 : vector<16x1xi32> to vector<16xi32>
    %gather3A_4758 = tpu.dynamic_gather %min3A_4748[%gather3A_4757] in [0] : vector<16xi32>, vector<16xi32> -> vector<16xi32>
    %min3A_4759 = arith.minsi %min3A_4748, %gather3A_4758 : vector<16xi32>
    %iota3A_4760 = tpu.iota {dimensions = array<i32: 0>} : vector<16xi32>
    %add3A_4761 = arith.constant 1 : i32
    %add3A_4762 = vector.broadcast %add3A_4761 : i32 to vector<16xi32>
    %add3A_4763 = arith.addi %iota3A_4760, %add3A_4762 : vector<16xi32>
    %and3A_4764 = arith.constant 15 : i32
    %and3A_4765 = vector.broadcast %and3A_4764 : i32 to vector<16xi32>
    %and3A_4766 = arith.andi %add3A_4763, %and3A_4765 : vector<16xi32>
    %broadcast_in_dim3A_4767 = vector.shape_cast %and3A_4766 : vector<16xi32> to vector<16x1xi32>
    %gather3A_4768 = vector.shape_cast %broadcast_in_dim3A_4767 : vector<16x1xi32> to vector<16xi32>
    %gather3A_4769 = tpu.dynamic_gather %min3A_4759[%gather3A_4768] in [0] : vector<16xi32>, vector<16xi32> -> vector<16xi32>
    %min3A_4770 = arith.minsi %min3A_4759, %gather3A_4769 : vector<16xi32>
    %add3A_4771 = arith.constant 0 : i32
    %add3A_4772 = vector.broadcast %add3A_4771 : i32 to vector<16xi32>
    %add3A_4773 = arith.addi %iota3A, %add3A_4772 : vector<16xi32>
    %eq3A_4774 = arith.cmpi eq, %add3A_4773, %min3A_4770 : vector<16xi32>
    %add3A_4775 = arith.addf %select_n3A_4618, %get3A_4147 : vector<16xf32>
    %select_n3A_4776 = arith.select %eq3A_4774, %add3A_4775, %select_n3A_4618 : vector<16xi1>, vector<16xf32>
    %broadcast_in_dim3A_4777 = arith.constant 0xFF800000 : f32
    %broadcast_in_dim3A_4778 = vector.broadcast %broadcast_in_dim3A_4777 : f32 to vector<16xf32>
    %select_n3A_4779 = arith.select %eq3A_4774, %broadcast_in_dim3A_4778, %select_n3A_4621 : vector<16xi1>, vector<16xf32>
    %add3A_4780 = arith.constant 16 : i32
    %add3A_4781 = vector.broadcast %add3A_4780 : i32 to vector<16xi32>
    %add3A_4782 = arith.addi %iota3A, %add3A_4781 : vector<16xi32>
    %eq3A_4783 = arith.cmpi eq, %add3A_4782, %min3A_4770 : vector<16xi32>
    %add3A_4784 = arith.addf %select_n3A_4627, %get3A_4152 : vector<16xf32>
    %select_n3A_4785 = arith.select %eq3A_4783, %add3A_4784, %select_n3A_4627 : vector<16xi1>, vector<16xf32>
    %broadcast_in_dim3A_4786 = arith.constant 0xFF800000 : f32
    %broadcast_in_dim3A_4787 = vector.broadcast %broadcast_in_dim3A_4786 : f32 to vector<16xf32>
    %select_n3A_4788 = arith.select %eq3A_4783, %broadcast_in_dim3A_4787, %select_n3A_4630 : vector<16xi1>, vector<16xf32>
    %add3A_4789 = arith.constant 32 : i32
    %add3A_4790 = vector.broadcast %add3A_4789 : i32 to vector<16xi32>
    %add3A_4791 = arith.addi %iota3A, %add3A_4790 : vector<16xi32>
    %eq3A_4792 = arith.cmpi eq, %add3A_4791, %min3A_4770 : vector<16xi32>
    %add3A_4793 = arith.addf %select_n3A_4636, %get3A_4157 : vector<16xf32>
    %select_n3A_4794 = arith.select %eq3A_4792, %add3A_4793, %select_n3A_4636 : vector<16xi1>, vector<16xf32>
    %broadcast_in_dim3A_4795 = arith.constant 0xFF800000 : f32
    %broadcast_in_dim3A_4796 = vector.broadcast %broadcast_in_dim3A_4795 : f32 to vector<16xf32>
    %select_n3A_4797 = arith.select %eq3A_4792, %broadcast_in_dim3A_4796, %select_n3A_4639 : vector<16xi1>, vector<16xf32>
    %add3A_4798 = arith.constant 48 : i32
    %add3A_4799 = vector.broadcast %add3A_4798 : i32 to vector<16xi32>
    %add3A_4800 = arith.addi %iota3A, %add3A_4799 : vector<16xi32>
    %eq3A_4801 = arith.cmpi eq, %add3A_4800, %min3A_4770 : vector<16xi32>
    %add3A_4802 = arith.addf %select_n3A_4645, %get3A_4162 : vector<16xf32>
    %select_n3A_4803 = arith.select %eq3A_4801, %add3A_4802, %select_n3A_4645 : vector<16xi1>, vector<16xf32>
    %broadcast_in_dim3A_4804 = arith.constant 0xFF800000 : f32
    %broadcast_in_dim3A_4805 = vector.broadcast %broadcast_in_dim3A_4804 : f32 to vector<16xf32>
    %select_n3A_4806 = arith.select %eq3A_4801, %broadcast_in_dim3A_4805, %select_n3A_4648 : vector<16xi1>, vector<16xf32>
    %max3A_4807 = arith.maximumf %select_n3A_4779, %select_n3A_4788 : vector<16xf32>
    %max3A_4808 = arith.maximumf %select_n3A_4797, %select_n3A_4806 : vector<16xf32>
    %max3A_4809 = arith.maximumf %max3A_4807, %max3A_4808 : vector<16xf32>
    %iota3A_4810 = tpu.iota {dimensions = array<i32: 0>} : vector<16xi32>
    %add3A_4811 = arith.constant 8 : i32
    %add3A_4812 = vector.broadcast %add3A_4811 : i32 to vector<16xi32>
    %add3A_4813 = arith.addi %iota3A_4810, %add3A_4812 : vector<16xi32>
    %and3A_4814 = arith.constant 15 : i32
    %and3A_4815 = vector.broadcast %and3A_4814 : i32 to vector<16xi32>
    %and3A_4816 = arith.andi %add3A_4813, %and3A_4815 : vector<16xi32>
    %broadcast_in_dim3A_4817 = vector.shape_cast %and3A_4816 : vector<16xi32> to vector<16x1xi32>
    %gather3A_4818 = vector.shape_cast %broadcast_in_dim3A_4817 : vector<16x1xi32> to vector<16xi32>
    %gather3A_4819 = tpu.dynamic_gather %max3A_4809[%gather3A_4818] in [0] : vector<16xf32>, vector<16xi32> -> vector<16xf32>
    %max3A_4820 = arith.maximumf %max3A_4809, %gather3A_4819 : vector<16xf32>
    %iota3A_4821 = tpu.iota {dimensions = array<i32: 0>} : vector<16xi32>
    %add3A_4822 = arith.constant 4 : i32
    %add3A_4823 = vector.broadcast %add3A_4822 : i32 to vector<16xi32>
    %add3A_4824 = arith.addi %iota3A_4821, %add3A_4823 : vector<16xi32>
    %and3A_4825 = arith.constant 15 : i32
    %and3A_4826 = vector.broadcast %and3A_4825 : i32 to vector<16xi32>
    %and3A_4827 = arith.andi %add3A_4824, %and3A_4826 : vector<16xi32>
    %broadcast_in_dim3A_4828 = vector.shape_cast %and3A_4827 : vector<16xi32> to vector<16x1xi32>
    %gather3A_4829 = vector.shape_cast %broadcast_in_dim3A_4828 : vector<16x1xi32> to vector<16xi32>
    %gather3A_4830 = tpu.dynamic_gather %max3A_4820[%gather3A_4829] in [0] : vector<16xf32>, vector<16xi32> -> vector<16xf32>
    %max3A_4831 = arith.maximumf %max3A_4820, %gather3A_4830 : vector<16xf32>
    %iota3A_4832 = tpu.iota {dimensions = array<i32: 0>} : vector<16xi32>
    %add3A_4833 = arith.constant 2 : i32
    %add3A_4834 = vector.broadcast %add3A_4833 : i32 to vector<16xi32>
    %add3A_4835 = arith.addi %iota3A_4832, %add3A_4834 : vector<16xi32>
    %and3A_4836 = arith.constant 15 : i32
    %and3A_4837 = vector.broadcast %and3A_4836 : i32 to vector<16xi32>
    %and3A_4838 = arith.andi %add3A_4835, %and3A_4837 : vector<16xi32>
    %broadcast_in_dim3A_4839 = vector.shape_cast %and3A_4838 : vector<16xi32> to vector<16x1xi32>
    %gather3A_4840 = vector.shape_cast %broadcast_in_dim3A_4839 : vector<16x1xi32> to vector<16xi32>
    %gather3A_4841 = tpu.dynamic_gather %max3A_4831[%gather3A_4840] in [0] : vector<16xf32>, vector<16xi32> -> vector<16xf32>
    %max3A_4842 = arith.maximumf %max3A_4831, %gather3A_4841 : vector<16xf32>
    %iota3A_4843 = tpu.iota {dimensions = array<i32: 0>} : vector<16xi32>
    %add3A_4844 = arith.constant 1 : i32
    %add3A_4845 = vector.broadcast %add3A_4844 : i32 to vector<16xi32>
    %add3A_4846 = arith.addi %iota3A_4843, %add3A_4845 : vector<16xi32>
    %and3A_4847 = arith.constant 15 : i32
    %and3A_4848 = vector.broadcast %and3A_4847 : i32 to vector<16xi32>
    %and3A_4849 = arith.andi %add3A_4846, %and3A_4848 : vector<16xi32>
    %broadcast_in_dim3A_4850 = vector.shape_cast %and3A_4849 : vector<16xi32> to vector<16x1xi32>
    %gather3A_4851 = vector.shape_cast %broadcast_in_dim3A_4850 : vector<16x1xi32> to vector<16xi32>
    %gather3A_4852 = tpu.dynamic_gather %max3A_4842[%gather3A_4851] in [0] : vector<16xf32>, vector<16xi32> -> vector<16xf32>
    %max3A_4853 = arith.maximumf %max3A_4842, %gather3A_4852 : vector<16xf32>
    %eq3A_4854 = arith.cmpf oeq, %select_n3A_4779, %max3A_4853 : vector<16xf32>
    %add3A_4855 = arith.constant 0 : i32
    %add3A_4856 = vector.broadcast %add3A_4855 : i32 to vector<16xi32>
    %add3A_4857 = arith.addi %iota3A, %add3A_4856 : vector<16xi32>
    %jit3A_4858 = arith.constant 64 : i32
    %broadcast_in_dim3A_4859 = vector.broadcast %jit3A_4858 : i32 to vector<16xi32>
    %select_n3A_4860 = arith.select %eq3A_4854, %add3A_4857, %broadcast_in_dim3A_4859 : vector<16xi1>, vector<16xi32>
    %eq3A_4861 = arith.cmpf oeq, %select_n3A_4788, %max3A_4853 : vector<16xf32>
    %add3A_4862 = arith.constant 16 : i32
    %add3A_4863 = vector.broadcast %add3A_4862 : i32 to vector<16xi32>
    %add3A_4864 = arith.addi %iota3A, %add3A_4863 : vector<16xi32>
    %jit3A_4865 = arith.constant 64 : i32
    %broadcast_in_dim3A_4866 = vector.broadcast %jit3A_4865 : i32 to vector<16xi32>
    %select_n3A_4867 = arith.select %eq3A_4861, %add3A_4864, %broadcast_in_dim3A_4866 : vector<16xi1>, vector<16xi32>
    %eq3A_4868 = arith.cmpf oeq, %select_n3A_4797, %max3A_4853 : vector<16xf32>
    %add3A_4869 = arith.constant 32 : i32
    %add3A_4870 = vector.broadcast %add3A_4869 : i32 to vector<16xi32>
    %add3A_4871 = arith.addi %iota3A, %add3A_4870 : vector<16xi32>
    %jit3A_4872 = arith.constant 64 : i32
    %broadcast_in_dim3A_4873 = vector.broadcast %jit3A_4872 : i32 to vector<16xi32>
    %select_n3A_4874 = arith.select %eq3A_4868, %add3A_4871, %broadcast_in_dim3A_4873 : vector<16xi1>, vector<16xi32>
    %eq3A_4875 = arith.cmpf oeq, %select_n3A_4806, %max3A_4853 : vector<16xf32>
    %add3A_4876 = arith.constant 48 : i32
    %add3A_4877 = vector.broadcast %add3A_4876 : i32 to vector<16xi32>
    %add3A_4878 = arith.addi %iota3A, %add3A_4877 : vector<16xi32>
    %jit3A_4879 = arith.constant 64 : i32
    %broadcast_in_dim3A_4880 = vector.broadcast %jit3A_4879 : i32 to vector<16xi32>
    %select_n3A_4881 = arith.select %eq3A_4875, %add3A_4878, %broadcast_in_dim3A_4880 : vector<16xi1>, vector<16xi32>
    %min3A_4882 = arith.minsi %select_n3A_4860, %select_n3A_4867 : vector<16xi32>
    %min3A_4883 = arith.minsi %select_n3A_4874, %select_n3A_4881 : vector<16xi32>
    %min3A_4884 = arith.minsi %min3A_4882, %min3A_4883 : vector<16xi32>
    %iota3A_4885 = tpu.iota {dimensions = array<i32: 0>} : vector<16xi32>
    %add3A_4886 = arith.constant 8 : i32
    %add3A_4887 = vector.broadcast %add3A_4886 : i32 to vector<16xi32>
    %add3A_4888 = arith.addi %iota3A_4885, %add3A_4887 : vector<16xi32>
    %and3A_4889 = arith.constant 15 : i32
    %and3A_4890 = vector.broadcast %and3A_4889 : i32 to vector<16xi32>
    %and3A_4891 = arith.andi %add3A_4888, %and3A_4890 : vector<16xi32>
    %broadcast_in_dim3A_4892 = vector.shape_cast %and3A_4891 : vector<16xi32> to vector<16x1xi32>
    %gather3A_4893 = vector.shape_cast %broadcast_in_dim3A_4892 : vector<16x1xi32> to vector<16xi32>
    %gather3A_4894 = tpu.dynamic_gather %min3A_4884[%gather3A_4893] in [0] : vector<16xi32>, vector<16xi32> -> vector<16xi32>
    %min3A_4895 = arith.minsi %min3A_4884, %gather3A_4894 : vector<16xi32>
    %iota3A_4896 = tpu.iota {dimensions = array<i32: 0>} : vector<16xi32>
    %add3A_4897 = arith.constant 4 : i32
    %add3A_4898 = vector.broadcast %add3A_4897 : i32 to vector<16xi32>
    %add3A_4899 = arith.addi %iota3A_4896, %add3A_4898 : vector<16xi32>
    %and3A_4900 = arith.constant 15 : i32
    %and3A_4901 = vector.broadcast %and3A_4900 : i32 to vector<16xi32>
    %and3A_4902 = arith.andi %add3A_4899, %and3A_4901 : vector<16xi32>
    %broadcast_in_dim3A_4903 = vector.shape_cast %and3A_4902 : vector<16xi32> to vector<16x1xi32>
    %gather3A_4904 = vector.shape_cast %broadcast_in_dim3A_4903 : vector<16x1xi32> to vector<16xi32>
    %gather3A_4905 = tpu.dynamic_gather %min3A_4895[%gather3A_4904] in [0] : vector<16xi32>, vector<16xi32> -> vector<16xi32>
    %min3A_4906 = arith.minsi %min3A_4895, %gather3A_4905 : vector<16xi32>
    %iota3A_4907 = tpu.iota {dimensions = array<i32: 0>} : vector<16xi32>
    %add3A_4908 = arith.constant 2 : i32
    %add3A_4909 = vector.broadcast %add3A_4908 : i32 to vector<16xi32>
    %add3A_4910 = arith.addi %iota3A_4907, %add3A_4909 : vector<16xi32>
    %and3A_4911 = arith.constant 15 : i32
    %and3A_4912 = vector.broadcast %and3A_4911 : i32 to vector<16xi32>
    %and3A_4913 = arith.andi %add3A_4910, %and3A_4912 : vector<16xi32>
    %broadcast_in_dim3A_4914 = vector.shape_cast %and3A_4913 : vector<16xi32> to vector<16x1xi32>
    %gather3A_4915 = vector.shape_cast %broadcast_in_dim3A_4914 : vector<16x1xi32> to vector<16xi32>
    %gather3A_4916 = tpu.dynamic_gather %min3A_4906[%gather3A_4915] in [0] : vector<16xi32>, vector<16xi32> -> vector<16xi32>
    %min3A_4917 = arith.minsi %min3A_4906, %gather3A_4916 : vector<16xi32>
    %iota3A_4918 = tpu.iota {dimensions = array<i32: 0>} : vector<16xi32>
    %add3A_4919 = arith.constant 1 : i32
    %add3A_4920 = vector.broadcast %add3A_4919 : i32 to vector<16xi32>
    %add3A_4921 = arith.addi %iota3A_4918, %add3A_4920 : vector<16xi32>
    %and3A_4922 = arith.constant 15 : i32
    %and3A_4923 = vector.broadcast %and3A_4922 : i32 to vector<16xi32>
    %and3A_4924 = arith.andi %add3A_4921, %and3A_4923 : vector<16xi32>
    %broadcast_in_dim3A_4925 = vector.shape_cast %and3A_4924 : vector<16xi32> to vector<16x1xi32>
    %gather3A_4926 = vector.shape_cast %broadcast_in_dim3A_4925 : vector<16x1xi32> to vector<16xi32>
    %gather3A_4927 = tpu.dynamic_gather %min3A_4917[%gather3A_4926] in [0] : vector<16xi32>, vector<16xi32> -> vector<16xi32>
    %min3A_4928 = arith.minsi %min3A_4917, %gather3A_4927 : vector<16xi32>
    %add3A_4929 = arith.constant 0 : i32
    %add3A_4930 = vector.broadcast %add3A_4929 : i32 to vector<16xi32>
    %add3A_4931 = arith.addi %iota3A, %add3A_4930 : vector<16xi32>
    %eq3A_4932 = arith.cmpi eq, %add3A_4931, %min3A_4928 : vector<16xi32>
    %add3A_4933 = arith.addf %select_n3A_4776, %get3A_4147 : vector<16xf32>
    %select_n3A_4934 = arith.select %eq3A_4932, %add3A_4933, %select_n3A_4776 : vector<16xi1>, vector<16xf32>
    %broadcast_in_dim3A_4935 = arith.constant 0xFF800000 : f32
    %broadcast_in_dim3A_4936 = vector.broadcast %broadcast_in_dim3A_4935 : f32 to vector<16xf32>
    %select_n3A_4937 = arith.select %eq3A_4932, %broadcast_in_dim3A_4936, %select_n3A_4779 : vector<16xi1>, vector<16xf32>
    %add3A_4938 = arith.constant 16 : i32
    %add3A_4939 = vector.broadcast %add3A_4938 : i32 to vector<16xi32>
    %add3A_4940 = arith.addi %iota3A, %add3A_4939 : vector<16xi32>
    %eq3A_4941 = arith.cmpi eq, %add3A_4940, %min3A_4928 : vector<16xi32>
    %add3A_4942 = arith.addf %select_n3A_4785, %get3A_4152 : vector<16xf32>
    %select_n3A_4943 = arith.select %eq3A_4941, %add3A_4942, %select_n3A_4785 : vector<16xi1>, vector<16xf32>
    %broadcast_in_dim3A_4944 = arith.constant 0xFF800000 : f32
    %broadcast_in_dim3A_4945 = vector.broadcast %broadcast_in_dim3A_4944 : f32 to vector<16xf32>
    %select_n3A_4946 = arith.select %eq3A_4941, %broadcast_in_dim3A_4945, %select_n3A_4788 : vector<16xi1>, vector<16xf32>
    %add3A_4947 = arith.constant 32 : i32
    %add3A_4948 = vector.broadcast %add3A_4947 : i32 to vector<16xi32>
    %add3A_4949 = arith.addi %iota3A, %add3A_4948 : vector<16xi32>
    %eq3A_4950 = arith.cmpi eq, %add3A_4949, %min3A_4928 : vector<16xi32>
    %add3A_4951 = arith.addf %select_n3A_4794, %get3A_4157 : vector<16xf32>
    %select_n3A_4952 = arith.select %eq3A_4950, %add3A_4951, %select_n3A_4794 : vector<16xi1>, vector<16xf32>
    %broadcast_in_dim3A_4953 = arith.constant 0xFF800000 : f32
    %broadcast_in_dim3A_4954 = vector.broadcast %broadcast_in_dim3A_4953 : f32 to vector<16xf32>
    %select_n3A_4955 = arith.select %eq3A_4950, %broadcast_in_dim3A_4954, %select_n3A_4797 : vector<16xi1>, vector<16xf32>
    %add3A_4956 = arith.constant 48 : i32
    %add3A_4957 = vector.broadcast %add3A_4956 : i32 to vector<16xi32>
    %add3A_4958 = arith.addi %iota3A, %add3A_4957 : vector<16xi32>
    %eq3A_4959 = arith.cmpi eq, %add3A_4958, %min3A_4928 : vector<16xi32>
    %add3A_4960 = arith.addf %select_n3A_4803, %get3A_4162 : vector<16xf32>
    %select_n3A_4961 = arith.select %eq3A_4959, %add3A_4960, %select_n3A_4803 : vector<16xi1>, vector<16xf32>
    %broadcast_in_dim3A_4962 = arith.constant 0xFF800000 : f32
    %broadcast_in_dim3A_4963 = vector.broadcast %broadcast_in_dim3A_4962 : f32 to vector<16xf32>
    %select_n3A_4964 = arith.select %eq3A_4959, %broadcast_in_dim3A_4963, %select_n3A_4806 : vector<16xi1>, vector<16xf32>
    %max3A_4965 = arith.maximumf %select_n3A_4937, %select_n3A_4946 : vector<16xf32>
    %max3A_4966 = arith.maximumf %select_n3A_4955, %select_n3A_4964 : vector<16xf32>
    %max3A_4967 = arith.maximumf %max3A_4965, %max3A_4966 : vector<16xf32>
    %iota3A_4968 = tpu.iota {dimensions = array<i32: 0>} : vector<16xi32>
    %add3A_4969 = arith.constant 8 : i32
    %add3A_4970 = vector.broadcast %add3A_4969 : i32 to vector<16xi32>
    %add3A_4971 = arith.addi %iota3A_4968, %add3A_4970 : vector<16xi32>
    %and3A_4972 = arith.constant 15 : i32
    %and3A_4973 = vector.broadcast %and3A_4972 : i32 to vector<16xi32>
    %and3A_4974 = arith.andi %add3A_4971, %and3A_4973 : vector<16xi32>
    %broadcast_in_dim3A_4975 = vector.shape_cast %and3A_4974 : vector<16xi32> to vector<16x1xi32>
    %gather3A_4976 = vector.shape_cast %broadcast_in_dim3A_4975 : vector<16x1xi32> to vector<16xi32>
    %gather3A_4977 = tpu.dynamic_gather %max3A_4967[%gather3A_4976] in [0] : vector<16xf32>, vector<16xi32> -> vector<16xf32>
    %max3A_4978 = arith.maximumf %max3A_4967, %gather3A_4977 : vector<16xf32>
    %iota3A_4979 = tpu.iota {dimensions = array<i32: 0>} : vector<16xi32>
    %add3A_4980 = arith.constant 4 : i32
    %add3A_4981 = vector.broadcast %add3A_4980 : i32 to vector<16xi32>
    %add3A_4982 = arith.addi %iota3A_4979, %add3A_4981 : vector<16xi32>
    %and3A_4983 = arith.constant 15 : i32
    %and3A_4984 = vector.broadcast %and3A_4983 : i32 to vector<16xi32>
    %and3A_4985 = arith.andi %add3A_4982, %and3A_4984 : vector<16xi32>
    %broadcast_in_dim3A_4986 = vector.shape_cast %and3A_4985 : vector<16xi32> to vector<16x1xi32>
    %gather3A_4987 = vector.shape_cast %broadcast_in_dim3A_4986 : vector<16x1xi32> to vector<16xi32>
    %gather3A_4988 = tpu.dynamic_gather %max3A_4978[%gather3A_4987] in [0] : vector<16xf32>, vector<16xi32> -> vector<16xf32>
    %max3A_4989 = arith.maximumf %max3A_4978, %gather3A_4988 : vector<16xf32>
    %iota3A_4990 = tpu.iota {dimensions = array<i32: 0>} : vector<16xi32>
    %add3A_4991 = arith.constant 2 : i32
    %add3A_4992 = vector.broadcast %add3A_4991 : i32 to vector<16xi32>
    %add3A_4993 = arith.addi %iota3A_4990, %add3A_4992 : vector<16xi32>
    %and3A_4994 = arith.constant 15 : i32
    %and3A_4995 = vector.broadcast %and3A_4994 : i32 to vector<16xi32>
    %and3A_4996 = arith.andi %add3A_4993, %and3A_4995 : vector<16xi32>
    %broadcast_in_dim3A_4997 = vector.shape_cast %and3A_4996 : vector<16xi32> to vector<16x1xi32>
    %gather3A_4998 = vector.shape_cast %broadcast_in_dim3A_4997 : vector<16x1xi32> to vector<16xi32>
    %gather3A_4999 = tpu.dynamic_gather %max3A_4989[%gather3A_4998] in [0] : vector<16xf32>, vector<16xi32> -> vector<16xf32>
    %max3A_5000 = arith.maximumf %max3A_4989, %gather3A_4999 : vector<16xf32>
    %iota3A_5001 = tpu.iota {dimensions = array<i32: 0>} : vector<16xi32>
    %add3A_5002 = arith.constant 1 : i32
    %add3A_5003 = vector.broadcast %add3A_5002 : i32 to vector<16xi32>
    %add3A_5004 = arith.addi %iota3A_5001, %add3A_5003 : vector<16xi32>
    %and3A_5005 = arith.constant 15 : i32
    %and3A_5006 = vector.broadcast %and3A_5005 : i32 to vector<16xi32>
    %and3A_5007 = arith.andi %add3A_5004, %and3A_5006 : vector<16xi32>
    %broadcast_in_dim3A_5008 = vector.shape_cast %and3A_5007 : vector<16xi32> to vector<16x1xi32>
    %gather3A_5009 = vector.shape_cast %broadcast_in_dim3A_5008 : vector<16x1xi32> to vector<16xi32>
    %gather3A_5010 = tpu.dynamic_gather %max3A_5000[%gather3A_5009] in [0] : vector<16xf32>, vector<16xi32> -> vector<16xf32>
    %max3A_5011 = arith.maximumf %max3A_5000, %gather3A_5010 : vector<16xf32>
    %eq3A_5012 = arith.cmpf oeq, %select_n3A_4937, %max3A_5011 : vector<16xf32>
    %add3A_5013 = arith.constant 0 : i32
    %add3A_5014 = vector.broadcast %add3A_5013 : i32 to vector<16xi32>
    %add3A_5015 = arith.addi %iota3A, %add3A_5014 : vector<16xi32>
    %jit3A_5016 = arith.constant 64 : i32
    %broadcast_in_dim3A_5017 = vector.broadcast %jit3A_5016 : i32 to vector<16xi32>
    %select_n3A_5018 = arith.select %eq3A_5012, %add3A_5015, %broadcast_in_dim3A_5017 : vector<16xi1>, vector<16xi32>
    %eq3A_5019 = arith.cmpf oeq, %select_n3A_4946, %max3A_5011 : vector<16xf32>
    %add3A_5020 = arith.constant 16 : i32
    %add3A_5021 = vector.broadcast %add3A_5020 : i32 to vector<16xi32>
    %add3A_5022 = arith.addi %iota3A, %add3A_5021 : vector<16xi32>
    %jit3A_5023 = arith.constant 64 : i32
    %broadcast_in_dim3A_5024 = vector.broadcast %jit3A_5023 : i32 to vector<16xi32>
    %select_n3A_5025 = arith.select %eq3A_5019, %add3A_5022, %broadcast_in_dim3A_5024 : vector<16xi1>, vector<16xi32>
    %eq3A_5026 = arith.cmpf oeq, %select_n3A_4955, %max3A_5011 : vector<16xf32>
    %add3A_5027 = arith.constant 32 : i32
    %add3A_5028 = vector.broadcast %add3A_5027 : i32 to vector<16xi32>
    %add3A_5029 = arith.addi %iota3A, %add3A_5028 : vector<16xi32>
    %jit3A_5030 = arith.constant 64 : i32
    %broadcast_in_dim3A_5031 = vector.broadcast %jit3A_5030 : i32 to vector<16xi32>
    %select_n3A_5032 = arith.select %eq3A_5026, %add3A_5029, %broadcast_in_dim3A_5031 : vector<16xi1>, vector<16xi32>
    %eq3A_5033 = arith.cmpf oeq, %select_n3A_4964, %max3A_5011 : vector<16xf32>
    %add3A_5034 = arith.constant 48 : i32
    %add3A_5035 = vector.broadcast %add3A_5034 : i32 to vector<16xi32>
    %add3A_5036 = arith.addi %iota3A, %add3A_5035 : vector<16xi32>
    %jit3A_5037 = arith.constant 64 : i32
    %broadcast_in_dim3A_5038 = vector.broadcast %jit3A_5037 : i32 to vector<16xi32>
    %select_n3A_5039 = arith.select %eq3A_5033, %add3A_5036, %broadcast_in_dim3A_5038 : vector<16xi1>, vector<16xi32>
    %min3A_5040 = arith.minsi %select_n3A_5018, %select_n3A_5025 : vector<16xi32>
    %min3A_5041 = arith.minsi %select_n3A_5032, %select_n3A_5039 : vector<16xi32>
    %min3A_5042 = arith.minsi %min3A_5040, %min3A_5041 : vector<16xi32>
    %iota3A_5043 = tpu.iota {dimensions = array<i32: 0>} : vector<16xi32>
    %add3A_5044 = arith.constant 8 : i32
    %add3A_5045 = vector.broadcast %add3A_5044 : i32 to vector<16xi32>
    %add3A_5046 = arith.addi %iota3A_5043, %add3A_5045 : vector<16xi32>
    %and3A_5047 = arith.constant 15 : i32
    %and3A_5048 = vector.broadcast %and3A_5047 : i32 to vector<16xi32>
    %and3A_5049 = arith.andi %add3A_5046, %and3A_5048 : vector<16xi32>
    %broadcast_in_dim3A_5050 = vector.shape_cast %and3A_5049 : vector<16xi32> to vector<16x1xi32>
    %gather3A_5051 = vector.shape_cast %broadcast_in_dim3A_5050 : vector<16x1xi32> to vector<16xi32>
    %gather3A_5052 = tpu.dynamic_gather %min3A_5042[%gather3A_5051] in [0] : vector<16xi32>, vector<16xi32> -> vector<16xi32>
    %min3A_5053 = arith.minsi %min3A_5042, %gather3A_5052 : vector<16xi32>
    %iota3A_5054 = tpu.iota {dimensions = array<i32: 0>} : vector<16xi32>
    %add3A_5055 = arith.constant 4 : i32
    %add3A_5056 = vector.broadcast %add3A_5055 : i32 to vector<16xi32>
    %add3A_5057 = arith.addi %iota3A_5054, %add3A_5056 : vector<16xi32>
    %and3A_5058 = arith.constant 15 : i32
    %and3A_5059 = vector.broadcast %and3A_5058 : i32 to vector<16xi32>
    %and3A_5060 = arith.andi %add3A_5057, %and3A_5059 : vector<16xi32>
    %broadcast_in_dim3A_5061 = vector.shape_cast %and3A_5060 : vector<16xi32> to vector<16x1xi32>
    %gather3A_5062 = vector.shape_cast %broadcast_in_dim3A_5061 : vector<16x1xi32> to vector<16xi32>
    %gather3A_5063 = tpu.dynamic_gather %min3A_5053[%gather3A_5062] in [0] : vector<16xi32>, vector<16xi32> -> vector<16xi32>
    %min3A_5064 = arith.minsi %min3A_5053, %gather3A_5063 : vector<16xi32>
    %iota3A_5065 = tpu.iota {dimensions = array<i32: 0>} : vector<16xi32>
    %add3A_5066 = arith.constant 2 : i32
    %add3A_5067 = vector.broadcast %add3A_5066 : i32 to vector<16xi32>
    %add3A_5068 = arith.addi %iota3A_5065, %add3A_5067 : vector<16xi32>
    %and3A_5069 = arith.constant 15 : i32
    %and3A_5070 = vector.broadcast %and3A_5069 : i32 to vector<16xi32>
    %and3A_5071 = arith.andi %add3A_5068, %and3A_5070 : vector<16xi32>
    %broadcast_in_dim3A_5072 = vector.shape_cast %and3A_5071 : vector<16xi32> to vector<16x1xi32>
    %gather3A_5073 = vector.shape_cast %broadcast_in_dim3A_5072 : vector<16x1xi32> to vector<16xi32>
    %gather3A_5074 = tpu.dynamic_gather %min3A_5064[%gather3A_5073] in [0] : vector<16xi32>, vector<16xi32> -> vector<16xi32>
    %min3A_5075 = arith.minsi %min3A_5064, %gather3A_5074 : vector<16xi32>
    %iota3A_5076 = tpu.iota {dimensions = array<i32: 0>} : vector<16xi32>
    %add3A_5077 = arith.constant 1 : i32
    %add3A_5078 = vector.broadcast %add3A_5077 : i32 to vector<16xi32>
    %add3A_5079 = arith.addi %iota3A_5076, %add3A_5078 : vector<16xi32>
    %and3A_5080 = arith.constant 15 : i32
    %and3A_5081 = vector.broadcast %and3A_5080 : i32 to vector<16xi32>
    %and3A_5082 = arith.andi %add3A_5079, %and3A_5081 : vector<16xi32>
    %broadcast_in_dim3A_5083 = vector.shape_cast %and3A_5082 : vector<16xi32> to vector<16x1xi32>
    %gather3A_5084 = vector.shape_cast %broadcast_in_dim3A_5083 : vector<16x1xi32> to vector<16xi32>
    %gather3A_5085 = tpu.dynamic_gather %min3A_5075[%gather3A_5084] in [0] : vector<16xi32>, vector<16xi32> -> vector<16xi32>
    %min3A_5086 = arith.minsi %min3A_5075, %gather3A_5085 : vector<16xi32>
    %add3A_5087 = arith.constant 0 : i32
    %add3A_5088 = vector.broadcast %add3A_5087 : i32 to vector<16xi32>
    %add3A_5089 = arith.addi %iota3A, %add3A_5088 : vector<16xi32>
    %eq3A_5090 = arith.cmpi eq, %add3A_5089, %min3A_5086 : vector<16xi32>
    %add3A_5091 = arith.addf %select_n3A_4934, %get3A_4147 : vector<16xf32>
    %select_n3A_5092 = arith.select %eq3A_5090, %add3A_5091, %select_n3A_4934 : vector<16xi1>, vector<16xf32>
    %broadcast_in_dim3A_5093 = arith.constant 0xFF800000 : f32
    %broadcast_in_dim3A_5094 = vector.broadcast %broadcast_in_dim3A_5093 : f32 to vector<16xf32>
    %select_n3A_5095 = arith.select %eq3A_5090, %broadcast_in_dim3A_5094, %select_n3A_4937 : vector<16xi1>, vector<16xf32>
    %add3A_5096 = arith.constant 16 : i32
    %add3A_5097 = vector.broadcast %add3A_5096 : i32 to vector<16xi32>
    %add3A_5098 = arith.addi %iota3A, %add3A_5097 : vector<16xi32>
    %eq3A_5099 = arith.cmpi eq, %add3A_5098, %min3A_5086 : vector<16xi32>
    %add3A_5100 = arith.addf %select_n3A_4943, %get3A_4152 : vector<16xf32>
    %select_n3A_5101 = arith.select %eq3A_5099, %add3A_5100, %select_n3A_4943 : vector<16xi1>, vector<16xf32>
    %broadcast_in_dim3A_5102 = arith.constant 0xFF800000 : f32
    %broadcast_in_dim3A_5103 = vector.broadcast %broadcast_in_dim3A_5102 : f32 to vector<16xf32>
    %select_n3A_5104 = arith.select %eq3A_5099, %broadcast_in_dim3A_5103, %select_n3A_4946 : vector<16xi1>, vector<16xf32>
    %add3A_5105 = arith.constant 32 : i32
    %add3A_5106 = vector.broadcast %add3A_5105 : i32 to vector<16xi32>
    %add3A_5107 = arith.addi %iota3A, %add3A_5106 : vector<16xi32>
    %eq3A_5108 = arith.cmpi eq, %add3A_5107, %min3A_5086 : vector<16xi32>
    %add3A_5109 = arith.addf %select_n3A_4952, %get3A_4157 : vector<16xf32>
    %select_n3A_5110 = arith.select %eq3A_5108, %add3A_5109, %select_n3A_4952 : vector<16xi1>, vector<16xf32>
    %broadcast_in_dim3A_5111 = arith.constant 0xFF800000 : f32
    %broadcast_in_dim3A_5112 = vector.broadcast %broadcast_in_dim3A_5111 : f32 to vector<16xf32>
    %select_n3A_5113 = arith.select %eq3A_5108, %broadcast_in_dim3A_5112, %select_n3A_4955 : vector<16xi1>, vector<16xf32>
    %add3A_5114 = arith.constant 48 : i32
    %add3A_5115 = vector.broadcast %add3A_5114 : i32 to vector<16xi32>
    %add3A_5116 = arith.addi %iota3A, %add3A_5115 : vector<16xi32>
    %eq3A_5117 = arith.cmpi eq, %add3A_5116, %min3A_5086 : vector<16xi32>
    %add3A_5118 = arith.addf %select_n3A_4961, %get3A_4162 : vector<16xf32>
    %select_n3A_5119 = arith.select %eq3A_5117, %add3A_5118, %select_n3A_4961 : vector<16xi1>, vector<16xf32>
    %broadcast_in_dim3A_5120 = arith.constant 0xFF800000 : f32
    %broadcast_in_dim3A_5121 = vector.broadcast %broadcast_in_dim3A_5120 : f32 to vector<16xf32>
    %select_n3A_5122 = arith.select %eq3A_5117, %broadcast_in_dim3A_5121, %select_n3A_4964 : vector<16xi1>, vector<16xf32>
    %max3A_5123 = arith.maximumf %select_n3A_5095, %select_n3A_5104 : vector<16xf32>
    %max3A_5124 = arith.maximumf %select_n3A_5113, %select_n3A_5122 : vector<16xf32>
    %max3A_5125 = arith.maximumf %max3A_5123, %max3A_5124 : vector<16xf32>
    %iota3A_5126 = tpu.iota {dimensions = array<i32: 0>} : vector<16xi32>
    %add3A_5127 = arith.constant 8 : i32
    %add3A_5128 = vector.broadcast %add3A_5127 : i32 to vector<16xi32>
    %add3A_5129 = arith.addi %iota3A_5126, %add3A_5128 : vector<16xi32>
    %and3A_5130 = arith.constant 15 : i32
    %and3A_5131 = vector.broadcast %and3A_5130 : i32 to vector<16xi32>
    %and3A_5132 = arith.andi %add3A_5129, %and3A_5131 : vector<16xi32>
    %broadcast_in_dim3A_5133 = vector.shape_cast %and3A_5132 : vector<16xi32> to vector<16x1xi32>
    %gather3A_5134 = vector.shape_cast %broadcast_in_dim3A_5133 : vector<16x1xi32> to vector<16xi32>
    %gather3A_5135 = tpu.dynamic_gather %max3A_5125[%gather3A_5134] in [0] : vector<16xf32>, vector<16xi32> -> vector<16xf32>
    %max3A_5136 = arith.maximumf %max3A_5125, %gather3A_5135 : vector<16xf32>
    %iota3A_5137 = tpu.iota {dimensions = array<i32: 0>} : vector<16xi32>
    %add3A_5138 = arith.constant 4 : i32
    %add3A_5139 = vector.broadcast %add3A_5138 : i32 to vector<16xi32>
    %add3A_5140 = arith.addi %iota3A_5137, %add3A_5139 : vector<16xi32>
    %and3A_5141 = arith.constant 15 : i32
    %and3A_5142 = vector.broadcast %and3A_5141 : i32 to vector<16xi32>
    %and3A_5143 = arith.andi %add3A_5140, %and3A_5142 : vector<16xi32>
    %broadcast_in_dim3A_5144 = vector.shape_cast %and3A_5143 : vector<16xi32> to vector<16x1xi32>
    %gather3A_5145 = vector.shape_cast %broadcast_in_dim3A_5144 : vector<16x1xi32> to vector<16xi32>
    %gather3A_5146 = tpu.dynamic_gather %max3A_5136[%gather3A_5145] in [0] : vector<16xf32>, vector<16xi32> -> vector<16xf32>
    %max3A_5147 = arith.maximumf %max3A_5136, %gather3A_5146 : vector<16xf32>
    %iota3A_5148 = tpu.iota {dimensions = array<i32: 0>} : vector<16xi32>
    %add3A_5149 = arith.constant 2 : i32
    %add3A_5150 = vector.broadcast %add3A_5149 : i32 to vector<16xi32>
    %add3A_5151 = arith.addi %iota3A_5148, %add3A_5150 : vector<16xi32>
    %and3A_5152 = arith.constant 15 : i32
    %and3A_5153 = vector.broadcast %and3A_5152 : i32 to vector<16xi32>
    %and3A_5154 = arith.andi %add3A_5151, %and3A_5153 : vector<16xi32>
    %broadcast_in_dim3A_5155 = vector.shape_cast %and3A_5154 : vector<16xi32> to vector<16x1xi32>
    %gather3A_5156 = vector.shape_cast %broadcast_in_dim3A_5155 : vector<16x1xi32> to vector<16xi32>
    %gather3A_5157 = tpu.dynamic_gather %max3A_5147[%gather3A_5156] in [0] : vector<16xf32>, vector<16xi32> -> vector<16xf32>
    %max3A_5158 = arith.maximumf %max3A_5147, %gather3A_5157 : vector<16xf32>
    %iota3A_5159 = tpu.iota {dimensions = array<i32: 0>} : vector<16xi32>
    %add3A_5160 = arith.constant 1 : i32
    %add3A_5161 = vector.broadcast %add3A_5160 : i32 to vector<16xi32>
    %add3A_5162 = arith.addi %iota3A_5159, %add3A_5161 : vector<16xi32>
    %and3A_5163 = arith.constant 15 : i32
    %and3A_5164 = vector.broadcast %and3A_5163 : i32 to vector<16xi32>
    %and3A_5165 = arith.andi %add3A_5162, %and3A_5164 : vector<16xi32>
    %broadcast_in_dim3A_5166 = vector.shape_cast %and3A_5165 : vector<16xi32> to vector<16x1xi32>
    %gather3A_5167 = vector.shape_cast %broadcast_in_dim3A_5166 : vector<16x1xi32> to vector<16xi32>
    %gather3A_5168 = tpu.dynamic_gather %max3A_5158[%gather3A_5167] in [0] : vector<16xf32>, vector<16xi32> -> vector<16xf32>
    %max3A_5169 = arith.maximumf %max3A_5158, %gather3A_5168 : vector<16xf32>
    %eq3A_5170 = arith.cmpf oeq, %select_n3A_5095, %max3A_5169 : vector<16xf32>
    %add3A_5171 = arith.constant 0 : i32
    %add3A_5172 = vector.broadcast %add3A_5171 : i32 to vector<16xi32>
    %add3A_5173 = arith.addi %iota3A, %add3A_5172 : vector<16xi32>
    %jit3A_5174 = arith.constant 64 : i32
    %broadcast_in_dim3A_5175 = vector.broadcast %jit3A_5174 : i32 to vector<16xi32>
    %select_n3A_5176 = arith.select %eq3A_5170, %add3A_5173, %broadcast_in_dim3A_5175 : vector<16xi1>, vector<16xi32>
    %eq3A_5177 = arith.cmpf oeq, %select_n3A_5104, %max3A_5169 : vector<16xf32>
    %add3A_5178 = arith.constant 16 : i32
    %add3A_5179 = vector.broadcast %add3A_5178 : i32 to vector<16xi32>
    %add3A_5180 = arith.addi %iota3A, %add3A_5179 : vector<16xi32>
    %jit3A_5181 = arith.constant 64 : i32
    %broadcast_in_dim3A_5182 = vector.broadcast %jit3A_5181 : i32 to vector<16xi32>
    %select_n3A_5183 = arith.select %eq3A_5177, %add3A_5180, %broadcast_in_dim3A_5182 : vector<16xi1>, vector<16xi32>
    %eq3A_5184 = arith.cmpf oeq, %select_n3A_5113, %max3A_5169 : vector<16xf32>
    %add3A_5185 = arith.constant 32 : i32
    %add3A_5186 = vector.broadcast %add3A_5185 : i32 to vector<16xi32>
    %add3A_5187 = arith.addi %iota3A, %add3A_5186 : vector<16xi32>
    %jit3A_5188 = arith.constant 64 : i32
    %broadcast_in_dim3A_5189 = vector.broadcast %jit3A_5188 : i32 to vector<16xi32>
    %select_n3A_5190 = arith.select %eq3A_5184, %add3A_5187, %broadcast_in_dim3A_5189 : vector<16xi1>, vector<16xi32>
    %eq3A_5191 = arith.cmpf oeq, %select_n3A_5122, %max3A_5169 : vector<16xf32>
    %add3A_5192 = arith.constant 48 : i32
    %add3A_5193 = vector.broadcast %add3A_5192 : i32 to vector<16xi32>
    %add3A_5194 = arith.addi %iota3A, %add3A_5193 : vector<16xi32>
    %jit3A_5195 = arith.constant 64 : i32
    %broadcast_in_dim3A_5196 = vector.broadcast %jit3A_5195 : i32 to vector<16xi32>
    %select_n3A_5197 = arith.select %eq3A_5191, %add3A_5194, %broadcast_in_dim3A_5196 : vector<16xi1>, vector<16xi32>
    %min3A_5198 = arith.minsi %select_n3A_5176, %select_n3A_5183 : vector<16xi32>
    %min3A_5199 = arith.minsi %select_n3A_5190, %select_n3A_5197 : vector<16xi32>
    %min3A_5200 = arith.minsi %min3A_5198, %min3A_5199 : vector<16xi32>
    %iota3A_5201 = tpu.iota {dimensions = array<i32: 0>} : vector<16xi32>
    %add3A_5202 = arith.constant 8 : i32
    %add3A_5203 = vector.broadcast %add3A_5202 : i32 to vector<16xi32>
    %add3A_5204 = arith.addi %iota3A_5201, %add3A_5203 : vector<16xi32>
    %and3A_5205 = arith.constant 15 : i32
    %and3A_5206 = vector.broadcast %and3A_5205 : i32 to vector<16xi32>
    %and3A_5207 = arith.andi %add3A_5204, %and3A_5206 : vector<16xi32>
    %broadcast_in_dim3A_5208 = vector.shape_cast %and3A_5207 : vector<16xi32> to vector<16x1xi32>
    %gather3A_5209 = vector.shape_cast %broadcast_in_dim3A_5208 : vector<16x1xi32> to vector<16xi32>
    %gather3A_5210 = tpu.dynamic_gather %min3A_5200[%gather3A_5209] in [0] : vector<16xi32>, vector<16xi32> -> vector<16xi32>
    %min3A_5211 = arith.minsi %min3A_5200, %gather3A_5210 : vector<16xi32>
    %iota3A_5212 = tpu.iota {dimensions = array<i32: 0>} : vector<16xi32>
    %add3A_5213 = arith.constant 4 : i32
    %add3A_5214 = vector.broadcast %add3A_5213 : i32 to vector<16xi32>
    %add3A_5215 = arith.addi %iota3A_5212, %add3A_5214 : vector<16xi32>
    %and3A_5216 = arith.constant 15 : i32
    %and3A_5217 = vector.broadcast %and3A_5216 : i32 to vector<16xi32>
    %and3A_5218 = arith.andi %add3A_5215, %and3A_5217 : vector<16xi32>
    %broadcast_in_dim3A_5219 = vector.shape_cast %and3A_5218 : vector<16xi32> to vector<16x1xi32>
    %gather3A_5220 = vector.shape_cast %broadcast_in_dim3A_5219 : vector<16x1xi32> to vector<16xi32>
    %gather3A_5221 = tpu.dynamic_gather %min3A_5211[%gather3A_5220] in [0] : vector<16xi32>, vector<16xi32> -> vector<16xi32>
    %min3A_5222 = arith.minsi %min3A_5211, %gather3A_5221 : vector<16xi32>
    %iota3A_5223 = tpu.iota {dimensions = array<i32: 0>} : vector<16xi32>
    %add3A_5224 = arith.constant 2 : i32
    %add3A_5225 = vector.broadcast %add3A_5224 : i32 to vector<16xi32>
    %add3A_5226 = arith.addi %iota3A_5223, %add3A_5225 : vector<16xi32>
    %and3A_5227 = arith.constant 15 : i32
    %and3A_5228 = vector.broadcast %and3A_5227 : i32 to vector<16xi32>
    %and3A_5229 = arith.andi %add3A_5226, %and3A_5228 : vector<16xi32>
    %broadcast_in_dim3A_5230 = vector.shape_cast %and3A_5229 : vector<16xi32> to vector<16x1xi32>
    %gather3A_5231 = vector.shape_cast %broadcast_in_dim3A_5230 : vector<16x1xi32> to vector<16xi32>
    %gather3A_5232 = tpu.dynamic_gather %min3A_5222[%gather3A_5231] in [0] : vector<16xi32>, vector<16xi32> -> vector<16xi32>
    %min3A_5233 = arith.minsi %min3A_5222, %gather3A_5232 : vector<16xi32>
    %iota3A_5234 = tpu.iota {dimensions = array<i32: 0>} : vector<16xi32>
    %add3A_5235 = arith.constant 1 : i32
    %add3A_5236 = vector.broadcast %add3A_5235 : i32 to vector<16xi32>
    %add3A_5237 = arith.addi %iota3A_5234, %add3A_5236 : vector<16xi32>
    %and3A_5238 = arith.constant 15 : i32
    %and3A_5239 = vector.broadcast %and3A_5238 : i32 to vector<16xi32>
    %and3A_5240 = arith.andi %add3A_5237, %and3A_5239 : vector<16xi32>
    %broadcast_in_dim3A_5241 = vector.shape_cast %and3A_5240 : vector<16xi32> to vector<16x1xi32>
    %gather3A_5242 = vector.shape_cast %broadcast_in_dim3A_5241 : vector<16x1xi32> to vector<16xi32>
    %gather3A_5243 = tpu.dynamic_gather %min3A_5233[%gather3A_5242] in [0] : vector<16xi32>, vector<16xi32> -> vector<16xi32>
    %min3A_5244 = arith.minsi %min3A_5233, %gather3A_5243 : vector<16xi32>
    %add3A_5245 = arith.constant 0 : i32
    %add3A_5246 = vector.broadcast %add3A_5245 : i32 to vector<16xi32>
    %add3A_5247 = arith.addi %iota3A, %add3A_5246 : vector<16xi32>
    %eq3A_5248 = arith.cmpi eq, %add3A_5247, %min3A_5244 : vector<16xi32>
    %add3A_5249 = arith.addf %select_n3A_5092, %get3A_4147 : vector<16xf32>
    %select_n3A_5250 = arith.select %eq3A_5248, %add3A_5249, %select_n3A_5092 : vector<16xi1>, vector<16xf32>
    %broadcast_in_dim3A_5251 = arith.constant 0xFF800000 : f32
    %broadcast_in_dim3A_5252 = vector.broadcast %broadcast_in_dim3A_5251 : f32 to vector<16xf32>
    %select_n3A_5253 = arith.select %eq3A_5248, %broadcast_in_dim3A_5252, %select_n3A_5095 : vector<16xi1>, vector<16xf32>
    %add3A_5254 = arith.constant 16 : i32
    %add3A_5255 = vector.broadcast %add3A_5254 : i32 to vector<16xi32>
    %add3A_5256 = arith.addi %iota3A, %add3A_5255 : vector<16xi32>
    %eq3A_5257 = arith.cmpi eq, %add3A_5256, %min3A_5244 : vector<16xi32>
    %add3A_5258 = arith.addf %select_n3A_5101, %get3A_4152 : vector<16xf32>
    %select_n3A_5259 = arith.select %eq3A_5257, %add3A_5258, %select_n3A_5101 : vector<16xi1>, vector<16xf32>
    %broadcast_in_dim3A_5260 = arith.constant 0xFF800000 : f32
    %broadcast_in_dim3A_5261 = vector.broadcast %broadcast_in_dim3A_5260 : f32 to vector<16xf32>
    %select_n3A_5262 = arith.select %eq3A_5257, %broadcast_in_dim3A_5261, %select_n3A_5104 : vector<16xi1>, vector<16xf32>
    %add3A_5263 = arith.constant 32 : i32
    %add3A_5264 = vector.broadcast %add3A_5263 : i32 to vector<16xi32>
    %add3A_5265 = arith.addi %iota3A, %add3A_5264 : vector<16xi32>
    %eq3A_5266 = arith.cmpi eq, %add3A_5265, %min3A_5244 : vector<16xi32>
    %add3A_5267 = arith.addf %select_n3A_5110, %get3A_4157 : vector<16xf32>
    %select_n3A_5268 = arith.select %eq3A_5266, %add3A_5267, %select_n3A_5110 : vector<16xi1>, vector<16xf32>
    %broadcast_in_dim3A_5269 = arith.constant 0xFF800000 : f32
    %broadcast_in_dim3A_5270 = vector.broadcast %broadcast_in_dim3A_5269 : f32 to vector<16xf32>
    %select_n3A_5271 = arith.select %eq3A_5266, %broadcast_in_dim3A_5270, %select_n3A_5113 : vector<16xi1>, vector<16xf32>
    %add3A_5272 = arith.constant 48 : i32
    %add3A_5273 = vector.broadcast %add3A_5272 : i32 to vector<16xi32>
    %add3A_5274 = arith.addi %iota3A, %add3A_5273 : vector<16xi32>
    %eq3A_5275 = arith.cmpi eq, %add3A_5274, %min3A_5244 : vector<16xi32>
    %add3A_5276 = arith.addf %select_n3A_5119, %get3A_4162 : vector<16xf32>
    %select_n3A_5277 = arith.select %eq3A_5275, %add3A_5276, %select_n3A_5119 : vector<16xi1>, vector<16xf32>
    %broadcast_in_dim3A_5278 = arith.constant 0xFF800000 : f32
    %broadcast_in_dim3A_5279 = vector.broadcast %broadcast_in_dim3A_5278 : f32 to vector<16xf32>
    %select_n3A_5280 = arith.select %eq3A_5275, %broadcast_in_dim3A_5279, %select_n3A_5122 : vector<16xi1>, vector<16xf32>
    %max3A_5281 = arith.maximumf %select_n3A_5253, %select_n3A_5262 : vector<16xf32>
    %max3A_5282 = arith.maximumf %select_n3A_5271, %select_n3A_5280 : vector<16xf32>
    %max3A_5283 = arith.maximumf %max3A_5281, %max3A_5282 : vector<16xf32>
    %iota3A_5284 = tpu.iota {dimensions = array<i32: 0>} : vector<16xi32>
    %add3A_5285 = arith.constant 8 : i32
    %add3A_5286 = vector.broadcast %add3A_5285 : i32 to vector<16xi32>
    %add3A_5287 = arith.addi %iota3A_5284, %add3A_5286 : vector<16xi32>
    %and3A_5288 = arith.constant 15 : i32
    %and3A_5289 = vector.broadcast %and3A_5288 : i32 to vector<16xi32>
    %and3A_5290 = arith.andi %add3A_5287, %and3A_5289 : vector<16xi32>
    %broadcast_in_dim3A_5291 = vector.shape_cast %and3A_5290 : vector<16xi32> to vector<16x1xi32>
    %gather3A_5292 = vector.shape_cast %broadcast_in_dim3A_5291 : vector<16x1xi32> to vector<16xi32>
    %gather3A_5293 = tpu.dynamic_gather %max3A_5283[%gather3A_5292] in [0] : vector<16xf32>, vector<16xi32> -> vector<16xf32>
    %max3A_5294 = arith.maximumf %max3A_5283, %gather3A_5293 : vector<16xf32>
    %iota3A_5295 = tpu.iota {dimensions = array<i32: 0>} : vector<16xi32>
    %add3A_5296 = arith.constant 4 : i32
    %add3A_5297 = vector.broadcast %add3A_5296 : i32 to vector<16xi32>
    %add3A_5298 = arith.addi %iota3A_5295, %add3A_5297 : vector<16xi32>
    %and3A_5299 = arith.constant 15 : i32
    %and3A_5300 = vector.broadcast %and3A_5299 : i32 to vector<16xi32>
    %and3A_5301 = arith.andi %add3A_5298, %and3A_5300 : vector<16xi32>
    %broadcast_in_dim3A_5302 = vector.shape_cast %and3A_5301 : vector<16xi32> to vector<16x1xi32>
    %gather3A_5303 = vector.shape_cast %broadcast_in_dim3A_5302 : vector<16x1xi32> to vector<16xi32>
    %gather3A_5304 = tpu.dynamic_gather %max3A_5294[%gather3A_5303] in [0] : vector<16xf32>, vector<16xi32> -> vector<16xf32>
    %max3A_5305 = arith.maximumf %max3A_5294, %gather3A_5304 : vector<16xf32>
    %iota3A_5306 = tpu.iota {dimensions = array<i32: 0>} : vector<16xi32>
    %add3A_5307 = arith.constant 2 : i32
    %add3A_5308 = vector.broadcast %add3A_5307 : i32 to vector<16xi32>
    %add3A_5309 = arith.addi %iota3A_5306, %add3A_5308 : vector<16xi32>
    %and3A_5310 = arith.constant 15 : i32
    %and3A_5311 = vector.broadcast %and3A_5310 : i32 to vector<16xi32>
    %and3A_5312 = arith.andi %add3A_5309, %and3A_5311 : vector<16xi32>
    %broadcast_in_dim3A_5313 = vector.shape_cast %and3A_5312 : vector<16xi32> to vector<16x1xi32>
    %gather3A_5314 = vector.shape_cast %broadcast_in_dim3A_5313 : vector<16x1xi32> to vector<16xi32>
    %gather3A_5315 = tpu.dynamic_gather %max3A_5305[%gather3A_5314] in [0] : vector<16xf32>, vector<16xi32> -> vector<16xf32>
    %max3A_5316 = arith.maximumf %max3A_5305, %gather3A_5315 : vector<16xf32>
    %iota3A_5317 = tpu.iota {dimensions = array<i32: 0>} : vector<16xi32>
    %add3A_5318 = arith.constant 1 : i32
    %add3A_5319 = vector.broadcast %add3A_5318 : i32 to vector<16xi32>
    %add3A_5320 = arith.addi %iota3A_5317, %add3A_5319 : vector<16xi32>
    %and3A_5321 = arith.constant 15 : i32
    %and3A_5322 = vector.broadcast %and3A_5321 : i32 to vector<16xi32>
    %and3A_5323 = arith.andi %add3A_5320, %and3A_5322 : vector<16xi32>
    %broadcast_in_dim3A_5324 = vector.shape_cast %and3A_5323 : vector<16xi32> to vector<16x1xi32>
    %gather3A_5325 = vector.shape_cast %broadcast_in_dim3A_5324 : vector<16x1xi32> to vector<16xi32>
    %gather3A_5326 = tpu.dynamic_gather %max3A_5316[%gather3A_5325] in [0] : vector<16xf32>, vector<16xi32> -> vector<16xf32>
    %max3A_5327 = arith.maximumf %max3A_5316, %gather3A_5326 : vector<16xf32>
    %eq3A_5328 = arith.cmpf oeq, %select_n3A_5253, %max3A_5327 : vector<16xf32>
    %add3A_5329 = arith.constant 0 : i32
    %add3A_5330 = vector.broadcast %add3A_5329 : i32 to vector<16xi32>
    %add3A_5331 = arith.addi %iota3A, %add3A_5330 : vector<16xi32>
    %jit3A_5332 = arith.constant 64 : i32
    %broadcast_in_dim3A_5333 = vector.broadcast %jit3A_5332 : i32 to vector<16xi32>
    %select_n3A_5334 = arith.select %eq3A_5328, %add3A_5331, %broadcast_in_dim3A_5333 : vector<16xi1>, vector<16xi32>
    %eq3A_5335 = arith.cmpf oeq, %select_n3A_5262, %max3A_5327 : vector<16xf32>
    %add3A_5336 = arith.constant 16 : i32
    %add3A_5337 = vector.broadcast %add3A_5336 : i32 to vector<16xi32>
    %add3A_5338 = arith.addi %iota3A, %add3A_5337 : vector<16xi32>
    %jit3A_5339 = arith.constant 64 : i32
    %broadcast_in_dim3A_5340 = vector.broadcast %jit3A_5339 : i32 to vector<16xi32>
    %select_n3A_5341 = arith.select %eq3A_5335, %add3A_5338, %broadcast_in_dim3A_5340 : vector<16xi1>, vector<16xi32>
    %eq3A_5342 = arith.cmpf oeq, %select_n3A_5271, %max3A_5327 : vector<16xf32>
    %add3A_5343 = arith.constant 32 : i32
    %add3A_5344 = vector.broadcast %add3A_5343 : i32 to vector<16xi32>
    %add3A_5345 = arith.addi %iota3A, %add3A_5344 : vector<16xi32>
    %jit3A_5346 = arith.constant 64 : i32
    %broadcast_in_dim3A_5347 = vector.broadcast %jit3A_5346 : i32 to vector<16xi32>
    %select_n3A_5348 = arith.select %eq3A_5342, %add3A_5345, %broadcast_in_dim3A_5347 : vector<16xi1>, vector<16xi32>
    %eq3A_5349 = arith.cmpf oeq, %select_n3A_5280, %max3A_5327 : vector<16xf32>
    %add3A_5350 = arith.constant 48 : i32
    %add3A_5351 = vector.broadcast %add3A_5350 : i32 to vector<16xi32>
    %add3A_5352 = arith.addi %iota3A, %add3A_5351 : vector<16xi32>
    %jit3A_5353 = arith.constant 64 : i32
    %broadcast_in_dim3A_5354 = vector.broadcast %jit3A_5353 : i32 to vector<16xi32>
    %select_n3A_5355 = arith.select %eq3A_5349, %add3A_5352, %broadcast_in_dim3A_5354 : vector<16xi1>, vector<16xi32>
    %min3A_5356 = arith.minsi %select_n3A_5334, %select_n3A_5341 : vector<16xi32>
    %min3A_5357 = arith.minsi %select_n3A_5348, %select_n3A_5355 : vector<16xi32>
    %min3A_5358 = arith.minsi %min3A_5356, %min3A_5357 : vector<16xi32>
    %iota3A_5359 = tpu.iota {dimensions = array<i32: 0>} : vector<16xi32>
    %add3A_5360 = arith.constant 8 : i32
    %add3A_5361 = vector.broadcast %add3A_5360 : i32 to vector<16xi32>
    %add3A_5362 = arith.addi %iota3A_5359, %add3A_5361 : vector<16xi32>
    %and3A_5363 = arith.constant 15 : i32
    %and3A_5364 = vector.broadcast %and3A_5363 : i32 to vector<16xi32>
    %and3A_5365 = arith.andi %add3A_5362, %and3A_5364 : vector<16xi32>
    %broadcast_in_dim3A_5366 = vector.shape_cast %and3A_5365 : vector<16xi32> to vector<16x1xi32>
    %gather3A_5367 = vector.shape_cast %broadcast_in_dim3A_5366 : vector<16x1xi32> to vector<16xi32>
    %gather3A_5368 = tpu.dynamic_gather %min3A_5358[%gather3A_5367] in [0] : vector<16xi32>, vector<16xi32> -> vector<16xi32>
    %min3A_5369 = arith.minsi %min3A_5358, %gather3A_5368 : vector<16xi32>
    %iota3A_5370 = tpu.iota {dimensions = array<i32: 0>} : vector<16xi32>
    %add3A_5371 = arith.constant 4 : i32
    %add3A_5372 = vector.broadcast %add3A_5371 : i32 to vector<16xi32>
    %add3A_5373 = arith.addi %iota3A_5370, %add3A_5372 : vector<16xi32>
    %and3A_5374 = arith.constant 15 : i32
    %and3A_5375 = vector.broadcast %and3A_5374 : i32 to vector<16xi32>
    %and3A_5376 = arith.andi %add3A_5373, %and3A_5375 : vector<16xi32>
    %broadcast_in_dim3A_5377 = vector.shape_cast %and3A_5376 : vector<16xi32> to vector<16x1xi32>
    %gather3A_5378 = vector.shape_cast %broadcast_in_dim3A_5377 : vector<16x1xi32> to vector<16xi32>
    %gather3A_5379 = tpu.dynamic_gather %min3A_5369[%gather3A_5378] in [0] : vector<16xi32>, vector<16xi32> -> vector<16xi32>
    %min3A_5380 = arith.minsi %min3A_5369, %gather3A_5379 : vector<16xi32>
    %iota3A_5381 = tpu.iota {dimensions = array<i32: 0>} : vector<16xi32>
    %add3A_5382 = arith.constant 2 : i32
    %add3A_5383 = vector.broadcast %add3A_5382 : i32 to vector<16xi32>
    %add3A_5384 = arith.addi %iota3A_5381, %add3A_5383 : vector<16xi32>
    %and3A_5385 = arith.constant 15 : i32
    %and3A_5386 = vector.broadcast %and3A_5385 : i32 to vector<16xi32>
    %and3A_5387 = arith.andi %add3A_5384, %and3A_5386 : vector<16xi32>
    %broadcast_in_dim3A_5388 = vector.shape_cast %and3A_5387 : vector<16xi32> to vector<16x1xi32>
    %gather3A_5389 = vector.shape_cast %broadcast_in_dim3A_5388 : vector<16x1xi32> to vector<16xi32>
    %gather3A_5390 = tpu.dynamic_gather %min3A_5380[%gather3A_5389] in [0] : vector<16xi32>, vector<16xi32> -> vector<16xi32>
    %min3A_5391 = arith.minsi %min3A_5380, %gather3A_5390 : vector<16xi32>
    %iota3A_5392 = tpu.iota {dimensions = array<i32: 0>} : vector<16xi32>
    %add3A_5393 = arith.constant 1 : i32
    %add3A_5394 = vector.broadcast %add3A_5393 : i32 to vector<16xi32>
    %add3A_5395 = arith.addi %iota3A_5392, %add3A_5394 : vector<16xi32>
    %and3A_5396 = arith.constant 15 : i32
    %and3A_5397 = vector.broadcast %and3A_5396 : i32 to vector<16xi32>
    %and3A_5398 = arith.andi %add3A_5395, %and3A_5397 : vector<16xi32>
    %broadcast_in_dim3A_5399 = vector.shape_cast %and3A_5398 : vector<16xi32> to vector<16x1xi32>
    %gather3A_5400 = vector.shape_cast %broadcast_in_dim3A_5399 : vector<16x1xi32> to vector<16xi32>
    %gather3A_5401 = tpu.dynamic_gather %min3A_5391[%gather3A_5400] in [0] : vector<16xi32>, vector<16xi32> -> vector<16xi32>
    %min3A_5402 = arith.minsi %min3A_5391, %gather3A_5401 : vector<16xi32>
    %add3A_5403 = arith.constant 0 : i32
    %add3A_5404 = vector.broadcast %add3A_5403 : i32 to vector<16xi32>
    %add3A_5405 = arith.addi %iota3A, %add3A_5404 : vector<16xi32>
    %eq3A_5406 = arith.cmpi eq, %add3A_5405, %min3A_5402 : vector<16xi32>
    %add3A_5407 = arith.addf %select_n3A_5250, %get3A_4147 : vector<16xf32>
    %select_n3A_5408 = arith.select %eq3A_5406, %add3A_5407, %select_n3A_5250 : vector<16xi1>, vector<16xf32>
    %broadcast_in_dim3A_5409 = arith.constant 0xFF800000 : f32
    %broadcast_in_dim3A_5410 = vector.broadcast %broadcast_in_dim3A_5409 : f32 to vector<16xf32>
    %select_n3A_5411 = arith.select %eq3A_5406, %broadcast_in_dim3A_5410, %select_n3A_5253 : vector<16xi1>, vector<16xf32>
    %add3A_5412 = arith.constant 16 : i32
    %add3A_5413 = vector.broadcast %add3A_5412 : i32 to vector<16xi32>
    %add3A_5414 = arith.addi %iota3A, %add3A_5413 : vector<16xi32>
    %eq3A_5415 = arith.cmpi eq, %add3A_5414, %min3A_5402 : vector<16xi32>
    %add3A_5416 = arith.addf %select_n3A_5259, %get3A_4152 : vector<16xf32>
    %select_n3A_5417 = arith.select %eq3A_5415, %add3A_5416, %select_n3A_5259 : vector<16xi1>, vector<16xf32>
    %broadcast_in_dim3A_5418 = arith.constant 0xFF800000 : f32
    %broadcast_in_dim3A_5419 = vector.broadcast %broadcast_in_dim3A_5418 : f32 to vector<16xf32>
    %select_n3A_5420 = arith.select %eq3A_5415, %broadcast_in_dim3A_5419, %select_n3A_5262 : vector<16xi1>, vector<16xf32>
    %add3A_5421 = arith.constant 32 : i32
    %add3A_5422 = vector.broadcast %add3A_5421 : i32 to vector<16xi32>
    %add3A_5423 = arith.addi %iota3A, %add3A_5422 : vector<16xi32>
    %eq3A_5424 = arith.cmpi eq, %add3A_5423, %min3A_5402 : vector<16xi32>
    %add3A_5425 = arith.addf %select_n3A_5268, %get3A_4157 : vector<16xf32>
    %select_n3A_5426 = arith.select %eq3A_5424, %add3A_5425, %select_n3A_5268 : vector<16xi1>, vector<16xf32>
    %broadcast_in_dim3A_5427 = arith.constant 0xFF800000 : f32
    %broadcast_in_dim3A_5428 = vector.broadcast %broadcast_in_dim3A_5427 : f32 to vector<16xf32>
    %select_n3A_5429 = arith.select %eq3A_5424, %broadcast_in_dim3A_5428, %select_n3A_5271 : vector<16xi1>, vector<16xf32>
    %add3A_5430 = arith.constant 48 : i32
    %add3A_5431 = vector.broadcast %add3A_5430 : i32 to vector<16xi32>
    %add3A_5432 = arith.addi %iota3A, %add3A_5431 : vector<16xi32>
    %eq3A_5433 = arith.cmpi eq, %add3A_5432, %min3A_5402 : vector<16xi32>
    %add3A_5434 = arith.addf %select_n3A_5277, %get3A_4162 : vector<16xf32>
    %select_n3A_5435 = arith.select %eq3A_5433, %add3A_5434, %select_n3A_5277 : vector<16xi1>, vector<16xf32>
    %broadcast_in_dim3A_5436 = arith.constant 0xFF800000 : f32
    %broadcast_in_dim3A_5437 = vector.broadcast %broadcast_in_dim3A_5436 : f32 to vector<16xf32>
    %select_n3A_5438 = arith.select %eq3A_5433, %broadcast_in_dim3A_5437, %select_n3A_5280 : vector<16xi1>, vector<16xf32>
    %add3A_5439 = arith.addf %select_n3A_5408, %select_n3A_5417 : vector<16xf32>
    %add3A_5440 = arith.addf %add3A_5439, %select_n3A_5426 : vector<16xf32>
    %add3A_5441 = arith.addf %add3A_5440, %select_n3A_5435 : vector<16xf32>
    %iota3A_5442 = tpu.iota {dimensions = array<i32: 0>} : vector<16xi32>
    %add3A_5443 = arith.constant 8 : i32
    %add3A_5444 = vector.broadcast %add3A_5443 : i32 to vector<16xi32>
    %add3A_5445 = arith.addi %iota3A_5442, %add3A_5444 : vector<16xi32>
    %and3A_5446 = arith.constant 15 : i32
    %and3A_5447 = vector.broadcast %and3A_5446 : i32 to vector<16xi32>
    %and3A_5448 = arith.andi %add3A_5445, %and3A_5447 : vector<16xi32>
    %broadcast_in_dim3A_5449 = vector.shape_cast %and3A_5448 : vector<16xi32> to vector<16x1xi32>
    %gather3A_5450 = vector.shape_cast %broadcast_in_dim3A_5449 : vector<16x1xi32> to vector<16xi32>
    %gather3A_5451 = tpu.dynamic_gather %add3A_5441[%gather3A_5450] in [0] : vector<16xf32>, vector<16xi32> -> vector<16xf32>
    %add3A_5452 = arith.addf %add3A_5441, %gather3A_5451 : vector<16xf32>
    %iota3A_5453 = tpu.iota {dimensions = array<i32: 0>} : vector<16xi32>
    %add3A_5454 = arith.constant 4 : i32
    %add3A_5455 = vector.broadcast %add3A_5454 : i32 to vector<16xi32>
    %add3A_5456 = arith.addi %iota3A_5453, %add3A_5455 : vector<16xi32>
    %and3A_5457 = arith.constant 15 : i32
    %and3A_5458 = vector.broadcast %and3A_5457 : i32 to vector<16xi32>
    %and3A_5459 = arith.andi %add3A_5456, %and3A_5458 : vector<16xi32>
    %broadcast_in_dim3A_5460 = vector.shape_cast %and3A_5459 : vector<16xi32> to vector<16x1xi32>
    %gather3A_5461 = vector.shape_cast %broadcast_in_dim3A_5460 : vector<16x1xi32> to vector<16xi32>
    %gather3A_5462 = tpu.dynamic_gather %add3A_5452[%gather3A_5461] in [0] : vector<16xf32>, vector<16xi32> -> vector<16xf32>
    %add3A_5463 = arith.addf %add3A_5452, %gather3A_5462 : vector<16xf32>
    %iota3A_5464 = tpu.iota {dimensions = array<i32: 0>} : vector<16xi32>
    %add3A_5465 = arith.constant 2 : i32
    %add3A_5466 = vector.broadcast %add3A_5465 : i32 to vector<16xi32>
    %add3A_5467 = arith.addi %iota3A_5464, %add3A_5466 : vector<16xi32>
    %and3A_5468 = arith.constant 15 : i32
    %and3A_5469 = vector.broadcast %and3A_5468 : i32 to vector<16xi32>
    %and3A_5470 = arith.andi %add3A_5467, %and3A_5469 : vector<16xi32>
    %broadcast_in_dim3A_5471 = vector.shape_cast %and3A_5470 : vector<16xi32> to vector<16x1xi32>
    %gather3A_5472 = vector.shape_cast %broadcast_in_dim3A_5471 : vector<16x1xi32> to vector<16xi32>
    %gather3A_5473 = tpu.dynamic_gather %add3A_5463[%gather3A_5472] in [0] : vector<16xf32>, vector<16xi32> -> vector<16xf32>
    %add3A_5474 = arith.addf %add3A_5463, %gather3A_5473 : vector<16xf32>
    %iota3A_5475 = tpu.iota {dimensions = array<i32: 0>} : vector<16xi32>
    %add3A_5476 = arith.constant 1 : i32
    %add3A_5477 = vector.broadcast %add3A_5476 : i32 to vector<16xi32>
    %add3A_5478 = arith.addi %iota3A_5475, %add3A_5477 : vector<16xi32>
    %and3A_5479 = arith.constant 15 : i32
    %and3A_5480 = vector.broadcast %and3A_5479 : i32 to vector<16xi32>
    %and3A_5481 = arith.andi %add3A_5478, %and3A_5480 : vector<16xi32>
    %broadcast_in_dim3A_5482 = vector.shape_cast %and3A_5481 : vector<16xi32> to vector<16x1xi32>
    %gather3A_5483 = vector.shape_cast %broadcast_in_dim3A_5482 : vector<16x1xi32> to vector<16xi32>
    %gather3A_5484 = tpu.dynamic_gather %add3A_5474[%gather3A_5483] in [0] : vector<16xf32>, vector<16xi32> -> vector<16xf32>
    %add3A_5485 = arith.addf %add3A_5474, %gather3A_5484 : vector<16xf32>
    %max3A_5486 = arith.constant 9.99999996E-13 : f32
    %max3A_5487 = vector.broadcast %max3A_5486 : f32 to vector<16xf32>
    %max3A_5488 = arith.maximumf %add3A_5485, %max3A_5487 : vector<16xf32>
    %div3A_5489 = arith.constant 1.000000e+00 : f32
    %div3A_5490 = vector.broadcast %div3A_5489 : f32 to vector<16xf32>
    %div3A_5491 = arith.divf %div3A_5490, %max3A_5488 : vector<16xf32>
    %mul3A_5492 = arith.mulf %select_n3A_5408, %div3A_5491 : vector<16xf32>
    %swap3A_5493 = arith.constant 3 : i32
    %swap3A_5494 = arith.index_cast %swap3A_5493 : i32 to index
    %swap3A_5495 = arith.constant 0 : index
    %swap3A_5496 = tpu.vector_load %arg7[%swap3A_5494, %swap3A_5495] {strides = array<i32>} : memref<4x64xf32, #tpu.memory_space<vmem>>, vector<1x16xf32>,
    %swap3A_5497 = vector.shape_cast %swap3A_5496 : vector<1x16xf32> to vector<16xf32>
    %swap3A_5498 = vector.shape_cast %mul3A_5492 : vector<16xf32> to vector<1x16xf32>
    tpu.vector_store %arg7[%swap3A_5494, %swap3A_5495], %swap3A_5498 {strides = array<i32>} : memref<4x64xf32, #tpu.memory_space<vmem>>, vector<1x16xf32>,
    %mul3A_5499 = arith.mulf %select_n3A_5417, %div3A_5491 : vector<16xf32>
    %swap3A_5500 = arith.constant 3 : i32
    %swap3A_5501 = arith.index_cast %swap3A_5500 : i32 to index
    %swap3A_5502 = arith.constant 16 : index
    %swap3A_5503 = tpu.vector_load %arg7[%swap3A_5501, %swap3A_5502] {strides = array<i32>} : memref<4x64xf32, #tpu.memory_space<vmem>>, vector<1x16xf32>,
    %swap3A_5504 = vector.shape_cast %swap3A_5503 : vector<1x16xf32> to vector<16xf32>
    %swap3A_5505 = vector.shape_cast %mul3A_5499 : vector<16xf32> to vector<1x16xf32>
    tpu.vector_store %arg7[%swap3A_5501, %swap3A_5502], %swap3A_5505 {strides = array<i32>} : memref<4x64xf32, #tpu.memory_space<vmem>>, vector<1x16xf32>,
    %mul3A_5506 = arith.mulf %select_n3A_5426, %div3A_5491 : vector<16xf32>
    %swap3A_5507 = arith.constant 3 : i32
    %swap3A_5508 = arith.index_cast %swap3A_5507 : i32 to index
    %swap3A_5509 = arith.constant 32 : index
    %swap3A_5510 = tpu.vector_load %arg7[%swap3A_5508, %swap3A_5509] {strides = array<i32>} : memref<4x64xf32, #tpu.memory_space<vmem>>, vector<1x16xf32>,
    %swap3A_5511 = vector.shape_cast %swap3A_5510 : vector<1x16xf32> to vector<16xf32>
    %swap3A_5512 = vector.shape_cast %mul3A_5506 : vector<16xf32> to vector<1x16xf32>
    tpu.vector_store %arg7[%swap3A_5508, %swap3A_5509], %swap3A_5512 {strides = array<i32>} : memref<4x64xf32, #tpu.memory_space<vmem>>, vector<1x16xf32>,
    %mul3A_5513 = arith.mulf %select_n3A_5435, %div3A_5491 : vector<16xf32>
    %swap3A_5514 = arith.constant 3 : i32
    %swap3A_5515 = arith.index_cast %swap3A_5514 : i32 to index
    %swap3A_5516 = arith.constant 48 : index
    %swap3A_5517 = tpu.vector_load %arg7[%swap3A_5515, %swap3A_5516] {strides = array<i32>} : memref<4x64xf32, #tpu.memory_space<vmem>>, vector<1x16xf32>,
    %swap3A_5518 = vector.shape_cast %swap3A_5517 : vector<1x16xf32> to vector<16xf32>
    %swap3A_5519 = vector.shape_cast %mul3A_5513 : vector<16xf32> to vector<1x16xf32>
    tpu.vector_store %arg7[%swap3A_5515, %swap3A_5516], %swap3A_5519 {strides = array<i32>} : memref<4x64xf32, #tpu.memory_space<vmem>>, vector<1x16xf32>,
    "tpu.region"() ({
      %run_scoped3A = tpu.sem_alloc : memref<!tpu.dma_semaphore, #tpu.memory_space<semaphore_mem>>
      %dma_start3A = arith.constant 0 : i32
      %dma_start3A_5520 = tpu.memref_slice %arg4[%mul3A_2, %dma_start3A] : memref<128x64xf32, #tpu.memory_space<hbm>> -> memref<4x64xf32, #tpu.memory_space<hbm>>
      %dma_start3A_5521 = arith.constant 0 : i32
      %dma_start3A_5522 = tpu.memref_slice %arg4[%mul3A_2, %dma_start3A_5521] : memref<128x64xf32, #tpu.memory_space<hbm>> -> memref<4x64xf32, #tpu.memory_space<hbm>>
      tpu.enqueue_dma source(%arg7 : memref<4x64xf32, #tpu.memory_space<vmem>>) target(%dma_start3A_5522 : memref<4x64xf32, #tpu.memory_space<hbm>>) target_semaphore(%run_scoped3A : memref<!tpu.dma_semaphore, #tpu.memory_space<semaphore_mem>>)
      %dma_wait3A = arith.constant 0 : i32
      %dma_wait3A_5523 = tpu.memref_slice %arg4[%mul3A_2, %dma_wait3A] : memref<128x64xf32, #tpu.memory_space<hbm>> -> memref<4x64xf32, #tpu.memory_space<hbm>>
      %dma_wait3A_5524 = arith.constant 0 : i32
      %dma_wait3A_5525 = tpu.memref_slice %arg4[%mul3A_2, %dma_wait3A_5524] : memref<128x64xf32, #tpu.memory_space<hbm>> -> memref<4x64xf32, #tpu.memory_space<hbm>>
      tpu.wait_dma2 semaphore(%run_scoped3A : memref<!tpu.dma_semaphore, #tpu.memory_space<semaphore_mem>>) src(%arg7 : memref<4x64xf32, #tpu.memory_space<vmem>>) dst(%dma_wait3A_5525 : memref<4x64xf32, #tpu.memory_space<hbm>>)
      tpu.yield
    }) : () -> ()
    return
  }
}

module attributes {stable_mosaic.version = 14 : i64} {
  func.func @_logits_kernel(%arg0: memref<128x1024xf32, #tpu.memory_space<vmem>>, %arg1: memref<64x1024xf32, #tpu.memory_space<vmem>>, %arg2: memref<128x64xf32, #tpu.memory_space<vmem>>, %arg3: memref<128x64xf32, #tpu.memory_space<vmem>>) attributes {dimension_semantics = [], scalar_prefetch = 0 : i64, scratch_operands = 0 : i64, tpu.core_type = #tpu.core_type<tc>} {
    %get3A = arith.constant 0 : index
    %get3A_0 = arith.constant 0 : index
    %get3A_1 = vector.load %arg0[%get3A, %get3A_0] : memref<128x1024xf32, #tpu.memory_space<vmem>>, vector<128x1024xf32>
    %get3A_2 = arith.constant 0 : index
    %get3A_3 = arith.constant 0 : index
    %get3A_4 = vector.load %arg1[%get3A_2, %get3A_3] : memref<64x1024xf32, #tpu.memory_space<vmem>>, vector<64x1024xf32>
    %transpose3A = tpu.transpose %get3A_4, [1, 0] : vector<64x1024xf32> -> vector<1024x64xf32>
    %dot_general3A = arith.constant dense<0.000000e+00> : vector<128x64xf32>
    %dot_general3A_5 = tpu.matmul %get3A_1, %transpose3A, %dot_general3A {dimension_numbers = #tpu.dot_dimension_numbers<[1], [0], [0], [1], [0, 0, 1, 1], [], []>, transpose_lhs_hint = false} : vector<128x1024xf32>, vector<1024x64xf32>, vector<128x64xf32> -> vector<128x64xf32>
    %swap3A = arith.constant 0 : index
    %swap3A_6 = arith.constant 0 : index
    %swap3A_7 = vector.load %arg2[%swap3A, %swap3A_6] : memref<128x64xf32, #tpu.memory_space<vmem>>, vector<128x64xf32>
    tpu.vector_store %arg2[%swap3A, %swap3A_6], %dot_general3A_5 {strides = array<i32>} : memref<128x64xf32, #tpu.memory_space<vmem>>, vector<128x64xf32>,
    %reduce_max3A = arith.constant dense<0xFF800000> : vector<128xf32>
    %reduce_max3A_8 = vector.multi_reduction <maximumf>, %dot_general3A_5, %reduce_max3A [1] : vector<128x64xf32> to vector<128xf32>
    %max3A = arith.constant 0xFF800000 : f32
    %max3A_9 = vector.broadcast %max3A : f32 to vector<128xf32>
    %max3A_10 = arith.maximumf %max3A_9, %reduce_max3A_8 : vector<128xf32>
    %broadcast_in_dim3A = vector.shape_cast %max3A_10 : vector<128xf32> to vector<128x1xf32>
    %sub3A = vector.broadcast %broadcast_in_dim3A : vector<128x1xf32> to vector<128x64xf32>
    %sub3A_11 = arith.subf %dot_general3A_5, %sub3A : vector<128x64xf32>
    %exp3A = math.exp %sub3A_11 : vector<128x64xf32>
    %reduce_sum3A = arith.constant dense<0.000000e+00> : vector<128xf32>
    %reduce_sum3A_12 = vector.multi_reduction <add>, %exp3A, %reduce_sum3A [1] : vector<128x64xf32> to vector<128xf32>
    %broadcast_in_dim3A_13 = vector.shape_cast %reduce_sum3A_12 : vector<128xf32> to vector<128x1xf32>
    %div3A = vector.broadcast %broadcast_in_dim3A_13 : vector<128x1xf32> to vector<128x64xf32>
    %div3A_14 = arith.divf %exp3A, %div3A : vector<128x64xf32>
    %swap3A_15 = arith.constant 0 : index
    %swap3A_16 = arith.constant 0 : index
    %swap3A_17 = vector.load %arg3[%swap3A_15, %swap3A_16] : memref<128x64xf32, #tpu.memory_space<vmem>>, vector<128x64xf32>
    tpu.vector_store %arg3[%swap3A_15, %swap3A_16], %div3A_14 {strides = array<i32>} : memref<128x64xf32, #tpu.memory_space<vmem>>, vector<128x64xf32>,
    return
  }
}

module attributes {stable_mosaic.version = 14 : i64} {
  func.func @_expert_kernel(%arg0: i32, %arg1: memref<128x1024xf32, #tpu.memory_space<vmem>>, %arg2: memref<128x64xf32, #tpu.memory_space<vmem>>, %arg3: memref<2x1024x512xf32, #tpu.memory_space<vmem>>, %arg4: memref<2x1024x512xf32, #tpu.memory_space<vmem>>, %arg5: memref<2x512x1024xf32, #tpu.memory_space<vmem>>, %arg6: memref<128x1024xf32, #tpu.memory_space<vmem>>, %arg7: memref<128x1024xbf16, #tpu.memory_space<vmem>>) attributes {dimension_semantics = [#tpu.dimension_semantics<arbitrary>], iteration_bounds = array<i64: 32>, scalar_prefetch = 0 : i64, scratch_operands = 1 : i64, tpu.core_type = #tpu.core_type<tc>, window_params = [{pipeline_mode = #tpu.pipeline_mode<synchronous>, transform_indices = @transform_0, window_bounds = array<i64: 128, 1024>}, {pipeline_mode = #tpu.pipeline_mode<synchronous>, transform_indices = @transform_1, window_bounds = array<i64: 128, 64>}, {transform_indices = @transform_2, window_bounds = array<i64: 2, 1024, 512>}, {transform_indices = @transform_3, window_bounds = array<i64: 2, 1024, 512>}, {transform_indices = @transform_4, window_bounds = array<i64: 2, 512, 1024>}, {pipeline_mode = #tpu.pipeline_mode<synchronous>, transform_indices = @transform_5, window_bounds = array<i64: 128, 1024>}]} {
    %eq3A = arith.constant 0 : i32
    %eq3A_0 = arith.cmpi eq, %arg0, %eq3A : i32
    %convert_element_type3A = arith.extui %eq3A_0 : i1 to i32
    %cond3A = arith.constant 0 : i32
    %cond3A_1 = arith.cmpi ne, %convert_element_type3A, %cond3A : i32
    scf.if %cond3A_1 {
      %broadcast_in_dim3A_106 = arith.constant 0.000000e+00 : f32
      %broadcast_in_dim3A_107 = vector.broadcast %broadcast_in_dim3A_106 : f32 to vector<128x1024xf32>
      %swap3A_108 = arith.constant 0 : index
      %swap3A_109 = arith.constant 0 : index
      %swap3A_110 = vector.load %arg6[%swap3A_108, %swap3A_109] : memref<128x1024xf32, #tpu.memory_space<vmem>>, vector<128x1024xf32>
      tpu.vector_store %arg6[%swap3A_108, %swap3A_109], %broadcast_in_dim3A_107 {strides = array<i32>} : memref<128x1024xf32, #tpu.memory_space<vmem>>, vector<128x1024xf32>,
      %get3A_111 = arith.constant 0 : index
      %get3A_112 = arith.constant 0 : index
      %get3A_113 = vector.load %arg1[%get3A_111, %get3A_112] : memref<128x1024xf32, #tpu.memory_space<vmem>>, vector<128x1024xf32>
      %convert_element_type3A_114 = arith.truncf %get3A_113 : vector<128x1024xf32> to vector<128x1024xbf16>
      %swap3A_115 = arith.constant 0 : index
      %swap3A_116 = arith.constant 0 : index
      %swap3A_117 = vector.load %arg7[%swap3A_115, %swap3A_116] : memref<128x1024xbf16, #tpu.memory_space<vmem>>, vector<128x1024xbf16>
      tpu.vector_store %arg7[%swap3A_115, %swap3A_116], %convert_element_type3A_114 {strides = array<i32>} : memref<128x1024xbf16, #tpu.memory_space<vmem>>, vector<128x1024xbf16>,
    } else {
    }
    %get3A = arith.constant 0 : index
    %get3A_2 = arith.constant 0 : index
    %get3A_3 = vector.load %arg7[%get3A, %get3A_2] : memref<128x1024xbf16, #tpu.memory_space<vmem>>, vector<128x1024xbf16>
    %iota3A = tpu.iota {dimensions = array<i32: 1>} : vector<128x64xi32>
    %get3A_4 = arith.constant 0 : index
    %get3A_5 = arith.constant 0 : index
    %get3A_6 = vector.load %arg2[%get3A_4, %get3A_5] : memref<128x64xf32, #tpu.memory_space<vmem>>, vector<128x64xf32>
    %get3A_7 = arith.constant 0 : index
    %get3A_8 = arith.constant 0 : index
    %get3A_9 = arith.constant 0 : index
    %get3A_10 = vector.load %arg3[%get3A_7, %get3A_8, %get3A_9] : memref<2x1024x512xf32, #tpu.memory_space<vmem>>, vector<1x1024x512xf32>
    %get3A_11 = vector.shape_cast %get3A_10 : vector<1x1024x512xf32> to vector<1024x512xf32>
    %convert_element_type3A_12 = arith.truncf %get3A_11 : vector<1024x512xf32> to vector<1024x512xbf16>
    %dot_general3A = arith.constant dense<0.000000e+00> : vector<128x512xf32>
    %dot_general3A_13 = tpu.matmul %get3A_3, %convert_element_type3A_12, %dot_general3A {dimension_numbers = #tpu.dot_dimension_numbers<[1], [0], [0], [1], [0, 0, 1, 1], [], []>, transpose_lhs_hint = false} : vector<128x1024xbf16>, vector<1024x512xbf16>, vector<128x512xf32> -> vector<128x512xf32>
    %get3A_14 = arith.constant 0 : index
    %get3A_15 = arith.constant 0 : index
    %get3A_16 = arith.constant 0 : index
    %get3A_17 = vector.load %arg4[%get3A_14, %get3A_15, %get3A_16] : memref<2x1024x512xf32, #tpu.memory_space<vmem>>, vector<1x1024x512xf32>
    %get3A_18 = vector.shape_cast %get3A_17 : vector<1x1024x512xf32> to vector<1024x512xf32>
    %convert_element_type3A_19 = arith.truncf %get3A_18 : vector<1024x512xf32> to vector<1024x512xbf16>
    %dot_general3A_20 = arith.constant dense<0.000000e+00> : vector<128x512xf32>
    %dot_general3A_21 = tpu.matmul %get3A_3, %convert_element_type3A_19, %dot_general3A_20 {dimension_numbers = #tpu.dot_dimension_numbers<[1], [0], [0], [1], [0, 0, 1, 1], [], []>, transpose_lhs_hint = false} : vector<128x1024xbf16>, vector<1024x512xbf16>, vector<128x512xf32> -> vector<128x512xf32>
    %mul3A = arith.constant 2 : i32
    %mul3A_22 = arith.muli %arg0, %mul3A : i32
    %add3A = arith.constant 0 : i32
    %add3A_23 = arith.addi %mul3A_22, %add3A : i32
    %eq3A_24 = vector.broadcast %add3A_23 : i32 to vector<128x64xi32>
    %eq3A_25 = arith.cmpi eq, %iota3A, %eq3A_24 : vector<128x64xi32>
    %jit3A = arith.constant 0.000000e+00 : f32
    %broadcast_in_dim3A = vector.broadcast %jit3A : f32 to vector<128x64xf32>
    %select_n3A = arith.select %eq3A_25, %get3A_6, %broadcast_in_dim3A : vector<128x64xi1>, vector<128x64xf32>
    %reduce_sum3A = arith.constant dense<0.000000e+00> : vector<128xf32>
    %reduce_sum3A_26 = vector.multi_reduction <add>, %select_n3A, %reduce_sum3A [1] : vector<128x64xf32> to vector<128xf32>
    %broadcast_in_dim3A_27 = vector.shape_cast %reduce_sum3A_26 : vector<128xf32> to vector<128x1xf32>
    %logistic3A = arith.negf %dot_general3A_13 : vector<128x512xf32>
    %logistic3A_28 = math.exp %logistic3A : vector<128x512xf32>
    %logistic3A_29 = arith.constant 1.000000e+00 : f32
    %logistic3A_30 = vector.broadcast %logistic3A_29 : f32 to vector<128x512xf32>
    %logistic3A_31 = arith.addf %logistic3A_30, %logistic3A_28 : vector<128x512xf32>
    %logistic3A_32 = arith.divf %logistic3A_30, %logistic3A_31 : vector<128x512xf32>
    %mul3A_33 = arith.mulf %dot_general3A_13, %logistic3A_32 : vector<128x512xf32>
    %mul3A_34 = arith.mulf %mul3A_33, %dot_general3A_21 : vector<128x512xf32>
    %mul3A_35 = vector.broadcast %broadcast_in_dim3A_27 : vector<128x1xf32> to vector<128x512xf32>
    %mul3A_36 = arith.mulf %mul3A_34, %mul3A_35 : vector<128x512xf32>
    %convert_element_type3A_37 = arith.truncf %mul3A_36 : vector<128x512xf32> to vector<128x512xbf16>
    %get3A_38 = arith.constant 0 : index
    %get3A_39 = arith.constant 0 : index
    %get3A_40 = vector.load %arg6[%get3A_38, %get3A_39] : memref<128x1024xf32, #tpu.memory_space<vmem>>, vector<128x1024xf32>
    %get3A_41 = arith.constant 0 : index
    %get3A_42 = arith.constant 0 : index
    %get3A_43 = arith.constant 0 : index
    %get3A_44 = vector.load %arg5[%get3A_41, %get3A_42, %get3A_43] : memref<2x512x1024xf32, #tpu.memory_space<vmem>>, vector<1x512x1024xf32>
    %get3A_45 = vector.shape_cast %get3A_44 : vector<1x512x1024xf32> to vector<512x1024xf32>
    %convert_element_type3A_46 = arith.truncf %get3A_45 : vector<512x1024xf32> to vector<512x1024xbf16>
    %dot_general3A_47 = arith.constant dense<0.000000e+00> : vector<128x1024xf32>
    %dot_general3A_48 = tpu.matmul %convert_element_type3A_37, %convert_element_type3A_46, %dot_general3A_47 {dimension_numbers = #tpu.dot_dimension_numbers<[1], [0], [0], [1], [0, 0, 1, 1], [], []>, transpose_lhs_hint = false} : vector<128x512xbf16>, vector<512x1024xbf16>, vector<128x1024xf32> -> vector<128x1024xf32>
    %add3A_49 = arith.addf %get3A_40, %dot_general3A_48 : vector<128x1024xf32>
    %swap3A = arith.constant 0 : index
    %swap3A_50 = arith.constant 0 : index
    %swap3A_51 = vector.load %arg6[%swap3A, %swap3A_50] : memref<128x1024xf32, #tpu.memory_space<vmem>>, vector<128x1024xf32>
    tpu.vector_store %arg6[%swap3A, %swap3A_50], %add3A_49 {strides = array<i32>} : memref<128x1024xf32, #tpu.memory_space<vmem>>, vector<128x1024xf32>,
    %get3A_52 = arith.constant 1 : index
    %get3A_53 = arith.constant 0 : index
    %get3A_54 = arith.constant 0 : index
    %get3A_55 = vector.load %arg3[%get3A_52, %get3A_53, %get3A_54] : memref<2x1024x512xf32, #tpu.memory_space<vmem>>, vector<1x1024x512xf32>
    %get3A_56 = vector.shape_cast %get3A_55 : vector<1x1024x512xf32> to vector<1024x512xf32>
    %convert_element_type3A_57 = arith.truncf %get3A_56 : vector<1024x512xf32> to vector<1024x512xbf16>
    %dot_general3A_58 = arith.constant dense<0.000000e+00> : vector<128x512xf32>
    %dot_general3A_59 = tpu.matmul %get3A_3, %convert_element_type3A_57, %dot_general3A_58 {dimension_numbers = #tpu.dot_dimension_numbers<[1], [0], [0], [1], [0, 0, 1, 1], [], []>, transpose_lhs_hint = false} : vector<128x1024xbf16>, vector<1024x512xbf16>, vector<128x512xf32> -> vector<128x512xf32>
    %get3A_60 = arith.constant 1 : index
    %get3A_61 = arith.constant 0 : index
    %get3A_62 = arith.constant 0 : index
    %get3A_63 = vector.load %arg4[%get3A_60, %get3A_61, %get3A_62] : memref<2x1024x512xf32, #tpu.memory_space<vmem>>, vector<1x1024x512xf32>
    %get3A_64 = vector.shape_cast %get3A_63 : vector<1x1024x512xf32> to vector<1024x512xf32>
    %convert_element_type3A_65 = arith.truncf %get3A_64 : vector<1024x512xf32> to vector<1024x512xbf16>
    %dot_general3A_66 = arith.constant dense<0.000000e+00> : vector<128x512xf32>
    %dot_general3A_67 = tpu.matmul %get3A_3, %convert_element_type3A_65, %dot_general3A_66 {dimension_numbers = #tpu.dot_dimension_numbers<[1], [0], [0], [1], [0, 0, 1, 1], [], []>, transpose_lhs_hint = false} : vector<128x1024xbf16>, vector<1024x512xbf16>, vector<128x512xf32> -> vector<128x512xf32>
    %mul3A_68 = arith.constant 2 : i32
    %mul3A_69 = arith.muli %arg0, %mul3A_68 : i32
    %add3A_70 = arith.constant 1 : i32
    %add3A_71 = arith.addi %mul3A_69, %add3A_70 : i32
    %eq3A_72 = vector.broadcast %add3A_71 : i32 to vector<128x64xi32>
    %eq3A_73 = arith.cmpi eq, %iota3A, %eq3A_72 : vector<128x64xi32>
    %jit3A_74 = arith.constant 0.000000e+00 : f32
    %broadcast_in_dim3A_75 = vector.broadcast %jit3A_74 : f32 to vector<128x64xf32>
    %select_n3A_76 = arith.select %eq3A_73, %get3A_6, %broadcast_in_dim3A_75 : vector<128x64xi1>, vector<128x64xf32>
    %reduce_sum3A_77 = arith.constant dense<0.000000e+00> : vector<128xf32>
    %reduce_sum3A_78 = vector.multi_reduction <add>, %select_n3A_76, %reduce_sum3A_77 [1] : vector<128x64xf32> to vector<128xf32>
    %broadcast_in_dim3A_79 = vector.shape_cast %reduce_sum3A_78 : vector<128xf32> to vector<128x1xf32>
    %logistic3A_80 = arith.negf %dot_general3A_59 : vector<128x512xf32>
    %logistic3A_81 = math.exp %logistic3A_80 : vector<128x512xf32>
    %logistic3A_82 = arith.constant 1.000000e+00 : f32
    %logistic3A_83 = vector.broadcast %logistic3A_82 : f32 to vector<128x512xf32>
    %logistic3A_84 = arith.addf %logistic3A_83, %logistic3A_81 : vector<128x512xf32>
    %logistic3A_85 = arith.divf %logistic3A_83, %logistic3A_84 : vector<128x512xf32>
    %mul3A_86 = arith.mulf %dot_general3A_59, %logistic3A_85 : vector<128x512xf32>
    %mul3A_87 = arith.mulf %mul3A_86, %dot_general3A_67 : vector<128x512xf32>
    %mul3A_88 = vector.broadcast %broadcast_in_dim3A_79 : vector<128x1xf32> to vector<128x512xf32>
    %mul3A_89 = arith.mulf %mul3A_87, %mul3A_88 : vector<128x512xf32>
    %convert_element_type3A_90 = arith.truncf %mul3A_89 : vector<128x512xf32> to vector<128x512xbf16>
    %get3A_91 = arith.constant 0 : index
    %get3A_92 = arith.constant 0 : index
    %get3A_93 = vector.load %arg6[%get3A_91, %get3A_92] : memref<128x1024xf32, #tpu.memory_space<vmem>>, vector<128x1024xf32>
    %get3A_94 = arith.constant 1 : index
    %get3A_95 = arith.constant 0 : index
    %get3A_96 = arith.constant 0 : index
    %get3A_97 = vector.load %arg5[%get3A_94, %get3A_95, %get3A_96] : memref<2x512x1024xf32, #tpu.memory_space<vmem>>, vector<1x512x1024xf32>
    %get3A_98 = vector.shape_cast %get3A_97 : vector<1x512x1024xf32> to vector<512x1024xf32>
    %convert_element_type3A_99 = arith.truncf %get3A_98 : vector<512x1024xf32> to vector<512x1024xbf16>
    %dot_general3A_100 = arith.constant dense<0.000000e+00> : vector<128x1024xf32>
    %dot_general3A_101 = tpu.matmul %convert_element_type3A_90, %convert_element_type3A_99, %dot_general3A_100 {dimension_numbers = #tpu.dot_dimension_numbers<[1], [0], [0], [1], [0, 0, 1, 1], [], []>, transpose_lhs_hint = false} : vector<128x512xbf16>, vector<512x1024xbf16>, vector<128x1024xf32> -> vector<128x1024xf32>
    %add3A_102 = arith.addf %get3A_93, %dot_general3A_101 : vector<128x1024xf32>
    %swap3A_103 = arith.constant 0 : index
    %swap3A_104 = arith.constant 0 : index
    %swap3A_105 = vector.load %arg6[%swap3A_103, %swap3A_104] : memref<128x1024xf32, #tpu.memory_space<vmem>>, vector<128x1024xf32>
    tpu.vector_store %arg6[%swap3A_103, %swap3A_104], %add3A_102 {strides = array<i32>} : memref<128x1024xf32, #tpu.memory_space<vmem>>, vector<128x1024xf32>,
    return
  }
  func.func @transform_0(%arg0: i32) -> (i32, i32) {
    %c0_i32 = arith.constant 0 : i32
    %c0_i32_0 = arith.constant 0 : i32
    %c0_i32_1 = arith.constant 0 : i32
    return %c0_i32, %c0_i32_0 : i32, i32
  }
  func.func @transform_1(%arg0: i32) -> (i32, i32) {
    %c0_i32 = arith.constant 0 : i32
    %c0_i32_0 = arith.constant 0 : i32
    %c0_i32_1 = arith.constant 0 : i32
    return %c0_i32, %c0_i32_0 : i32, i32
  }
  func.func @transform_2(%arg0: i32) -> (i32, i32, i32) {
    %c0_i32 = arith.constant 0 : i32
    %c0_i32_0 = arith.constant 0 : i32
    %c0_i32_1 = arith.constant 0 : i32
    return %arg0, %c0_i32, %c0_i32_0 : i32, i32, i32
  }
  func.func @transform_3(%arg0: i32) -> (i32, i32, i32) {
    %c0_i32 = arith.constant 0 : i32
    %c0_i32_0 = arith.constant 0 : i32
    %c0_i32_1 = arith.constant 0 : i32
    return %arg0, %c0_i32, %c0_i32_0 : i32, i32, i32
  }
  func.func @transform_4(%arg0: i32) -> (i32, i32, i32) {
    %c0_i32 = arith.constant 0 : i32
    %c0_i32_0 = arith.constant 0 : i32
    %c0_i32_1 = arith.constant 0 : i32
    return %arg0, %c0_i32, %c0_i32_0 : i32, i32, i32
  }
  func.func @transform_5(%arg0: i32) -> (i32, i32) {
    %c0_i32 = arith.constant 0 : i32
    %c0_i32_0 = arith.constant 0 : i32
    %c0_i32_1 = arith.constant 0 : i32
    return %c0_i32, %c0_i32_0 : i32, i32
  }
}

</mosaic_0001>

<sc_bundles>
// kernel: kernel.5.cloned.1.call-start
scs
__scs_entry_jumppad:
0x0: {  	(pc) =	sbr.rel $0x88, $3  }
0x1: {  	(tag) =	ssettag $0x0;
	lr =	simm.s32 $0x1  }
0x2: {  	[smem:$0x3F9B] =	sst lr;
	_ =	strace $0xD0000000  }
0x3: {  	_ = 	snop  }
0x4: {  	_ = 	snop  }
0x5: {  	_ = 	snop  }
0x6: {  	_ = 	snop  }
0x7: {  	_ = 	snop  }
__scs_overlays_trampoline_lowered:
0x8: {  	[smem:$0x3FAA] =	sst s0  }
0x9: {  	[smem:$0x3FAB] =	sst s1  }
0xa: {  	[smem:$0x3FAC] =	sst s2  }
0xb: {  	[smem:$0x3FAD] =	sst s3  }
0xc: {  	[smem:$0x3FAE] =	sst s4  }
0xd: {  	[smem:$0x3FAF] =	sst s5  }
0xe: {  	[smem:$0x3FB0] =	sst s6  }
0xf: {  	[smem:$0x3FB1] =	sst s7  }
0x10: {  	[smem:$0x3FB2] =	sst s8  }
0x11: {  	[smem:$0x3FB3] =	sst s9;
	s0 =	simm.s32 @!p0 $0x0  }
0x12: {  	s1 =	sld [smem:$0x3F99];
	s0 =	simm.s32 @p0 $0x1  }
0x13: {  	[smem:$0x3FB4] =	sst s0;
	s0 =	simm.s32 @!p1 $0x0  }
0x14: {  	s2 =	sld [smem:$0x3F98];
	s0 =	simm.s32 @p1 $0x1  }
0x15: {  	[smem:$0x3FB5] =	sst s0;
	s0 =	simm.s32 @!p2 $0x0  }
0x16: {  	s3 =	sld [smem:$0x3FDB];
	s0 =	simm.s32 @p2 $0x1  }
0x17: {  	s4 =	simm.s32 $0x1BF5;
	[smem:$0x3FB7] =	sst s0  }
0x18: {  	s0 =	sld [smem:$0x3F9A];
	_ =	swait.ge [sflag:s4], $0x0  }
0x19: {  	s7 =	sld [smem:$0x3F9B]  }
0x1a: {  	s8 =	sadd.s32 $0xFFFFE003, lr  }
0x1b: {  	s9 =	sadd.s32 $0xFFFFFEF7, lr;
	s5 =	simm.s32 $0xFFFFFFFF;
	p2 =	slt.u32 s8, $0xFFFFF086  }
0x1c: {  	p1 =	slt.u32 s9, $0xF7A;
	s5 =	simm.s32 @!p2 $0x0  }
0x1d: {  	s5 =	simm.s32 @p1 $0x1;
	p0 =	seq.s32 s7, s2  }
0x1e: {  	s7 =	smul.u32 @!p0 $0xF7A, s2;
	p2 =	seq.s32 @!p0 s5, $0x0  }
0x1f: {  	s9 =	smul.u32 $0xF7A, s1;
	s8 =	simm.s32 @!p0 $0x1BF5;
	p2 =	por !p2, p0  }
0x20: {  	[sflag:s8] =	ssyncset.s32 @!p0 $0xFFFFF086;
	s6 =	sadd.s32 @!p0 s3, s7;
	s7 =	simm.s32 @!p0 $0x108  }
0x21: {  	s3 =	sadd.s32 s3, s9;
	s6 =	sadd.s32 @!p0 $0x88, s6;
	s7 =	simm.s32 @p2 $0x1082  }
0x22: {  	[simem:s7], [sflag:s8] =	dma.local @!p0 [hbm:s6], $0xF7A  }
0x23: {  	s9 =	sor.u32 $0xD0000000, s2;
	s6 =	simm.s32 $0x108;
	_ =	swait.ge @!p0 [sflag:s8], $0x0  }
0x24: {  	s3 =	sadd.s32 $0x88, s3;
	s6 =	simm.s32 @!p1 $0x1082;
	[sflag:s4] =	ssyncset.s32 $0xFFFFF086  }
0x25: {  	[simem:s6], [sflag:s4] =	dma.local [hbm:s3], $0xF7A  }
0x26: {  	[smem:$0x3F9B] =	sst s1;
	(tag) =	ssettag s2;
	_ =	strace s9  }
0x27: {  	s1 =	sld [smem:$0x3FAB]  }
0x28: {  	s2 =	sld [smem:$0x3FAC]  }
0x29: {  	s4 =	sld [smem:$0x3FAE]  }
0x2a: {  	p0 =	seq.s32 s5, $0x0;
	s5 =	sld [smem:$0x3FAF]  }
0x2b: {  	s6 =	sld [smem:$0x3FB0]  }
0x2c: {  	s7 =	sld [smem:$0x3FB1]  }
0x2d: {  	s3 =	simm.s32 $0x108;
	s8 =	sld [smem:$0x3FB2]  }
0x2e: {  	s3 =	simm.s32 @!p0 $0x1082;
	s9 =	sld [smem:$0x3FB3]  }
0x2f: {  	lr =	sadd.s32 s0, s3;
	s0 =	sld [smem:$0x3FAA]  }
0x30: {  	s3 =	sld [smem:$0x3FAD]  }
0x31: {  	[smem:$0x3FB6] =	sst s10  }
0x32: {  	s10 =	sld [smem:$0x3FB4];
	_ =	sdelay $0x3  }
0x33: {  	p0 =	seq.s32 s10, $0x1;
	s10 =	sld [smem:$0x3FB6];
	_ =	sdelay $0x3  }
0x34: {  	[smem:$0x3FB6] =	sst s10  }
0x35: {  	s10 =	sld [smem:$0x3FB5];
	_ =	sdelay $0x3  }
0x36: {  	p1 =	seq.s32 s10, $0x1;
	s10 =	sld [smem:$0x3FB6];
	_ =	sdelay $0x3  }
0x37: {  	[smem:$0x3FB6] =	sst s10  }
0x38: {  	s10 =	sld [smem:$0x3FB7]  }
0x39: {  	_ = 	snop;
	(pc) =	sbr.ind lr, $3  }
0x3a: {  	_ = 	snop  }
0x3b: {  	_ = 	snop  }
0x3c: {  	p2 =	seq.s32 s10, $0x1;
	s10 =	sld [smem:$0x3FB6]  }
0x3d: {  	_ =	shalt  }
0x3e: {  	_ =	shalt  }
0x3f: {  	_ =	shalt  }
0x40: {  	_ =	shalt  }
0x41: {  	_ =	shalt  }
0x42: {  	_ =	shalt  }
0x43: {  	_ =	shalt  }
0x44: {  	_ =	shalt  }
0x45: {  	_ =	shalt  }
0x46: {  	_ =	shalt  }
0x47: {  	_ =	shalt  }
0x48: {  	_ =	shalt  }
0x49: {  	_ =	shalt  }
0x4a: {  	_ =	shalt  }
0x4b: {  	_ =	shalt  }
0x4c: {  	_ =	shalt  }
0x4d: {  	_ =	shalt  }
0x4e: {  	_ =	shalt  }
0x4f: {  	_ =	shalt  }
0x50: {  	_ =	shalt  }
0x51: {  	_ =	shalt  }
0x52: {  	_ =	shalt  }
0x53: {  	_ =	shalt  }
0x54: {  	_ =	shalt  }
0x55: {  	_ =	shalt  }
0x56: {  	_ =	shalt  }
0x57: {  	_ =	shalt  }
0x58: {  	_ =	shalt  }
0x59: {  	_ =	shalt  }
0x5a: {  	_ =	shalt  }
0x5b: {  	_ =	shalt  }
0x5c: {  	_ =	shalt  }
0x5d: {  	_ =	shalt  }
0x5e: {  	_ =	shalt  }
0x5f: {  	_ =	shalt  }
0x60: {  	_ =	shalt  }
0x61: {  	_ =	shalt  }
0x62: {  	_ =	shalt  }
0x63: {  	_ =	shalt  }
0x64: {  	_ =	shalt  }
0x65: {  	_ =	shalt  }
0x66: {  	_ =	shalt  }
0x67: {  	_ =	shalt  }
0x68: {  	_ =	shalt  }
0x69: {  	_ =	shalt  }
0x6a: {  	_ =	shalt  }
0x6b: {  	_ =	shalt  }
0x6c: {  	_ =	shalt  }
0x6d: {  	_ =	shalt  }
0x6e: {  	_ =	shalt  }
0x6f: {  	_ =	shalt  }
0x70: {  	_ =	shalt  }
0x71: {  	_ =	shalt  }
0x72: {  	_ =	shalt  }
0x73: {  	_ =	shalt  }
0x74: {  	_ =	shalt  }
0x75: {  	_ =	shalt  }
0x76: {  	_ =	shalt  }
0x77: {  	_ =	shalt  }
0x78: {  	_ =	shalt  }
0x79: {  	_ =	shalt  }
0x7a: {  	_ =	shalt  }
0x7b: {  	_ =	shalt  }
0x7c: {  	_ =	shalt  }
0x7d: {  	_ =	shalt  }
0x7e: {  	_ =	shalt  }
0x7f: {  	_ =	shalt  }
0x80: {  	_ =	shalt  }
0x81: {  	_ =	shalt  }
0x82: {  	_ =	shalt  }
0x83: {  	_ =	shalt  }
0x84: {  	_ =	shalt  }
0x85: {  	_ =	shalt  }
0x86: {  	_ =	shalt  }
0x87: {  	_ =	shalt  }
.Lfunc_end0:
.L_simem_size_0:
called_computation_lowered:
.L_overlay_start_0:
0x88: {  	s2 =	sld [smem:$0x3FD9]  }
0x89: {  	s3 =	sld [smem:$0x3FFE];
	_ =	sdelay $0x1  }
0x8a: {  	s1 =	srdreg.scid  }
0x8b: {  	s0 =	sand.u32 $0x1, s1  }
0x8c: {  	s14 =	sshll.u32 s0, $0xA;
	s2 =	sadd.s32 s3, s2  }
0x8d: {  	s2 =	sadd.s32 s2, s14  }
0x8e: {  	[smem:$0x3FC2] =	sst s2  }
0x8f: {  	_ = 	snop  }
0x90: {  	s2 =	sld [smem:$0x3FD0];
	_ =	sdelay $0x2  }
0x91: {  	s4 =	simm.s32 $0xA;
	s5 =	simm.s32 $0x10;
	s15 =	sld [smem:$0x3FC7]  }
0x92: {  	[smem:s5], [sflag:s4] =	dma.local [hbm:s2], $0x1  }
0x93: {  	_ =	swait.eq [sflag:s4], $0x1  }
0x94: {  	[sflag:s4] =	ssyncset.done $0x0  }
0x95: {  	[sflag:s4] =	ssyncadd.s32 $0xFFFFFFFF  }
0x96: {  	s16 =	sld [smem:$0x10];
	(tm) =	ssettm $0x1  }
0x97: {  	s17 =	sld [smem:$0x3FFB];
	_ =	sdelay $0x3  }
0x98: {  	_ =	strace s17  }
0x99: {  	s4 =	sld [smem:$0x3FFC];
	_ =	sdelay $0x3  }
0x9a: {  	_ =	strace s4  }
0x9b: {  	s4 =	sld [smem:$0x3FFD];
	_ =	sdelay $0x3  }
0x9c: {  	_ =	strace s4  }
0x9d: {  	_ =	strace $0x8FFFFFFF  }
0x9e: {  	s18 =	sld [smem:$0x3FDB];
	_ =	sdelay $0x1  }
0x9f: {  	s19 =	simm.s32 $_scs_section_size  }
0xa0: {  	s6 =	simm.s32 $_size__tile_overlayer_lowered;
	s7 =	simm.s32 $_tile_overlayer_lowered  }
0xa1: {  	s22 =	simm.s32 $0x1BFF;
	s21 =	sshll.u32 s7, $0x1;
	s4 =	sadd.s32 s19, s18  }
0xa2: {  	s8 =	simm.s32 $0x0;
	s20 =	sshll.u32 s6, $0x1;
	s6 =	sadd.s32 s21, s4  }
0xa3: {  	[timem:s8], [sflag:s22] =	dma.local [hbm:s6], s20  }
0xa4: {  	_ =	swait.ge [sflag:s22], s20  }
0xa5: {  	s5 =	ssub.s32 $0x0, s20;
	[sflag:s22] =	ssyncset.done $0x0  }
0xa6: {  	[sflag:s22] =	ssyncadd.s32 s5;
	_ =	sdelay $0x1  }
0xa7: {  	s23 =	simm.s32 $0x1B8B  }
0xa8: {  	_ =	swait.ge [sflag:s23], $0x1  }
0xa9: {  	[sflag:s23] =	ssyncset.done $0x0  }
0xaa: {  	s25 =	simm.s32 $0x1B8E;
	s24 =	sld [smem:$0x3FFE];
	[sflag:s23] =	ssyncadd.s32 $0xFFFFFFFF  }
0xab: {  	s26 =	simm.s32 $execute0_lowered;
	[smem:$0x3FD2] =	sst s25  }
0xac: {  	s6 =	sshll.u32 s26, $0x1;
	_ =	strace $0x80000046;
	[dreg:$0x1] =	wrdreg $0xFFFFFFFF  }
0xad: {  	s28 =	simm.s32 $_size_execute0_lowered;
	s4 =	sadd.s32 s4, s6;
	[dreg:$0x0] =	wrdreg $0x0  }
0xae: {  	s6 =	sshll.u32 s28, $0x1;
	[dreg:$0x2] =	wrdreg s4  }
0xaf: {  	[dreg:$0x3] =	wrdreg s6  }
0xb0: {  	[dreg:$0x4] =	wrdreg $0xC0  }
0xb1: {  	_ =	task [dreg:s8], $0x5FFFF  }
0xb2: {  	[dreg:$0x1] =	wrdreg $0xFFFFFFFF  }
0xb3: {  	[dreg:$0x0] =	wrdreg $0x60  }
0xb4: {  	[dreg:$0x2] =	wrdreg s16  }
0xb5: {  	[dreg:$0x3] =	wrdreg s15  }
0xb6: {  	[dreg:$0x4] =	wrdreg s24  }
0xb7: {  	[dreg:$0x5] =	wrdreg $0x9  }
0xb8: {  	_ =	task.clear_ibuf [dreg:s8], $0x6FFFF;
	_ =	strace $0x90000046  }
0xb9: {  	s29 =	simm.s32 $0x9;
	_ =	strace $0x80000048  }
0xba: {  	_ =	swait.ge [sflag:s29], $0x1  }
0xbb: {  	[sflag:s29] =	ssyncadd.s32 $0xFFFFFFFF  }
0xbc: {  	_ =	strace $0x90000048  }
0xbd: {  	_ =	sfence  }
0xbe: {  	s30 =	sld [smem:$0x0];
	_ =	sdelay $0x2  }
0xbf: {  	s31 =	sshll.u32 s1, $0xD;
	s1 =	sshrl.u32 s1, $0x2  }
0xc0: {  	s3 =	sand.u32 $0x4000, s31;
	s1 =	sadd.s32 s1, s30  }
0xc1: {  	s0 =	sor.u32 s3, s0;
	s1 =	sshll.u32 s1, $0x11  }
0xc2: {  	s0 =	sor.u32 s1, s0  }
0xc3: {  	s0 =	sadd.s32 $0x8F2B, s0  }
0xc4: {  	[sflag:s0] =	ssyncadd.remote.s32 $0x1  }
0xc5: {  	_ =	sfence.sel $0xFFFF  }
0xc6: {  	[dreg:$0x0] =	wrdreg $0xFFFFFFFF;
	(pc) =	sbr.abs _section_cstart, $3  }
0xc7: {  	[dreg:$0x1] =	wrdreg $0xFFFFFFFF  }
0xc8: {  	_ =	task.clear_ibuf [dreg:s8], $0x2FFFF;
	_ =	strace $0x9FFFFFFF  }
0xc9: {  	(tm) =	ssettm $0x7FFFFFFF  }
tec
execute0_lowered:
.L_overlay_start_1:
0x0: {  	(tag) =	ssettag $0x1  }
0x1: {  	v0 =	vimm.s32 $0xFEDCBA98;
	v1 =	vimm.s32 $0x76543210  }
0x2: {  	v2 =	vimm.s32 $0x3210FEDC;
	v3 =	vimm.s32 $0xBA987654;
	v4 =	vimm.s32 $0x10FEDCBA  }
0x3: {  	v5 =	vimm.s32 $0x98765432;
	v6 =	vimm.s32 $0xFEDCBA9;
	v7 =	vimm.s32 $0x87654321  }
0x4: {  	s4 =	rddreg [dreg:$0x0];
	v0 =	vunpack.c.l.s4.s8 v0;
	v1 =	vunpack.c.l.s4.s8 v1;
	v2 =	vunpack.c.l.s4.s8 v2  }
0x5: {  	s0 =	rddreg [dreg:$0x1];
	v3 =	vunpack.c.l.s4.s8 v3;
	v4 =	vunpack.c.l.s4.s8 v4;
	v5 =	vunpack.c.l.s4.s8 v5  }
0x6: {  	s5 =	rddreg [dreg:$0x2];
	v6 =	vunpack.c.l.s4.s8 v6;
	v7 =	vunpack.c.l.s4.s8 v7;
	v0 =	vunpack.c.0.s8.s32 v0  }
0x7: {  	s1 =	rddreg [dreg:$0x3];
	s6 =	srdreg.scid;
	v2 =	vunpack.c.0.s8.s32 v2;
	v3 =	vunpack.c.0.s8.s32 v3;
	v4 =	vunpack.c.0.s8.s32 v4  }
0x8: {  	s3 =	simm.s32 $0x0;
	s2 =	stileid.u32;
	s9 =	simm.s32 $0x280;
	v5 =	vunpack.c.0.s8.s32 v5;
	v6 =	vunpack.c.0.s8.s32 v6;
	v7 =	vunpack.c.0.s8.s32 v7  }
0x9: {  	s6 =	sand.u32 $0x1, s6;
	s7 =	sshll.u32 s2, $0x7;
	[smem:$0x7FF] =	sst s3;
	v1 =	vunpack.c.0.s8.s32 v1;
	v2 =	vcombine.low v3, v2  }
0xa: {  	s8 =	sshll.u32 s6, $0x6;
	s6 =	ssub.s32 $0x2, s6;
	_ =	strace $0x80000047;
	v0 =	vand.u32 $0xF, v0;
	v3 =	vcombine.low v5, v4;
	v4 =	vcombine.low v7, v6  }
0xb: {  	s7 =	sor.u32 s8, s7;
	s31 =	sshrl.u32 s6, $0x1;
	s8 =	simm.s32 $0x200;
	v0 =	vcombine.low v0, v1;
	v1 =	vand.u32 $0xF, v2  }
0xc: {  	s5 =	sadd.s32 s7, s5;
	s6 =	ssub.s32 s6, s31;
	s4 =	sadd.s32 s4, s7;
	v2 =	vand.u32 $0xF, v3;
	v3 =	vand.u32 $0xF, v4;
	v4 =	vlaneseq.u32  }
0xd: {  	s7 =	simm.s32 $0x1;
	s5 =	sadd.s32 $0xC00, s5;
	s6 =	smax.u32 s6, $0x1;
	v5 =	vor.u32 $0x30, v4;
	v6 =	vor.u32 $0x20, v4;
	v7 =	vor.u32 $0x10, v4  }
.LBB2_1:
0xe: {  	[tilespmem:s3], [sflag:$0x1] =	stream.linear.gather [hbm4b:s4+s3], $0x200, $0x38;
	[tilespmem:$0x480] =	vst v63  }
0xf: {  	_ =	swait.ge [sflag:s7], $0x200  }
0x10: {  	[sflag:s7] =	ssyncset.done $0x0  }
0x11: {  	[sflag:s7] =	ssyncadd.s32 $0xFFFFFE00  }
0x12: {  	[tilespmem:s8], [sflag:$0x1] =	stream.linear.gather [hbm4b:s0+s3], $0x80, $0x38;
	[tilespmem:$0x480] =	vst v63  }
0x13: {  	_ =	swait.ge [sflag:s7], $0x80  }
0x14: {  	[sflag:s7] =	ssyncset.done $0x0  }
0x15: {  	[sflag:s7] =	ssyncadd.s32 $0xFFFFFF80  }
0x16: {  	v24 =	vld [tilespmem:$0x200]  }
0x17: {  	v25 =	vld [tilespmem:$0x210]  }
0x18: {  	v26 =	vld [tilespmem:$0x220]  }
0x19: {  	v27 =	vld [tilespmem:$0x230]  }
0x1a: {  	v23 =	vld [tilespmem:$0x0]  }
0x1b: {  	v22 =	vld [tilespmem:$0x10]  }
0x1c: {  	v21 =	vld [tilespmem:$0x20]  }
0x1d: {  	v20 =	vld [tilespmem:$0x30];
	_ =	sdelay $0x3  }
0x1e: {  	v8 =	vadd.f32 v23, v24;
	v9 =	vadd.f32 v22, v25  }
0x1f: {  	v10 =	vadd.f32 v21, v26;
	v11 =	vadd.f32 v20, v27;
	_ =	sdelay $0x1  }
0x20: {  	v12 =	vmax.f32 v8, v9;
	v13 =	vmax.f32 v10, v11  }
0x21: {  	v12 =	vmax.f32 v12, v13  }
0x22: {  	v13 =	vperm.xlane v12, v0;
	_ =	sdelay $0x1  }
0x23: {  	v12 =	vmax.f32 v12, v13  }
0x24: {  	v13 =	vperm.xlane v12, v1;
	_ =	sdelay $0x1  }
0x25: {  	v12 =	vmax.f32 v12, v13  }
0x26: {  	v13 =	vperm.xlane v12, v2;
	_ =	sdelay $0x1  }
0x27: {  	v12 =	vmax.f32 v12, v13  }
0x28: {  	v13 =	vperm.xlane v12, v3;
	_ =	sdelay $0x1  }
0x29: {  	v12 =	vmax.f32 v12, v13  }
0x2a: {  	vm0 =	veq.f32 v11, v12  }
0x2b: {  	vm1 =	veq.f32 v10, v12;
	v44 =	vnsel vm0, $0x40, v5  }
0x2c: {  	vm13 =	veq.f32 v9, v12;
	v13 =	vsel vm1, v6, v44  }
0x2d: {  	vm14 =	veq.f32 v8, v12;
	v45 =	vsel vm13, v7, v13  }
0x2e: {  	v12 =	vsel vm14, v4, v45  }
0x2f: {  	v46 =	vperm.xlane v12, v0;
	_ =	sdelay $0x1  }
0x30: {  	vm15 =	vlt.s32 v12, v46  }
0x31: {  	v12 =	vsel vm15, v12, v46  }
0x32: {  	v13 =	vperm.xlane v12, v1;
	_ =	sdelay $0x1  }
0x33: {  	vm0 =	vlt.s32 v12, v13  }
0x34: {  	v12 =	vsel vm0, v12, v13  }
0x35: {  	v13 =	vperm.xlane v12, v2;
	_ =	sdelay $0x1  }
0x36: {  	vm0 =	vlt.s32 v12, v13  }
0x37: {  	v12 =	vsel vm0, v12, v13  }
0x38: {  	v13 =	vperm.xlane v12, v3;
	_ =	sdelay $0x1  }
0x39: {  	vm0 =	vlt.s32 v12, v13  }
0x3a: {  	v12 =	vsel vm0, v12, v13  }
0x3b: {  	v47 =	vimm.s32 $0x0;
	vm10 =	veq.s32 v12, v4;
	vm15 =	veq.s32 v12, v7  }
0x3c: {  	vm5 =	veq.s32 v12, v6;
	vm0 =	veq.s32 v12, v5;
	v8 =	vsel vm10, $0xFF800000, v8  }
0x3d: {  	v9 =	vsel vm15, $0xFF800000, v9;
	v10 =	vsel vm5, $0xFF800000, v10;
	v11 =	vsel vm0, $0xFF800000, v11  }
0x3e: {  	v12 =	vsel vm0, $0xFFFFFFFF, v47;
	v48 =	vmax.f32 v8, v9;
	v49 =	vmax.f32 v10, v11  }
0x3f: {  	[tilespmem:$0x1FC90] =	vst v12;
	v12 =	vmax.f32 v48, v49  }
0x40: {  	v13 =	vperm.xlane v12, v0;
	_ =	sdelay $0x1  }
0x41: {  	v12 =	vmax.f32 v12, v13  }
0x42: {  	v13 =	vperm.xlane v12, v1;
	_ =	sdelay $0x1  }
0x43: {  	v12 =	vmax.f32 v12, v13  }
0x44: {  	v13 =	vperm.xlane v12, v2;
	_ =	sdelay $0x1  }
0x45: {  	v12 =	vmax.f32 v12, v13  }
0x46: {  	v13 =	vperm.xlane v12, v3;
	_ =	sdelay $0x1  }
0x47: {  	v12 =	vmax.f32 v12, v13  }
0x48: {  	vm0 =	veq.f32 v11, v12  }
0x49: {  	vm4 =	veq.f32 v10, v12;
	v50 =	vnsel vm0, $0x40, v5  }
0x4a: {  	vm6 =	veq.f32 v9, v12;
	v13 =	vsel vm4, v6, v50  }
0x4b: {  	vm7 =	veq.f32 v8, v12;
	v51 =	vsel vm6, v7, v13  }
0x4c: {  	v12 =	vsel vm7, v4, v51  }
0x4d: {  	v52 =	vperm.xlane v12, v0;
	_ =	sdelay $0x1  }
0x4e: {  	vm8 =	vlt.s32 v12, v52  }
0x4f: {  	v12 =	vsel vm8, v12, v52  }
0x50: {  	v13 =	vperm.xlane v12, v1;
	_ =	sdelay $0x1  }
0x51: {  	vm0 =	vlt.s32 v12, v13  }
0x52: {  	v12 =	vsel vm0, v12, v13  }
0x53: {  	v13 =	vperm.xlane v12, v2;
	_ =	sdelay $0x1  }
0x54: {  	vm0 =	vlt.s32 v12, v13  }
0x55: {  	v12 =	vsel vm0, v12, v13  }
0x56: {  	v13 =	vperm.xlane v12, v3;
	_ =	sdelay $0x1  }
0x57: {  	vm0 =	vlt.s32 v12, v13  }
0x58: {  	v12 =	vsel vm0, v12, v13  }
0x59: {  	vm7 =	veq.s32 v12, v4  }
0x5a: {  	vm9 =	veq.s32 v12, v6;
	v53 =	vsel vm7, $0xFF800000, v8;
	v8 =	vimm.s32 $0x0  }
0x5b: {  	vm3 =	veq.s32 v12, v7;
	v8 =	vsel vm9, $0xFFFFFFFF, v8  }
0x5c: {  	vm0 =	veq.s32 v12, v5;
	v54 =	vsel vm3, $0xFF800000, v9;
	[tilespmem:$0x1FCA0] =	vst v8;
	v8 =	vimm.s32 $0x0  }
0x5d: {  	v14 =	vsel vm9, $0xFF800000, v10;
	v15 =	vsel vm0, $0xFF800000, v11;
	v8 =	vsel vm0, $0xFFFFFFFF, v8  }
0x5e: {  	v55 =	vmax.f32 v14, v15;
	[tilespmem:$0x1FCB0] =	vst v8;
	v8 =	vmax.f32 v53, v54  }
0x5f: {  	v9 =	vmax.f32 v8, v55  }
0x60: {  	v10 =	vld [tilespmem:$0x80];
	v16 =	vperm.xlane v9, v0  }
0x61: {  	v11 =	vld [tilespmem:$0x90]  }
0x62: {  	v8 =	vld [tilespmem:$0xA0];
	v16 =	vmax.f32 v9, v16  }
0x63: {  	v9 =	vld [tilespmem:$0xB0];
	v17 =	vperm.xlane v16, v1;
	_ =	sdelay $0x1  }
0x64: {  	v16 =	vmax.f32 v16, v17  }
0x65: {  	v17 =	vperm.xlane v16, v2  }
0x66: {  	v18 =	vadd.f32 v10, v24;
	v19 =	vadd.f32 v11, v25  }
0x67: {  	v28 =	vadd.f32 v8, v26;
	v29 =	vadd.f32 v9, v27;
	v16 =	vmax.f32 v16, v17  }
0x68: {  	v17 =	vperm.xlane v16, v3  }
0x69: {  	v30 =	vmax.f32 v18, v19;
	v31 =	vmax.f32 v28, v29  }
0x6a: {  	v30 =	vmax.f32 v30, v31;
	v16 =	vmax.f32 v16, v17  }
0x6b: {  	v56 =	vperm.xlane v30, v0;
	vm0 =	veq.f32 v15, v16  }
0x6c: {  	vm6 =	veq.f32 v14, v16;
	v57 =	vnsel vm0, $0x40, v5  }
0x6d: {  	vm11 =	veq.f32 v54, v16;
	v17 =	vmax.f32 v30, v56;
	v58 =	vsel vm6, v6, v57  }
0x6e: {  	vm12 =	veq.f32 v53, v16;
	v59 =	vperm.xlane v17, v1;
	v60 =	vsel vm11, v7, v58  }
0x6f: {  	v16 =	vsel vm12, v4, v60  }
0x70: {  	v17 =	vmax.f32 v17, v59;
	v61 =	vperm.xlane v16, v0  }
0x71: {  	v31 =	vperm.xlane v17, v2  }
0x72: {  	vm13 =	vlt.s32 v16, v61  }
0x73: {  	v17 =	vmax.f32 v17, v31;
	v16 =	vsel vm13, v16, v61  }
0x74: {  	v62 =	vperm.xlane v17, v3;
	v63 =	vperm.xlane v16, v1;
	_ =	sdelay $0x1  }
0x75: {  	v17 =	vmax.f32 v17, v62;
	vm0 =	vlt.s32 v16, v63  }
0x76: {  	vm14 =	veq.f32 v29, v17;
	v16 =	vsel vm0, v16, v63  }
0x77: {  	vm9 =	veq.f32 v28, v17;
	v33 =	vnsel vm14, $0x40, v5;
	v31 =	vperm.xlane v16, v2  }
0x78: {  	vm11 =	veq.f32 v19, v17;
	v30 =	vsel vm9, v6, v33  }
0x79: {  	vm12 =	veq.f32 v18, v17;
	v34 =	vsel vm11, v7, v30;
	vm13 =	vlt.s32 v16, v31  }
0x7a: {  	v17 =	vsel vm12, v4, v34;
	v16 =	vsel vm13, v16, v31  }
0x7b: {  	v35 =	vperm.xlane v17, v0;
	v31 =	vperm.xlane v16, v3;
	_ =	sdelay $0x1  }
0x7c: {  	vm0 =	vlt.s32 v17, v35;
	vm6 =	vlt.s32 v16, v31  }
0x7d: {  	v17 =	vsel vm0, v17, v35;
	v16 =	vsel vm6, v16, v31  }
0x7e: {  	v30 =	vperm.xlane v17, v1;
	vm11 =	veq.s32 v16, v4  }
0x7f: {  	vm12 =	veq.s32 v16, v7;
	vm8 =	veq.s32 v16, v6;
	vm6 =	veq.s32 v16, v5  }
0x80: {  	v13 =	vsel vm11, $0xFF800000, v53;
	v12 =	vsel vm12, $0xFF800000, v54;
	vm0 =	vlt.s32 v17, v30  }
0x81: {  	v14 =	vsel vm8, $0xFF800000, v14;
	v15 =	vsel vm6, $0xFF800000, v15;
	v36 =	vsel vm0, v17, v30  }
0x82: {  	v37 =	vmax.f32 v13, v12;
	v38 =	vmax.f32 v14, v15;
	v17 =	vperm.xlane v36, v2  }
0x83: {  	v30 =	vmax.f32 v37, v38  }
0x84: {  	v31 =	vperm.xlane v30, v0;
	vm0 =	vlt.s32 v36, v17  }
0x85: {  	v16 =	vsel vm0, v36, v17  }
0x86: {  	v30 =	vmax.f32 v30, v31;
	v17 =	vperm.xlane v16, v3  }
0x87: {  	v31 =	vperm.xlane v30, v1  }
0x88: {  	vm0 =	vlt.s32 v16, v17  }
0x89: {  	v40 =	vimm.s32 $0x0;
	v39 =	vmax.f32 v30, v31;
	v16 =	vsel vm0, v16, v17  }
0x8a: {  	v42 =	vimm.s32 $0x0;
	v41 =	vperm.xlane v39, v2;
	vm0 =	veq.s32 v16, v4  }
0x8b: {  	vm14 =	veq.s32 v16, v7;
	vm2 =	veq.s32 v16, v6;
	vm4 =	veq.s32 v16, v5  }
0x8c: {  	v18 =	vsel vm0, $0xFF800000, v18;
	v45 =	vsel vm14, $0xFF800000, v19;
	v17 =	vmax.f32 v39, v41  }
0x8d: {  	v46 =	vsel vm2, $0xFF800000, v28;
	v47 =	vsel vm4, $0xFF800000, v29;
	v50 =	vperm.xlane v17, v3  }
0x8e: {  	v44 =	vimm.s32 $0x0;
	v48 =	vmax.f32 v18, v45;
	v49 =	vmax.f32 v46, v47  }
0x8f: {  	v30 =	vsel vm0, $0xFFFFFFFF, v40;
	v29 =	vmax.f32 v48, v49;
	v17 =	vmax.f32 v17, v50  }
0x90: {  	v31 =	vsel vm14, $0xFFFFFFFF, v42;
	[tilespmem:$0x1FCD0] =	vst v30;
	v30 =	vperm.xlane v29, v0;
	vm9 =	veq.f32 v15, v17  }
0x91: {  	v16 =	vsel vm4, $0xFFFFFFFF, v44;
	vm13 =	veq.f32 v14, v17;
	v51 =	vnsel vm9, $0x40, v5  }
0x92: {  	vm14 =	veq.f32 v12, v17;
	v29 =	vmax.f32 v29, v30;
	v30 =	vsel vm13, v6, v51  }
0x93: {  	vm4 =	veq.f32 v13, v17;
	v52 =	vperm.xlane v29, v1;
	v30 =	vsel vm14, v7, v30  }
0x94: {  	v17 =	vsel vm4, v4, v30  }
0x95: {  	v29 =	vmax.f32 v29, v52;
	v54 =	vperm.xlane v17, v0  }
0x96: {  	v53 =	vperm.xlane v29, v2  }
0x97: {  	v43 =	vimm.s32 $0x0;
	vm0 =	vlt.s32 v17, v54  }
0x98: {  	[tilespmem:$0x1FCE0] =	vst v31;
	v31 =	vsel vm2, $0xFFFFFFFF, v43;
	v29 =	vmax.f32 v29, v53;
	v17 =	vsel vm0, v17, v54  }
0x99: {  	[tilespmem:$0x1FCF0] =	vst v31;
	v30 =	vperm.xlane v29, v3;
	v31 =	vperm.xlane v17, v1;
	_ =	sdelay $0x1  }
0x9a: {  	v29 =	vmax.f32 v29, v30;
	vm13 =	vlt.s32 v17, v31  }
0x9b: {  	vm9 =	veq.f32 v47, v29;
	v17 =	vsel vm13, v17, v31  }
0x9c: {  	v55 =	vnsel vm9, $0x40, v5;
	vm9 =	veq.f32 v46, v29;
	v31 =	vperm.xlane v17, v2  }
0x9d: {  	vm14 =	veq.f32 v45, v29;
	v30 =	vsel vm9, v6, v55  }
0x9e: {  	vm4 =	veq.f32 v18, v29;
	v30 =	vsel vm14, v7, v30;
	vm9 =	vlt.s32 v17, v31  }
0x9f: {  	v29 =	vsel vm4, v4, v30;
	v17 =	vsel vm9, v17, v31  }
0xa0: {  	v30 =	vperm.xlane v29, v0;
	v31 =	vperm.xlane v17, v3;
	_ =	sdelay $0x1  }
0xa1: {  	vm13 =	vlt.s32 v29, v30;
	vm14 =	vlt.s32 v17, v31  }
0xa2: {  	v29 =	vsel vm13, v29, v30;
	v17 =	vsel vm14, v17, v31  }
0xa3: {  	v30 =	vperm.xlane v29, v1;
	vm4 =	veq.s32 v17, v4  }
0xa4: {  	vm14 =	veq.s32 v17, v7;
	vm13 =	veq.s32 v17, v6;
	vm9 =	veq.s32 v17, v5  }
0xa5: {  	vm2 =	vlt.s32 v29, v30;
	v56 =	vsel vm4, $0xFF800000, v13;
	v57 =	vsel vm14, $0xFF800000, v12  }
0xa6: {  	v33 =	vsel vm13, $0xFF800000, v14;
	v35 =	vsel vm9, $0xFF800000, v15;
	v29 =	vsel vm2, v29, v30  }
0xa7: {  	v13 =	vmax.f32 v56, v57;
	v14 =	vmax.f32 v33, v35;
	v58 =	vperm.xlane v29, v2  }
0xa8: {  	v13 =	vmax.f32 v13, v14  }
0xa9: {  	v14 =	vperm.xlane v13, v0;
	vm1 =	vlt.s32 v29, v58  }
0xaa: {  	v12 =	vsel vm1, v29, v58  }
0xab: {  	v13 =	vmax.f32 v13, v14;
	v59 =	vperm.xlane v12, v3  }
0xac: {  	v14 =	vperm.xlane v13, v1  }
0xad: {  	v60 =	vimm.s32 $0x0;
	vm1 =	vlt.s32 v12, v59  }
0xae: {  	v62 =	vimm.s32 $0x0;
	v13 =	vmax.f32 v13, v14;
	v12 =	vsel vm1, v12, v59  }
0xaf: {  	v63 =	vimm.s32 $0x0;
	v61 =	vperm.xlane v13, v2;
	vm0 =	veq.s32 v12, v4  }
0xb0: {  	vm2 =	veq.s32 v12, v7;
	vm1 =	veq.s32 v12, v5;
	v14 =	vsel vm0, $0xFFFFFFFF, v60  }
0xb1: {  	v29 =	vsel vm0, $0xFF800000, v18;
	v15 =	vsel vm2, $0xFFFFFFFF, v62;
	vm0 =	veq.s32 v12, v6  }
0xb2: {  	v18 =	vimm.s32 $0x0;
	v36 =	vsel vm2, $0xFF800000, v45;
	v38 =	vsel vm1, $0xFF800000, v47  }
0xb3: {  	v13 =	vmax.f32 v13, v61;
	[tilespmem:$0x1FD10] =	vst v14;
	v12 =	vsel vm1, $0xFFFFFFFF, v18;
	v37 =	vsel vm0, $0xFF800000, v46  }
0xb4: {  	[tilespmem:$0x1FD20] =	vst v15;
	v19 =	vmax.f32 v29, v36;
	v14 =	vperm.xlane v13, v3;
	v28 =	vmax.f32 v37, v38  }
0xb5: {  	v15 =	vsel vm0, $0xFFFFFFFF, v63;
	[tilespmem:$0x1FD40] =	vst v12;
	v12 =	vmax.f32 v19, v28  }
0xb6: {  	[tilespmem:$0x1FD30] =	vst v15;
	v13 =	vmax.f32 v13, v14;
	v15 =	vperm.xlane v12, v0  }
0xb7: {  	vm1 =	veq.f32 v35, v13  }
0xb8: {  	v34 =	vnsel vm1, $0x40, v5;
	vm1 =	veq.f32 v33, v13;
	v12 =	vmax.f32 v12, v15  }
0xb9: {  	v15 =	vsel vm1, v6, v34;
	vm1 =	veq.f32 v57, v13;
	v32 =	vperm.xlane v12, v1  }
0xba: {  	v14 =	vld [tilespmem:$0x120];
	v39 =	vsel vm1, v7, v15;
	vm1 =	veq.f32 v56, v13  }
0xbb: {  	v15 =	vld [tilespmem:$0x100];
	v41 =	vsel vm1, v4, v39;
	v12 =	vmax.f32 v12, v32  }
0xbc: {  	v13 =	vld [tilespmem:$0x110];
	v42 =	vperm.xlane v41, v0;
	v40 =	vperm.xlane v12, v2  }
0xbd: {  	v50 =	vadd.f32 $0.0e+00, v22;
	v53 =	vimm.s32 $0x0  }
0xbe: {  	[tilespmem:$0x1FD00] =	vst v16;
	v61 =	vadd.f32 $0.0e+00, v20;
	vm1 =	vlt.s32 v41, v42;
	v16 =	vmax.f32 v12, v40;
	v12 =	vld [tilespmem:$0x130]  }
0xbf: {  	v44 =	vsel vm1, v41, v42;
	v42 =	vadd.f32 $0.0e+00, v23;
	v43 =	vperm.xlane v16, v3  }
0xc0: {  	v17 =	vadd.f32 v14, v26;
	v19 =	vadd.f32 v15, v24;
	v34 =	vperm.xlane v44, v1  }
0xc1: {  	v42 =	vnsel vm10, $0x0, v42;
	v32 =	vmax.f32 v16, v43;
	v16 =	vadd.f32 v13, v25  }
0xc2: {  	v43 =	vadd.f32 $0.0e+00, v21;
	vm1 =	veq.f32 v38, v32;
	vm0 =	veq.f32 v37, v32  }
0xc3: {  	v39 =	vnsel vm1, $0x40, v5;
	v18 =	vadd.f32 v12, v27;
	vm1 =	vlt.s32 v44, v34  }
0xc4: {  	v46 =	vmax.f32 v19, v16;
	v45 =	vsel vm0, v6, v39;
	vm0 =	veq.f32 v36, v32  }
0xc5: {  	v28 =	vsel vm1, v44, v34;
	v40 =	vmax.f32 v17, v18;
	v34 =	vsel vm0, v7, v45  }
0xc6: {  	vm0 =	veq.f32 v29, v32;
	v47 =	vperm.xlane v28, v2;
	v39 =	vmax.f32 v46, v40  }
0xc7: {  	v45 =	vadd.f32 v42, v23;
	v32 =	vsel vm0, v4, v34;
	v40 =	vperm.xlane v39, v0  }
0xc8: {  	v43 =	vnsel vm5, $0x0, v43;
	v41 =	vperm.xlane v32, v0;
	vm0 =	vlt.s32 v28, v47  }
0xc9: {  	v42 =	vsel vm7, v45, v42;
	v28 =	vsel vm0, v28, v47;
	v39 =	vmax.f32 v39, v40  }
0xca: {  	vm0 =	vlt.s32 v32, v41;
	v49 =	vperm.xlane v28, v3;
	v48 =	vperm.xlane v39, v1  }
0xcb: {  	v32 =	vsel vm0, v32, v41;
	v41 =	vnsel vm15, $0x0, v50;
	v50 =	vimm.s32 $0x0  }
0xcc: {  	v51 =	vperm.xlane v32, v1;
	vm10 =	vlt.s32 v28, v49;
	v34 =	vmax.f32 v39, v48  }
0xcd: {  	v28 =	vsel vm10, v28, v49;
	v48 =	vimm.s32 $0x0;
	v49 =	vimm.s32 $0x0  }
0xce: {  	v44 =	vperm.xlane v34, v2;
	vm15 =	veq.s32 v28, v4;
	vm5 =	vlt.s32 v32, v51  }
0xcf: {  	vm10 =	veq.s32 v28, v7;
	vm0 =	veq.s32 v28, v5;
	v39 =	vsel vm5, v32, v51  }
0xd0: {  	v32 =	vsel vm15, $0xFF800000, v56;
	vm5 =	veq.s32 v28, v6;
	v28 =	vsel vm0, $0xFFFFFFFF, v53  }
0xd1: {  	v40 =	vsel vm10, $0xFF800000, v57;
	v35 =	vsel vm0, $0xFF800000, v35;
	v44 =	vmax.f32 v34, v44  }
0xd2: {  	v51 =	vimm.s32 $0x0;
	v34 =	vsel vm5, $0xFF800000, v33;
	v52 =	vperm.xlane v44, v3  }
0xd3: {  	v54 =	vmax.f32 v32, v40;
	v56 =	vperm.xlane v39, v2;
	v55 =	vmax.f32 v34, v35  }
0xd4: {  	[tilespmem:$0x1FCC0] =	vst v28;
	v28 =	vmax.f32 v54, v55;
	v54 =	vadd.f32 v41, v22;
	v30 =	vmax.f32 v44, v52  }
0xd5: {  	v46 =	vld [tilespmem:$0x1FC90];
	v55 =	vadd.f32 v43, v21;
	v58 =	vperm.xlane v28, v0;
	vm0 =	veq.f32 v18, v30  }
0xd6: {  	vm1 =	veq.f32 v16, v30;
	v57 =	vnsel vm0, $0x40, v5;
	vm0 =	veq.f32 v17, v30  }
0xd7: {  	v28 =	vmax.f32 v28, v58;
	v33 =	vsel vm0, v6, v57;
	vm0 =	vlt.s32 v39, v56  }
0xd8: {  	v41 =	vsel vm3, v54, v41;
	v59 =	vperm.xlane v28, v1;
	v31 =	vsel vm0, v39, v56  }
0xd9: {  	v33 =	vsel vm1, v7, v33;
	vm0 =	veq.f32 v19, v30;
	v60 =	vperm.xlane v31, v3  }
0xda: {  	vm1 =	vnez.u8 v46;
	v30 =	vsel vm0, v4, v33;
	v28 =	vmax.f32 v28, v59  }
0xdb: {  	v62 =	vperm.xlane v30, v0;
	v63 =	vperm.xlane v28, v2;
	vm0 =	vlt.s32 v31, v60  }
0xdc: {  	v54 =	vimm.s32 $0x0;
	v33 =	vnsel vm1, $0x0, v61;
	v31 =	vsel vm0, v31, v60  }
0xdd: {  	vm7 =	vlt.s32 v30, v62;
	v44 =	vmax.f32 v28, v63;
	v63 =	vadd.f32 v33, v20  }
0xde: {  	vm1 =	veq.s32 v31, v4;
	v39 =	vsel vm7, v30, v62;
	vm2 =	veq.s32 v31, v6  }
0xdf: {  	v57 =	vld [tilespmem:$0x1FCA0];
	vm7 =	veq.s32 v31, v5;
	v52 =	vperm.xlane v44, v3;
	v45 =	vsel vm1, $0xFFFFFFFF, v48  }
0xe0: {  	v28 =	vsel vm1, $0xFF800000, v29;
	vm1 =	veq.s32 v31, v7;
	v30 =	vsel vm7, $0xFF800000, v38  }
0xe1: {  	v56 =	vperm.xlane v39, v1;
	v48 =	vadd.f32 v42, v23;
	v29 =	vsel vm1, $0xFFFFFFFF, v49  }
0xe2: {  	v31 =	vsel vm1, $0xFF800000, v36;
	v36 =	vmax.f32 v44, v52;
	v49 =	vadd.f32 v41, v22  }
0xe3: {  	[tilespmem:$0x1FD60] =	vst v29;
	v29 =	vsel vm2, $0xFFFFFFFF, v50;
	v53 =	vmax.f32 v28, v31;
	v42 =	vsel vm11, v48, v42  }
0xe4: {  	[tilespmem:$0x1FD70] =	vst v29;
	v29 =	vsel vm7, $0xFFFFFFFF, v51;
	vm7 =	vnez.u8 v57;
	v41 =	vsel vm12, v49, v41  }
0xe5: {  	[tilespmem:$0x1FD80] =	vst v29;
	v29 =	vsel vm2, $0xFF800000, v37;
	v43 =	vsel vm7, v55, v43;
	vm7 =	veq.f32 v35, v36  }
0xe6: {  	v38 =	vmax.f32 v29, v30;
	v58 =	vnsel vm7, $0x40, v5;
	vm7 =	vlt.s32 v39, v56  }
0xe7: {  	v47 =	vld [tilespmem:$0x1FCB0];
	v37 =	vmax.f32 v53, v38;
	v59 =	vsel vm7, v39, v56;
	vm7 =	veq.f32 v34, v36  }
0xe8: {  	v57 =	vimm.s32 $0x0;
	v38 =	vperm.xlane v37, v0;
	v61 =	vsel vm7, v6, v58  }
0xe9: {  	v62 =	vperm.xlane v59, v2;
	vm7 =	veq.f32 v40, v36;
	v58 =	vimm.s32 $0x0  }
0xea: {  	v44 =	vsel vm7, v7, v61;
	vm7 =	veq.f32 v32, v36;
	v37 =	vmax.f32 v37, v38  }
0xeb: {  	v36 =	vsel vm7, v4, v44;
	vm7 =	vlt.s32 v59, v62;
	v60 =	vperm.xlane v37, v1  }
0xec: {  	v61 =	vadd.f32 v43, v21;
	v38 =	vsel vm7, v59, v62;
	vm7 =	vnez.u8 v47  }
0xed: {  	v51 =	vperm.xlane v36, v0;
	v50 =	vperm.xlane v38, v3;
	v37 =	vmax.f32 v37, v60  }
0xee: {  	v59 =	vimm.s32 $0x0;
	v62 =	vsel vm8, v61, v43;
	v39 =	vperm.xlane v37, v2  }
0xef: {  	v33 =	vsel vm7, v63, v33;
	vm11 =	vlt.s32 v36, v51;
	vm7 =	vlt.s32 v38, v50  }
0xf0: {  	v44 =	vsel vm11, v36, v51;
	v37 =	vmax.f32 v37, v39;
	v39 =	vsel vm7, v38, v50  }
0xf1: {  	v56 =	vperm.xlane v44, v1;
	v52 =	vperm.xlane v37, v3;
	vm7 =	veq.s32 v39, v4  }
0xf2: {  	vm11 =	veq.s32 v39, v7;
	v36 =	vsel vm7, $0xFFFFFFFF, v54;
	v38 =	vsel vm7, $0xFF800000, v19  }
0xf3: {  	v19 =	vsel vm11, $0xFFFFFFFF, v57;
	vm7 =	veq.s32 v39, v5;
	v53 =	vmax.f32 v37, v52  }
0xf4: {  	v57 =	vadd.f32 v62, v21;
	v37 =	vsel vm7, $0xFF800000, v18;
	vm12 =	veq.f32 v30, v53  }
0xf5: {  	v52 =	vadd.f32 v33, v20;
	vm8 =	veq.f32 v28, v53;
	v55 =	vnsel vm12, $0x40, v5  }
0xf6: {  	vm12 =	veq.s32 v39, v6;
	v39 =	vsel vm11, $0xFF800000, v16;
	vm11 =	veq.f32 v29, v53  }
0xf7: {  	[tilespmem:$0x1FDB0] =	vst v19;
	v49 =	vsel vm6, v52, v33;
	v33 =	vsel vm13, v57, v62;
	v19 =	vsel vm12, $0xFFFFFFFF, v58  }
0xf8: {  	[tilespmem:$0x1FDA0] =	vst v36;
	v36 =	vsel vm12, $0xFF800000, v17;
	v16 =	vmax.f32 v38, v39;
	v60 =	vsel vm11, v6, v55  }
0xf9: {  	vm12 =	vlt.s32 v44, v56;
	[tilespmem:$0x1FDC0] =	vst v19;
	v19 =	vsel vm7, $0xFFFFFFFF, v59;
	v17 =	vmax.f32 v36, v37  }
0xfa: {  	v18 =	vld [tilespmem:$0x180];
	vm7 =	veq.f32 v31, v53;
	v63 =	vsel vm12, v44, v56;
	v53 =	vadd.f32 v42, v23  }
0xfb: {  	[tilespmem:$0x1FDD0] =	vst v19;
	v16 =	vmax.f32 v16, v17;
	v51 =	vsel vm7, v7, v60;
	v19 =	vld [tilespmem:$0x190];
	v54 =	vperm.xlane v63, v2  }
0xfc: {  	[tilespmem:$0x1FD50] =	vst v45;
	v56 =	vadd.f32 v41, v22;
	v17 =	vperm.xlane v16, v0;
	v45 =	vsel vm8, v4, v51  }
0xfd: {  	v47 =	vsel vm4, v53, v42;
	v55 =	vperm.xlane v45, v0;
	vm11 =	vlt.s32 v63, v54  }
0xfe: {  	v41 =	vsel vm14, v56, v41;
	v16 =	vmax.f32 v16, v17;
	v17 =	vld [tilespmem:$0x1A0];
	v51 =	vsel vm11, v63, v54  }
0xff: {  	v48 =	vperm.xlane v16, v1;
	vm12 =	vlt.s32 v45, v55;
	v53 =	vperm.xlane v51, v3  }
0x100: {  	v52 =	vsel vm12, v45, v55;
	v45 =	vadd.f32 v18, v24;
	v42 =	vadd.f32 v19, v25  }
0x101: {  	v48 =	vmax.f32 v16, v48;
	v16 =	vld [tilespmem:$0x1B0];
	vm0 =	vlt.s32 v51, v53;
	v59 =	vperm.xlane v52, v1  }
0x102: {  	v50 =	vperm.xlane v48, v2;
	v58 =	vsel vm0, v51, v53;
	v60 =	vmax.f32 v45, v42  }
0x103: {  	v53 =	vadd.f32 v47, v23;
	v43 =	vadd.f32 v17, v26;
	vm4 =	vlt.s32 v52, v59  }
0x104: {  	vm2 =	veq.s32 v58, v4;
	vm3 =	veq.s32 v58, v7;
	vm0 =	veq.s32 v58, v6  }
0x105: {  	vm1 =	veq.s32 v58, v5;
	v48 =	vmax.f32 v48, v50;
	v26 =	vsel vm2, $0xFF800000, v32  }
0x106: {  	v24 =	vsel vm3, $0xFF800000, v40;
	v50 =	vperm.xlane v48, v3;
	v44 =	vadd.f32 v16, v27  }
0x107: {  	v25 =	vsel vm1, $0xFF800000, v35;
	v47 =	vsel vm15, v53, v47;
	v53 =	vimm.s32 $0x0  }
0x108: {  	v56 =	vmax.f32 v26, v24;
	v46 =	vmax.f32 v48, v50;
	v27 =	vmax.f32 v43, v44  }
0x109: {  	v48 =	vsel vm4, v52, v59;
	vm6 =	veq.f32 v37, v46;
	v27 =	vmax.f32 v60, v27  }
0x10a: {  	vm7 =	veq.f32 v36, v46;
	v61 =	vnsel vm6, $0x40, v5;
	v62 =	vperm.xlane v27, v0  }
0x10b: {  	vm8 =	veq.f32 v39, v46;
	v59 =	vperm.xlane v48, v2;
	v63 =	vsel vm7, v6, v61  }
0x10c: {  	vm11 =	veq.f32 v38, v46;
	v58 =	vsel vm8, v7, v63;
	v54 =	vmax.f32 v27, v62  }
0x10d: {  	v27 =	vsel vm0, $0xFF800000, v34;
	v46 =	vsel vm11, v4, v58;
	v55 =	vperm.xlane v54, v1  }
0x10e: {  	vm12 =	vlt.s32 v48, v59;
	v57 =	vmax.f32 v27, v25;
	v63 =	vperm.xlane v46, v0  }
0x10f: {  	v34 =	vsel vm12, v48, v59;
	v35 =	vmax.f32 v56, v57;
	v32 =	vmax.f32 v54, v55  }
0x110: {  	v62 =	vperm.xlane v35, v0;
	v55 =	vperm.xlane v34, v3;
	vm13 =	vlt.s32 v46, v63  }
0x111: {  	v61 =	vadd.f32 v49, v20;
	v60 =	vperm.xlane v32, v2;
	v46 =	vsel vm13, v46, v63  }
0x112: {  	v35 =	vmax.f32 v35, v62;
	v57 =	vperm.xlane v46, v1;
	vm14 =	vlt.s32 v34, v55  }
0x113: {  	v40 =	vmax.f32 v32, v60;
	v32 =	vsel vm9, v61, v49;
	v56 =	vperm.xlane v35, v1  }
0x114: {  	v34 =	vsel vm14, v34, v55;
	v54 =	vperm.xlane v40, v3;
	vm11 =	vlt.s32 v46, v57  }
0x115: {  	v35 =	vmax.f32 v35, v56;
	v46 =	vsel vm11, v46, v57;
	vm11 =	veq.s32 v34, v5  }
0x116: {  	v40 =	vmax.f32 v40, v54;
	v50 =	vperm.xlane v35, v2;
	v30 =	vsel vm11, $0xFF800000, v30  }
0x117: {  	v55 =	vperm.xlane v46, v2;
	vm9 =	veq.f32 v44, v40;
	vm12 =	veq.f32 v43, v40  }
0x118: {  	vm13 =	veq.f32 v42, v40;
	vm14 =	veq.f32 v45, v40;
	v58 =	vnsel vm9, $0x40, v5  }
0x119: {  	v35 =	vmax.f32 v35, v50;
	vm9 =	vlt.s32 v46, v55;
	v59 =	vsel vm12, v6, v58  }
0x11a: {  	v60 =	vperm.xlane v35, v3;
	vm12 =	veq.s32 v34, v6;
	v48 =	vsel vm13, v7, v59  }
0x11b: {  	vm13 =	veq.s32 v34, v4;
	v29 =	vsel vm12, $0xFF800000, v29;
	v59 =	vadd.f32 v41, v22  }
0x11c: {  	v40 =	vsel vm14, v4, v48;
	v28 =	vsel vm13, $0xFF800000, v28;
	vm14 =	veq.s32 v34, v7  }
0x11d: {  	v48 =	vmax.f32 v35, v60;
	v61 =	vperm.xlane v40, v0;
	v31 =	vsel vm14, $0xFF800000, v31  }
0x11e: {  	v52 =	vmax.f32 v29, v30;
	vm8 =	veq.f32 v25, v48;
	v63 =	vmax.f32 v28, v31  }
0x11f: {  	v57 =	vnsel vm8, $0x40, v5;
	vm4 =	vlt.s32 v40, v61;
	v54 =	vmax.f32 v63, v52  }
0x120: {  	v62 =	vsel vm4, v40, v61;
	v58 =	vperm.xlane v54, v0;
	vm4 =	veq.f32 v27, v48  }
0x121: {  	v40 =	vsel vm9, v46, v55;
	vm9 =	veq.f32 v24, v48;
	v46 =	vsel vm10, v59, v41  }
0x122: {  	v55 =	vimm.s32 $0x0;
	v56 =	vperm.xlane v62, v1;
	v50 =	vsel vm4, v6, v57  }
0x123: {  	v60 =	vperm.xlane v40, v3;
	v57 =	vimm.s32 $0x0;
	v35 =	vmax.f32 v54, v58  }
0x124: {  	v50 =	vsel vm9, v7, v50;
	vm15 =	vlt.s32 v62, v56;
	v51 =	vperm.xlane v35, v1  }
0x125: {  	v34 =	vsel vm15, v62, v56;
	vm15 =	vlt.s32 v40, v60;
	v56 =	vimm.s32 $0x0  }
0x126: {  	v61 =	vperm.xlane v34, v2;
	v62 =	vsel vm15, v40, v60;
	v35 =	vmax.f32 v35, v51  }
0x127: {  	v63 =	vperm.xlane v35, v2;
	vm9 =	veq.s32 v62, v4;
	vm10 =	veq.s32 v62, v7  }
0x128: {  	vm15 =	veq.s32 v62, v6;
	vm8 =	vlt.s32 v34, v61;
	v40 =	vsel vm9, $0xFFFFFFFF, v53  }
0x129: {  	v34 =	vsel vm8, v34, v61;
	[tilespmem:$0x1FDE0] =	vst v40;
	v40 =	vsel vm9, $0xFF800000, v38;
	v38 =	vsel vm10, $0xFFFFFFFF, v55  }
0x12a: {  	vm9 =	veq.s32 v62, v5;
	v49 =	vmax.f32 v35, v63;
	v61 =	vimm.s32 $0x0  }
0x12b: {  	v54 =	vperm.xlane v34, v3;
	[tilespmem:$0x1FDF0] =	vst v38;
	v38 =	vsel vm10, $0xFF800000, v39;
	v39 =	vsel vm15, $0xFFFFFFFF, v56  }
0x12c: {  	v55 =	vimm.s32 $0x0;
	v41 =	vsel vm9, $0xFF800000, v37;
	[tilespmem:$0x1FE00] =	vst v39;
	v39 =	vsel vm9, $0xFFFFFFFF, v57  }
0x12d: {  	v62 =	vperm.xlane v49, v3;
	[tilespmem:$0x1FE10] =	vst v39;
	v39 =	vsel vm15, $0xFF800000, v36;
	vm10 =	vlt.s32 v34, v54  }
0x12e: {  	v59 =	vmax.f32 v40, v38;
	v58 =	vsel vm10, v34, v54;
	v37 =	vmax.f32 v39, v41  }
0x12f: {  	v54 =	vimm.s32 $0x0;
	v60 =	vmax.f32 v59, v37;
	vm4 =	veq.s32 v58, v4  }
0x130: {  	vm15 =	veq.s32 v58, v7;
	vm9 =	veq.s32 v58, v6;
	vm10 =	veq.s32 v58, v5  }
0x131: {  	v58 =	vmax.f32 v49, v62;
	v34 =	vsel vm4, $0xFFFFFFFF, v61;
	v63 =	vperm.xlane v60, v0  }
0x132: {  	v36 =	vsel vm9, $0xFF800000, v43;
	v37 =	vsel vm10, $0xFF800000, v44;
	vm8 =	veq.f32 v28, v58  }
0x133: {  	[tilespmem:$0x1FEE0] =	vst v34;
	v34 =	vsel vm4, $0xFF800000, v45;
	v45 =	vimm.s32 $0x0;
	v44 =	vmax.f32 v36, v37  }
0x134: {  	v35 =	vsel vm15, $0xFFFFFFFF, v45;
	v56 =	vmax.f32 v60, v63;
	v63 =	vadd.f32 v33, v21  }
0x135: {  	[tilespmem:$0x1FEF0] =	vst v35;
	v35 =	vsel vm9, $0xFFFFFFFF, v54;
	v59 =	vperm.xlane v56, v1;
	vm9 =	veq.f32 v30, v58  }
0x136: {  	[tilespmem:$0x1FF00] =	vst v35;
	v35 =	vsel vm10, $0xFFFFFFFF, v55;
	v60 =	vnsel vm9, $0x40, v5;
	vm10 =	veq.f32 v29, v58  }
0x137: {  	v33 =	vsel vm5, v63, v33;
	v55 =	vimm.s32 $0x0;
	[tilespmem:$0x1FF10] =	vst v35;
	v35 =	vsel vm15, $0xFF800000, v42  }
0x138: {  	vm15 =	veq.f32 v26, v48;
	v42 =	vmax.f32 v56, v59;
	v57 =	vmax.f32 v34, v35  }
0x139: {  	v48 =	vsel vm15, v4, v50;
	v61 =	vperm.xlane v42, v2;
	v43 =	vmax.f32 v57, v44  }
0x13a: {  	v50 =	vsel vm10, v6, v60;
	vm15 =	veq.f32 v31, v58;
	v44 =	vperm.xlane v43, v0  }
0x13b: {  	v50 =	vsel vm15, v7, v50;
	v56 =	vperm.xlane v48, v0;
	v42 =	vmax.f32 v42, v61  }
0x13c: {  	v57 =	vsel vm8, v4, v50;
	v58 =	vperm.xlane v42, v3;
	v43 =	vmax.f32 v43, v44  }
0x13d: {  	v50 =	vperm.xlane v57, v0;
	vm9 =	vlt.s32 v48, v56;
	v62 =	vperm.xlane v43, v1  }
0x13e: {  	v48 =	vsel vm9, v48, v56;
	v56 =	vadd.f32 v32, v20;
	v42 =	vmax.f32 v42, v58  }
0x13f: {  	vm10 =	vlt.s32 v57, v50;
	v63 =	vperm.xlane v48, v1;
	v43 =	vmax.f32 v43, v62  }
0x140: {  	vm15 =	veq.f32 v41, v42;
	v44 =	vsel vm10, v57, v50;
	v49 =	vperm.xlane v43, v2  }
0x141: {  	vm8 =	veq.f32 v39, v42;
	vm9 =	veq.f32 v38, v42;
	v60 =	vnsel vm15, $0x40, v5  }
0x142: {  	vm10 =	veq.f32 v40, v42;
	v43 =	vmax.f32 v43, v49;
	v49 =	vsel vm8, v6, v60  }
0x143: {  	v57 =	vperm.xlane v44, v1;
	v59 =	vperm.xlane v43, v3;
	v61 =	vsel vm9, v7, v49  }
0x144: {  	v42 =	vsel vm10, v4, v61;
	vm10 =	vlt.s32 v48, v63;
	v61 =	vadd.f32 v47, v23  }
0x145: {  	v43 =	vmax.f32 v43, v59;
	v58 =	vperm.xlane v42, v0;
	v59 =	vld [tilespmem:$0x1FCC0];
	v48 =	vsel vm10, v48, v63  }
0x146: {  	vm10 =	vlt.s32 v44, v57;
	vm15 =	veq.f32 v37, v43;
	vm8 =	veq.f32 v36, v43  }
0x147: {  	vm9 =	veq.f32 v35, v43;
	v44 =	vsel vm10, v44, v57;
	v62 =	vnsel vm15, $0x40, v5  }
0x148: {  	v63 =	vperm.xlane v48, v2;
	v47 =	vsel vm2, v61, v47;
	v45 =	vsel vm8, v6, v62  }
0x149: {  	v61 =	vadd.f32 v33, v21;
	vm15 =	veq.f32 v34, v43;
	v45 =	vsel vm9, v7, v45  }
0x14a: {  	v62 =	vadd.f32 v46, v22;
	vm9 =	vnez.u8 v59;
	v60 =	vsel vm15, v4, v45  }
0x14b: {  	vm15 =	vlt.s32 v42, v58;
	v43 =	vsel vm9, v56, v32;
	v45 =	vperm.xlane v60, v0  }
0x14c: {  	v42 =	vsel vm15, v42, v58;
	v56 =	vperm.xlane v44, v2;
	vm9 =	vlt.s32 v48, v63  }
0x14d: {  	v33 =	vsel vm0, v61, v33;
	v57 =	vperm.xlane v42, v1;
	v48 =	vsel vm9, v48, v63  }
0x14e: {  	vm8 =	vlt.s32 v60, v45;
	vm10 =	vlt.s32 v44, v56;
	v59 =	vperm.xlane v48, v3  }
0x14f: {  	v45 =	vsel vm8, v60, v45;
	vm15 =	vlt.s32 v42, v57;
	v44 =	vsel vm10, v44, v56  }
0x150: {  	v58 =	vperm.xlane v45, v1;
	v42 =	vsel vm15, v42, v57;
	v60 =	vperm.xlane v44, v3  }
0x151: {  	v32 =	vsel vm3, v62, v46;
	vm7 =	vlt.s32 v48, v59;
	v62 =	vperm.xlane v42, v2  }
0x152: {  	v56 =	vsel vm7, v48, v59;
	vm6 =	vlt.s32 v45, v58;
	vm3 =	vlt.s32 v44, v60  }
0x153: {  	vm4 =	veq.s32 v56, v4;
	vm2 =	veq.s32 v56, v7;
	vm0 =	veq.s32 v56, v6  }
0x154: {  	v45 =	vsel vm6, v45, v58;
	v44 =	vsel vm3, v44, v60;
	vm8 =	vlt.s32 v42, v62  }
0x155: {  	v48 =	vsel vm4, $0xFF800000, v26;
	v49 =	vsel vm2, $0xFF800000, v24;
	v50 =	vsel vm0, $0xFF800000, v27  }
0x156: {  	vm3 =	veq.s32 v56, v5;
	v60 =	vimm.s32 $0x0;
	v63 =	vperm.xlane v45, v2  }
0x157: {  	v42 =	vsel vm8, v42, v62;
	v46 =	vsel vm3, $0xFF800000, v25;
	v59 =	vmax.f32 v48, v49  }
0x158: {  	v62 =	vimm.s32 $0x0;
	v57 =	vperm.xlane v42, v3;
	v27 =	vmax.f32 v50, v46  }
0x159: {  	vm8 =	veq.s32 v44, v4;
	vm9 =	vlt.s32 v45, v63;
	v27 =	vmax.f32 v59, v27  }
0x15a: {  	v59 =	vimm.s32 $0x0;
	v45 =	vsel vm9, v45, v63;
	vm10 =	vlt.s32 v42, v57  }
0x15b: {  	v61 =	vperm.xlane v27, v0;
	v58 =	vperm.xlane v45, v3;
	v26 =	vsel vm10, v42, v57  }
0x15c: {  	v63 =	vimm.s32 $0x0;
	vm15 =	veq.s32 v26, v4;
	vm10 =	veq.s32 v26, v7  }
0x15d: {  	v24 =	vmax.f32 v27, v61;
	v25 =	vsel vm15, $0xFFFFFFFF, v60;
	vm9 =	vlt.s32 v45, v58  }
0x15e: {  	v38 =	vsel vm10, $0xFF800000, v38;
	v53 =	vperm.xlane v24, v1;
	v42 =	vsel vm9, v45, v58  }
0x15f: {  	[tilespmem:$0x1FE20] =	vst v25;
	v25 =	vsel vm15, $0xFF800000, v40;
	v40 =	vsel vm10, $0xFFFFFFFF, v62;
	vm15 =	veq.s32 v26, v6  }
0x160: {  	vm9 =	veq.s32 v26, v5;
	v45 =	vimm.s32 $0x0;
	vm10 =	veq.s32 v44, v5  }
0x161: {  	v62 =	vimm.s32 $0x0;
	[tilespmem:$0x1FE30] =	vst v40;
	v40 =	vsel vm15, $0xFFFFFFFF, v63;
	v26 =	vsel vm9, $0xFFFFFFFF, v45  }
0x162: {  	v39 =	vsel vm15, $0xFF800000, v39;
	v51 =	vmax.f32 v25, v38;
	v45 =	vmax.f32 v24, v53  }
0x163: {  	v24 =	vsel vm8, $0xFF800000, v28;
	vm15 =	veq.s32 v44, v6;
	[tilespmem:$0x1FE40] =	vst v40;
	v40 =	vsel vm9, $0xFF800000, v41  }
0x164: {  	vm7 =	veq.s32 v42, v7;
	vm5 =	veq.s32 v42, v6;
	v52 =	vmax.f32 v39, v40  }
0x165: {  	v63 =	vimm.s32 $0x0;
	[tilespmem:$0x1FE50] =	vst v26;
	vm9 =	veq.s32 v44, v7;
	v26 =	vmax.f32 v51, v52  }
0x166: {  	v41 =	vadd.f32 v43, v20;
	v28 =	vsel vm9, $0xFF800000, v31;
	v27 =	vperm.xlane v26, v0  }
0x167: {  	v35 =	vsel vm7, $0xFF800000, v35;
	v36 =	vsel vm5, $0xFF800000, v36;
	v57 =	vmax.f32 v24, v28  }
0x168: {  	v52 =	vsel vm7, $0xFFFFFFFF, v62;
	v41 =	vsel vm1, v41, v43;
	v54 =	vmax.f32 v26, v27  }
0x169: {  	v26 =	vsel vm10, $0xFFFFFFFF, v55;
	v27 =	vsel vm10, $0xFF800000, v30;
	v30 =	vperm.xlane v45, v2  }
0x16a: {  	vm10 =	veq.s32 v42, v4;
	[tilespmem:$0x1FD90] =	vst v26;
	v26 =	vsel vm15, $0xFF800000, v29;
	v56 =	vperm.xlane v54, v1  }
0x16b: {  	v31 =	vsel vm10, $0xFFFFFFFF, v59;
	v34 =	vsel vm10, $0xFF800000, v34;
	vm10 =	veq.s32 v42, v5  }
0x16c: {  	v58 =	vmax.f32 v26, v27;
	v37 =	vsel vm10, $0xFF800000, v37;
	v30 =	vmax.f32 v45, v30  }
0x16d: {  	v44 =	vmax.f32 v57, v58;
	v29 =	vmax.f32 v54, v56;
	v56 =	vimm.s32 $0x0  }
0x16e: {  	v57 =	vmax.f32 v34, v35;
	v58 =	vmax.f32 v36, v37;
	v62 =	vperm.xlane v30, v3  }
0x16f: {  	[tilespmem:$0x1FF30] =	vst v52;
	v60 =	vperm.xlane v44, v0;
	v61 =	vperm.xlane v29, v2;
	v42 =	vsel vm10, $0xFFFFFFFF, v56  }
0x170: {  	v52 =	vsel vm5, $0xFFFFFFFF, v63;
	[tilespmem:$0x1FF50] =	vst v42;
	v42 =	vmax.f32 v57, v58;
	v30 =	vmax.f32 v30, v62  }
0x171: {  	[tilespmem:$0x1FF20] =	vst v31;
	v31 =	vmax.f32 v44, v60;
	v29 =	vmax.f32 v29, v61;
	v44 =	vperm.xlane v42, v0  }
0x172: {  	vm1 =	veq.f32 v46, v30;
	v59 =	vperm.xlane v31, v1;
	v60 =	vperm.xlane v29, v3  }
0x173: {  	v54 =	vadd.f32 v32, v22;
	v61 =	vadd.f32 v47, v23;
	v46 =	vnsel vm1, $0x40, v5  }
0x174: {  	v42 =	vmax.f32 v42, v44;
	v31 =	vmax.f32 v31, v59;
	v43 =	vmax.f32 v29, v60  }
0x175: {  	v63 =	vperm.xlane v42, v1;
	v51 =	vperm.xlane v31, v2;
	vm7 =	veq.f32 v40, v43  }
0x176: {  	v29 =	vsel vm4, v61, v47;
	vm10 =	veq.f32 v39, v43;
	v55 =	vnsel vm7, $0x40, v5  }
0x177: {  	v42 =	vmax.f32 v42, v63;
	vm7 =	veq.f32 v38, v43;
	v31 =	vmax.f32 v31, v51  }
0x178: {  	v57 =	vperm.xlane v42, v2;
	v45 =	vsel vm10, v6, v55;
	v56 =	vperm.xlane v31, v3  }
0x179: {  	v23 =	vadd.f32 v29, v23;
	vm10 =	veq.f32 v25, v43;
	v45 =	vsel vm7, v7, v45  }
0x17a: {  	v42 =	vmax.f32 v42, v57;
	v45 =	vsel vm10, v4, v45;
	v31 =	vmax.f32 v31, v56  }
0x17b: {  	v58 =	vperm.xlane v42, v3;
	v60 =	vperm.xlane v45, v0;
	vm1 =	veq.f32 v27, v31  }
0x17c: {  	vm7 =	veq.f32 v26, v31;
	vm4 =	veq.f32 v28, v31;
	v59 =	vnsel vm1, $0x40, v5  }
0x17d: {  	v42 =	vmax.f32 v42, v58;
	vm1 =	veq.f32 v50, v30;
	v58 =	vadd.f32 v33, v21  }
0x17e: {  	v43 =	vsel vm7, v6, v59;
	vm10 =	veq.f32 v37, v42;
	v46 =	vsel vm1, v6, v46  }
0x17f: {  	vm1 =	veq.f32 v24, v31;
	v43 =	vsel vm4, v7, v43;
	v61 =	vnsel vm10, $0x40, v5  }
0x180: {  	vm4 =	vlt.s32 v45, v60;
	vm10 =	veq.f32 v36, v42;
	v31 =	vsel vm1, v4, v43  }
0x181: {  	v62 =	vsel vm4, v45, v60;
	v63 =	vsel vm10, v6, v61;
	vm1 =	veq.f32 v49, v30  }
0x182: {  	vm10 =	veq.f32 v35, v42;
	v49 =	vimm.s32 $0x0;
	v50 =	vperm.xlane v31, v0  }
0x183: {  	v46 =	vsel vm1, v7, v46;
	v44 =	vsel vm10, v7, v63;
	v51 =	vperm.xlane v62, v1  }
0x184: {  	vm1 =	veq.f32 v48, v30;
	vm10 =	veq.f32 v34, v42;
	v48 =	vimm.s32 $0x0  }
0x185: {  	v30 =	vsel vm1, v4, v46;
	v42 =	vsel vm10, v4, v44;
	v46 =	vsel vm2, v54, v32  }
0x186: {  	v44 =	vsel vm0, v58, v33;
	v54 =	vimm.s32 $0x0;
	vm4 =	vlt.s32 v31, v50  }
0x187: {  	[tilespmem:$0x1FF40] =	vst v52;
	v52 =	vperm.xlane v30, v0;
	v53 =	vperm.xlane v42, v0;
	vm7 =	vlt.s32 v62, v51  }
0x188: {  	v22 =	vadd.f32 v46, v22;
	v31 =	vsel vm4, v31, v50;
	v43 =	vsel vm7, v62, v51  }
0x189: {  	v50 =	vimm.s32 $0x0;
	v55 =	vperm.xlane v31, v1;
	vm10 =	vlt.s32 v42, v53  }
0x18a: {  	v56 =	vperm.xlane v43, v2;
	vm1 =	vlt.s32 v30, v52;
	v57 =	vsel vm10, v42, v53  }
0x18b: {  	v30 =	vsel vm1, v30, v52;
	v52 =	vimm.s32 $0x0;
	v42 =	vperm.xlane v57, v1  }
0x18c: {  	vm7 =	vlt.s32 v31, v55;
	vm10 =	vlt.s32 v43, v56;
	v59 =	vperm.xlane v30, v1  }
0x18d: {  	v31 =	vsel vm7, v31, v55;
	v43 =	vsel vm10, v43, v56;
	v55 =	vimm.s32 $0x0  }
0x18e: {  	v56 =	vimm.s32 $0x0;
	v60 =	vperm.xlane v43, v3;
	vm4 =	vlt.s32 v57, v42  }
0x18f: {  	v61 =	vperm.xlane v31, v2;
	vm5 =	vlt.s32 v30, v59;
	v32 =	vsel vm4, v57, v42  }
0x190: {  	v45 =	vsel vm5, v30, v59;
	v42 =	vperm.xlane v32, v2;
	vm6 =	vlt.s32 v43, v60  }
0x191: {  	vm7 =	vlt.s32 v31, v61;
	v53 =	vperm.xlane v45, v2;
	v62 =	vsel vm6, v43, v60  }
0x192: {  	v63 =	vsel vm7, v31, v61;
	v60 =	vadd.f32 v41, v20;
	vm1 =	veq.s32 v62, v4  }
0x193: {  	vm10 =	vlt.s32 v32, v42;
	vm4 =	veq.s32 v62, v7;
	vm5 =	veq.s32 v62, v6  }
0x194: {  	vm6 =	veq.s32 v62, v5;
	v61 =	vperm.xlane v63, v3;
	vm7 =	vlt.s32 v45, v53  }
0x195: {  	v62 =	vimm.s32 $0x0;
	v31 =	vsel vm1, $0xFFFFFFFF, v52;
	v42 =	vsel vm10, v32, v42  }
0x196: {  	v32 =	vsel vm1, $0xFF800000, v25;
	v25 =	vsel vm4, $0xFFFFFFFF, v54;
	v33 =	vsel vm4, $0xFF800000, v38;
	[tilespmem:$0x1FE60] =	vst v31  }
0x197: {  	v30 =	vsel vm5, $0xFF800000, v39;
	[tilespmem:$0x1FE70] =	vst v25;
	v25 =	vsel vm5, $0xFFFFFFFF, v55;
	v31 =	vsel vm6, $0xFF800000, v40  }
0x198: {  	v57 =	vmax.f32 v32, v33;
	v59 =	vperm.xlane v42, v3;
	v40 =	vsel vm3, v60, v41  }
0x199: {  	v41 =	vsel vm7, v45, v53;
	vm4 =	vlt.s32 v63, v61;
	[tilespmem:$0x1FE80] =	vst v25;
	v25 =	vsel vm6, $0xFFFFFFFF, v56  }
0x19a: {  	v58 =	vmax.f32 v30, v31;
	v63 =	vsel vm4, v63, v61;
	v54 =	vperm.xlane v41, v3  }
0x19b: {  	[tilespmem:$0x1FE90] =	vst v25;
	v25 =	vmax.f32 v57, v58;
	vm10 =	vlt.s32 v42, v59;
	vm4 =	veq.s32 v63, v4  }
0x19c: {  	v38 =	vperm.xlane v25, v0;
	v39 =	vsel vm10, v42, v59;
	vm0 =	vlt.s32 v41, v54  }
0x19d: {  	vm1 =	veq.s32 v39, v4;
	vm5 =	veq.s32 v39, v7;
	vm6 =	veq.s32 v39, v6  }
0x19e: {  	vm7 =	veq.s32 v39, v5;
	v41 =	vsel vm0, v41, v54;
	v25 =	vmax.f32 v25, v38  }
0x19f: {  	v38 =	vsel vm1, $0xFFFFFFFF, v62;
	v34 =	vsel vm1, $0xFF800000, v34;
	v43 =	vsel vm5, $0xFFFFFFFF, v48  }
0x1a0: {  	v39 =	vsel vm7, $0xFFFFFFFF, v50;
	v35 =	vsel vm5, $0xFF800000, v35;
	v36 =	vsel vm6, $0xFF800000, v36  }
0x1a1: {  	v37 =	vsel vm7, $0xFF800000, v37;
	vm5 =	veq.s32 v63, v7;
	vm7 =	veq.s32 v63, v5  }
0x1a2: {  	vm0 =	veq.s32 v41, v4;
	v47 =	vperm.xlane v25, v1;
	[tilespmem:$0x1FF70] =	vst v43;
	v43 =	vsel vm6, $0xFFFFFFFF, v49  }
0x1a3: {  	v52 =	vmax.f32 v34, v35;
	v53 =	vmax.f32 v36, v37;
	vm6 =	veq.s32 v63, v6  }
0x1a4: {  	v27 =	vsel vm7, $0xFF800000, v27;
	v23 =	vsel vm0, v23, v29;
	v42 =	vmax.f32 v52, v53  }
0x1a5: {  	v26 =	vsel vm6, $0xFF800000, v26;
	v51 =	vmax.f32 v25, v47;
	v56 =	vperm.xlane v42, v0  }
0x1a6: {  	v25 =	vsel vm4, $0xFF800000, v24;
	v24 =	vsel vm5, $0xFF800000, v28;
	v55 =	vperm.xlane v51, v2  }
0x1a7: {  	v60 =	vmax.f32 v26, v27;
	v59 =	vmax.f32 v25, v24;
	v42 =	vmax.f32 v42, v56  }
0x1a8: {  	[tilespmem:$0x1FF60] =	vst v38;
	v38 =	vmax.f32 v59, v60;
	v57 =	vmax.f32 v51, v55;
	v58 =	vperm.xlane v42, v1  }
0x1a9: {  	[tilespmem:$0x1FF90] =	vst v39;
	vm0 =	veq.s32 v41, v7;
	v63 =	vperm.xlane v38, v0;
	v39 =	vperm.xlane v57, v3  }
0x1aa: {  	v21 =	vadd.f32 v44, v21;
	v20 =	vadd.f32 v40, v20;
	v22 =	vsel vm0, v22, v46  }
0x1ab: {  	v42 =	vmax.f32 v42, v58;
	v38 =	vmax.f32 v38, v63;
	v28 =	vmax.f32 v57, v39  }
0x1ac: {  	v62 =	vperm.xlane v42, v2;
	v48 =	vperm.xlane v38, v1;
	vm10 =	veq.f32 v31, v28  }
0x1ad: {  	v56 =	vadd.f32 $0.0e+00, v11;
	v55 =	vadd.f32 $0.0e+00, v10;
	v61 =	vnsel vm10, $0x40, v5  }
0x1ae: {  	vm10 =	veq.f32 v30, v28;
	v39 =	vmax.f32 v42, v62;
	v38 =	vmax.f32 v38, v48  }
0x1af: {  	v45 =	vsel vm10, v6, v61;
	v42 =	vperm.xlane v39, v3;
	vm10 =	veq.f32 v33, v28  }
0x1b0: {  	[tilespmem:$0x1FF80] =	vst v43;
	v50 =	vperm.xlane v38, v2;
	v43 =	vsel vm10, v7, v45;
	vm10 =	veq.f32 v32, v28  }
0x1b1: {  	v57 =	vadd.f32 $0.0e+00, v8;
	v39 =	vmax.f32 v39, v42;
	v28 =	vsel vm10, v4, v43  }
0x1b2: {  	v38 =	vmax.f32 v38, v50;
	vm10 =	veq.f32 v37, v39;
	v43 =	vperm.xlane v28, v0  }
0x1b3: {  	v42 =	vperm.xlane v38, v3;
	v49 =	vnsel vm10, $0x40, v5;
	vm10 =	veq.f32 v36, v39  }
0x1b4: {  	v48 =	vimm.s32 $0x0;
	v50 =	vimm.s32 $0x0;
	v29 =	vsel vm10, v6, v49  }
0x1b5: {  	vm10 =	veq.f32 v35, v39;
	vm0 =	vlt.s32 v28, v43;
	v38 =	vmax.f32 v38, v42  }
0x1b6: {  	v29 =	vsel vm10, v7, v29;
	vm10 =	veq.f32 v34, v39;
	v28 =	vsel vm0, v28, v43  }
0x1b7: {  	v29 =	vsel vm10, v4, v29;
	v51 =	vperm.xlane v28, v1;
	vm10 =	veq.s32 v41, v6  }
0x1b8: {  	v21 =	vsel vm10, v21, v44;
	v52 =	vperm.xlane v29, v0;
	vm10 =	veq.f32 v27, v38  }
0x1b9: {  	vm0 =	veq.f32 v26, v38;
	v53 =	vnsel vm10, $0x40, v5;
	vm10 =	vlt.s32 v28, v51  }
0x1ba: {  	v43 =	vsel vm0, v6, v53;
	v28 =	vsel vm10, v28, v51;
	vm10 =	vlt.s32 v29, v52  }
0x1bb: {  	v59 =	vld [tilespmem:$0x1FCD0];
	vm0 =	veq.s32 v41, v5;
	v51 =	vimm.s32 $0x0;
	v29 =	vsel vm10, v29, v52  }
0x1bc: {  	v62 =	vld [tilespmem:$0x1FCE0];
	v39 =	vperm.xlane v28, v2;
	vm10 =	veq.f32 v24, v38;
	v20 =	vsel vm0, v20, v40  }
0x1bd: {  	v63 =	vld [tilespmem:$0x1FCF0];
	v42 =	vperm.xlane v29, v1;
	v54 =	vsel vm10, v7, v43;
	vm10 =	veq.f32 v25, v38  }
0x1be: {  	v52 =	vimm.s32 $0x0;
	v38 =	vsel vm10, v4, v54;
	vm0 =	vlt.s32 v28, v39  }
0x1bf: {  	vm10 =	vlt.s32 v29, v42;
	v28 =	vsel vm0, v28, v39;
	v60 =	vperm.xlane v38, v0  }
0x1c0: {  	v29 =	vsel vm10, v29, v42;
	v58 =	vperm.xlane v28, v3;
	vm10 =	vnez.u8 v59  }
0x1c1: {  	v39 =	vnsel vm10, $0x0, v55;
	v61 =	vperm.xlane v29, v2;
	vm10 =	vnez.u8 v62  }
0x1c2: {  	v62 =	vimm.s32 $0x0;
	v40 =	vnsel vm10, $0x0, v56;
	vm10 =	vnez.u8 v63  }
0x1c3: {  	v56 =	vadd.f32 $0.0e+00, v9;
	v41 =	vnsel vm10, $0x0, v57;
	vm10 =	vlt.s32 v28, v58  }
0x1c4: {  	vm1 =	vlt.s32 v29, v61;
	v57 =	vimm.s32 $0x0;
	v42 =	vsel vm10, v28, v58  }
0x1c5: {  	vm10 =	vlt.s32 v38, v60;
	v47 =	vsel vm1, v29, v61;
	v61 =	vimm.s32 $0x0  }
0x1c6: {  	v38 =	vsel vm10, v38, v60;
	vm10 =	veq.s32 v42, v4;
	v49 =	vperm.xlane v47, v3  }
0x1c7: {  	vm1 =	veq.s32 v42, v6;
	v60 =	vimm.s32 $0x0;
	v28 =	vsel vm10, $0xFFFFFFFF, v48  }
0x1c8: {  	v29 =	vsel vm10, $0xFF800000, v32;
	vm10 =	veq.s32 v42, v7;
	v30 =	vsel vm1, $0xFF800000, v30  }
0x1c9: {  	v58 =	vperm.xlane v38, v1;
	[tilespmem:$0x1FEA0] =	vst v28;
	v28 =	vsel vm10, $0xFFFFFFFF, v50;
	v50 =	vadd.f32 v39, v10  }
0x1ca: {  	[tilespmem:$0x1FEB0] =	vst v28;
	v28 =	vsel vm10, $0xFF800000, v33;
	v33 =	vsel vm1, $0xFFFFFFFF, v51;
	vm10 =	veq.s32 v42, v5  }
0x1cb: {  	[tilespmem:$0x1FEC0] =	vst v33;
	v33 =	vsel vm10, $0xFFFFFFFF, v52;
	v31 =	vsel vm10, $0xFF800000, v31;
	vm10 =	vlt.s32 v47, v49  }
0x1cc: {  	v54 =	vmax.f32 v29, v28;
	v53 =	vsel vm10, v47, v49;
	v55 =	vmax.f32 v30, v31  }
0x1cd: {  	v42 =	vmax.f32 v54, v55;
	vm0 =	veq.s32 v53, v4;
	vm1 =	veq.s32 v53, v7  }
0x1ce: {  	[tilespmem:$0x1FED0] =	vst v33;
	vm2 =	veq.s32 v53, v6;
	vm10 =	veq.s32 v53, v5;
	v32 =	vsel vm0, $0xFFFFFFFF, v57  }
0x1cf: {  	v53 =	vld [tilespmem:$0x1FD00];
	v59 =	vperm.xlane v42, v0;
	v33 =	vsel vm10, $0xFFFFFFFF, v62;
	[tilespmem:$0x1FFA0] =	vst v32;
	v32 =	vsel vm0, $0xFF800000, v34  }
0x1d0: {  	v54 =	vld [tilespmem:$0x1FD10];
	v34 =	vsel vm1, $0xFFFFFFFF, v60;
	[tilespmem:$0x1FFD0] =	vst v33;
	v33 =	vsel vm1, $0xFF800000, v35;
	v35 =	vsel vm10, $0xFF800000, v37  }
0x1d1: {  	vm10 =	vlt.s32 v38, v58;
	[tilespmem:$0x1FFB0] =	vst v34;
	v34 =	vsel vm2, $0xFFFFFFFF, v61;
	v63 =	vmax.f32 v42, v59  }
0x1d2: {  	v48 =	vmax.f32 v32, v33;
	v38 =	vsel vm10, v38, v58;
	[tilespmem:$0x1FFC0] =	vst v34;
	v34 =	vsel vm2, $0xFF800000, v36  }
0x1d3: {  	v57 =	vld [tilespmem:$0x1FD20];
	v58 =	vadd.f32 v41, v8;
	v51 =	vperm.xlane v63, v1;
	v49 =	vmax.f32 v34, v35  }
0x1d4: {  	v55 =	vperm.xlane v38, v2;
	vm10 =	vnez.u8 v53;
	v37 =	vmax.f32 v48, v49  }
0x1d5: {  	v43 =	vnsel vm10, $0x0, v56;
	vm10 =	vnez.u8 v54;
	v56 =	vadd.f32 v40, v11  }
0x1d6: {  	v36 =	vmax.f32 v63, v51;
	vm0 =	vlt.s32 v38, v55;
	v63 =	vld [tilespmem:$0x1FD30];
	v52 =	vperm.xlane v37, v0  }
0x1d7: {  	v49 =	vld [tilespmem:$0x1FD40];
	v39 =	vsel vm10, v50, v39;
	v42 =	vperm.xlane v36, v2;
	v38 =	vsel vm0, v38, v55  }
0x1d8: {  	vm10 =	vnez.u8 v57;
	v59 =	vadd.f32 v43, v9;
	v50 =	vperm.xlane v38, v3  }
0x1d9: {  	v40 =	vsel vm10, v56, v40;
	v60 =	vadd.f32 v39, v10;
	v37 =	vmax.f32 v37, v52  }
0x1da: {  	v51 =	vld [tilespmem:$0x1FD50];
	v36 =	vmax.f32 v36, v42;
	v44 =	vperm.xlane v37, v1;
	vm0 =	vlt.s32 v38, v50  }
0x1db: {  	v61 =	vperm.xlane v36, v3;
	vm10 =	vnez.u8 v63;
	v38 =	vsel vm0, v38, v50  }
0x1dc: {  	v37 =	vmax.f32 v37, v44;
	v41 =	vsel vm10, v58, v41;
	vm10 =	vnez.u8 v49  }
0x1dd: {  	v36 =	vmax.f32 v36, v61;
	vm2 =	veq.s32 v38, v7;
	vm1 =	veq.s32 v38, v6  }
0x1de: {  	vm3 =	veq.s32 v38, v5;
	v58 =	vadd.f32 v40, v11;
	v62 =	vperm.xlane v37, v2  }
0x1df: {  	v43 =	vsel vm10, v59, v43;
	vm10 =	vnez.u8 v51;
	vm0 =	veq.f32 v29, v36  }
0x1e0: {  	v24 =	vsel vm2, $0xFF800000, v24;
	v26 =	vsel vm1, $0xFF800000, v26;
	v27 =	vsel vm3, $0xFF800000, v27  }
0x1e1: {  	v59 =	vadd.f32 v41, v8;
	v39 =	vsel vm10, v60, v39;
	vm10 =	veq.f32 v31, v36  }
0x1e2: {  	v37 =	vmax.f32 v37, v62;
	v53 =	vnsel vm10, $0x40, v5;
	vm10 =	veq.f32 v30, v36  }
0x1e3: {  	v52 =	vperm.xlane v37, v3;
	v44 =	vsel vm10, v6, v53;
	vm10 =	veq.f32 v28, v36  }
0x1e4: {  	v57 =	vmax.f32 v26, v27;
	v60 =	vadd.f32 v43, v9;
	v54 =	vsel vm10, v7, v44  }
0x1e5: {  	v63 =	vld [tilespmem:$0x1FD60];
	v37 =	vmax.f32 v37, v52;
	v36 =	vsel vm0, v4, v54;
	vm0 =	veq.s32 v38, v4  }
0x1e6: {  	v51 =	vld [tilespmem:$0x1FD70];
	vm10 =	veq.f32 v35, v37;
	v25 =	vsel vm0, $0xFF800000, v25;
	v62 =	vperm.xlane v36, v0  }
0x1e7: {  	v55 =	vnsel vm10, $0x40, v5;
	vm10 =	veq.f32 v34, v37;
	v56 =	vmax.f32 v25, v24  }
0x1e8: {  	v53 =	vld [tilespmem:$0x1FD80];
	v42 =	vsel vm10, v6, v55;
	vm10 =	veq.f32 v33, v37;
	v38 =	vmax.f32 v56, v57  }
0x1e9: {  	v55 =	vadd.f32 v39, v10;
	v42 =	vsel vm10, v7, v42;
	vm10 =	veq.f32 v32, v37  }
0x1ea: {  	v61 =	vperm.xlane v38, v0;
	v37 =	vsel vm10, v4, v42;
	vm10 =	vnez.u8 v63  }
0x1eb: {  	v39 =	vsel vm13, v55, v39;
	v40 =	vsel vm10, v58, v40;
	vm10 =	vnez.u8 v51  }
0x1ec: {  	v52 =	vperm.xlane v37, v0;
	v38 =	vmax.f32 v38, v61;
	v41 =	vsel vm10, v59, v41  }
0x1ed: {  	vm10 =	vnez.u8 v53;
	v54 =	vperm.xlane v38, v1;
	v57 =	vadd.f32 v40, v11  }
0x1ee: {  	v42 =	vsel vm10, v60, v43;
	vm10 =	vlt.s32 v36, v62;
	v60 =	vadd.f32 v41, v8  }
0x1ef: {  	v36 =	vsel vm10, v36, v62;
	vm10 =	vlt.s32 v37, v52;
	v38 =	vmax.f32 v38, v54  }
0x1f0: {  	v40 =	vsel vm14, v57, v40;
	v61 =	vadd.f32 v42, v9;
	v62 =	vadd.f32 v39, v10  }
0x1f1: {  	v37 =	vsel vm10, v37, v52;
	v56 =	vperm.xlane v36, v1;
	v59 =	vperm.xlane v38, v2  }
0x1f2: {  	v41 =	vsel vm12, v60, v41;
	v50 =	vadd.f32 v40, v11;
	v60 =	vimm.s32 $0x0  }
0x1f3: {  	v58 =	vperm.xlane v37, v1;
	v42 =	vsel vm11, v61, v42;
	v39 =	vsel vm8, v62, v39  }
0x1f4: {  	v55 =	vadd.f32 v41, v8;
	vm13 =	vlt.s32 v36, v56;
	v38 =	vmax.f32 v38, v59  }
0x1f5: {  	v40 =	vsel vm9, v50, v40;
	vm14 =	vlt.s32 v37, v58;
	v63 =	vperm.xlane v38, v3  }
0x1f6: {  	v46 =	vadd.f32 v39, v10;
	v36 =	vsel vm13, v36, v56;
	v37 =	vsel vm14, v37, v58  }
0x1f7: {  	v48 =	vperm.xlane v36, v2;
	v49 =	vperm.xlane v37, v2;
	v38 =	vmax.f32 v38, v63  }
0x1f8: {  	v44 =	vld [tilespmem:$0x1FD90];
	v56 =	vadd.f32 v42, v9;
	v58 =	vimm.s32 $0x0;
	vm12 =	veq.f32 v27, v38  }
0x1f9: {  	vm13 =	vlt.s32 v36, v48;
	vm14 =	vlt.s32 v37, v49;
	v27 =	vnsel vm12, $0x40, v5  }
0x1fa: {  	v36 =	vsel vm13, v36, v48;
	vm12 =	veq.f32 v26, v38;
	vm13 =	veq.f32 v24, v38  }
0x1fb: {  	v48 =	vadd.f32 v40, v11;
	v37 =	vsel vm14, v37, v49;
	v51 =	vperm.xlane v36, v3  }
0x1fc: {  	v26 =	vsel vm12, v6, v27;
	vm12 =	veq.f32 v25, v38;
	v38 =	vsel vm15, v55, v41  }
0x1fd: {  	vm15 =	vnez.u8 v44;
	v52 =	vperm.xlane v37, v3;
	v24 =	vsel vm13, v7, v26  }
0x1fe: {  	v41 =	vsel vm15, v56, v42;
	vm14 =	vlt.s32 v36, v51;
	v54 =	vsel vm12, v4, v24  }
0x1ff: {  	v53 =	vsel vm14, v36, v51;
	vm13 =	vlt.s32 v37, v52;
	v59 =	vperm.xlane v54, v0  }
0x200: {  	v36 =	vsel vm4, v46, v39;
	v51 =	vsel vm5, v48, v40;
	v37 =	vsel vm13, v37, v52  }
0x201: {  	vm10 =	veq.s32 v53, v4;
	vm9 =	veq.s32 v53, v7;
	vm12 =	veq.s32 v53, v6  }
0x202: {  	vm11 =	veq.s32 v53, v5;
	v53 =	vadd.f32 v38, v8;
	v25 =	vsel vm10, $0xFF800000, v29  }
0x203: {  	v27 =	vsel vm9, $0xFF800000, v28;
	v26 =	vsel vm12, $0xFF800000, v30;
	v24 =	vsel vm11, $0xFF800000, v31  }
0x204: {  	vm14 =	veq.s32 v37, v4;
	vm13 =	veq.s32 v37, v6;
	vm8 =	veq.s32 v37, v5  }
0x205: {  	v28 =	vmax.f32 v25, v27;
	v57 =	vmax.f32 v26, v24;
	v30 =	vsel vm14, $0xFFFFFFFF, v58  }
0x206: {  	v29 =	vsel vm14, $0xFF800000, v32;
	vm14 =	veq.s32 v37, v7;
	v31 =	vsel vm8, $0xFFFFFFFF, v60  }
0x207: {  	v32 =	vsel vm13, $0xFF800000, v34;
	v58 =	vadd.f32 v36, v10;
	v28 =	vmax.f32 v28, v57  }
0x208: {  	[tilespmem:$0x1FFF0] =	vst v31;
	v31 =	vsel vm14, $0xFF800000, v33;
	v33 =	vsel vm8, $0xFF800000, v35;
	vm8 =	vlt.s32 v54, v59  }
0x209: {  	v61 =	vperm.xlane v28, v0;
	v62 =	vmax.f32 v29, v31;
	v63 =	vmax.f32 v32, v33  }
0x20a: {  	[tilespmem:$0x1FFE0] =	vst v30;
	v30 =	vsel vm8, v54, v59;
	v54 =	vadd.f32 v41, v9;
	v36 =	vsel vm0, v58, v36  }
0x20b: {  	v35 =	vmax.f32 v62, v63;
	v49 =	vperm.xlane v30, v1;
	v62 =	vadd.f32 v51, v11  }
0x20c: {  	v10 =	vadd.f32 v36, v10;
	v28 =	vmax.f32 v28, v61;
	v45 =	vperm.xlane v35, v0  }
0x20d: {  	v37 =	vsel vm7, v54, v41;
	v41 =	vadd.f32 $0.0e+00, v17;
	vm15 =	vlt.s32 v30, v49  }
0x20e: {  	v47 =	vperm.xlane v28, v1;
	v34 =	vmax.f32 v35, v45;
	v30 =	vsel vm15, v30, v49  }
0x20f: {  	v35 =	vsel vm6, v53, v38;
	v45 =	vadd.f32 v37, v9;
	v50 =	vperm.xlane v34, v1  }
0x210: {  	v28 =	vmax.f32 v28, v47;
	v56 =	vperm.xlane v30, v2;
	v63 =	vadd.f32 v35, v8  }
0x211: {  	v52 =	vperm.xlane v28, v2;
	v37 =	vsel vm3, v45, v37;
	v34 =	vmax.f32 v34, v50  }
0x212: {  	vm4 =	vlt.s32 v30, v56;
	v35 =	vsel vm1, v63, v35;
	v9 =	vadd.f32 v37, v9  }
0x213: {  	v28 =	vmax.f32 v28, v52;
	v55 =	vperm.xlane v34, v2;
	v30 =	vsel vm4, v30, v56  }
0x214: {  	v8 =	vadd.f32 v35, v8;
	v57 =	vperm.xlane v28, v3;
	v46 =	vperm.xlane v30, v3  }
0x215: {  	v56 =	vadd.f32 $0.0e+00, v14;
	v34 =	vmax.f32 v34, v55;
	v55 =	vadd.f32 $0.0e+00, v13  }
0x216: {  	v28 =	vmax.f32 v28, v57;
	v40 =	vperm.xlane v34, v3;
	vm4 =	vlt.s32 v30, v46  }
0x217: {  	vm6 =	veq.f32 v24, v28;
	vm7 =	veq.f32 v26, v28;
	vm8 =	veq.f32 v27, v28  }
0x218: {  	v30 =	vsel vm4, v30, v46;
	v59 =	vnsel vm6, $0x40, v5;
	v34 =	vmax.f32 v34, v40  }
0x219: {  	vm4 =	veq.s32 v30, v6;
	v38 =	vsel vm7, v6, v59;
	vm15 =	veq.f32 v33, v34  }
0x21a: {  	vm7 =	veq.s32 v30, v4;
	v8 =	vsel vm4, v8, v35;
	v59 =	vadd.f32 $0.0e+00, v12  }
0x21b: {  	v38 =	vsel vm8, v7, v38;
	v60 =	vnsel vm15, $0x40, v5;
	vm8 =	veq.f32 v32, v34  }
0x21c: {  	vm15 =	veq.f32 v25, v28;
	v40 =	vsel vm8, v6, v60;
	vm8 =	veq.f32 v31, v34  }
0x21d: {  	v28 =	vsel vm15, v4, v38;
	vm15 =	veq.f32 v29, v34;
	v61 =	vsel vm8, v7, v40  }
0x21e: {  	v54 =	vld [tilespmem:$0x1FDA0];
	v10 =	vsel vm7, v10, v36;
	v47 =	vperm.xlane v28, v0;
	v34 =	vsel vm15, v4, v61  }
0x21f: {  	v38 =	vsel vm2, v62, v51;
	v51 =	vadd.f32 $0.0e+00, v15;
	v48 =	vperm.xlane v34, v0  }
0x220: {  	v11 =	vadd.f32 v38, v11;
	vm8 =	veq.s32 v30, v7;
	v61 =	vld [tilespmem:$0x1FDC0];
	vm5 =	vlt.s32 v28, v47  }
0x221: {  	v63 =	vld [tilespmem:$0x1FDD0];
	v40 =	vadd.f32 $0.0e+00, v19;
	v28 =	vsel vm5, v28, v47;
	vm6 =	vlt.s32 v34, v48  }
0x222: {  	v11 =	vsel vm8, v11, v38;
	v49 =	vperm.xlane v28, v1;
	v34 =	vsel vm6, v34, v48  }
0x223: {  	v58 =	vld [tilespmem:$0x1FDB0];
	vm5 =	veq.s32 v30, v5;
	vm6 =	vnez.u8 v54;
	v50 =	vperm.xlane v34, v1  }
0x224: {  	v9 =	vsel vm5, v9, v37;
	vm1 =	vlt.s32 v28, v49;
	v30 =	vnsel vm6, $0x0, v51  }
0x225: {  	vm4 =	vnez.u8 v61;
	v28 =	vsel vm1, v28, v49;
	vm15 =	vlt.s32 v34, v50  }
0x226: {  	v44 =	vld [tilespmem:$0x1FDE0];
	vm6 =	vnez.u8 v63;
	v52 =	vperm.xlane v28, v2;
	v34 =	vsel vm15, v34, v50  }
0x227: {  	v35 =	vnsel vm4, $0x0, v56;
	v62 =	vadd.f32 v30, v15;
	v53 =	vperm.xlane v34, v2  }
0x228: {  	v38 =	vnsel vm6, $0x0, v59;
	vm15 =	vnez.u8 v58;
	vm7 =	vlt.s32 v28, v52  }
0x229: {  	v50 =	vadd.f32 v35, v14;
	v28 =	vsel vm7, v28, v52;
	vm8 =	vlt.s32 v34, v53  }
0x22a: {  	v36 =	vnsel vm15, $0x0, v55;
	v52 =	vld [tilespmem:$0x1FDF0];
	v57 =	vperm.xlane v28, v3;
	v34 =	vsel vm8, v34, v53  }
0x22b: {  	v45 =	vadd.f32 v36, v13;
	vm8 =	vnez.u8 v44;
	v60 =	vperm.xlane v34, v3  }
0x22c: {  	v53 =	vadd.f32 v38, v12;
	vm5 =	vlt.s32 v28, v57;
	v30 =	vsel vm8, v62, v30  }
0x22d: {  	v28 =	vsel vm5, v28, v57;
	v56 =	vadd.f32 v30, v15;
	vm7 =	vlt.s32 v34, v60  }
0x22e: {  	vm2 =	veq.s32 v28, v4;
	vm4 =	veq.s32 v28, v7;
	vm1 =	veq.s32 v28, v6  }
0x22f: {  	vm3 =	veq.s32 v28, v5;
	vm15 =	vnez.u8 v52;
	v34 =	vsel vm7, v34, v60  }
0x230: {  	v25 =	vsel vm2, $0xFF800000, v25;
	v27 =	vsel vm4, $0xFF800000, v27;
	v26 =	vsel vm1, $0xFF800000, v26  }
0x231: {  	v55 =	vld [tilespmem:$0x1FE00];
	v24 =	vsel vm3, $0xFF800000, v24;
	v36 =	vsel vm15, v45, v36;
	vm8 =	veq.s32 v34, v4  }
0x232: {  	v57 =	vld [tilespmem:$0x1FE10];
	vm7 =	veq.s32 v34, v7;
	vm6 =	veq.s32 v34, v6;
	vm5 =	veq.s32 v34, v5  }
0x233: {  	v48 =	vmax.f32 v25, v27;
	v49 =	vmax.f32 v26, v24;
	v29 =	vsel vm8, $0xFF800000, v29  }
0x234: {  	v60 =	vld [tilespmem:$0x1FE20];
	v31 =	vsel vm7, $0xFF800000, v31;
	v32 =	vsel vm6, $0xFF800000, v32;
	v33 =	vsel vm5, $0xFF800000, v33  }
0x235: {  	v39 =	vmax.f32 v48, v49;
	v46 =	vmax.f32 v29, v31;
	v47 =	vmax.f32 v32, v33  }
0x236: {  	vm15 =	vnez.u8 v55;
	v54 =	vperm.xlane v39, v0;
	v28 =	vmax.f32 v46, v47  }
0x237: {  	v34 =	vsel vm15, v50, v35;
	vm15 =	vnez.u8 v57;
	v46 =	vld [tilespmem:$0x1FE30];
	v51 =	vperm.xlane v28, v0  }
0x238: {  	v61 =	vadd.f32 v36, v13;
	v49 =	vld [tilespmem:$0x1FE40];
	v37 =	vsel vm15, v53, v38;
	v58 =	vmax.f32 v39, v54  }
0x239: {  	v50 =	vld [tilespmem:$0x1FE50];
	vm15 =	vnez.u8 v60;
	v62 =	vperm.xlane v58, v1;
	v28 =	vmax.f32 v28, v51  }
0x23a: {  	v63 =	vadd.f32 v34, v14;
	v30 =	vsel vm15, v56, v30;
	v59 =	vperm.xlane v28, v1  }
0x23b: {  	v45 =	vadd.f32 v37, v12;
	v56 =	vld [tilespmem:$0x1FE60];
	v52 =	vadd.f32 v30, v15;
	v47 =	vmax.f32 v58, v62  }
0x23c: {  	vm15 =	vnez.u8 v46;
	v51 =	vperm.xlane v47, v2;
	v28 =	vmax.f32 v28, v59  }
0x23d: {  	v35 =	vsel vm15, v61, v36;
	vm15 =	vnez.u8 v49;
	v59 =	vld [tilespmem:$0x1FE70];
	v48 =	vperm.xlane v28, v2  }
0x23e: {  	v60 =	vld [tilespmem:$0x1FE80];
	v34 =	vsel vm15, v63, v34;
	vm15 =	vnez.u8 v50;
	v53 =	vadd.f32 v35, v13  }
0x23f: {  	v61 =	vld [tilespmem:$0x1FE90];
	v36 =	vmax.f32 v47, v51;
	v37 =	vsel vm15, v45, v37;
	v54 =	vadd.f32 v34, v14  }
0x240: {  	vm15 =	vnez.u8 v56;
	v58 =	vperm.xlane v36, v3;
	v28 =	vmax.f32 v28, v48  }
0x241: {  	v30 =	vsel vm15, v52, v30;
	v57 =	vadd.f32 v37, v12;
	v55 =	vperm.xlane v28, v3  }
0x242: {  	v36 =	vmax.f32 v36, v58;
	v43 =	vadd.f32 v30, v15;
	vm15 =	vnez.u8 v59  }
0x243: {  	v35 =	vsel vm15, v53, v35;
	vm15 =	vnez.u8 v60;
	v28 =	vmax.f32 v28, v55  }
0x244: {  	v34 =	vsel vm15, v54, v34;
	vm15 =	vnez.u8 v61;
	vm0 =	veq.f32 v33, v28  }
0x245: {  	v44 =	vadd.f32 v35, v13;
	v37 =	vsel vm15, v57, v37;
	v62 =	vnsel vm0, $0x40, v5  }
0x246: {  	v47 =	vld [tilespmem:$0x1FEA0];
	vm15 =	veq.f32 v24, v36;
	vm0 =	veq.f32 v32, v28;
	v45 =	vadd.f32 v34, v14  }
0x247: {  	v48 =	vld [tilespmem:$0x1FEB0];
	v24 =	vnsel vm15, $0x40, v5;
	v38 =	vsel vm0, v6, v62;
	vm15 =	veq.f32 v31, v28  }
0x248: {  	vm0 =	veq.f32 v26, v36;
	v38 =	vsel vm15, v7, v38;
	vm15 =	veq.f32 v29, v28  }
0x249: {  	v49 =	vld [tilespmem:$0x1FEC0];
	v24 =	vsel vm0, v6, v24;
	v63 =	vsel vm15, v4, v38;
	vm15 =	veq.f32 v27, v36  }
0x24a: {  	v24 =	vsel vm15, v7, v24;
	v42 =	vperm.xlane v63, v0;
	vm15 =	veq.f32 v25, v36  }
0x24b: {  	v54 =	vld [tilespmem:$0x1FED0];
	v51 =	vadd.f32 v37, v12;
	v24 =	vsel vm15, v4, v24;
	vm15 =	vnez.u8 v47  }
0x24c: {  	vm0 =	vlt.s32 v63, v42;
	v25 =	vsel vm15, v43, v30;
	vm15 =	vnez.u8 v48  }
0x24d: {  	v46 =	vperm.xlane v24, v0;
	v28 =	vsel vm15, v44, v35;
	v26 =	vsel vm0, v63, v42  }
0x24e: {  	vm15 =	vnez.u8 v49;
	v52 =	vadd.f32 v25, v15;
	v42 =	vadd.f32 $0.0e+00, v16  }
0x24f: {  	v27 =	vsel vm15, v45, v34;
	v50 =	vperm.xlane v26, v1;
	vm15 =	vlt.s32 v24, v46  }
0x250: {  	v53 =	vadd.f32 v28, v13;
	v24 =	vsel vm15, v24, v46;
	vm15 =	vnez.u8 v54  }
0x251: {  	v25 =	vsel vm10, v52, v25;
	v55 =	vadd.f32 v27, v14;
	v38 =	vperm.xlane v24, v1  }
0x252: {  	vm0 =	vlt.s32 v26, v50;
	v34 =	vsel vm15, v51, v37;
	v28 =	vsel vm9, v53, v28  }
0x253: {  	v57 =	vadd.f32 v25, v15;
	v37 =	vadd.f32 $0.0e+00, v18;
	v26 =	vsel vm0, v26, v50  }
0x254: {  	v56 =	vadd.f32 v34, v12;
	v27 =	vsel vm12, v55, v27;
	vm9 =	vlt.s32 v24, v38  }
0x255: {  	v58 =	vadd.f32 v28, v13;
	v30 =	vperm.xlane v26, v2;
	v24 =	vsel vm9, v24, v38  }
0x256: {  	v25 =	vsel vm2, v57, v25;
	v59 =	vadd.f32 v27, v14;
	v38 =	vperm.xlane v24, v2  }
0x257: {  	v34 =	vsel vm11, v56, v34;
	v28 =	vsel vm4, v58, v28;
	vm10 =	vlt.s32 v26, v30  }
0x258: {  	v15 =	vadd.f32 v25, v15;
	v26 =	vsel vm10, v26, v30;
	vm12 =	vlt.s32 v24, v38  }
0x259: {  	v60 =	vadd.f32 v34, v12;
	v30 =	vperm.xlane v26, v3;
	v24 =	vsel vm12, v24, v38  }
0x25a: {  	v27 =	vsel vm1, v59, v27;
	v13 =	vadd.f32 v28, v13;
	v38 =	vperm.xlane v24, v3  }
0x25b: {  	v45 =	vld [tilespmem:$0x1FF00];
	v14 =	vadd.f32 v27, v14;
	v61 =	vsel vm3, v60, v34;
	vm15 =	vlt.s32 v26, v30  }
0x25c: {  	v39 =	vld [tilespmem:$0x1FEE0];
	v12 =	vadd.f32 v61, v12;
	v26 =	vsel vm15, v26, v30;
	vm9 =	vlt.s32 v24, v38  }
0x25d: {  	v56 =	vld [tilespmem:$0x1FF50];
	vm1 =	veq.s32 v26, v4;
	vm3 =	veq.s32 v26, v7;
	vm2 =	veq.s32 v26, v6  }
0x25e: {  	v47 =	vld [tilespmem:$0x1FF10];
	vm0 =	veq.s32 v26, v5;
	v24 =	vsel vm9, v24, v38;
	v29 =	vsel vm1, $0xFF800000, v29  }
0x25f: {  	v48 =	vld [tilespmem:$0x1FF20];
	v26 =	vsel vm3, $0xFF800000, v31;
	v31 =	vsel vm2, $0xFF800000, v32;
	v32 =	vsel vm0, $0xFF800000, v33  }
0x260: {  	v44 =	vld [tilespmem:$0x1FEF0];
	vm9 =	vnez.u8 v45;
	v62 =	vmax.f32 v29, v26;
	v63 =	vmax.f32 v31, v32  }
0x261: {  	vm10 =	veq.s32 v24, v4;
	vm11 =	veq.s32 v24, v7;
	vm12 =	veq.s32 v24, v6  }
0x262: {  	v52 =	vld [tilespmem:$0x1FF30];
	vm15 =	veq.s32 v24, v5;
	v30 =	vnsel vm9, $0x0, v41;
	vm9 =	vnez.u8 v56  }
0x263: {  	v55 =	vld [tilespmem:$0x1FF40];
	v15 =	vsel vm10, v15, v25;
	v36 =	vmax.f32 v62, v63;
	v13 =	vsel vm11, v13, v28  }
0x264: {  	v14 =	vsel vm12, v14, v27;
	v12 =	vsel vm15, v12, v61;
	vm12 =	vnez.u8 v39  }
0x265: {  	v58 =	vld [tilespmem:$0x1FF60];
	vm15 =	vnez.u8 v44;
	vm10 =	vnez.u8 v47;
	vm11 =	vnez.u8 v48  }
0x266: {  	v50 =	vadd.f32 v30, v17;
	v62 =	vld [tilespmem:$0x1FF80];
	v44 =	vadd.f32 v22, v23;
	v33 =	vperm.xlane v36, v0  }
0x267: {  	v35 =	vld [tilespmem:$0x1FF90];
	v27 =	vnsel vm12, $0x0, v37;
	v28 =	vnsel vm15, $0x0, v40;
	vm12 =	vnez.u8 v52  }
0x268: {  	v60 =	vld [tilespmem:$0x1FF70];
	vm15 =	vnez.u8 v55;
	v43 =	vadd.f32 v27, v18;
	v25 =	vmax.f32 v36, v33  }
0x269: {  	v39 =	vld [tilespmem:$0x1FFA0];
	v49 =	vadd.f32 v28, v19;
	v33 =	vnsel vm10, $0x0, v42;
	v38 =	vperm.xlane v25, v1  }
0x26a: {  	v30 =	vsel vm15, v50, v30;
	vm10 =	vnez.u8 v58;
	v51 =	vadd.f32 v33, v16  }
0x26b: {  	v59 =	vadd.f32 v30, v17;
	vm15 =	vnez.u8 v62;
	v24 =	vmax.f32 v25, v38  }
0x26c: {  	v42 =	vld [tilespmem:$0x1FFB0];
	v25 =	vsel vm11, v43, v27;
	v27 =	vsel vm12, v49, v28;
	v33 =	vsel vm9, v51, v33  }
0x26d: {  	vm11 =	vnez.u8 v60;
	v28 =	vsel vm15, v59, v30;
	v46 =	vperm.xlane v24, v2  }
0x26e: {  	vm15 =	vnez.u8 v35;
	vm9 =	vnez.u8 v39;
	v43 =	vld [tilespmem:$0x1FFC0];
	v53 =	vadd.f32 v25, v18  }
0x26f: {  	v51 =	vld [tilespmem:$0x1FFE0];
	v57 =	vadd.f32 v27, v19;
	v61 =	vadd.f32 v33, v16;
	v24 =	vmax.f32 v24, v46  }
0x270: {  	v38 =	vadd.f32 v28, v17;
	v25 =	vsel vm10, v53, v25;
	v54 =	vperm.xlane v24, v3  }
0x271: {  	v27 =	vsel vm11, v57, v27;
	vm10 =	vnez.u8 v42;
	v36 =	vadd.f32 v25, v18  }
0x272: {  	v57 =	vadd.f32 v11, v10;
	v37 =	vadd.f32 v27, v19;
	v24 =	vmax.f32 v24, v54  }
0x273: {  	v45 =	vld [tilespmem:$0x1FFD0];
	vm11 =	vnez.u8 v43;
	v25 =	vsel vm9, v36, v25;
	vm12 =	veq.f32 v32, v24  }
0x274: {  	vm9 =	vnez.u8 v51;
	v46 =	vadd.f32 v25, v18;
	v63 =	vnsel vm12, $0x40, v5  }
0x275: {  	vm12 =	veq.f32 v31, v24;
	v31 =	vsel vm15, v61, v33;
	vm15 =	veq.f32 v29, v24  }
0x276: {  	v52 =	vld [tilespmem:$0x1FFF0];
	v30 =	vsel vm12, v6, v63;
	vm12 =	veq.f32 v26, v24;
	v40 =	vadd.f32 v31, v16  }
0x277: {  	v25 =	vsel vm9, v46, v25;
	v63 =	vadd.f32 v13, v15;
	v26 =	vsel vm12, v7, v30  }
0x278: {  	vm12 =	vnez.u8 v45;
	v53 =	vadd.f32 v25, v18;
	v30 =	vadd.f32 v57, v8  }
0x279: {  	v24 =	vsel vm15, v4, v26;
	v26 =	vsel vm10, v37, v27;
	v27 =	vsel vm11, v38, v28  }
0x27a: {  	v29 =	vsel vm12, v40, v31;
	v28 =	vadd.f32 v44, v21;
	v41 =	vperm.xlane v24, v0  }
0x27b: {  	vm10 =	vnez.u8 v52;
	v37 =	vadd.f32 v63, v14;
	v47 =	vadd.f32 v26, v19  }
0x27c: {  	v48 =	vadd.f32 v27, v17;
	v49 =	vadd.f32 v29, v16;
	vm15 =	vlt.s32 v24, v41  }
0x27d: {  	v25 =	vsel vm8, v53, v25;
	v30 =	vadd.f32 v30, v9;
	v24 =	vsel vm15, v24, v41  }
0x27e: {  	v28 =	vadd.f32 v28, v20;
	v59 =	vadd.f32 v25, v18;
	v50 =	vperm.xlane v24, v1  }
0x27f: {  	v26 =	vsel vm14, v47, v26;
	v27 =	vsel vm13, v48, v27;
	v29 =	vsel vm10, v49, v29  }
0x280: {  	v36 =	vperm.xlane v30, v0;
	v31 =	vadd.f32 v26, v19;
	vm11 =	vlt.s32 v24, v50  }
0x281: {  	v54 =	vperm.xlane v28, v0;
	v55 =	vadd.f32 v27, v17;
	v24 =	vsel vm11, v24, v50  }
0x282: {  	v56 =	vadd.f32 v29, v16;
	v25 =	vsel vm1, v59, v25;
	v34 =	vperm.xlane v24, v2  }
0x283: {  	v18 =	vadd.f32 v25, v18;
	v30 =	vadd.f32 v30, v36  }
0x284: {  	v26 =	vsel vm7, v31, v26;
	v28 =	vadd.f32 v28, v54;
	vm4 =	vlt.s32 v24, v34  }
0x285: {  	v27 =	vsel vm6, v55, v27;
	v29 =	vsel vm5, v56, v29;
	v24 =	vsel vm4, v24, v34  }
0x286: {  	v60 =	vadd.f32 v26, v19;
	v61 =	vadd.f32 v27, v17;
	v62 =	vperm.xlane v24, v3  }
0x287: {  	v38 =	vadd.f32 v29, v16;
	v41 =	vperm.xlane v30, v1;
	v58 =	vperm.xlane v28, v1  }
0x288: {  	v26 =	vsel vm3, v60, v26;
	v27 =	vsel vm2, v61, v27;
	vm12 =	vlt.s32 v24, v62  }
0x289: {  	v28 =	vadd.f32 v28, v58;
	v19 =	vadd.f32 v26, v19;
	v24 =	vsel vm12, v24, v62  }
0x28a: {  	v17 =	vadd.f32 v27, v17;
	vm1 =	veq.s32 v24, v4;
	vm13 =	veq.s32 v24, v7  }
0x28b: {  	vm14 =	veq.s32 v24, v6;
	v18 =	vsel vm1, v18, v25;
	v19 =	vsel vm13, v19, v26  }
0x28c: {  	v25 =	vadd.f32 v37, v12;
	v26 =	vsel vm0, v38, v29;
	v40 =	vadd.f32 v19, v18  }
0x28d: {  	v39 =	vperm.xlane v28, v2;
	v17 =	vsel vm14, v17, v27;
	v16 =	vadd.f32 v26, v16  }
0x28e: {  	vm15 =	veq.s32 v24, v5;
	v42 =	vperm.xlane v25, v0;
	v29 =	vadd.f32 v40, v17  }
0x28f: {  	v28 =	vadd.f32 v28, v39;
	v27 =	vadd.f32 v30, v41;
	v16 =	vsel vm15, v16, v26  }
0x290: {  	v24 =	vadd.f32 v25, v42;
	v43 =	vadd.f32 v29, v16  }
0x291: {  	v44 =	vperm.xlane v28, v3;
	v45 =	vperm.xlane v27, v2  }
0x292: {  	v46 =	vperm.xlane v24, v1;
	v47 =	vperm.xlane v43, v0  }
0x293: {  	v26 =	vadd.f32 v28, v44;
	v27 =	vadd.f32 v27, v45  }
0x294: {  	v24 =	vadd.f32 v24, v46;
	v25 =	vadd.f32 v43, v47  }
0x295: {  	v48 =	vperm.xlane v27, v3  }
0x296: {  	v26 =	vmax.f32 v26, $9.999999960e-13;
	v49 =	vperm.xlane v24, v2;
	v50 =	vperm.xlane v25, v1  }
0x297: {  	(erf) = vrcp.f32 v26;
	v51 =	vadd.f32 v27, v48  }
0x298: {  	v24 =	vadd.f32 v24, v49;
	v25 =	vadd.f32 v25, v50;
	_ =	sdelay $0x1  }
0x299: {  	v26 =	vmax.f32 v51, $9.999999960e-13;
	v52 =	vperm.xlane v24, v3;
	v53 =	vperm.xlane v25, v2  }
0x29a: {  	(erf) = vrcp.f32 v26  }
0x29b: {  	v24 =	vadd.f32 v24, v52;
	v25 =	vadd.f32 v25, v53;
	_ =	sdelay $0x1  }
0x29c: {  	v24 =	vmax.f32 v24, $9.999999960e-13;
	v54 =	vperm.xlane v25, v3  }
0x29d: {  	(erf) = vrcp.f32 v24  }
0x29e: {  	v56 =	vpop (erf);
	v55 =	vadd.f32 v25, v54  }
0x29f: {  	v23 =	vmul.f32 v56, v23  }
0x2a0: {  	v22 =	vmul.f32 v56, v22;
	v24 =	vmax.f32 v55, $9.999999960e-13  }
0x2a1: {  	v21 =	vmul.f32 v56, v21;
	[tilespmem:$0x280] =	vst v23;
	(erf) = vrcp.f32 v24  }
0x2a2: {  	v20 =	vmul.f32 v56, v20;
	[tilespmem:$0x290] =	vst v22;
	v57 =	vpop (erf)  }
0x2a3: {  	[tilespmem:$0x2A0] =	vst v21;
	v10 =	vmul.f32 v57, v10  }
0x2a4: {  	[tilespmem:$0x2B0] =	vst v20;
	v11 =	vmul.f32 v57, v11  }
0x2a5: {  	v8 =	vmul.f32 v57, v8;
	[tilespmem:$0x300] =	vst v10  }
0x2a6: {  	v9 =	vmul.f32 v57, v9;
	[tilespmem:$0x310] =	vst v11;
	v58 =	vpop (erf)  }
0x2a7: {  	[tilespmem:$0x320] =	vst v8;
	v8 =	vmul.f32 v58, v15  }
0x2a8: {  	[tilespmem:$0x330] =	vst v9;
	v59 =	vmul.f32 v58, v13  }
0x2a9: {  	[tilespmem:$0x380] =	vst v8;
	v8 =	vmul.f32 v58, v14  }
0x2aa: {  	v60 =	vmul.f32 v58, v12;
	[tilespmem:$0x390] =	vst v59;
	v61 =	vpop (erf)  }
0x2ab: {  	[tilespmem:$0x3A0] =	vst v8;
	v8 =	vmul.f32 v61, v18  }
0x2ac: {  	[tilespmem:$0x3B0] =	vst v60;
	v62 =	vmul.f32 v61, v19  }
0x2ad: {  	v63 =	vmul.f32 v61, v16;
	[tilespmem:$0x400] =	vst v8  }
0x2ae: {  	v8 =	vmul.f32 v61, v17;
	[tilespmem:$0x410] =	vst v62  }
0x2af: {  	p0 =	sne.s32 s6, $0x1;
	[tilespmem:$0x430] =	vst v63  }
.Ltmp0:
0x2b0: {  	[tilespmem:$0x420] =	vst v8;
	(pc) =	sbr.rel @p0 .LBB2_1-.Ltmp0, $4  }
0x2b1: {  	[hbm4b:s5+s3] =	stream.linear.scatter [tilespmem:s9], [sflag:$0x1], $0x200, $0x38;
	[tilespmem:$0x480] =	vst v63  }
0x2b2: {  	_ =	swait.ge [sflag:s7], $0x200  }
0x2b3: {  	[sflag:s7] =	ssyncset.done $0x0  }
0x2b4: {  	s6 =	sadd.s32 $0xFFFFFFFF, s6;
	[sflag:s7] =	ssyncadd.s32 $0xFFFFFE00  }
0x2b5: {  	_ =	sfence.sel $0x180000  }
0x2b6: {  	[bflag:$0x0] =	sbarrier.arrive $0xFFFF  }
0x2b7: {  	p0 =	sne.s32 s2, $0x0;
	_ =	strace $0x90000047  }
0x2b8: {  	s0 =	sadd.s32 @!p0 $0x100000, s1;
	[bflag:$0x2] =	sbarrier.arrive $0xFFFF  }
0x2b9: {  	[sflag:s0] =	ssyncadd.tile.s32 @!p0 $0x1;
	_ =	shalt  }
.Lfunc_end2:
_tile_overlayer_lowered:
.L_overlay_start_2:
0x2ba: {  	(tag) =	ssettag $0x2  }
0x2bb: {  	s0 =	rddreg [dreg:$0x0];
	s2 =	stileid.u32  }
0x2bc: {  	s1 =	rddreg [dreg:$0x1];
	p0 =	sne.s32 s2, $0x0  }
0x2bd: {  	s3 =	rddreg [dreg:$0x2];
	[bflag:$0x3] =	sbarrier.arrive $0xFFFF;
	s2 =	simm.s32 @!p0 $0x1C01  }
0x2be: {  	[timem:s3], [sflag:s2] =	dma.local @!p0 [hbm:s0], s1  }
0x2bf: {  	s0 =	simm.s32 @!p0 $0x1  }
0x2c0: {  	_ =	swait.ge @!p0 [sflag:s0], s1  }
0x2c1: {  	s1 =	ssub.s32 @!p0 $0x0, s1;
	[sflag:s0] =	ssyncset.done @!p0 $0x0  }
0x2c2: {  	[sflag:s0] =	ssyncadd.s32 @!p0 s1  }
0x2c3: {  	[bflag:$0x3] =	sbarrier.arrive $0xFFFF  }
0x2c4: {  	_ =	shalt  }

</sc_bundles>
